<compile_context>
chip_gen: v7x
topology: tpu7x:2x2x1
jax: 0.10.2.dev20260603
libtpu: 0.0.44.dev20260713+nightly
codegen_flags: <defaults>
</compile_context>

<pallas_src>
import functools

import jax
import jax.numpy as jnp
from jax import lax
from jax.experimental import pallas as pl
from jax.experimental.pallas import tpu as pltpu
from jax.experimental.pallas import tpu_sc as plsc

_NC = 2
_NS = 16
_NW = _NC * _NS
_C = 80



def _prep_body(x_ref, w_ref, as_ref, ad_ref, hs_ref, asv_ref, adv_ref, ws_ref):
    h = jnp.dot(x_ref[...], w_ref[...], preferred_element_type=jnp.float32)
    d_half = h.shape[1] // 2
    hs_ref[...] = jnp.stack([h[:, :d_half], h[:, d_half:]])
    a_s = jnp.sum(h * as_ref[...], axis=1, keepdims=True)
    a_d = jnp.sum(h * ad_ref[...], axis=1, keepdims=True)
    asv_ref[...] = a_s
    adv_ref[...] = a_d
    e = a_s + a_d
    e = jnp.where(e > 0, e, jnp.float32(0.2) * e)
    ws_ref[...] = jnp.exp(e)


def _prep(x, w_gat, att_s, att_d):
    n, d_in = x.shape
    d_h = w_gat.shape[1]
    r = 1000
    return pl.pallas_call(
        _prep_body,
        grid=(n // r,),
        in_specs=[
            pl.BlockSpec((r, d_in), lambda i: (i, 0)),
            pl.BlockSpec((d_in, d_h), lambda i: (0, 0)),
            pl.BlockSpec((1, d_h), lambda i: (0, 0)),
            pl.BlockSpec((1, d_h), lambda i: (0, 0)),
        ],
        out_specs=[
            pl.BlockSpec((_NC, r, d_h // 2), lambda i: (0, i, 0)),
            pl.BlockSpec((r, 1), lambda i: (i, 0)),
            pl.BlockSpec((r, 1), lambda i: (i, 0)),
            pl.BlockSpec((r, 1), lambda i: (i, 0)),
        ],
        out_shape=[
            jax.ShapeDtypeStruct((_NC, n, d_h // 2), jnp.float32),
            jax.ShapeDtypeStruct((n, 1), jnp.float32),
            jax.ShapeDtypeStruct((n, 1), jnp.float32),
            jax.ShapeDtypeStruct((n, 1), jnp.float32),
        ],
    )(x, w_gat, att_s, att_d)



def _sc_edge_body(n, d_half, nch,
                  src_ref, dst_ref, asrc_ref, adst_ref, hs_ref,
                  num_out, den_out,
                  num_sh, den_sh,
                  asrc_t, adst_t, sidx, didx,
                  gbuf0, dbuf0, wbuf0, rows0,
                  gbuf1, dbuf1, wbuf1, rows1,
                  gbuf2, dbuf2, wbuf2, rows2,
                  gbuf3, dbuf3, wbuf3, rows3,
                  zden,
                  semg0, semg1, sems0, sems1, semd0, semd1,
                  semg2, semg3, sems2, sems3, semd2, semd3):
    cid = lax.axis_index("c")
    sid = lax.axis_index("s")

    n_rchunk = n // _C
    n_dchunk = n // 400

    zero16 = jnp.zeros((16,), jnp.float32)
    n_zj = pl.cdiv(n_rchunk, _NS)

    pltpu.async_copy(asrc_ref, asrc_t, semg0)
    pltpu.async_copy(adst_ref, adst_t, semg1)
    pltpu.async_copy(src_ref.at[sid], sidx, semd0)
    pltpu.async_copy(dst_ref.at[sid], didx, semd1)

    @plsc.parallel_loop(0, _C, unroll=8)
    def _(i):
        for f in range(d_half // 16):
            rows0[i, pl.ds(16 * f, 16)] = zero16
    for i in range(25):
        zden[pl.ds(16 * i, 16)] = zero16

    for j in range(n_zj):
        ch = sid + _NS * j
        @pl.when(ch < n_rchunk)
        def _(ch=ch):
            pltpu.async_copy(rows0, num_sh.at[pl.ds(_C * ch, _C), :], sems0)

    def z_den(k, carry):
        ch = sid + _NS * k
        @pl.when(ch < n_dchunk)
        def _():
            pltpu.sync_copy(zden, den_sh.at[pl.ds(400 * ch, 400)])
        return carry
    lax.fori_loop(0, pl.cdiv(n_dchunk, _NS), z_den, 0)

    pltpu.make_async_copy(asrc_ref, asrc_t, semg0).wait()
    pltpu.make_async_copy(adst_ref, adst_t, semg1).wait()
    pltpu.make_async_copy(src_ref.at[sid], sidx, semd0).wait()
    pltpu.make_async_copy(dst_ref.at[sid], didx, semd1).wait()
    for j in range(n_zj):
        ch = sid + _NS * j
        @pl.when(ch < n_rchunk)
        def _(ch=ch):
            pltpu.make_async_copy(rows0, num_sh.at[pl.ds(_C * ch, _C), :],
                                  sems0).wait()
    plsc.subcore_barrier()

    goff = cid * n

    def compute_w(k, gbuf, dbuf, wbuf):
        for j in range(_C // 16):
            sl = pl.ds(16 * j, 16)
            sv = sidx[k, sl]
            dv = didx[k, sl]
            gbuf[sl] = sv + goff
            dbuf[sl] = dv
            a_s = plsc.load_gather(asrc_t, [sv])
            a_d = plsc.load_gather(adst_t, [dv])
            e = a_s + a_d
            e = jnp.where(e > 0, e, jnp.float32(0.2) * e)
            wbuf[sl] = jnp.exp(e)

    def scale(rows, wbuf):
        @plsc.parallel_loop(0, _C, unroll=8)
        def _(i):
            wv = plsc.load_gather(wbuf, [jnp.full((16,), i, jnp.int32)])
            for fb in range(d_half // 16):
                sl = pl.ds(16 * fb, 16)
                rows[i, sl] = rows[i, sl] * wv

    def start_scatter(rows, wbuf, dbuf, sems, semd):
        pltpu.async_copy(rows, num_sh.at[dbuf], sems, add=True)
        @pl.when(cid == 0)
        def _():
            pltpu.async_copy(wbuf, den_sh.at[dbuf], semd, add=True)

    def wait_scatter(rows, wbuf, dbuf, sems, semd):
        pltpu.make_async_copy(rows, num_sh.at[dbuf], sems).wait()
        @pl.when(cid == 0)
        def _():
            pltpu.make_async_copy(wbuf, den_sh.at[dbuf], semd).wait()

    sets = [
        (gbuf0, dbuf0, wbuf0, rows0, semg0, sems0, semd0),
        (gbuf1, dbuf1, wbuf1, rows1, semg1, sems1, semd1),
        (gbuf2, dbuf2, wbuf2, rows2, semg2, sems2, semd2),
        (gbuf3, dbuf3, wbuf3, rows3, semg3, sems3, semd3),
    ]

    def prep(k, s_):
        g, d, w, r, sg, _, _ = s_
        compute_w(k, g, d, w)
        pltpu.async_copy(hs_ref.at[g], r, sg)

    def wait_set(s_):
        g, d, w, r, _, ss, sd = s_
        wait_scatter(r, w, d, ss, sd)

    def proc(k, s_):
        g, d, w, r, sg, ss, sd = s_
        pltpu.make_async_copy(hs_ref.at[g], r, sg).wait()
        scale(r, w)
        start_scatter(r, w, d, ss, sd)

    nquad = (nch - 2) // 4
    assert nquad * 4 + 2 == nch
    prep(0, sets[0])
    prep(1, sets[1])

    def quad(i, carry):
        for s in range(4):
            k = 4 * i + s
            sp = sets[(s + 2) % 4]
            if s < 2:
                @pl.when(i > 0)
                def _(sp=sp):
                    wait_set(sp)
            else:
                wait_set(sp)
            prep(k + 2, sp)
            proc(k, sets[s])
        return carry
    lax.fori_loop(0, nquad, quad, 0)
    proc(nch - 2, sets[0])
    proc(nch - 1, sets[1])
    wait_set(sets[2])
    wait_set(sets[3])
    wait_set(sets[0])
    wait_set(sets[1])
    plsc.subcore_barrier()

    for j in range(n_zj):
        ch = sid + _NS * j
        rbuf = rows0 if j % 2 == 0 else rows1
        ss = sems0 if j % 2 == 0 else sems1
        @pl.when(ch < n_rchunk)
        def _(j=j, ch=ch, rbuf=rbuf, ss=ss):
            if j >= 2:
                pltpu.make_async_copy(
                    rbuf, num_out.at[cid, pl.ds(_C * (ch - 2 * _NS), _C), :],
                    ss).wait()
            pltpu.sync_copy(num_sh.at[pl.ds(_C * ch, _C), :], rbuf)
            pltpu.async_copy(rbuf, num_out.at[cid, pl.ds(_C * ch, _C), :], ss)
    for j in (n_zj - 2, n_zj - 1):
        ch = sid + _NS * j
        rbuf = rows0 if j % 2 == 0 else rows1
        ss = sems0 if j % 2 == 0 else sems1
        @pl.when(ch < n_rchunk)
        def _(ch=ch, rbuf=rbuf, ss=ss):
            pltpu.make_async_copy(
                rbuf, num_out.at[cid, pl.ds(_C * ch, _C), :], ss).wait()

    @pl.when(cid == 0)
    def _():
        def c_den(k, carry):
            ch = sid + _NS * k
            @pl.when(ch < n_dchunk)
            def _():
                pltpu.sync_copy(den_sh.at[pl.ds(400 * ch, 400)], zden)
                pltpu.sync_copy(zden, den_out.at[pl.ds(400 * ch, 400)])
            return carry
        lax.fori_loop(0, pl.cdiv(n_dchunk, _NS), c_den, 0)


def _sc_edges(src2, dst2, a_src_v, a_dst_v, hs):
    n = a_src_v.shape[0]
    d_half = hs.shape[1]
    nch = src2.shape[1]
    mesh = plsc.VectorSubcoreMesh(core_axis_name="c", subcore_axis_name="s",
                                  num_cores=_NC, num_subcores=_NS)
    body = functools.partial(_sc_edge_body, n, d_half, nch)
    fn = pl.kernel(
        body,
        out_type=(
            jax.ShapeDtypeStruct((_NC, n, d_half), jnp.float32),
            jax.ShapeDtypeStruct((n,), jnp.float32),
        ),
        mesh=mesh,
        compiler_params=pltpu.CompilerParams(needs_layout_passes=False,
                                             use_tc_tiling_on_sc=False),
        scratch_types=[
            pltpu.VMEM_SHARED((n, d_half), jnp.float32),
            pltpu.VMEM_SHARED((n,), jnp.float32),
            pltpu.VMEM((n,), jnp.float32),
            pltpu.VMEM((n,), jnp.float32),
            pltpu.VMEM((nch, _C), jnp.int32),
            pltpu.VMEM((nch, _C), jnp.int32),
            pltpu.VMEM((_C,), jnp.int32),
            pltpu.VMEM((_C,), jnp.int32),
            pltpu.VMEM((_C,), jnp.float32),
            pltpu.VMEM((_C, d_half), jnp.float32),
            pltpu.VMEM((_C,), jnp.int32),
            pltpu.VMEM((_C,), jnp.int32),
            pltpu.VMEM((_C,), jnp.float32),
            pltpu.VMEM((_C, d_half), jnp.float32),
            pltpu.VMEM((_C,), jnp.int32),
            pltpu.VMEM((_C,), jnp.int32),
            pltpu.VMEM((_C,), jnp.float32),
            pltpu.VMEM((_C, d_half), jnp.float32),
            pltpu.VMEM((_C,), jnp.int32),
            pltpu.VMEM((_C,), jnp.int32),
            pltpu.VMEM((_C,), jnp.float32),
            pltpu.VMEM((_C, d_half), jnp.float32),
            pltpu.VMEM((400,), jnp.float32),
        ] + [pltpu.SemaphoreType.DMA] * 12,
    )
    return fn(src2, dst2, a_src_v, a_dst_v, hs)



def _final_body(num_ref, den_ref, hs_ref, ext_ref, ws_ref, bg_ref,
                w1a_ref, w1b_ref, b1_ref, w2_ref, b2_ref, w3_ref, b3_ref,
                out_ref):
    h = jnp.concatenate([hs_ref[0], hs_ref[1]], axis=1)
    w_self = ws_ref[...]
    num = jnp.concatenate([num_ref[0], num_ref[1]], axis=1) + w_self * h
    den = den_ref[...] + w_self
    g = num / den + bg_ref[...]
    g = jnp.maximum(g, 0.0)
    m = (jnp.dot(g, w1a_ref[...], preferred_element_type=jnp.float32)
         + jnp.dot(ext_ref[...], w1b_ref[...], preferred_element_type=jnp.float32)
         + b1_ref[...])
    m = jnp.maximum(m, 0.0)
    f2 = jnp.dot(m, w2_ref[...], preferred_element_type=jnp.float32) + b2_ref[...]
    out_ref[...] = (jnp.dot(f2, w3_ref[...], preferred_element_type=jnp.float32)
                    + b3_ref[...])


def _final(num, den, hs4, ext, w_self, bg, w1a, w1b, b1, w2, b2, w3, b3):
    n = ext.shape[0]
    d_h = w2.shape[1]
    d_ext = ext.shape[1]
    d_mlr = w1a.shape[1]
    d_od = w3.shape[1]
    r = 1000
    return pl.pallas_call(
        _final_body,
        grid=(n // r,),
        in_specs=[
            pl.BlockSpec((_NC, r, d_h // 2), lambda i: (0, i, 0)),
            pl.BlockSpec((r, 1), lambda i: (i, 0)),
            pl.BlockSpec((_NC, r, d_h // 2), lambda i: (0, i, 0)),
            pl.BlockSpec((r, d_ext), lambda i: (i, 0)),
            pl.BlockSpec((r, 1), lambda i: (i, 0)),
            pl.BlockSpec((1, d_h), lambda i: (0, 0)),
            pl.BlockSpec((d_h, d_mlr), lambda i: (0, 0)),
            pl.BlockSpec((d_ext, d_mlr), lambda i: (0, 0)),
            pl.BlockSpec((1, d_mlr), lambda i: (0, 0)),
            pl.BlockSpec((d_mlr, d_h), lambda i: (0, 0)),
            pl.BlockSpec((1, d_h), lambda i: (0, 0)),
            pl.BlockSpec((d_h, d_od), lambda i: (0, 0)),
            pl.BlockSpec((1, d_od), lambda i: (0, 0)),
        ],
        out_specs=pl.BlockSpec((r, d_od), lambda i: (i, 0)),
        out_shape=jax.ShapeDtypeStruct((n, d_od), jnp.float32),
    )(num, den, hs4, ext, w_self, bg, w1a, w1b, b1, w2, b2, w3, b3)



def kernel(x, edge_index, external, W_gat, att_src, att_dst, b_gat,
           W1, b1, W2, b2, W3, b3):
    n, d_in = x.shape
    d_h = W_gat.shape[1]
    e_tot = edge_index.shape[1]

    d_half = d_h // 2
    hs4, a_s, a_d, w_self = _prep(x, W_gat,
                                  att_src.reshape(1, d_h),
                                  att_dst.reshape(1, d_h))
    hs = hs4.reshape(_NC * n, d_half)

    src2 = edge_index[0].reshape(_NS, e_tot // (_NS * _C), _C)
    dst2 = edge_index[1].reshape(_NS, e_tot // (_NS * _C), _C)

    num, den = _sc_edges(src2, dst2, a_s.reshape(n), a_d.reshape(n), hs)

    return _final(num, den.reshape(n, 1), hs4, external, w_self,
                  b_gat.reshape(1, d_h), W1[:d_h], W1[d_h:],
                  b1.reshape(1, -1), W2, b2.reshape(1, -1),
                  W3, b3.reshape(1, -1))

# --- scband reference (transcript-rebuilt; emitter-appended) ---
"""Pipeline reference for scband-ke-h-gnn-82025285419543 (READ-ONLY COPY).

The authoritative reference and input builder live on the scoring server;
editing this copy changes nothing except your own understanding.
"""

import jax, jax.numpy as jnp
import numpy as np

N = 10000
E = 320000
D_IN = 128
D_EXT = 64
D_H = 128
D_MLR = 128
D_OD = 64


def setup_inputs(seed: int = 0) -> dict:
    key = jax.random.key(seed)
    ks = jax.random.split(key, 14)
    x = jax.random.normal(ks[0], (N, D_IN), dtype=jnp.float32)
    edge_index = jax.random.randint(ks[1], (2, E), 0, N, dtype=jnp.int32)
    external = jax.random.normal(ks[2], (N, D_EXT), dtype=jnp.float32)
    s = 0.1
    W_gat = jax.random.normal(ks[3], (D_IN, D_H), dtype=jnp.float32) * s
    att_src = jax.random.normal(ks[4], (D_H,), dtype=jnp.float32) * s
    att_dst = jax.random.normal(ks[5], (D_H,), dtype=jnp.float32) * s
    b_gat = jnp.zeros((D_H,), dtype=jnp.float32)
    W1 = jax.random.normal(ks[6], (D_H + D_EXT, D_MLR), dtype=jnp.float32) * s
    b1 = jnp.zeros((D_MLR,), dtype=jnp.float32)
    W2 = jax.random.normal(ks[7], (D_MLR, D_H), dtype=jnp.float32) * s
    b2 = jnp.zeros((D_H,), dtype=jnp.float32)
    W3 = jax.random.normal(ks[8], (D_H, D_OD), dtype=jnp.float32) * s
    b3 = jnp.zeros((D_OD,), dtype=jnp.float32)
    return {"x": x, "edge_index": edge_index, "external": external,
            "W_gat": W_gat, "att_src": att_src, "att_dst": att_dst, "b_gat": b_gat,
            "W1": W1, "b1": b1, "W2": W2, "b2": b2, "W3": W3, "b3": b3}


def _gat_conv(x, edge_index, W, att_src, att_dst, bias):
    # PyG GATConv, heads=1, concat=True, negative_slope=0.2, add_self_loops=True
    n = x.shape[0]
    loop = jnp.arange(n, dtype=edge_index.dtype)
    src = jnp.concatenate([edge_index[0], loop])
    dst = jnp.concatenate([edge_index[1], loop])
    h = x @ W  # [N, D_H]
    a_src = (h * att_src[None, :]).sum(-1)  # [N]
    a_dst = (h * att_dst[None, :]).sum(-1)  # [N]
    e = a_src[src] + a_dst[dst]
    e = jax.nn.leaky_relu(e, 0.2)
    e_max = jax.ops.segment_max(e, dst, num_segments=n)
    e_max = jax.lax.stop_gradient(e_max)
    ex = jnp.exp(e - e_max[dst])
    denom = jax.ops.segment_sum(ex, dst, num_segments=n)
    alpha = ex / (denom[dst] + 1e-16)
    msg = h[src] * alpha[:, None]  # gather + weight
    out = jax.ops.segment_sum(msg, dst, num_segments=n)  # scatter-add
    return out + bias[None, :]


def reference(x, edge_index, external, W_gat, att_src, att_dst, b_gat, W1, b1, W2, b2, W3, b3):
    h = _gat_conv(x, edge_index, W_gat, att_src, att_dst, b_gat)
    h = jax.nn.relu(h)
    hybrid = jnp.concatenate([h, external], axis=-1)
    m = jax.nn.relu(hybrid @ W1 + b1)
    hybrid_feat = m @ W2 + b2
    out = hybrid_feat @ W3 + b3
    return out

if __name__ == "__main__":
    import jax
    _d = setup_inputs()
    print(jax.jit(kernel)(*tuple(_d.values())))

</pallas_src>

<mosaic_0001>
#map = affine_map<(d0, d1) -> (0, 0, 0)>
#map1 = affine_map<(d0, d1) -> (0)>
#map2 = affine_map<(d0, d1) -> (0, 0)>
module attributes {stable_mosaic.version = 14 : i64} {
  func.func @_sc_edge_body(%arg0: i32, %arg1: i32, %arg2: memref<16x250x80xi32, #tpu.memory_space<hbm>>, %arg3: memref<16x250x80xi32, #tpu.memory_space<hbm>>, %arg4: memref<10000xf32, #tpu.memory_space<hbm>>, %arg5: memref<10000xf32, #tpu.memory_space<hbm>>, %arg6: memref<20000x64xf32, #tpu.memory_space<hbm>>, %arg7: memref<2x10000x64xf32, #tpu.memory_space<hbm>>, %arg8: memref<10000xf32, #tpu.memory_space<hbm>>, %arg9: memref<10000x64xf32, #tpu.memory_space<vmem_shared>>, %arg10: memref<10000xf32, #tpu.memory_space<vmem_shared>>, %arg11: memref<10000xf32, #tpu.memory_space<vmem>>, %arg12: memref<10000xf32, #tpu.memory_space<vmem>>, %arg13: memref<250x80xi32, #tpu.memory_space<vmem>>, %arg14: memref<250x80xi32, #tpu.memory_space<vmem>>, %arg15: memref<80xi32, #tpu.memory_space<vmem>>, %arg16: memref<80xi32, #tpu.memory_space<vmem>>, %arg17: memref<80xf32, #tpu.memory_space<vmem>>, %arg18: memref<80x64xf32, #tpu.memory_space<vmem>>, %arg19: memref<80xi32, #tpu.memory_space<vmem>>, %arg20: memref<80xi32, #tpu.memory_space<vmem>>, %arg21: memref<80xf32, #tpu.memory_space<vmem>>, %arg22: memref<80x64xf32, #tpu.memory_space<vmem>>, %arg23: memref<80xi32, #tpu.memory_space<vmem>>, %arg24: memref<80xi32, #tpu.memory_space<vmem>>, %arg25: memref<80xf32, #tpu.memory_space<vmem>>, %arg26: memref<80x64xf32, #tpu.memory_space<vmem>>, %arg27: memref<80xi32, #tpu.memory_space<vmem>>, %arg28: memref<80xi32, #tpu.memory_space<vmem>>, %arg29: memref<80xf32, #tpu.memory_space<vmem>>, %arg30: memref<80x64xf32, #tpu.memory_space<vmem>>, %arg31: memref<400xf32, #tpu.memory_space<vmem>>, %arg32: memref<!tpu.dma_semaphore, #tpu.memory_space<semaphore_mem>>, %arg33: memref<!tpu.dma_semaphore, #tpu.memory_space<semaphore_mem>>, %arg34: memref<!tpu.dma_semaphore, #tpu.memory_space<semaphore_mem>>, %arg35: memref<!tpu.dma_semaphore, #tpu.memory_space<semaphore_mem>>, %arg36: memref<!tpu.dma_semaphore, #tpu.memory_space<semaphore_mem>>, %arg37: memref<!tpu.dma_semaphore, #tpu.memory_space<semaphore_mem>>, %arg38: memref<!tpu.dma_semaphore, #tpu.memory_space<semaphore_mem>>, %arg39: memref<!tpu.dma_semaphore, #tpu.memory_space<semaphore_mem>>, %arg40: memref<!tpu.dma_semaphore, #tpu.memory_space<semaphore_mem>>, %arg41: memref<!tpu.dma_semaphore, #tpu.memory_space<semaphore_mem>>, %arg42: memref<!tpu.dma_semaphore, #tpu.memory_space<semaphore_mem>>, %arg43: memref<!tpu.dma_semaphore, #tpu.memory_space<semaphore_mem>>) attributes {dimension_semantics = [#tpu.dimension_semantics<core_parallel>, #tpu.dimension_semantics<subcore_parallel>], iteration_bounds = array<i64: 2, 16>, scalar_prefetch = 0 : i64, scratch_operands = 35 : i64, tpu.core_type = #tpu.core_type<sc_vector_subcore>, window_params = [{transform_indices = #map}, {transform_indices = #map}, {transform_indices = #map1}, {transform_indices = #map1}, {transform_indices = #map2}, {transform_indices = #map}, {transform_indices = #map1}]} {
    %broadcast_in_dim3A = arith.constant 0.000000e+00 : f32
    %broadcast_in_dim3A_0 = vector.broadcast %broadcast_in_dim3A : f32 to vector<16xf32>
    tpu.enqueue_dma source(%arg4 : memref<10000xf32, #tpu.memory_space<hbm>>) target(%arg11 : memref<10000xf32, #tpu.memory_space<vmem>>) target_semaphore(%arg32 : memref<!tpu.dma_semaphore, #tpu.memory_space<semaphore_mem>>)
    tpu.enqueue_dma source(%arg5 : memref<10000xf32, #tpu.memory_space<hbm>>) target(%arg12 : memref<10000xf32, #tpu.memory_space<vmem>>) target_semaphore(%arg33 : memref<!tpu.dma_semaphore, #tpu.memory_space<semaphore_mem>>)
    %dma_start3A = arith.constant 0 : i32
    %dma_start3A_1 = arith.constant 0 : i32
    %dma_start3A_2 = tpu.memref_slice %arg2[%arg1, %dma_start3A, %dma_start3A_1] : memref<16x250x80xi32, #tpu.memory_space<hbm>> -> memref<1x250x80xi32, #tpu.memory_space<hbm>>
    %dma_start3A_3 = tpu.memref_squeeze %dma_start3A_2 : memref<1x250x80xi32, #tpu.memory_space<hbm>> -> memref<250x80xi32, #tpu.memory_space<hbm>>
    %dma_start3A_4 = arith.constant 0 : i32
    %dma_start3A_5 = arith.constant 0 : i32
    %dma_start3A_6 = tpu.memref_slice %arg2[%arg1, %dma_start3A_4, %dma_start3A_5] : memref<16x250x80xi32, #tpu.memory_space<hbm>> -> memref<1x250x80xi32, #tpu.memory_space<hbm>>
    %dma_start3A_7 = tpu.memref_squeeze %dma_start3A_6 : memref<1x250x80xi32, #tpu.memory_space<hbm>> -> memref<250x80xi32, #tpu.memory_space<hbm>>
    tpu.enqueue_dma source(%dma_start3A_7 : memref<250x80xi32, #tpu.memory_space<hbm>>) target(%arg13 : memref<250x80xi32, #tpu.memory_space<vmem>>) target_semaphore(%arg36 : memref<!tpu.dma_semaphore, #tpu.memory_space<semaphore_mem>>)
    %dma_start3A_8 = arith.constant 0 : i32
    %dma_start3A_9 = arith.constant 0 : i32
    %dma_start3A_10 = tpu.memref_slice %arg3[%arg1, %dma_start3A_8, %dma_start3A_9] : memref<16x250x80xi32, #tpu.memory_space<hbm>> -> memref<1x250x80xi32, #tpu.memory_space<hbm>>
    %dma_start3A_11 = tpu.memref_squeeze %dma_start3A_10 : memref<1x250x80xi32, #tpu.memory_space<hbm>> -> memref<250x80xi32, #tpu.memory_space<hbm>>
    %dma_start3A_12 = arith.constant 0 : i32
    %dma_start3A_13 = arith.constant 0 : i32
    %dma_start3A_14 = tpu.memref_slice %arg3[%arg1, %dma_start3A_12, %dma_start3A_13] : memref<16x250x80xi32, #tpu.memory_space<hbm>> -> memref<1x250x80xi32, #tpu.memory_space<hbm>>
    %dma_start3A_15 = tpu.memref_squeeze %dma_start3A_14 : memref<1x250x80xi32, #tpu.memory_space<hbm>> -> memref<250x80xi32, #tpu.memory_space<hbm>>
    tpu.enqueue_dma source(%dma_start3A_15 : memref<250x80xi32, #tpu.memory_space<hbm>>) target(%arg14 : memref<250x80xi32, #tpu.memory_space<vmem>>) target_semaphore(%arg37 : memref<!tpu.dma_semaphore, #tpu.memory_space<semaphore_mem>>)
    %parallel_loop3A = arith.constant 0 : i32
    %parallel_loop3A_16 = arith.constant 80 : i32
    %parallel_loop3A_17 = arith.constant 1 : i32
    scf.for %parallel_loop3A_608 = %parallel_loop3A to %parallel_loop3A_16 step %parallel_loop3A_17  : i32 {
      %parallel_loop3A_609 = arith.index_cast %parallel_loop3A_608 : i32 to index
      %parallel_loop3A_610 = arith.constant 0 : index
      %parallel_loop3A_611 = tpu.vector_load %arg18[%parallel_loop3A_609, %parallel_loop3A_610] {strides = array<i32>} : memref<80x64xf32, #tpu.memory_space<vmem>>, vector<16xf32>,
      tpu.vector_store %arg18[%parallel_loop3A_609, %parallel_loop3A_610], %broadcast_in_dim3A_0 {strides = array<i32>} : memref<80x64xf32, #tpu.memory_space<vmem>>, vector<16xf32>,
      %parallel_loop3A_612 = arith.index_cast %parallel_loop3A_608 : i32 to index
      %parallel_loop3A_613 = arith.constant 16 : index
      %parallel_loop3A_614 = tpu.vector_load %arg18[%parallel_loop3A_612, %parallel_loop3A_613] {strides = array<i32>} : memref<80x64xf32, #tpu.memory_space<vmem>>, vector<16xf32>,
      tpu.vector_store %arg18[%parallel_loop3A_612, %parallel_loop3A_613], %broadcast_in_dim3A_0 {strides = array<i32>} : memref<80x64xf32, #tpu.memory_space<vmem>>, vector<16xf32>,
      %parallel_loop3A_615 = arith.index_cast %parallel_loop3A_608 : i32 to index
      %parallel_loop3A_616 = arith.constant 32 : index
      %parallel_loop3A_617 = tpu.vector_load %arg18[%parallel_loop3A_615, %parallel_loop3A_616] {strides = array<i32>} : memref<80x64xf32, #tpu.memory_space<vmem>>, vector<16xf32>,
      tpu.vector_store %arg18[%parallel_loop3A_615, %parallel_loop3A_616], %broadcast_in_dim3A_0 {strides = array<i32>} : memref<80x64xf32, #tpu.memory_space<vmem>>, vector<16xf32>,
      %parallel_loop3A_618 = arith.index_cast %parallel_loop3A_608 : i32 to index
      %parallel_loop3A_619 = arith.constant 48 : index
      %parallel_loop3A_620 = tpu.vector_load %arg18[%parallel_loop3A_618, %parallel_loop3A_619] {strides = array<i32>} : memref<80x64xf32, #tpu.memory_space<vmem>>, vector<16xf32>,
      tpu.vector_store %arg18[%parallel_loop3A_618, %parallel_loop3A_619], %broadcast_in_dim3A_0 {strides = array<i32>} : memref<80x64xf32, #tpu.memory_space<vmem>>, vector<16xf32>,
    } {sc.loop_unroll_factor = 8 : i64, sc.parallel_access}
    %swap3A = arith.constant 0 : index
    %swap3A_18 = tpu.vector_load %arg31[%swap3A] {strides = array<i32>} : memref<400xf32, #tpu.memory_space<vmem>>, vector<16xf32>,
    tpu.vector_store %arg31[%swap3A], %broadcast_in_dim3A_0 {strides = array<i32>} : memref<400xf32, #tpu.memory_space<vmem>>, vector<16xf32>,
    %swap3A_19 = arith.constant 16 : index
    %swap3A_20 = tpu.vector_load %arg31[%swap3A_19] {strides = array<i32>} : memref<400xf32, #tpu.memory_space<vmem>>, vector<16xf32>,
    tpu.vector_store %arg31[%swap3A_19], %broadcast_in_dim3A_0 {strides = array<i32>} : memref<400xf32, #tpu.memory_space<vmem>>, vector<16xf32>,
    %swap3A_21 = arith.constant 32 : index
    %swap3A_22 = tpu.vector_load %arg31[%swap3A_21] {strides = array<i32>} : memref<400xf32, #tpu.memory_space<vmem>>, vector<16xf32>,
    tpu.vector_store %arg31[%swap3A_21], %broadcast_in_dim3A_0 {strides = array<i32>} : memref<400xf32, #tpu.memory_space<vmem>>, vector<16xf32>,
    %swap3A_23 = arith.constant 48 : index
    %swap3A_24 = tpu.vector_load %arg31[%swap3A_23] {strides = array<i32>} : memref<400xf32, #tpu.memory_space<vmem>>, vector<16xf32>,
    tpu.vector_store %arg31[%swap3A_23], %broadcast_in_dim3A_0 {strides = array<i32>} : memref<400xf32, #tpu.memory_space<vmem>>, vector<16xf32>,
    %swap3A_25 = arith.constant 64 : index
    %swap3A_26 = tpu.vector_load %arg31[%swap3A_25] {strides = array<i32>} : memref<400xf32, #tpu.memory_space<vmem>>, vector<16xf32>,
    tpu.vector_store %arg31[%swap3A_25], %broadcast_in_dim3A_0 {strides = array<i32>} : memref<400xf32, #tpu.memory_space<vmem>>, vector<16xf32>,
    %swap3A_27 = arith.constant 80 : index
    %swap3A_28 = tpu.vector_load %arg31[%swap3A_27] {strides = array<i32>} : memref<400xf32, #tpu.memory_space<vmem>>, vector<16xf32>,
    tpu.vector_store %arg31[%swap3A_27], %broadcast_in_dim3A_0 {strides = array<i32>} : memref<400xf32, #tpu.memory_space<vmem>>, vector<16xf32>,
    %swap3A_29 = arith.constant 96 : index
    %swap3A_30 = tpu.vector_load %arg31[%swap3A_29] {strides = array<i32>} : memref<400xf32, #tpu.memory_space<vmem>>, vector<16xf32>,
    tpu.vector_store %arg31[%swap3A_29], %broadcast_in_dim3A_0 {strides = array<i32>} : memref<400xf32, #tpu.memory_space<vmem>>, vector<16xf32>,
    %swap3A_31 = arith.constant 112 : index
    %swap3A_32 = tpu.vector_load %arg31[%swap3A_31] {strides = array<i32>} : memref<400xf32, #tpu.memory_space<vmem>>, vector<16xf32>,
    tpu.vector_store %arg31[%swap3A_31], %broadcast_in_dim3A_0 {strides = array<i32>} : memref<400xf32, #tpu.memory_space<vmem>>, vector<16xf32>,
    %swap3A_33 = arith.constant 128 : index
    %swap3A_34 = tpu.vector_load %arg31[%swap3A_33] {strides = array<i32>} : memref<400xf32, #tpu.memory_space<vmem>>, vector<16xf32>,
    tpu.vector_store %arg31[%swap3A_33], %broadcast_in_dim3A_0 {strides = array<i32>} : memref<400xf32, #tpu.memory_space<vmem>>, vector<16xf32>,
    %swap3A_35 = arith.constant 144 : index
    %swap3A_36 = tpu.vector_load %arg31[%swap3A_35] {strides = array<i32>} : memref<400xf32, #tpu.memory_space<vmem>>, vector<16xf32>,
    tpu.vector_store %arg31[%swap3A_35], %broadcast_in_dim3A_0 {strides = array<i32>} : memref<400xf32, #tpu.memory_space<vmem>>, vector<16xf32>,
    %swap3A_37 = arith.constant 160 : index
    %swap3A_38 = tpu.vector_load %arg31[%swap3A_37] {strides = array<i32>} : memref<400xf32, #tpu.memory_space<vmem>>, vector<16xf32>,
    tpu.vector_store %arg31[%swap3A_37], %broadcast_in_dim3A_0 {strides = array<i32>} : memref<400xf32, #tpu.memory_space<vmem>>, vector<16xf32>,
    %swap3A_39 = arith.constant 176 : index
    %swap3A_40 = tpu.vector_load %arg31[%swap3A_39] {strides = array<i32>} : memref<400xf32, #tpu.memory_space<vmem>>, vector<16xf32>,
    tpu.vector_store %arg31[%swap3A_39], %broadcast_in_dim3A_0 {strides = array<i32>} : memref<400xf32, #tpu.memory_space<vmem>>, vector<16xf32>,
    %swap3A_41 = arith.constant 192 : index
    %swap3A_42 = tpu.vector_load %arg31[%swap3A_41] {strides = array<i32>} : memref<400xf32, #tpu.memory_space<vmem>>, vector<16xf32>,
    tpu.vector_store %arg31[%swap3A_41], %broadcast_in_dim3A_0 {strides = array<i32>} : memref<400xf32, #tpu.memory_space<vmem>>, vector<16xf32>,
    %swap3A_43 = arith.constant 208 : index
    %swap3A_44 = tpu.vector_load %arg31[%swap3A_43] {strides = array<i32>} : memref<400xf32, #tpu.memory_space<vmem>>, vector<16xf32>,
    tpu.vector_store %arg31[%swap3A_43], %broadcast_in_dim3A_0 {strides = array<i32>} : memref<400xf32, #tpu.memory_space<vmem>>, vector<16xf32>,
    %swap3A_45 = arith.constant 224 : index
    %swap3A_46 = tpu.vector_load %arg31[%swap3A_45] {strides = array<i32>} : memref<400xf32, #tpu.memory_space<vmem>>, vector<16xf32>,
    tpu.vector_store %arg31[%swap3A_45], %broadcast_in_dim3A_0 {strides = array<i32>} : memref<400xf32, #tpu.memory_space<vmem>>, vector<16xf32>,
    %swap3A_47 = arith.constant 240 : index
    %swap3A_48 = tpu.vector_load %arg31[%swap3A_47] {strides = array<i32>} : memref<400xf32, #tpu.memory_space<vmem>>, vector<16xf32>,
    tpu.vector_store %arg31[%swap3A_47], %broadcast_in_dim3A_0 {strides = array<i32>} : memref<400xf32, #tpu.memory_space<vmem>>, vector<16xf32>,
    %swap3A_49 = arith.constant 256 : index
    %swap3A_50 = tpu.vector_load %arg31[%swap3A_49] {strides = array<i32>} : memref<400xf32, #tpu.memory_space<vmem>>, vector<16xf32>,
    tpu.vector_store %arg31[%swap3A_49], %broadcast_in_dim3A_0 {strides = array<i32>} : memref<400xf32, #tpu.memory_space<vmem>>, vector<16xf32>,
    %swap3A_51 = arith.constant 272 : index
    %swap3A_52 = tpu.vector_load %arg31[%swap3A_51] {strides = array<i32>} : memref<400xf32, #tpu.memory_space<vmem>>, vector<16xf32>,
    tpu.vector_store %arg31[%swap3A_51], %broadcast_in_dim3A_0 {strides = array<i32>} : memref<400xf32, #tpu.memory_space<vmem>>, vector<16xf32>,
    %swap3A_53 = arith.constant 288 : index
    %swap3A_54 = tpu.vector_load %arg31[%swap3A_53] {strides = array<i32>} : memref<400xf32, #tpu.memory_space<vmem>>, vector<16xf32>,
    tpu.vector_store %arg31[%swap3A_53], %broadcast_in_dim3A_0 {strides = array<i32>} : memref<400xf32, #tpu.memory_space<vmem>>, vector<16xf32>,
    %swap3A_55 = arith.constant 304 : index
    %swap3A_56 = tpu.vector_load %arg31[%swap3A_55] {strides = array<i32>} : memref<400xf32, #tpu.memory_space<vmem>>, vector<16xf32>,
    tpu.vector_store %arg31[%swap3A_55], %broadcast_in_dim3A_0 {strides = array<i32>} : memref<400xf32, #tpu.memory_space<vmem>>, vector<16xf32>,
    %swap3A_57 = arith.constant 320 : index
    %swap3A_58 = tpu.vector_load %arg31[%swap3A_57] {strides = array<i32>} : memref<400xf32, #tpu.memory_space<vmem>>, vector<16xf32>,
    tpu.vector_store %arg31[%swap3A_57], %broadcast_in_dim3A_0 {strides = array<i32>} : memref<400xf32, #tpu.memory_space<vmem>>, vector<16xf32>,
    %swap3A_59 = arith.constant 336 : index
    %swap3A_60 = tpu.vector_load %arg31[%swap3A_59] {strides = array<i32>} : memref<400xf32, #tpu.memory_space<vmem>>, vector<16xf32>,
    tpu.vector_store %arg31[%swap3A_59], %broadcast_in_dim3A_0 {strides = array<i32>} : memref<400xf32, #tpu.memory_space<vmem>>, vector<16xf32>,
    %swap3A_61 = arith.constant 352 : index
    %swap3A_62 = tpu.vector_load %arg31[%swap3A_61] {strides = array<i32>} : memref<400xf32, #tpu.memory_space<vmem>>, vector<16xf32>,
    tpu.vector_store %arg31[%swap3A_61], %broadcast_in_dim3A_0 {strides = array<i32>} : memref<400xf32, #tpu.memory_space<vmem>>, vector<16xf32>,
    %swap3A_63 = arith.constant 368 : index
    %swap3A_64 = tpu.vector_load %arg31[%swap3A_63] {strides = array<i32>} : memref<400xf32, #tpu.memory_space<vmem>>, vector<16xf32>,
    tpu.vector_store %arg31[%swap3A_63], %broadcast_in_dim3A_0 {strides = array<i32>} : memref<400xf32, #tpu.memory_space<vmem>>, vector<16xf32>,
    %swap3A_65 = arith.constant 384 : index
    %swap3A_66 = tpu.vector_load %arg31[%swap3A_65] {strides = array<i32>} : memref<400xf32, #tpu.memory_space<vmem>>, vector<16xf32>,
    tpu.vector_store %arg31[%swap3A_65], %broadcast_in_dim3A_0 {strides = array<i32>} : memref<400xf32, #tpu.memory_space<vmem>>, vector<16xf32>,
    %add3A = arith.constant 0 : i32
    %add3A_67 = arith.addi %arg1, %add3A : i32
    %lt3A = arith.constant 125 : i32
    %lt3A_68 = arith.cmpi slt, %add3A_67, %lt3A : i32
    %convert_element_type3A = arith.extui %lt3A_68 : i1 to i32
    %cond3A = arith.constant 0 : i32
    %cond3A_69 = arith.cmpi ne, %convert_element_type3A, %cond3A : i32
    scf.if %cond3A_69 {
      %mul3A_608 = arith.constant 80 : i32
      %mul3A_609 = arith.muli %mul3A_608, %add3A_67 : i32
      %dma_start3A_610 = arith.constant 0 : i32
      %dma_start3A_611 = tpu.memref_slice %arg9[%mul3A_609, %dma_start3A_610] : memref<10000x64xf32, #tpu.memory_space<vmem_shared>> -> memref<80x64xf32, #tpu.memory_space<vmem_shared>>
      %dma_start3A_612 = arith.constant 0 : i32
      %dma_start3A_613 = tpu.memref_slice %arg9[%mul3A_609, %dma_start3A_612] : memref<10000x64xf32, #tpu.memory_space<vmem_shared>> -> memref<80x64xf32, #tpu.memory_space<vmem_shared>>
      tpu.enqueue_dma source(%arg18 : memref<80x64xf32, #tpu.memory_space<vmem>>) target(%dma_start3A_613 : memref<80x64xf32, #tpu.memory_space<vmem_shared>>) target_semaphore(%arg34 : memref<!tpu.dma_semaphore, #tpu.memory_space<semaphore_mem>>)
    } else {
    }
    %add3A_70 = arith.constant 16 : i32
    %add3A_71 = arith.addi %arg1, %add3A_70 : i32
    %lt3A_72 = arith.constant 125 : i32
    %lt3A_73 = arith.cmpi slt, %add3A_71, %lt3A_72 : i32
    %convert_element_type3A_74 = arith.extui %lt3A_73 : i1 to i32
    %cond3A_75 = arith.constant 0 : i32
    %cond3A_76 = arith.cmpi ne, %convert_element_type3A_74, %cond3A_75 : i32
    scf.if %cond3A_76 {
      %mul3A_608 = arith.constant 80 : i32
      %mul3A_609 = arith.muli %mul3A_608, %add3A_71 : i32
      %dma_start3A_610 = arith.constant 0 : i32
      %dma_start3A_611 = tpu.memref_slice %arg9[%mul3A_609, %dma_start3A_610] : memref<10000x64xf32, #tpu.memory_space<vmem_shared>> -> memref<80x64xf32, #tpu.memory_space<vmem_shared>>
      %dma_start3A_612 = arith.constant 0 : i32
      %dma_start3A_613 = tpu.memref_slice %arg9[%mul3A_609, %dma_start3A_612] : memref<10000x64xf32, #tpu.memory_space<vmem_shared>> -> memref<80x64xf32, #tpu.memory_space<vmem_shared>>
      tpu.enqueue_dma source(%arg18 : memref<80x64xf32, #tpu.memory_space<vmem>>) target(%dma_start3A_613 : memref<80x64xf32, #tpu.memory_space<vmem_shared>>) target_semaphore(%arg34 : memref<!tpu.dma_semaphore, #tpu.memory_space<semaphore_mem>>)
    } else {
    }
    %add3A_77 = arith.constant 32 : i32
    %add3A_78 = arith.addi %arg1, %add3A_77 : i32
    %lt3A_79 = arith.constant 125 : i32
    %lt3A_80 = arith.cmpi slt, %add3A_78, %lt3A_79 : i32
    %convert_element_type3A_81 = arith.extui %lt3A_80 : i1 to i32
    %cond3A_82 = arith.constant 0 : i32
    %cond3A_83 = arith.cmpi ne, %convert_element_type3A_81, %cond3A_82 : i32
    scf.if %cond3A_83 {
      %mul3A_608 = arith.constant 80 : i32
      %mul3A_609 = arith.muli %mul3A_608, %add3A_78 : i32
      %dma_start3A_610 = arith.constant 0 : i32
      %dma_start3A_611 = tpu.memref_slice %arg9[%mul3A_609, %dma_start3A_610] : memref<10000x64xf32, #tpu.memory_space<vmem_shared>> -> memref<80x64xf32, #tpu.memory_space<vmem_shared>>
      %dma_start3A_612 = arith.constant 0 : i32
      %dma_start3A_613 = tpu.memref_slice %arg9[%mul3A_609, %dma_start3A_612] : memref<10000x64xf32, #tpu.memory_space<vmem_shared>> -> memref<80x64xf32, #tpu.memory_space<vmem_shared>>
      tpu.enqueue_dma source(%arg18 : memref<80x64xf32, #tpu.memory_space<vmem>>) target(%dma_start3A_613 : memref<80x64xf32, #tpu.memory_space<vmem_shared>>) target_semaphore(%arg34 : memref<!tpu.dma_semaphore, #tpu.memory_space<semaphore_mem>>)
    } else {
    }
    %add3A_84 = arith.constant 48 : i32
    %add3A_85 = arith.addi %arg1, %add3A_84 : i32
    %lt3A_86 = arith.constant 125 : i32
    %lt3A_87 = arith.cmpi slt, %add3A_85, %lt3A_86 : i32
    %convert_element_type3A_88 = arith.extui %lt3A_87 : i1 to i32
    %cond3A_89 = arith.constant 0 : i32
    %cond3A_90 = arith.cmpi ne, %convert_element_type3A_88, %cond3A_89 : i32
    scf.if %cond3A_90 {
      %mul3A_608 = arith.constant 80 : i32
      %mul3A_609 = arith.muli %mul3A_608, %add3A_85 : i32
      %dma_start3A_610 = arith.constant 0 : i32
      %dma_start3A_611 = tpu.memref_slice %arg9[%mul3A_609, %dma_start3A_610] : memref<10000x64xf32, #tpu.memory_space<vmem_shared>> -> memref<80x64xf32, #tpu.memory_space<vmem_shared>>
      %dma_start3A_612 = arith.constant 0 : i32
      %dma_start3A_613 = tpu.memref_slice %arg9[%mul3A_609, %dma_start3A_612] : memref<10000x64xf32, #tpu.memory_space<vmem_shared>> -> memref<80x64xf32, #tpu.memory_space<vmem_shared>>
      tpu.enqueue_dma source(%arg18 : memref<80x64xf32, #tpu.memory_space<vmem>>) target(%dma_start3A_613 : memref<80x64xf32, #tpu.memory_space<vmem_shared>>) target_semaphore(%arg34 : memref<!tpu.dma_semaphore, #tpu.memory_space<semaphore_mem>>)
    } else {
    }
    %add3A_91 = arith.constant 64 : i32
    %add3A_92 = arith.addi %arg1, %add3A_91 : i32
    %lt3A_93 = arith.constant 125 : i32
    %lt3A_94 = arith.cmpi slt, %add3A_92, %lt3A_93 : i32
    %convert_element_type3A_95 = arith.extui %lt3A_94 : i1 to i32
    %cond3A_96 = arith.constant 0 : i32
    %cond3A_97 = arith.cmpi ne, %convert_element_type3A_95, %cond3A_96 : i32
    scf.if %cond3A_97 {
      %mul3A_608 = arith.constant 80 : i32
      %mul3A_609 = arith.muli %mul3A_608, %add3A_92 : i32
      %dma_start3A_610 = arith.constant 0 : i32
      %dma_start3A_611 = tpu.memref_slice %arg9[%mul3A_609, %dma_start3A_610] : memref<10000x64xf32, #tpu.memory_space<vmem_shared>> -> memref<80x64xf32, #tpu.memory_space<vmem_shared>>
      %dma_start3A_612 = arith.constant 0 : i32
      %dma_start3A_613 = tpu.memref_slice %arg9[%mul3A_609, %dma_start3A_612] : memref<10000x64xf32, #tpu.memory_space<vmem_shared>> -> memref<80x64xf32, #tpu.memory_space<vmem_shared>>
      tpu.enqueue_dma source(%arg18 : memref<80x64xf32, #tpu.memory_space<vmem>>) target(%dma_start3A_613 : memref<80x64xf32, #tpu.memory_space<vmem_shared>>) target_semaphore(%arg34 : memref<!tpu.dma_semaphore, #tpu.memory_space<semaphore_mem>>)
    } else {
    }
    %add3A_98 = arith.constant 80 : i32
    %add3A_99 = arith.addi %arg1, %add3A_98 : i32
    %lt3A_100 = arith.constant 125 : i32
    %lt3A_101 = arith.cmpi slt, %add3A_99, %lt3A_100 : i32
    %convert_element_type3A_102 = arith.extui %lt3A_101 : i1 to i32
    %cond3A_103 = arith.constant 0 : i32
    %cond3A_104 = arith.cmpi ne, %convert_element_type3A_102, %cond3A_103 : i32
    scf.if %cond3A_104 {
      %mul3A_608 = arith.constant 80 : i32
      %mul3A_609 = arith.muli %mul3A_608, %add3A_99 : i32
      %dma_start3A_610 = arith.constant 0 : i32
      %dma_start3A_611 = tpu.memref_slice %arg9[%mul3A_609, %dma_start3A_610] : memref<10000x64xf32, #tpu.memory_space<vmem_shared>> -> memref<80x64xf32, #tpu.memory_space<vmem_shared>>
      %dma_start3A_612 = arith.constant 0 : i32
      %dma_start3A_613 = tpu.memref_slice %arg9[%mul3A_609, %dma_start3A_612] : memref<10000x64xf32, #tpu.memory_space<vmem_shared>> -> memref<80x64xf32, #tpu.memory_space<vmem_shared>>
      tpu.enqueue_dma source(%arg18 : memref<80x64xf32, #tpu.memory_space<vmem>>) target(%dma_start3A_613 : memref<80x64xf32, #tpu.memory_space<vmem_shared>>) target_semaphore(%arg34 : memref<!tpu.dma_semaphore, #tpu.memory_space<semaphore_mem>>)
    } else {
    }
    %add3A_105 = arith.constant 96 : i32
    %add3A_106 = arith.addi %arg1, %add3A_105 : i32
    %lt3A_107 = arith.constant 125 : i32
    %lt3A_108 = arith.cmpi slt, %add3A_106, %lt3A_107 : i32
    %convert_element_type3A_109 = arith.extui %lt3A_108 : i1 to i32
    %cond3A_110 = arith.constant 0 : i32
    %cond3A_111 = arith.cmpi ne, %convert_element_type3A_109, %cond3A_110 : i32
    scf.if %cond3A_111 {
      %mul3A_608 = arith.constant 80 : i32
      %mul3A_609 = arith.muli %mul3A_608, %add3A_106 : i32
      %dma_start3A_610 = arith.constant 0 : i32
      %dma_start3A_611 = tpu.memref_slice %arg9[%mul3A_609, %dma_start3A_610] : memref<10000x64xf32, #tpu.memory_space<vmem_shared>> -> memref<80x64xf32, #tpu.memory_space<vmem_shared>>
      %dma_start3A_612 = arith.constant 0 : i32
      %dma_start3A_613 = tpu.memref_slice %arg9[%mul3A_609, %dma_start3A_612] : memref<10000x64xf32, #tpu.memory_space<vmem_shared>> -> memref<80x64xf32, #tpu.memory_space<vmem_shared>>
      tpu.enqueue_dma source(%arg18 : memref<80x64xf32, #tpu.memory_space<vmem>>) target(%dma_start3A_613 : memref<80x64xf32, #tpu.memory_space<vmem_shared>>) target_semaphore(%arg34 : memref<!tpu.dma_semaphore, #tpu.memory_space<semaphore_mem>>)
    } else {
    }
    %add3A_112 = arith.constant 112 : i32
    %add3A_113 = arith.addi %arg1, %add3A_112 : i32
    %lt3A_114 = arith.constant 125 : i32
    %lt3A_115 = arith.cmpi slt, %add3A_113, %lt3A_114 : i32
    %convert_element_type3A_116 = arith.extui %lt3A_115 : i1 to i32
    %cond3A_117 = arith.constant 0 : i32
    %cond3A_118 = arith.cmpi ne, %convert_element_type3A_116, %cond3A_117 : i32
    scf.if %cond3A_118 {
      %mul3A_608 = arith.constant 80 : i32
      %mul3A_609 = arith.muli %mul3A_608, %add3A_113 : i32
      %dma_start3A_610 = arith.constant 0 : i32
      %dma_start3A_611 = tpu.memref_slice %arg9[%mul3A_609, %dma_start3A_610] : memref<10000x64xf32, #tpu.memory_space<vmem_shared>> -> memref<80x64xf32, #tpu.memory_space<vmem_shared>>
      %dma_start3A_612 = arith.constant 0 : i32
      %dma_start3A_613 = tpu.memref_slice %arg9[%mul3A_609, %dma_start3A_612] : memref<10000x64xf32, #tpu.memory_space<vmem_shared>> -> memref<80x64xf32, #tpu.memory_space<vmem_shared>>
      tpu.enqueue_dma source(%arg18 : memref<80x64xf32, #tpu.memory_space<vmem>>) target(%dma_start3A_613 : memref<80x64xf32, #tpu.memory_space<vmem_shared>>) target_semaphore(%arg34 : memref<!tpu.dma_semaphore, #tpu.memory_space<semaphore_mem>>)
    } else {
    }
    %scan3A = arith.constant 0 : i32
    %scan3A_119 = arith.constant 0 : i32
    %scan3A_120 = arith.constant 2 : i32
    %scan3A_121 = arith.addi %scan3A_119, %scan3A_120 : i32
    %scan3A_122 = arith.constant 1 : i32
    scf.for %scan3A_608 = %scan3A_119 to %scan3A_121 step %scan3A_122  : i32 {
      %mul3A_609 = arith.constant 16 : i32
      %mul3A_610 = arith.muli %mul3A_609, %scan3A_608 : i32
      %add3A_611 = arith.addi %arg1, %mul3A_610 : i32
      %lt3A_612 = arith.constant 25 : i32
      %lt3A_613 = arith.cmpi slt, %add3A_611, %lt3A_612 : i32
      %convert_element_type3A_614 = arith.extui %lt3A_613 : i1 to i32
      %cond3A_615 = arith.constant 0 : i32
      %cond3A_616 = arith.cmpi ne, %convert_element_type3A_614, %cond3A_615 : i32
      scf.if %cond3A_616 {
        %mul3A_617 = arith.constant 400 : i32
        %mul3A_618 = arith.muli %mul3A_617, %add3A_611 : i32
        "tpu.region"() ({
          %run_scoped3A = tpu.sem_alloc : memref<!tpu.dma_semaphore, #tpu.memory_space<semaphore_mem>>
          %dma_start3A_619 = tpu.memref_slice %arg10[%mul3A_618] : memref<10000xf32, #tpu.memory_space<vmem_shared>> -> memref<400xf32, #tpu.memory_space<vmem_shared>>
          %dma_start3A_620 = tpu.memref_slice %arg10[%mul3A_618] : memref<10000xf32, #tpu.memory_space<vmem_shared>> -> memref<400xf32, #tpu.memory_space<vmem_shared>>
          tpu.enqueue_dma source(%arg31 : memref<400xf32, #tpu.memory_space<vmem>>) target(%dma_start3A_620 : memref<400xf32, #tpu.memory_space<vmem_shared>>) target_semaphore(%run_scoped3A : memref<!tpu.dma_semaphore, #tpu.memory_space<semaphore_mem>>)
          %dma_wait3A_621 = tpu.memref_slice %arg10[%mul3A_618] : memref<10000xf32, #tpu.memory_space<vmem_shared>> -> memref<400xf32, #tpu.memory_space<vmem_shared>>
          %dma_wait3A_622 = tpu.memref_slice %arg10[%mul3A_618] : memref<10000xf32, #tpu.memory_space<vmem_shared>> -> memref<400xf32, #tpu.memory_space<vmem_shared>>
          tpu.wait_dma2 semaphore(%run_scoped3A : memref<!tpu.dma_semaphore, #tpu.memory_space<semaphore_mem>>) src(%arg31 : memref<400xf32, #tpu.memory_space<vmem>>) dst(%dma_wait3A_622 : memref<400xf32, #tpu.memory_space<vmem_shared>>)
          tpu.yield
        }) : () -> ()
      } else {
      }
    }
    %scan3A_123 = arith.constant 2 : i32
    tpu.wait_dma2 semaphore(%arg32 : memref<!tpu.dma_semaphore, #tpu.memory_space<semaphore_mem>>) src(%arg4 : memref<10000xf32, #tpu.memory_space<hbm>>) dst(%arg11 : memref<10000xf32, #tpu.memory_space<vmem>>)
    tpu.wait_dma2 semaphore(%arg33 : memref<!tpu.dma_semaphore, #tpu.memory_space<semaphore_mem>>) src(%arg5 : memref<10000xf32, #tpu.memory_space<hbm>>) dst(%arg12 : memref<10000xf32, #tpu.memory_space<vmem>>)
    %dma_wait3A = arith.constant 0 : i32
    %dma_wait3A_124 = arith.constant 0 : i32
    %dma_wait3A_125 = tpu.memref_slice %arg2[%arg1, %dma_wait3A, %dma_wait3A_124] : memref<16x250x80xi32, #tpu.memory_space<hbm>> -> memref<1x250x80xi32, #tpu.memory_space<hbm>>
    %dma_wait3A_126 = tpu.memref_squeeze %dma_wait3A_125 : memref<1x250x80xi32, #tpu.memory_space<hbm>> -> memref<250x80xi32, #tpu.memory_space<hbm>>
    %dma_wait3A_127 = arith.constant 0 : i32
    %dma_wait3A_128 = arith.constant 0 : i32
    %dma_wait3A_129 = tpu.memref_slice %arg2[%arg1, %dma_wait3A_127, %dma_wait3A_128] : memref<16x250x80xi32, #tpu.memory_space<hbm>> -> memref<1x250x80xi32, #tpu.memory_space<hbm>>
    %dma_wait3A_130 = tpu.memref_squeeze %dma_wait3A_129 : memref<1x250x80xi32, #tpu.memory_space<hbm>> -> memref<250x80xi32, #tpu.memory_space<hbm>>
    tpu.wait_dma2 semaphore(%arg36 : memref<!tpu.dma_semaphore, #tpu.memory_space<semaphore_mem>>) src(%dma_wait3A_130 : memref<250x80xi32, #tpu.memory_space<hbm>>) dst(%arg13 : memref<250x80xi32, #tpu.memory_space<vmem>>)
    %dma_wait3A_131 = arith.constant 0 : i32
    %dma_wait3A_132 = arith.constant 0 : i32
    %dma_wait3A_133 = tpu.memref_slice %arg3[%arg1, %dma_wait3A_131, %dma_wait3A_132] : memref<16x250x80xi32, #tpu.memory_space<hbm>> -> memref<1x250x80xi32, #tpu.memory_space<hbm>>
    %dma_wait3A_134 = tpu.memref_squeeze %dma_wait3A_133 : memref<1x250x80xi32, #tpu.memory_space<hbm>> -> memref<250x80xi32, #tpu.memory_space<hbm>>
    %dma_wait3A_135 = arith.constant 0 : i32
    %dma_wait3A_136 = arith.constant 0 : i32
    %dma_wait3A_137 = tpu.memref_slice %arg3[%arg1, %dma_wait3A_135, %dma_wait3A_136] : memref<16x250x80xi32, #tpu.memory_space<hbm>> -> memref<1x250x80xi32, #tpu.memory_space<hbm>>
    %dma_wait3A_138 = tpu.memref_squeeze %dma_wait3A_137 : memref<1x250x80xi32, #tpu.memory_space<hbm>> -> memref<250x80xi32, #tpu.memory_space<hbm>>
    tpu.wait_dma2 semaphore(%arg37 : memref<!tpu.dma_semaphore, #tpu.memory_space<semaphore_mem>>) src(%dma_wait3A_138 : memref<250x80xi32, #tpu.memory_space<hbm>>) dst(%arg14 : memref<250x80xi32, #tpu.memory_space<vmem>>)
    %add3A_139 = arith.constant 0 : i32
    %add3A_140 = arith.addi %arg1, %add3A_139 : i32
    %lt3A_141 = arith.constant 125 : i32
    %lt3A_142 = arith.cmpi slt, %add3A_140, %lt3A_141 : i32
    %convert_element_type3A_143 = arith.extui %lt3A_142 : i1 to i32
    %cond3A_144 = arith.constant 0 : i32
    %cond3A_145 = arith.cmpi ne, %convert_element_type3A_143, %cond3A_144 : i32
    scf.if %cond3A_145 {
      %mul3A_608 = arith.constant 80 : i32
      %mul3A_609 = arith.muli %mul3A_608, %add3A_140 : i32
      %dma_wait3A_610 = arith.constant 0 : i32
      %dma_wait3A_611 = tpu.memref_slice %arg9[%mul3A_609, %dma_wait3A_610] : memref<10000x64xf32, #tpu.memory_space<vmem_shared>> -> memref<80x64xf32, #tpu.memory_space<vmem_shared>>
      %dma_wait3A_612 = arith.constant 0 : i32
      %dma_wait3A_613 = tpu.memref_slice %arg9[%mul3A_609, %dma_wait3A_612] : memref<10000x64xf32, #tpu.memory_space<vmem_shared>> -> memref<80x64xf32, #tpu.memory_space<vmem_shared>>
      tpu.wait_dma2 semaphore(%arg34 : memref<!tpu.dma_semaphore, #tpu.memory_space<semaphore_mem>>) src(%arg18 : memref<80x64xf32, #tpu.memory_space<vmem>>) dst(%dma_wait3A_613 : memref<80x64xf32, #tpu.memory_space<vmem_shared>>)
    } else {
    }
    %add3A_146 = arith.constant 16 : i32
    %add3A_147 = arith.addi %arg1, %add3A_146 : i32
    %lt3A_148 = arith.constant 125 : i32
    %lt3A_149 = arith.cmpi slt, %add3A_147, %lt3A_148 : i32
    %convert_element_type3A_150 = arith.extui %lt3A_149 : i1 to i32
    %cond3A_151 = arith.constant 0 : i32
    %cond3A_152 = arith.cmpi ne, %convert_element_type3A_150, %cond3A_151 : i32
    scf.if %cond3A_152 {
      %mul3A_608 = arith.constant 80 : i32
      %mul3A_609 = arith.muli %mul3A_608, %add3A_147 : i32
      %dma_wait3A_610 = arith.constant 0 : i32
      %dma_wait3A_611 = tpu.memref_slice %arg9[%mul3A_609, %dma_wait3A_610] : memref<10000x64xf32, #tpu.memory_space<vmem_shared>> -> memref<80x64xf32, #tpu.memory_space<vmem_shared>>
      %dma_wait3A_612 = arith.constant 0 : i32
      %dma_wait3A_613 = tpu.memref_slice %arg9[%mul3A_609, %dma_wait3A_612] : memref<10000x64xf32, #tpu.memory_space<vmem_shared>> -> memref<80x64xf32, #tpu.memory_space<vmem_shared>>
      tpu.wait_dma2 semaphore(%arg34 : memref<!tpu.dma_semaphore, #tpu.memory_space<semaphore_mem>>) src(%arg18 : memref<80x64xf32, #tpu.memory_space<vmem>>) dst(%dma_wait3A_613 : memref<80x64xf32, #tpu.memory_space<vmem_shared>>)
    } else {
    }
    %add3A_153 = arith.constant 32 : i32
    %add3A_154 = arith.addi %arg1, %add3A_153 : i32
    %lt3A_155 = arith.constant 125 : i32
    %lt3A_156 = arith.cmpi slt, %add3A_154, %lt3A_155 : i32
    %convert_element_type3A_157 = arith.extui %lt3A_156 : i1 to i32
    %cond3A_158 = arith.constant 0 : i32
    %cond3A_159 = arith.cmpi ne, %convert_element_type3A_157, %cond3A_158 : i32
    scf.if %cond3A_159 {
      %mul3A_608 = arith.constant 80 : i32
      %mul3A_609 = arith.muli %mul3A_608, %add3A_154 : i32
      %dma_wait3A_610 = arith.constant 0 : i32
      %dma_wait3A_611 = tpu.memref_slice %arg9[%mul3A_609, %dma_wait3A_610] : memref<10000x64xf32, #tpu.memory_space<vmem_shared>> -> memref<80x64xf32, #tpu.memory_space<vmem_shared>>
      %dma_wait3A_612 = arith.constant 0 : i32
      %dma_wait3A_613 = tpu.memref_slice %arg9[%mul3A_609, %dma_wait3A_612] : memref<10000x64xf32, #tpu.memory_space<vmem_shared>> -> memref<80x64xf32, #tpu.memory_space<vmem_shared>>
      tpu.wait_dma2 semaphore(%arg34 : memref<!tpu.dma_semaphore, #tpu.memory_space<semaphore_mem>>) src(%arg18 : memref<80x64xf32, #tpu.memory_space<vmem>>) dst(%dma_wait3A_613 : memref<80x64xf32, #tpu.memory_space<vmem_shared>>)
    } else {
    }
    %add3A_160 = arith.constant 48 : i32
    %add3A_161 = arith.addi %arg1, %add3A_160 : i32
    %lt3A_162 = arith.constant 125 : i32
    %lt3A_163 = arith.cmpi slt, %add3A_161, %lt3A_162 : i32
    %convert_element_type3A_164 = arith.extui %lt3A_163 : i1 to i32
    %cond3A_165 = arith.constant 0 : i32
    %cond3A_166 = arith.cmpi ne, %convert_element_type3A_164, %cond3A_165 : i32
    scf.if %cond3A_166 {
      %mul3A_608 = arith.constant 80 : i32
      %mul3A_609 = arith.muli %mul3A_608, %add3A_161 : i32
      %dma_wait3A_610 = arith.constant 0 : i32
      %dma_wait3A_611 = tpu.memref_slice %arg9[%mul3A_609, %dma_wait3A_610] : memref<10000x64xf32, #tpu.memory_space<vmem_shared>> -> memref<80x64xf32, #tpu.memory_space<vmem_shared>>
      %dma_wait3A_612 = arith.constant 0 : i32
      %dma_wait3A_613 = tpu.memref_slice %arg9[%mul3A_609, %dma_wait3A_612] : memref<10000x64xf32, #tpu.memory_space<vmem_shared>> -> memref<80x64xf32, #tpu.memory_space<vmem_shared>>
      tpu.wait_dma2 semaphore(%arg34 : memref<!tpu.dma_semaphore, #tpu.memory_space<semaphore_mem>>) src(%arg18 : memref<80x64xf32, #tpu.memory_space<vmem>>) dst(%dma_wait3A_613 : memref<80x64xf32, #tpu.memory_space<vmem_shared>>)
    } else {
    }
    %add3A_167 = arith.constant 64 : i32
    %add3A_168 = arith.addi %arg1, %add3A_167 : i32
    %lt3A_169 = arith.constant 125 : i32
    %lt3A_170 = arith.cmpi slt, %add3A_168, %lt3A_169 : i32
    %convert_element_type3A_171 = arith.extui %lt3A_170 : i1 to i32
    %cond3A_172 = arith.constant 0 : i32
    %cond3A_173 = arith.cmpi ne, %convert_element_type3A_171, %cond3A_172 : i32
    scf.if %cond3A_173 {
      %mul3A_608 = arith.constant 80 : i32
      %mul3A_609 = arith.muli %mul3A_608, %add3A_168 : i32
      %dma_wait3A_610 = arith.constant 0 : i32
      %dma_wait3A_611 = tpu.memref_slice %arg9[%mul3A_609, %dma_wait3A_610] : memref<10000x64xf32, #tpu.memory_space<vmem_shared>> -> memref<80x64xf32, #tpu.memory_space<vmem_shared>>
      %dma_wait3A_612 = arith.constant 0 : i32
      %dma_wait3A_613 = tpu.memref_slice %arg9[%mul3A_609, %dma_wait3A_612] : memref<10000x64xf32, #tpu.memory_space<vmem_shared>> -> memref<80x64xf32, #tpu.memory_space<vmem_shared>>
      tpu.wait_dma2 semaphore(%arg34 : memref<!tpu.dma_semaphore, #tpu.memory_space<semaphore_mem>>) src(%arg18 : memref<80x64xf32, #tpu.memory_space<vmem>>) dst(%dma_wait3A_613 : memref<80x64xf32, #tpu.memory_space<vmem_shared>>)
    } else {
    }
    %add3A_174 = arith.constant 80 : i32
    %add3A_175 = arith.addi %arg1, %add3A_174 : i32
    %lt3A_176 = arith.constant 125 : i32
    %lt3A_177 = arith.cmpi slt, %add3A_175, %lt3A_176 : i32
    %convert_element_type3A_178 = arith.extui %lt3A_177 : i1 to i32
    %cond3A_179 = arith.constant 0 : i32
    %cond3A_180 = arith.cmpi ne, %convert_element_type3A_178, %cond3A_179 : i32
    scf.if %cond3A_180 {
      %mul3A_608 = arith.constant 80 : i32
      %mul3A_609 = arith.muli %mul3A_608, %add3A_175 : i32
      %dma_wait3A_610 = arith.constant 0 : i32
      %dma_wait3A_611 = tpu.memref_slice %arg9[%mul3A_609, %dma_wait3A_610] : memref<10000x64xf32, #tpu.memory_space<vmem_shared>> -> memref<80x64xf32, #tpu.memory_space<vmem_shared>>
      %dma_wait3A_612 = arith.constant 0 : i32
      %dma_wait3A_613 = tpu.memref_slice %arg9[%mul3A_609, %dma_wait3A_612] : memref<10000x64xf32, #tpu.memory_space<vmem_shared>> -> memref<80x64xf32, #tpu.memory_space<vmem_shared>>
      tpu.wait_dma2 semaphore(%arg34 : memref<!tpu.dma_semaphore, #tpu.memory_space<semaphore_mem>>) src(%arg18 : memref<80x64xf32, #tpu.memory_space<vmem>>) dst(%dma_wait3A_613 : memref<80x64xf32, #tpu.memory_space<vmem_shared>>)
    } else {
    }
    %add3A_181 = arith.constant 96 : i32
    %add3A_182 = arith.addi %arg1, %add3A_181 : i32
    %lt3A_183 = arith.constant 125 : i32
    %lt3A_184 = arith.cmpi slt, %add3A_182, %lt3A_183 : i32
    %convert_element_type3A_185 = arith.extui %lt3A_184 : i1 to i32
    %cond3A_186 = arith.constant 0 : i32
    %cond3A_187 = arith.cmpi ne, %convert_element_type3A_185, %cond3A_186 : i32
    scf.if %cond3A_187 {
      %mul3A_608 = arith.constant 80 : i32
      %mul3A_609 = arith.muli %mul3A_608, %add3A_182 : i32
      %dma_wait3A_610 = arith.constant 0 : i32
      %dma_wait3A_611 = tpu.memref_slice %arg9[%mul3A_609, %dma_wait3A_610] : memref<10000x64xf32, #tpu.memory_space<vmem_shared>> -> memref<80x64xf32, #tpu.memory_space<vmem_shared>>
      %dma_wait3A_612 = arith.constant 0 : i32
      %dma_wait3A_613 = tpu.memref_slice %arg9[%mul3A_609, %dma_wait3A_612] : memref<10000x64xf32, #tpu.memory_space<vmem_shared>> -> memref<80x64xf32, #tpu.memory_space<vmem_shared>>
      tpu.wait_dma2 semaphore(%arg34 : memref<!tpu.dma_semaphore, #tpu.memory_space<semaphore_mem>>) src(%arg18 : memref<80x64xf32, #tpu.memory_space<vmem>>) dst(%dma_wait3A_613 : memref<80x64xf32, #tpu.memory_space<vmem_shared>>)
    } else {
    }
    %add3A_188 = arith.constant 112 : i32
    %add3A_189 = arith.addi %arg1, %add3A_188 : i32
    %lt3A_190 = arith.constant 125 : i32
    %lt3A_191 = arith.cmpi slt, %add3A_189, %lt3A_190 : i32
    %convert_element_type3A_192 = arith.extui %lt3A_191 : i1 to i32
    %cond3A_193 = arith.constant 0 : i32
    %cond3A_194 = arith.cmpi ne, %convert_element_type3A_192, %cond3A_193 : i32
    scf.if %cond3A_194 {
      %mul3A_608 = arith.constant 80 : i32
      %mul3A_609 = arith.muli %mul3A_608, %add3A_189 : i32
      %dma_wait3A_610 = arith.constant 0 : i32
      %dma_wait3A_611 = tpu.memref_slice %arg9[%mul3A_609, %dma_wait3A_610] : memref<10000x64xf32, #tpu.memory_space<vmem_shared>> -> memref<80x64xf32, #tpu.memory_space<vmem_shared>>
      %dma_wait3A_612 = arith.constant 0 : i32
      %dma_wait3A_613 = tpu.memref_slice %arg9[%mul3A_609, %dma_wait3A_612] : memref<10000x64xf32, #tpu.memory_space<vmem_shared>> -> memref<80x64xf32, #tpu.memory_space<vmem_shared>>
      tpu.wait_dma2 semaphore(%arg34 : memref<!tpu.dma_semaphore, #tpu.memory_space<semaphore_mem>>) src(%arg18 : memref<80x64xf32, #tpu.memory_space<vmem>>) dst(%dma_wait3A_613 : memref<80x64xf32, #tpu.memory_space<vmem_shared>>)
    } else {
    }
    %barrier3A = arith.constant 0 : index
    tpu.barrier barrier_id(%barrier3A)
    %mul3A = arith.constant 10000 : i32
    %mul3A_195 = arith.muli %arg0, %mul3A : i32
    %get3A = arith.constant 0 : i32
    %get3A_196 = arith.index_cast %get3A : i32 to index
    %get3A_197 = arith.constant 0 : index
    %get3A_198 = tpu.vector_load %arg13[%get3A_196, %get3A_197] {strides = array<i32>} : memref<250x80xi32, #tpu.memory_space<vmem>>, vector<16xi32>,
    %get3A_199 = arith.constant 0 : i32
    %get3A_200 = arith.index_cast %get3A_199 : i32 to index
    %get3A_201 = arith.constant 0 : index
    %get3A_202 = tpu.vector_load %arg14[%get3A_200, %get3A_201] {strides = array<i32>} : memref<250x80xi32, #tpu.memory_space<vmem>>, vector<16xi32>,
    %add3A_203 = vector.broadcast %mul3A_195 : i32 to vector<16xi32>
    %add3A_204 = arith.addi %get3A_198, %add3A_203 : vector<16xi32>
    %swap3A_205 = arith.constant 0 : index
    %swap3A_206 = tpu.vector_load %arg15[%swap3A_205] {strides = array<i32>} : memref<80xi32, #tpu.memory_space<vmem>>, vector<16xi32>,
    tpu.vector_store %arg15[%swap3A_205], %add3A_204 {strides = array<i32>} : memref<80xi32, #tpu.memory_space<vmem>>, vector<16xi32>,
    %swap3A_207 = arith.constant 0 : index
    %swap3A_208 = tpu.vector_load %arg16[%swap3A_207] {strides = array<i32>} : memref<80xi32, #tpu.memory_space<vmem>>, vector<16xi32>,
    tpu.vector_store %arg16[%swap3A_207], %get3A_202 {strides = array<i32>} : memref<80xi32, #tpu.memory_space<vmem>>, vector<16xi32>,
    %gather3A = tpu.vector_load_idx %arg11[%get3A_198] : memref<10000xf32, #tpu.memory_space<vmem>>[vector<16xi32>], vector<16xf32>,
    %gather3A_209 = tpu.vector_load_idx %arg12[%get3A_202] : memref<10000xf32, #tpu.memory_space<vmem>>[vector<16xi32>], vector<16xf32>,
    %add3A_210 = arith.addf %gather3A, %gather3A_209 : vector<16xf32>
    %gt3A = arith.constant 0.000000e+00 : f32
    %gt3A_211 = vector.broadcast %gt3A : f32 to vector<16xf32>
    %gt3A_212 = arith.cmpf ogt, %add3A_210, %gt3A_211 : vector<16xf32>
    %mul3A_213 = arith.constant 2.000000e-01 : f32
    %mul3A_214 = vector.broadcast %mul3A_213 : f32 to vector<16xf32>
    %mul3A_215 = arith.mulf %mul3A_214, %add3A_210 : vector<16xf32>
    %select_n3A = arith.select %gt3A_212, %add3A_210, %mul3A_215 : vector<16xi1>, vector<16xf32>
    %exp3A = math.exp %select_n3A : vector<16xf32>
    %swap3A_216 = arith.constant 0 : index
    %swap3A_217 = tpu.vector_load %arg17[%swap3A_216] {strides = array<i32>} : memref<80xf32, #tpu.memory_space<vmem>>, vector<16xf32>,
    tpu.vector_store %arg17[%swap3A_216], %exp3A {strides = array<i32>} : memref<80xf32, #tpu.memory_space<vmem>>, vector<16xf32>,
    %get3A_218 = arith.constant 0 : i32
    %get3A_219 = arith.index_cast %get3A_218 : i32 to index
    %get3A_220 = arith.constant 16 : index
    %get3A_221 = tpu.vector_load %arg13[%get3A_219, %get3A_220] {strides = array<i32>} : memref<250x80xi32, #tpu.memory_space<vmem>>, vector<16xi32>,
    %get3A_222 = arith.constant 0 : i32
    %get3A_223 = arith.index_cast %get3A_222 : i32 to index
    %get3A_224 = arith.constant 16 : index
    %get3A_225 = tpu.vector_load %arg14[%get3A_223, %get3A_224] {strides = array<i32>} : memref<250x80xi32, #tpu.memory_space<vmem>>, vector<16xi32>,
    %add3A_226 = vector.broadcast %mul3A_195 : i32 to vector<16xi32>
    %add3A_227 = arith.addi %get3A_221, %add3A_226 : vector<16xi32>
    %swap3A_228 = arith.constant 16 : index
    %swap3A_229 = tpu.vector_load %arg15[%swap3A_228] {strides = array<i32>} : memref<80xi32, #tpu.memory_space<vmem>>, vector<16xi32>,
    tpu.vector_store %arg15[%swap3A_228], %add3A_227 {strides = array<i32>} : memref<80xi32, #tpu.memory_space<vmem>>, vector<16xi32>,
    %swap3A_230 = arith.constant 16 : index
    %swap3A_231 = tpu.vector_load %arg16[%swap3A_230] {strides = array<i32>} : memref<80xi32, #tpu.memory_space<vmem>>, vector<16xi32>,
    tpu.vector_store %arg16[%swap3A_230], %get3A_225 {strides = array<i32>} : memref<80xi32, #tpu.memory_space<vmem>>, vector<16xi32>,
    %gather3A_232 = tpu.vector_load_idx %arg11[%get3A_221] : memref<10000xf32, #tpu.memory_space<vmem>>[vector<16xi32>], vector<16xf32>,
    %gather3A_233 = tpu.vector_load_idx %arg12[%get3A_225] : memref<10000xf32, #tpu.memory_space<vmem>>[vector<16xi32>], vector<16xf32>,
    %add3A_234 = arith.addf %gather3A_232, %gather3A_233 : vector<16xf32>
    %gt3A_235 = arith.constant 0.000000e+00 : f32
    %gt3A_236 = vector.broadcast %gt3A_235 : f32 to vector<16xf32>
    %gt3A_237 = arith.cmpf ogt, %add3A_234, %gt3A_236 : vector<16xf32>
    %mul3A_238 = arith.constant 2.000000e-01 : f32
    %mul3A_239 = vector.broadcast %mul3A_238 : f32 to vector<16xf32>
    %mul3A_240 = arith.mulf %mul3A_239, %add3A_234 : vector<16xf32>
    %select_n3A_241 = arith.select %gt3A_237, %add3A_234, %mul3A_240 : vector<16xi1>, vector<16xf32>
    %exp3A_242 = math.exp %select_n3A_241 : vector<16xf32>
    %swap3A_243 = arith.constant 16 : index
    %swap3A_244 = tpu.vector_load %arg17[%swap3A_243] {strides = array<i32>} : memref<80xf32, #tpu.memory_space<vmem>>, vector<16xf32>,
    tpu.vector_store %arg17[%swap3A_243], %exp3A_242 {strides = array<i32>} : memref<80xf32, #tpu.memory_space<vmem>>, vector<16xf32>,
    %get3A_245 = arith.constant 0 : i32
    %get3A_246 = arith.index_cast %get3A_245 : i32 to index
    %get3A_247 = arith.constant 32 : index
    %get3A_248 = tpu.vector_load %arg13[%get3A_246, %get3A_247] {strides = array<i32>} : memref<250x80xi32, #tpu.memory_space<vmem>>, vector<16xi32>,
    %get3A_249 = arith.constant 0 : i32
    %get3A_250 = arith.index_cast %get3A_249 : i32 to index
    %get3A_251 = arith.constant 32 : index
    %get3A_252 = tpu.vector_load %arg14[%get3A_250, %get3A_251] {strides = array<i32>} : memref<250x80xi32, #tpu.memory_space<vmem>>, vector<16xi32>,
    %add3A_253 = vector.broadcast %mul3A_195 : i32 to vector<16xi32>
    %add3A_254 = arith.addi %get3A_248, %add3A_253 : vector<16xi32>
    %swap3A_255 = arith.constant 32 : index
    %swap3A_256 = tpu.vector_load %arg15[%swap3A_255] {strides = array<i32>} : memref<80xi32, #tpu.memory_space<vmem>>, vector<16xi32>,
    tpu.vector_store %arg15[%swap3A_255], %add3A_254 {strides = array<i32>} : memref<80xi32, #tpu.memory_space<vmem>>, vector<16xi32>,
    %swap3A_257 = arith.constant 32 : index
    %swap3A_258 = tpu.vector_load %arg16[%swap3A_257] {strides = array<i32>} : memref<80xi32, #tpu.memory_space<vmem>>, vector<16xi32>,
    tpu.vector_store %arg16[%swap3A_257], %get3A_252 {strides = array<i32>} : memref<80xi32, #tpu.memory_space<vmem>>, vector<16xi32>,
    %gather3A_259 = tpu.vector_load_idx %arg11[%get3A_248] : memref<10000xf32, #tpu.memory_space<vmem>>[vector<16xi32>], vector<16xf32>,
    %gather3A_260 = tpu.vector_load_idx %arg12[%get3A_252] : memref<10000xf32, #tpu.memory_space<vmem>>[vector<16xi32>], vector<16xf32>,
    %add3A_261 = arith.addf %gather3A_259, %gather3A_260 : vector<16xf32>
    %gt3A_262 = arith.constant 0.000000e+00 : f32
    %gt3A_263 = vector.broadcast %gt3A_262 : f32 to vector<16xf32>
    %gt3A_264 = arith.cmpf ogt, %add3A_261, %gt3A_263 : vector<16xf32>
    %mul3A_265 = arith.constant 2.000000e-01 : f32
    %mul3A_266 = vector.broadcast %mul3A_265 : f32 to vector<16xf32>
    %mul3A_267 = arith.mulf %mul3A_266, %add3A_261 : vector<16xf32>
    %select_n3A_268 = arith.select %gt3A_264, %add3A_261, %mul3A_267 : vector<16xi1>, vector<16xf32>
    %exp3A_269 = math.exp %select_n3A_268 : vector<16xf32>
    %swap3A_270 = arith.constant 32 : index
    %swap3A_271 = tpu.vector_load %arg17[%swap3A_270] {strides = array<i32>} : memref<80xf32, #tpu.memory_space<vmem>>, vector<16xf32>,
    tpu.vector_store %arg17[%swap3A_270], %exp3A_269 {strides = array<i32>} : memref<80xf32, #tpu.memory_space<vmem>>, vector<16xf32>,
    %get3A_272 = arith.constant 0 : i32
    %get3A_273 = arith.index_cast %get3A_272 : i32 to index
    %get3A_274 = arith.constant 48 : index
    %get3A_275 = tpu.vector_load %arg13[%get3A_273, %get3A_274] {strides = array<i32>} : memref<250x80xi32, #tpu.memory_space<vmem>>, vector<16xi32>,
    %get3A_276 = arith.constant 0 : i32
    %get3A_277 = arith.index_cast %get3A_276 : i32 to index
    %get3A_278 = arith.constant 48 : index
    %get3A_279 = tpu.vector_load %arg14[%get3A_277, %get3A_278] {strides = array<i32>} : memref<250x80xi32, #tpu.memory_space<vmem>>, vector<16xi32>,
    %add3A_280 = vector.broadcast %mul3A_195 : i32 to vector<16xi32>
    %add3A_281 = arith.addi %get3A_275, %add3A_280 : vector<16xi32>
    %swap3A_282 = arith.constant 48 : index
    %swap3A_283 = tpu.vector_load %arg15[%swap3A_282] {strides = array<i32>} : memref<80xi32, #tpu.memory_space<vmem>>, vector<16xi32>,
    tpu.vector_store %arg15[%swap3A_282], %add3A_281 {strides = array<i32>} : memref<80xi32, #tpu.memory_space<vmem>>, vector<16xi32>,
    %swap3A_284 = arith.constant 48 : index
    %swap3A_285 = tpu.vector_load %arg16[%swap3A_284] {strides = array<i32>} : memref<80xi32, #tpu.memory_space<vmem>>, vector<16xi32>,
    tpu.vector_store %arg16[%swap3A_284], %get3A_279 {strides = array<i32>} : memref<80xi32, #tpu.memory_space<vmem>>, vector<16xi32>,
    %gather3A_286 = tpu.vector_load_idx %arg11[%get3A_275] : memref<10000xf32, #tpu.memory_space<vmem>>[vector<16xi32>], vector<16xf32>,
    %gather3A_287 = tpu.vector_load_idx %arg12[%get3A_279] : memref<10000xf32, #tpu.memory_space<vmem>>[vector<16xi32>], vector<16xf32>,
    %add3A_288 = arith.addf %gather3A_286, %gather3A_287 : vector<16xf32>
    %gt3A_289 = arith.constant 0.000000e+00 : f32
    %gt3A_290 = vector.broadcast %gt3A_289 : f32 to vector<16xf32>
    %gt3A_291 = arith.cmpf ogt, %add3A_288, %gt3A_290 : vector<16xf32>
    %mul3A_292 = arith.constant 2.000000e-01 : f32
    %mul3A_293 = vector.broadcast %mul3A_292 : f32 to vector<16xf32>
    %mul3A_294 = arith.mulf %mul3A_293, %add3A_288 : vector<16xf32>
    %select_n3A_295 = arith.select %gt3A_291, %add3A_288, %mul3A_294 : vector<16xi1>, vector<16xf32>
    %exp3A_296 = math.exp %select_n3A_295 : vector<16xf32>
    %swap3A_297 = arith.constant 48 : index
    %swap3A_298 = tpu.vector_load %arg17[%swap3A_297] {strides = array<i32>} : memref<80xf32, #tpu.memory_space<vmem>>, vector<16xf32>,
    tpu.vector_store %arg17[%swap3A_297], %exp3A_296 {strides = array<i32>} : memref<80xf32, #tpu.memory_space<vmem>>, vector<16xf32>,
    %get3A_299 = arith.constant 0 : i32
    %get3A_300 = arith.index_cast %get3A_299 : i32 to index
    %get3A_301 = arith.constant 64 : index
    %get3A_302 = tpu.vector_load %arg13[%get3A_300, %get3A_301] {strides = array<i32>} : memref<250x80xi32, #tpu.memory_space<vmem>>, vector<16xi32>,
    %get3A_303 = arith.constant 0 : i32
    %get3A_304 = arith.index_cast %get3A_303 : i32 to index
    %get3A_305 = arith.constant 64 : index
    %get3A_306 = tpu.vector_load %arg14[%get3A_304, %get3A_305] {strides = array<i32>} : memref<250x80xi32, #tpu.memory_space<vmem>>, vector<16xi32>,
    %add3A_307 = vector.broadcast %mul3A_195 : i32 to vector<16xi32>
    %add3A_308 = arith.addi %get3A_302, %add3A_307 : vector<16xi32>
    %swap3A_309 = arith.constant 64 : index
    %swap3A_310 = tpu.vector_load %arg15[%swap3A_309] {strides = array<i32>} : memref<80xi32, #tpu.memory_space<vmem>>, vector<16xi32>,
    tpu.vector_store %arg15[%swap3A_309], %add3A_308 {strides = array<i32>} : memref<80xi32, #tpu.memory_space<vmem>>, vector<16xi32>,
    %swap3A_311 = arith.constant 64 : index
    %swap3A_312 = tpu.vector_load %arg16[%swap3A_311] {strides = array<i32>} : memref<80xi32, #tpu.memory_space<vmem>>, vector<16xi32>,
    tpu.vector_store %arg16[%swap3A_311], %get3A_306 {strides = array<i32>} : memref<80xi32, #tpu.memory_space<vmem>>, vector<16xi32>,
    %gather3A_313 = tpu.vector_load_idx %arg11[%get3A_302] : memref<10000xf32, #tpu.memory_space<vmem>>[vector<16xi32>], vector<16xf32>,
    %gather3A_314 = tpu.vector_load_idx %arg12[%get3A_306] : memref<10000xf32, #tpu.memory_space<vmem>>[vector<16xi32>], vector<16xf32>,
    %add3A_315 = arith.addf %gather3A_313, %gather3A_314 : vector<16xf32>
    %gt3A_316 = arith.constant 0.000000e+00 : f32
    %gt3A_317 = vector.broadcast %gt3A_316 : f32 to vector<16xf32>
    %gt3A_318 = arith.cmpf ogt, %add3A_315, %gt3A_317 : vector<16xf32>
    %mul3A_319 = arith.constant 2.000000e-01 : f32
    %mul3A_320 = vector.broadcast %mul3A_319 : f32 to vector<16xf32>
    %mul3A_321 = arith.mulf %mul3A_320, %add3A_315 : vector<16xf32>
    %select_n3A_322 = arith.select %gt3A_318, %add3A_315, %mul3A_321 : vector<16xi1>, vector<16xf32>
    %exp3A_323 = math.exp %select_n3A_322 : vector<16xf32>
    %swap3A_324 = arith.constant 64 : index
    %swap3A_325 = tpu.vector_load %arg17[%swap3A_324] {strides = array<i32>} : memref<80xf32, #tpu.memory_space<vmem>>, vector<16xf32>,
    tpu.vector_store %arg17[%swap3A_324], %exp3A_323 {strides = array<i32>} : memref<80xf32, #tpu.memory_space<vmem>>, vector<16xf32>,
    %dma_start3A_326 = arith.constant 0 : i32
    %dma_start3A_327 = arith.constant 0 : i32
    %dma_start3A_328 = tpu.memref_slice %arg6[%dma_start3A_326, %dma_start3A_327] : memref<20000x64xf32, #tpu.memory_space<hbm>> -> memref<20000x64xf32, #tpu.memory_space<hbm>>
    tpu.enqueue_indirect_dma source(%dma_start3A_328 : memref<20000x64xf32, #tpu.memory_space<hbm>>) target(%arg18 : memref<80x64xf32, #tpu.memory_space<vmem>>) offsets(%arg15 : memref<80xi32, #tpu.memory_space<vmem>>) semaphore(%arg32 : memref<!tpu.dma_semaphore, #tpu.memory_space<semaphore_mem>>)
    %get3A_329 = arith.constant 1 : i32
    %get3A_330 = arith.index_cast %get3A_329 : i32 to index
    %get3A_331 = arith.constant 0 : index
    %get3A_332 = tpu.vector_load %arg13[%get3A_330, %get3A_331] {strides = array<i32>} : memref<250x80xi32, #tpu.memory_space<vmem>>, vector<16xi32>,
    %get3A_333 = arith.constant 1 : i32
    %get3A_334 = arith.index_cast %get3A_333 : i32 to index
    %get3A_335 = arith.constant 0 : index
    %get3A_336 = tpu.vector_load %arg14[%get3A_334, %get3A_335] {strides = array<i32>} : memref<250x80xi32, #tpu.memory_space<vmem>>, vector<16xi32>,
    %add3A_337 = vector.broadcast %mul3A_195 : i32 to vector<16xi32>
    %add3A_338 = arith.addi %get3A_332, %add3A_337 : vector<16xi32>
    %swap3A_339 = arith.constant 0 : index
    %swap3A_340 = tpu.vector_load %arg19[%swap3A_339] {strides = array<i32>} : memref<80xi32, #tpu.memory_space<vmem>>, vector<16xi32>,
    tpu.vector_store %arg19[%swap3A_339], %add3A_338 {strides = array<i32>} : memref<80xi32, #tpu.memory_space<vmem>>, vector<16xi32>,
    %swap3A_341 = arith.constant 0 : index
    %swap3A_342 = tpu.vector_load %arg20[%swap3A_341] {strides = array<i32>} : memref<80xi32, #tpu.memory_space<vmem>>, vector<16xi32>,
    tpu.vector_store %arg20[%swap3A_341], %get3A_336 {strides = array<i32>} : memref<80xi32, #tpu.memory_space<vmem>>, vector<16xi32>,
    %gather3A_343 = tpu.vector_load_idx %arg11[%get3A_332] : memref<10000xf32, #tpu.memory_space<vmem>>[vector<16xi32>], vector<16xf32>,
    %gather3A_344 = tpu.vector_load_idx %arg12[%get3A_336] : memref<10000xf32, #tpu.memory_space<vmem>>[vector<16xi32>], vector<16xf32>,
    %add3A_345 = arith.addf %gather3A_343, %gather3A_344 : vector<16xf32>
    %gt3A_346 = arith.constant 0.000000e+00 : f32
    %gt3A_347 = vector.broadcast %gt3A_346 : f32 to vector<16xf32>
    %gt3A_348 = arith.cmpf ogt, %add3A_345, %gt3A_347 : vector<16xf32>
    %mul3A_349 = arith.constant 2.000000e-01 : f32
    %mul3A_350 = vector.broadcast %mul3A_349 : f32 to vector<16xf32>
    %mul3A_351 = arith.mulf %mul3A_350, %add3A_345 : vector<16xf32>
    %select_n3A_352 = arith.select %gt3A_348, %add3A_345, %mul3A_351 : vector<16xi1>, vector<16xf32>
    %exp3A_353 = math.exp %select_n3A_352 : vector<16xf32>
    %swap3A_354 = arith.constant 0 : index
    %swap3A_355 = tpu.vector_load %arg21[%swap3A_354] {strides = array<i32>} : memref<80xf32, #tpu.memory_space<vmem>>, vector<16xf32>,
    tpu.vector_store %arg21[%swap3A_354], %exp3A_353 {strides = array<i32>} : memref<80xf32, #tpu.memory_space<vmem>>, vector<16xf32>,
    %get3A_356 = arith.constant 1 : i32
    %get3A_357 = arith.index_cast %get3A_356 : i32 to index
    %get3A_358 = arith.constant 16 : index
    %get3A_359 = tpu.vector_load %arg13[%get3A_357, %get3A_358] {strides = array<i32>} : memref<250x80xi32, #tpu.memory_space<vmem>>, vector<16xi32>,
    %get3A_360 = arith.constant 1 : i32
    %get3A_361 = arith.index_cast %get3A_360 : i32 to index
    %get3A_362 = arith.constant 16 : index
    %get3A_363 = tpu.vector_load %arg14[%get3A_361, %get3A_362] {strides = array<i32>} : memref<250x80xi32, #tpu.memory_space<vmem>>, vector<16xi32>,
    %add3A_364 = vector.broadcast %mul3A_195 : i32 to vector<16xi32>
    %add3A_365 = arith.addi %get3A_359, %add3A_364 : vector<16xi32>
    %swap3A_366 = arith.constant 16 : index
    %swap3A_367 = tpu.vector_load %arg19[%swap3A_366] {strides = array<i32>} : memref<80xi32, #tpu.memory_space<vmem>>, vector<16xi32>,
    tpu.vector_store %arg19[%swap3A_366], %add3A_365 {strides = array<i32>} : memref<80xi32, #tpu.memory_space<vmem>>, vector<16xi32>,
    %swap3A_368 = arith.constant 16 : index
    %swap3A_369 = tpu.vector_load %arg20[%swap3A_368] {strides = array<i32>} : memref<80xi32, #tpu.memory_space<vmem>>, vector<16xi32>,
    tpu.vector_store %arg20[%swap3A_368], %get3A_363 {strides = array<i32>} : memref<80xi32, #tpu.memory_space<vmem>>, vector<16xi32>,
    %gather3A_370 = tpu.vector_load_idx %arg11[%get3A_359] : memref<10000xf32, #tpu.memory_space<vmem>>[vector<16xi32>], vector<16xf32>,
    %gather3A_371 = tpu.vector_load_idx %arg12[%get3A_363] : memref<10000xf32, #tpu.memory_space<vmem>>[vector<16xi32>], vector<16xf32>,
    %add3A_372 = arith.addf %gather3A_370, %gather3A_371 : vector<16xf32>
    %gt3A_373 = arith.constant 0.000000e+00 : f32
    %gt3A_374 = vector.broadcast %gt3A_373 : f32 to vector<16xf32>
    %gt3A_375 = arith.cmpf ogt, %add3A_372, %gt3A_374 : vector<16xf32>
    %mul3A_376 = arith.constant 2.000000e-01 : f32
    %mul3A_377 = vector.broadcast %mul3A_376 : f32 to vector<16xf32>
    %mul3A_378 = arith.mulf %mul3A_377, %add3A_372 : vector<16xf32>
    %select_n3A_379 = arith.select %gt3A_375, %add3A_372, %mul3A_378 : vector<16xi1>, vector<16xf32>
    %exp3A_380 = math.exp %select_n3A_379 : vector<16xf32>
    %swap3A_381 = arith.constant 16 : index
    %swap3A_382 = tpu.vector_load %arg21[%swap3A_381] {strides = array<i32>} : memref<80xf32, #tpu.memory_space<vmem>>, vector<16xf32>,
    tpu.vector_store %arg21[%swap3A_381], %exp3A_380 {strides = array<i32>} : memref<80xf32, #tpu.memory_space<vmem>>, vector<16xf32>,
    %get3A_383 = arith.constant 1 : i32
    %get3A_384 = arith.index_cast %get3A_383 : i32 to index
    %get3A_385 = arith.constant 32 : index
    %get3A_386 = tpu.vector_load %arg13[%get3A_384, %get3A_385] {strides = array<i32>} : memref<250x80xi32, #tpu.memory_space<vmem>>, vector<16xi32>,
    %get3A_387 = arith.constant 1 : i32
    %get3A_388 = arith.index_cast %get3A_387 : i32 to index
    %get3A_389 = arith.constant 32 : index
    %get3A_390 = tpu.vector_load %arg14[%get3A_388, %get3A_389] {strides = array<i32>} : memref<250x80xi32, #tpu.memory_space<vmem>>, vector<16xi32>,
    %add3A_391 = vector.broadcast %mul3A_195 : i32 to vector<16xi32>
    %add3A_392 = arith.addi %get3A_386, %add3A_391 : vector<16xi32>
    %swap3A_393 = arith.constant 32 : index
    %swap3A_394 = tpu.vector_load %arg19[%swap3A_393] {strides = array<i32>} : memref<80xi32, #tpu.memory_space<vmem>>, vector<16xi32>,
    tpu.vector_store %arg19[%swap3A_393], %add3A_392 {strides = array<i32>} : memref<80xi32, #tpu.memory_space<vmem>>, vector<16xi32>,
    %swap3A_395 = arith.constant 32 : index
    %swap3A_396 = tpu.vector_load %arg20[%swap3A_395] {strides = array<i32>} : memref<80xi32, #tpu.memory_space<vmem>>, vector<16xi32>,
    tpu.vector_store %arg20[%swap3A_395], %get3A_390 {strides = array<i32>} : memref<80xi32, #tpu.memory_space<vmem>>, vector<16xi32>,
    %gather3A_397 = tpu.vector_load_idx %arg11[%get3A_386] : memref<10000xf32, #tpu.memory_space<vmem>>[vector<16xi32>], vector<16xf32>,
    %gather3A_398 = tpu.vector_load_idx %arg12[%get3A_390] : memref<10000xf32, #tpu.memory_space<vmem>>[vector<16xi32>], vector<16xf32>,
    %add3A_399 = arith.addf %gather3A_397, %gather3A_398 : vector<16xf32>
    %gt3A_400 = arith.constant 0.000000e+00 : f32
    %gt3A_401 = vector.broadcast %gt3A_400 : f32 to vector<16xf32>
    %gt3A_402 = arith.cmpf ogt, %add3A_399, %gt3A_401 : vector<16xf32>
    %mul3A_403 = arith.constant 2.000000e-01 : f32
    %mul3A_404 = vector.broadcast %mul3A_403 : f32 to vector<16xf32>
    %mul3A_405 = arith.mulf %mul3A_404, %add3A_399 : vector<16xf32>
    %select_n3A_406 = arith.select %gt3A_402, %add3A_399, %mul3A_405 : vector<16xi1>, vector<16xf32>
    %exp3A_407 = math.exp %select_n3A_406 : vector<16xf32>
    %swap3A_408 = arith.constant 32 : index
    %swap3A_409 = tpu.vector_load %arg21[%swap3A_408] {strides = array<i32>} : memref<80xf32, #tpu.memory_space<vmem>>, vector<16xf32>,
    tpu.vector_store %arg21[%swap3A_408], %exp3A_407 {strides = array<i32>} : memref<80xf32, #tpu.memory_space<vmem>>, vector<16xf32>,
    %get3A_410 = arith.constant 1 : i32
    %get3A_411 = arith.index_cast %get3A_410 : i32 to index
    %get3A_412 = arith.constant 48 : index
    %get3A_413 = tpu.vector_load %arg13[%get3A_411, %get3A_412] {strides = array<i32>} : memref<250x80xi32, #tpu.memory_space<vmem>>, vector<16xi32>,
    %get3A_414 = arith.constant 1 : i32
    %get3A_415 = arith.index_cast %get3A_414 : i32 to index
    %get3A_416 = arith.constant 48 : index
    %get3A_417 = tpu.vector_load %arg14[%get3A_415, %get3A_416] {strides = array<i32>} : memref<250x80xi32, #tpu.memory_space<vmem>>, vector<16xi32>,
    %add3A_418 = vector.broadcast %mul3A_195 : i32 to vector<16xi32>
    %add3A_419 = arith.addi %get3A_413, %add3A_418 : vector<16xi32>
    %swap3A_420 = arith.constant 48 : index
    %swap3A_421 = tpu.vector_load %arg19[%swap3A_420] {strides = array<i32>} : memref<80xi32, #tpu.memory_space<vmem>>, vector<16xi32>,
    tpu.vector_store %arg19[%swap3A_420], %add3A_419 {strides = array<i32>} : memref<80xi32, #tpu.memory_space<vmem>>, vector<16xi32>,
    %swap3A_422 = arith.constant 48 : index
    %swap3A_423 = tpu.vector_load %arg20[%swap3A_422] {strides = array<i32>} : memref<80xi32, #tpu.memory_space<vmem>>, vector<16xi32>,
    tpu.vector_store %arg20[%swap3A_422], %get3A_417 {strides = array<i32>} : memref<80xi32, #tpu.memory_space<vmem>>, vector<16xi32>,
    %gather3A_424 = tpu.vector_load_idx %arg11[%get3A_413] : memref<10000xf32, #tpu.memory_space<vmem>>[vector<16xi32>], vector<16xf32>,
    %gather3A_425 = tpu.vector_load_idx %arg12[%get3A_417] : memref<10000xf32, #tpu.memory_space<vmem>>[vector<16xi32>], vector<16xf32>,
    %add3A_426 = arith.addf %gather3A_424, %gather3A_425 : vector<16xf32>
    %gt3A_427 = arith.constant 0.000000e+00 : f32
    %gt3A_428 = vector.broadcast %gt3A_427 : f32 to vector<16xf32>
    %gt3A_429 = arith.cmpf ogt, %add3A_426, %gt3A_428 : vector<16xf32>
    %mul3A_430 = arith.constant 2.000000e-01 : f32
    %mul3A_431 = vector.broadcast %mul3A_430 : f32 to vector<16xf32>
    %mul3A_432 = arith.mulf %mul3A_431, %add3A_426 : vector<16xf32>
    %select_n3A_433 = arith.select %gt3A_429, %add3A_426, %mul3A_432 : vector<16xi1>, vector<16xf32>
    %exp3A_434 = math.exp %select_n3A_433 : vector<16xf32>
    %swap3A_435 = arith.constant 48 : index
    %swap3A_436 = tpu.vector_load %arg21[%swap3A_435] {strides = array<i32>} : memref<80xf32, #tpu.memory_space<vmem>>, vector<16xf32>,
    tpu.vector_store %arg21[%swap3A_435], %exp3A_434 {strides = array<i32>} : memref<80xf32, #tpu.memory_space<vmem>>, vector<16xf32>,
    %get3A_437 = arith.constant 1 : i32
    %get3A_438 = arith.index_cast %get3A_437 : i32 to index
    %get3A_439 = arith.constant 64 : index
    %get3A_440 = tpu.vector_load %arg13[%get3A_438, %get3A_439] {strides = array<i32>} : memref<250x80xi32, #tpu.memory_space<vmem>>, vector<16xi32>,
    %get3A_441 = arith.constant 1 : i32
    %get3A_442 = arith.index_cast %get3A_441 : i32 to index
    %get3A_443 = arith.constant 64 : index
    %get3A_444 = tpu.vector_load %arg14[%get3A_442, %get3A_443] {strides = array<i32>} : memref<250x80xi32, #tpu.memory_space<vmem>>, vector<16xi32>,
    %add3A_445 = vector.broadcast %mul3A_195 : i32 to vector<16xi32>
    %add3A_446 = arith.addi %get3A_440, %add3A_445 : vector<16xi32>
    %swap3A_447 = arith.constant 64 : index
    %swap3A_448 = tpu.vector_load %arg19[%swap3A_447] {strides = array<i32>} : memref<80xi32, #tpu.memory_space<vmem>>, vector<16xi32>,
    tpu.vector_store %arg19[%swap3A_447], %add3A_446 {strides = array<i32>} : memref<80xi32, #tpu.memory_space<vmem>>, vector<16xi32>,
    %swap3A_449 = arith.constant 64 : index
    %swap3A_450 = tpu.vector_load %arg20[%swap3A_449] {strides = array<i32>} : memref<80xi32, #tpu.memory_space<vmem>>, vector<16xi32>,
    tpu.vector_store %arg20[%swap3A_449], %get3A_444 {strides = array<i32>} : memref<80xi32, #tpu.memory_space<vmem>>, vector<16xi32>,
    %gather3A_451 = tpu.vector_load_idx %arg11[%get3A_440] : memref<10000xf32, #tpu.memory_space<vmem>>[vector<16xi32>], vector<16xf32>,
    %gather3A_452 = tpu.vector_load_idx %arg12[%get3A_444] : memref<10000xf32, #tpu.memory_space<vmem>>[vector<16xi32>], vector<16xf32>,
    %add3A_453 = arith.addf %gather3A_451, %gather3A_452 : vector<16xf32>
    %gt3A_454 = arith.constant 0.000000e+00 : f32
    %gt3A_455 = vector.broadcast %gt3A_454 : f32 to vector<16xf32>
    %gt3A_456 = arith.cmpf ogt, %add3A_453, %gt3A_455 : vector<16xf32>
    %mul3A_457 = arith.constant 2.000000e-01 : f32
    %mul3A_458 = vector.broadcast %mul3A_457 : f32 to vector<16xf32>
    %mul3A_459 = arith.mulf %mul3A_458, %add3A_453 : vector<16xf32>
    %select_n3A_460 = arith.select %gt3A_456, %add3A_453, %mul3A_459 : vector<16xi1>, vector<16xf32>
    %exp3A_461 = math.exp %select_n3A_460 : vector<16xf32>
    %swap3A_462 = arith.constant 64 : index
    %swap3A_463 = tpu.vector_load %arg21[%swap3A_462] {strides = array<i32>} : memref<80xf32, #tpu.memory_space<vmem>>, vector<16xf32>,
    tpu.vector_store %arg21[%swap3A_462], %exp3A_461 {strides = array<i32>} : memref<80xf32, #tpu.memory_space<vmem>>, vector<16xf32>,
    %dma_start3A_464 = arith.constant 0 : i32
    %dma_start3A_465 = arith.constant 0 : i32
    %dma_start3A_466 = tpu.memref_slice %arg6[%dma_start3A_464, %dma_start3A_465] : memref<20000x64xf32, #tpu.memory_space<hbm>> -> memref<20000x64xf32, #tpu.memory_space<hbm>>
    tpu.enqueue_indirect_dma source(%dma_start3A_466 : memref<20000x64xf32, #tpu.memory_space<hbm>>) target(%arg22 : memref<80x64xf32, #tpu.memory_space<vmem>>) offsets(%arg19 : memref<80xi32, #tpu.memory_space<vmem>>) semaphore(%arg33 : memref<!tpu.dma_semaphore, #tpu.memory_space<semaphore_mem>>)
    %scan3A_467 = arith.constant 0 : i32
    %scan3A_468 = arith.constant 0 : i32
    %scan3A_469 = arith.constant 62 : i32
    %scan3A_470 = arith.addi %scan3A_468, %scan3A_469 : i32
    %scan3A_471 = arith.constant 1 : i32
    scf.for %scan3A_608 = %scan3A_468 to %scan3A_470 step %scan3A_471  : i32 {
      %mul3A_609 = arith.constant 4 : i32
      %mul3A_610 = arith.muli %mul3A_609, %scan3A_608 : i32
      %add3A_611 = arith.constant 0 : i32
      %add3A_612 = arith.addi %mul3A_610, %add3A_611 : i32
      %gt3A_613 = arith.constant 0 : i32
      %gt3A_614 = arith.cmpi sgt, %scan3A_608, %gt3A_613 : i32
      %convert_element_type3A_615 = arith.extui %gt3A_614 : i1 to i32
      %cond3A_616 = arith.constant 0 : i32
      %cond3A_617 = arith.cmpi ne, %convert_element_type3A_615, %cond3A_616 : i32
      scf.if %cond3A_617 {
        %dma_wait3A_1227 = arith.constant 0 : i32
        %dma_wait3A_1228 = arith.constant 0 : i32
        %dma_wait3A_1229 = tpu.memref_slice %arg9[%dma_wait3A_1227, %dma_wait3A_1228] : memref<10000x64xf32, #tpu.memory_space<vmem_shared>> -> memref<10000x64xf32, #tpu.memory_space<vmem_shared>>
        tpu.wait_indirect_dma semaphore(%arg40 : memref<!tpu.dma_semaphore, #tpu.memory_space<semaphore_mem>>) src(%arg26 : memref<80x64xf32, #tpu.memory_space<vmem>>) dst(%dma_wait3A_1229 : memref<10000x64xf32, #tpu.memory_space<vmem_shared>>)
        %eq3A_1230 = arith.constant 0 : i32
        %eq3A_1231 = arith.cmpi eq, %arg0, %eq3A_1230 : i32
        %convert_element_type3A_1232 = arith.extui %eq3A_1231 : i1 to i32
        %cond3A_1233 = arith.constant 0 : i32
        %cond3A_1234 = arith.cmpi ne, %convert_element_type3A_1232, %cond3A_1233 : i32
        scf.if %cond3A_1234 {
          %dma_wait3A_1235 = arith.constant 0 : i32
          %dma_wait3A_1236 = tpu.memref_slice %arg10[%dma_wait3A_1235] : memref<10000xf32, #tpu.memory_space<vmem_shared>> -> memref<10000xf32, #tpu.memory_space<vmem_shared>>
          tpu.wait_indirect_dma semaphore(%arg42 : memref<!tpu.dma_semaphore, #tpu.memory_space<semaphore_mem>>) src(%arg25 : memref<80xf32, #tpu.memory_space<vmem>>) dst(%dma_wait3A_1236 : memref<10000xf32, #tpu.memory_space<vmem_shared>>)
        } else {
        }
      } else {
      }
      %add3A_618 = arith.constant 2 : i32
      %add3A_619 = arith.addi %add3A_612, %add3A_618 : i32
      %get3A_620 = arith.index_cast %add3A_619 : i32 to index
      %get3A_621 = arith.constant 0 : index
      %get3A_622 = tpu.vector_load %arg13[%get3A_620, %get3A_621] {strides = array<i32>} : memref<250x80xi32, #tpu.memory_space<vmem>>, vector<16xi32>,
      %get3A_623 = arith.index_cast %add3A_619 : i32 to index
      %get3A_624 = arith.constant 0 : index
      %get3A_625 = tpu.vector_load %arg14[%get3A_623, %get3A_624] {strides = array<i32>} : memref<250x80xi32, #tpu.memory_space<vmem>>, vector<16xi32>,
      %add3A_626 = vector.broadcast %mul3A_195 : i32 to vector<16xi32>
      %add3A_627 = arith.addi %get3A_622, %add3A_626 : vector<16xi32>
      %swap3A_628 = arith.constant 0 : index
      %swap3A_629 = tpu.vector_load %arg23[%swap3A_628] {strides = array<i32>} : memref<80xi32, #tpu.memory_space<vmem>>, vector<16xi32>,
      tpu.vector_store %arg23[%swap3A_628], %add3A_627 {strides = array<i32>} : memref<80xi32, #tpu.memory_space<vmem>>, vector<16xi32>,
      %swap3A_630 = arith.constant 0 : index
      %swap3A_631 = tpu.vector_load %arg24[%swap3A_630] {strides = array<i32>} : memref<80xi32, #tpu.memory_space<vmem>>, vector<16xi32>,
      tpu.vector_store %arg24[%swap3A_630], %get3A_625 {strides = array<i32>} : memref<80xi32, #tpu.memory_space<vmem>>, vector<16xi32>,
      %gather3A_632 = tpu.vector_load_idx %arg11[%get3A_622] : memref<10000xf32, #tpu.memory_space<vmem>>[vector<16xi32>], vector<16xf32>,
      %gather3A_633 = tpu.vector_load_idx %arg12[%get3A_625] : memref<10000xf32, #tpu.memory_space<vmem>>[vector<16xi32>], vector<16xf32>,
      %add3A_634 = arith.addf %gather3A_632, %gather3A_633 : vector<16xf32>
      %gt3A_635 = arith.constant 0.000000e+00 : f32
      %gt3A_636 = vector.broadcast %gt3A_635 : f32 to vector<16xf32>
      %gt3A_637 = arith.cmpf ogt, %add3A_634, %gt3A_636 : vector<16xf32>
      %mul3A_638 = arith.constant 2.000000e-01 : f32
      %mul3A_639 = vector.broadcast %mul3A_638 : f32 to vector<16xf32>
      %mul3A_640 = arith.mulf %mul3A_639, %add3A_634 : vector<16xf32>
      %select_n3A_641 = arith.select %gt3A_637, %add3A_634, %mul3A_640 : vector<16xi1>, vector<16xf32>
      %exp3A_642 = math.exp %select_n3A_641 : vector<16xf32>
      %swap3A_643 = arith.constant 0 : index
      %swap3A_644 = tpu.vector_load %arg25[%swap3A_643] {strides = array<i32>} : memref<80xf32, #tpu.memory_space<vmem>>, vector<16xf32>,
      tpu.vector_store %arg25[%swap3A_643], %exp3A_642 {strides = array<i32>} : memref<80xf32, #tpu.memory_space<vmem>>, vector<16xf32>,
      %get3A_645 = arith.index_cast %add3A_619 : i32 to index
      %get3A_646 = arith.constant 16 : index
      %get3A_647 = tpu.vector_load %arg13[%get3A_645, %get3A_646] {strides = array<i32>} : memref<250x80xi32, #tpu.memory_space<vmem>>, vector<16xi32>,
      %get3A_648 = arith.index_cast %add3A_619 : i32 to index
      %get3A_649 = arith.constant 16 : index
      %get3A_650 = tpu.vector_load %arg14[%get3A_648, %get3A_649] {strides = array<i32>} : memref<250x80xi32, #tpu.memory_space<vmem>>, vector<16xi32>,
      %add3A_651 = vector.broadcast %mul3A_195 : i32 to vector<16xi32>
      %add3A_652 = arith.addi %get3A_647, %add3A_651 : vector<16xi32>
      %swap3A_653 = arith.constant 16 : index
      %swap3A_654 = tpu.vector_load %arg23[%swap3A_653] {strides = array<i32>} : memref<80xi32, #tpu.memory_space<vmem>>, vector<16xi32>,
      tpu.vector_store %arg23[%swap3A_653], %add3A_652 {strides = array<i32>} : memref<80xi32, #tpu.memory_space<vmem>>, vector<16xi32>,
      %swap3A_655 = arith.constant 16 : index
      %swap3A_656 = tpu.vector_load %arg24[%swap3A_655] {strides = array<i32>} : memref<80xi32, #tpu.memory_space<vmem>>, vector<16xi32>,
      tpu.vector_store %arg24[%swap3A_655], %get3A_650 {strides = array<i32>} : memref<80xi32, #tpu.memory_space<vmem>>, vector<16xi32>,
      %gather3A_657 = tpu.vector_load_idx %arg11[%get3A_647] : memref<10000xf32, #tpu.memory_space<vmem>>[vector<16xi32>], vector<16xf32>,
      %gather3A_658 = tpu.vector_load_idx %arg12[%get3A_650] : memref<10000xf32, #tpu.memory_space<vmem>>[vector<16xi32>], vector<16xf32>,
      %add3A_659 = arith.addf %gather3A_657, %gather3A_658 : vector<16xf32>
      %gt3A_660 = arith.constant 0.000000e+00 : f32
      %gt3A_661 = vector.broadcast %gt3A_660 : f32 to vector<16xf32>
      %gt3A_662 = arith.cmpf ogt, %add3A_659, %gt3A_661 : vector<16xf32>
      %mul3A_663 = arith.constant 2.000000e-01 : f32
      %mul3A_664 = vector.broadcast %mul3A_663 : f32 to vector<16xf32>
      %mul3A_665 = arith.mulf %mul3A_664, %add3A_659 : vector<16xf32>
      %select_n3A_666 = arith.select %gt3A_662, %add3A_659, %mul3A_665 : vector<16xi1>, vector<16xf32>
      %exp3A_667 = math.exp %select_n3A_666 : vector<16xf32>
      %swap3A_668 = arith.constant 16 : index
      %swap3A_669 = tpu.vector_load %arg25[%swap3A_668] {strides = array<i32>} : memref<80xf32, #tpu.memory_space<vmem>>, vector<16xf32>,
      tpu.vector_store %arg25[%swap3A_668], %exp3A_667 {strides = array<i32>} : memref<80xf32, #tpu.memory_space<vmem>>, vector<16xf32>,
      %get3A_670 = arith.index_cast %add3A_619 : i32 to index
      %get3A_671 = arith.constant 32 : index
      %get3A_672 = tpu.vector_load %arg13[%get3A_670, %get3A_671] {strides = array<i32>} : memref<250x80xi32, #tpu.memory_space<vmem>>, vector<16xi32>,
      %get3A_673 = arith.index_cast %add3A_619 : i32 to index
      %get3A_674 = arith.constant 32 : index
      %get3A_675 = tpu.vector_load %arg14[%get3A_673, %get3A_674] {strides = array<i32>} : memref<250x80xi32, #tpu.memory_space<vmem>>, vector<16xi32>,
      %add3A_676 = vector.broadcast %mul3A_195 : i32 to vector<16xi32>
      %add3A_677 = arith.addi %get3A_672, %add3A_676 : vector<16xi32>
      %swap3A_678 = arith.constant 32 : index
      %swap3A_679 = tpu.vector_load %arg23[%swap3A_678] {strides = array<i32>} : memref<80xi32, #tpu.memory_space<vmem>>, vector<16xi32>,
      tpu.vector_store %arg23[%swap3A_678], %add3A_677 {strides = array<i32>} : memref<80xi32, #tpu.memory_space<vmem>>, vector<16xi32>,
      %swap3A_680 = arith.constant 32 : index
      %swap3A_681 = tpu.vector_load %arg24[%swap3A_680] {strides = array<i32>} : memref<80xi32, #tpu.memory_space<vmem>>, vector<16xi32>,
      tpu.vector_store %arg24[%swap3A_680], %get3A_675 {strides = array<i32>} : memref<80xi32, #tpu.memory_space<vmem>>, vector<16xi32>,
      %gather3A_682 = tpu.vector_load_idx %arg11[%get3A_672] : memref<10000xf32, #tpu.memory_space<vmem>>[vector<16xi32>], vector<16xf32>,
      %gather3A_683 = tpu.vector_load_idx %arg12[%get3A_675] : memref<10000xf32, #tpu.memory_space<vmem>>[vector<16xi32>], vector<16xf32>,
      %add3A_684 = arith.addf %gather3A_682, %gather3A_683 : vector<16xf32>
      %gt3A_685 = arith.constant 0.000000e+00 : f32
      %gt3A_686 = vector.broadcast %gt3A_685 : f32 to vector<16xf32>
      %gt3A_687 = arith.cmpf ogt, %add3A_684, %gt3A_686 : vector<16xf32>
      %mul3A_688 = arith.constant 2.000000e-01 : f32
      %mul3A_689 = vector.broadcast %mul3A_688 : f32 to vector<16xf32>
      %mul3A_690 = arith.mulf %mul3A_689, %add3A_684 : vector<16xf32>
      %select_n3A_691 = arith.select %gt3A_687, %add3A_684, %mul3A_690 : vector<16xi1>, vector<16xf32>
      %exp3A_692 = math.exp %select_n3A_691 : vector<16xf32>
      %swap3A_693 = arith.constant 32 : index
      %swap3A_694 = tpu.vector_load %arg25[%swap3A_693] {strides = array<i32>} : memref<80xf32, #tpu.memory_space<vmem>>, vector<16xf32>,
      tpu.vector_store %arg25[%swap3A_693], %exp3A_692 {strides = array<i32>} : memref<80xf32, #tpu.memory_space<vmem>>, vector<16xf32>,
      %get3A_695 = arith.index_cast %add3A_619 : i32 to index
      %get3A_696 = arith.constant 48 : index
      %get3A_697 = tpu.vector_load %arg13[%get3A_695, %get3A_696] {strides = array<i32>} : memref<250x80xi32, #tpu.memory_space<vmem>>, vector<16xi32>,
      %get3A_698 = arith.index_cast %add3A_619 : i32 to index
      %get3A_699 = arith.constant 48 : index
      %get3A_700 = tpu.vector_load %arg14[%get3A_698, %get3A_699] {strides = array<i32>} : memref<250x80xi32, #tpu.memory_space<vmem>>, vector<16xi32>,
      %add3A_701 = vector.broadcast %mul3A_195 : i32 to vector<16xi32>
      %add3A_702 = arith.addi %get3A_697, %add3A_701 : vector<16xi32>
      %swap3A_703 = arith.constant 48 : index
      %swap3A_704 = tpu.vector_load %arg23[%swap3A_703] {strides = array<i32>} : memref<80xi32, #tpu.memory_space<vmem>>, vector<16xi32>,
      tpu.vector_store %arg23[%swap3A_703], %add3A_702 {strides = array<i32>} : memref<80xi32, #tpu.memory_space<vmem>>, vector<16xi32>,
      %swap3A_705 = arith.constant 48 : index
      %swap3A_706 = tpu.vector_load %arg24[%swap3A_705] {strides = array<i32>} : memref<80xi32, #tpu.memory_space<vmem>>, vector<16xi32>,
      tpu.vector_store %arg24[%swap3A_705], %get3A_700 {strides = array<i32>} : memref<80xi32, #tpu.memory_space<vmem>>, vector<16xi32>,
      %gather3A_707 = tpu.vector_load_idx %arg11[%get3A_697] : memref<10000xf32, #tpu.memory_space<vmem>>[vector<16xi32>], vector<16xf32>,
      %gather3A_708 = tpu.vector_load_idx %arg12[%get3A_700] : memref<10000xf32, #tpu.memory_space<vmem>>[vector<16xi32>], vector<16xf32>,
      %add3A_709 = arith.addf %gather3A_707, %gather3A_708 : vector<16xf32>
      %gt3A_710 = arith.constant 0.000000e+00 : f32
      %gt3A_711 = vector.broadcast %gt3A_710 : f32 to vector<16xf32>
      %gt3A_712 = arith.cmpf ogt, %add3A_709, %gt3A_711 : vector<16xf32>
      %mul3A_713 = arith.constant 2.000000e-01 : f32
      %mul3A_714 = vector.broadcast %mul3A_713 : f32 to vector<16xf32>
      %mul3A_715 = arith.mulf %mul3A_714, %add3A_709 : vector<16xf32>
      %select_n3A_716 = arith.select %gt3A_712, %add3A_709, %mul3A_715 : vector<16xi1>, vector<16xf32>
      %exp3A_717 = math.exp %select_n3A_716 : vector<16xf32>
      %swap3A_718 = arith.constant 48 : index
      %swap3A_719 = tpu.vector_load %arg25[%swap3A_718] {strides = array<i32>} : memref<80xf32, #tpu.memory_space<vmem>>, vector<16xf32>,
      tpu.vector_store %arg25[%swap3A_718], %exp3A_717 {strides = array<i32>} : memref<80xf32, #tpu.memory_space<vmem>>, vector<16xf32>,
      %get3A_720 = arith.index_cast %add3A_619 : i32 to index
      %get3A_721 = arith.constant 64 : index
      %get3A_722 = tpu.vector_load %arg13[%get3A_720, %get3A_721] {strides = array<i32>} : memref<250x80xi32, #tpu.memory_space<vmem>>, vector<16xi32>,
      %get3A_723 = arith.index_cast %add3A_619 : i32 to index
      %get3A_724 = arith.constant 64 : index
      %get3A_725 = tpu.vector_load %arg14[%get3A_723, %get3A_724] {strides = array<i32>} : memref<250x80xi32, #tpu.memory_space<vmem>>, vector<16xi32>,
      %add3A_726 = vector.broadcast %mul3A_195 : i32 to vector<16xi32>
      %add3A_727 = arith.addi %get3A_722, %add3A_726 : vector<16xi32>
      %swap3A_728 = arith.constant 64 : index
      %swap3A_729 = tpu.vector_load %arg23[%swap3A_728] {strides = array<i32>} : memref<80xi32, #tpu.memory_space<vmem>>, vector<16xi32>,
      tpu.vector_store %arg23[%swap3A_728], %add3A_727 {strides = array<i32>} : memref<80xi32, #tpu.memory_space<vmem>>, vector<16xi32>,
      %swap3A_730 = arith.constant 64 : index
      %swap3A_731 = tpu.vector_load %arg24[%swap3A_730] {strides = array<i32>} : memref<80xi32, #tpu.memory_space<vmem>>, vector<16xi32>,
      tpu.vector_store %arg24[%swap3A_730], %get3A_725 {strides = array<i32>} : memref<80xi32, #tpu.memory_space<vmem>>, vector<16xi32>,
      %gather3A_732 = tpu.vector_load_idx %arg11[%get3A_722] : memref<10000xf32, #tpu.memory_space<vmem>>[vector<16xi32>], vector<16xf32>,
      %gather3A_733 = tpu.vector_load_idx %arg12[%get3A_725] : memref<10000xf32, #tpu.memory_space<vmem>>[vector<16xi32>], vector<16xf32>,
      %add3A_734 = arith.addf %gather3A_732, %gather3A_733 : vector<16xf32>
      %gt3A_735 = arith.constant 0.000000e+00 : f32
      %gt3A_736 = vector.broadcast %gt3A_735 : f32 to vector<16xf32>
      %gt3A_737 = arith.cmpf ogt, %add3A_734, %gt3A_736 : vector<16xf32>
      %mul3A_738 = arith.constant 2.000000e-01 : f32
      %mul3A_739 = vector.broadcast %mul3A_738 : f32 to vector<16xf32>
      %mul3A_740 = arith.mulf %mul3A_739, %add3A_734 : vector<16xf32>
      %select_n3A_741 = arith.select %gt3A_737, %add3A_734, %mul3A_740 : vector<16xi1>, vector<16xf32>
      %exp3A_742 = math.exp %select_n3A_741 : vector<16xf32>
      %swap3A_743 = arith.constant 64 : index
      %swap3A_744 = tpu.vector_load %arg25[%swap3A_743] {strides = array<i32>} : memref<80xf32, #tpu.memory_space<vmem>>, vector<16xf32>,
      tpu.vector_store %arg25[%swap3A_743], %exp3A_742 {strides = array<i32>} : memref<80xf32, #tpu.memory_space<vmem>>, vector<16xf32>,
      %dma_start3A_745 = arith.constant 0 : i32
      %dma_start3A_746 = arith.constant 0 : i32
      %dma_start3A_747 = tpu.memref_slice %arg6[%dma_start3A_745, %dma_start3A_746] : memref<20000x64xf32, #tpu.memory_space<hbm>> -> memref<20000x64xf32, #tpu.memory_space<hbm>>
      tpu.enqueue_indirect_dma source(%dma_start3A_747 : memref<20000x64xf32, #tpu.memory_space<hbm>>) target(%arg26 : memref<80x64xf32, #tpu.memory_space<vmem>>) offsets(%arg23 : memref<80xi32, #tpu.memory_space<vmem>>) semaphore(%arg38 : memref<!tpu.dma_semaphore, #tpu.memory_space<semaphore_mem>>)
      %dma_wait3A_748 = arith.constant 0 : i32
      %dma_wait3A_749 = arith.constant 0 : i32
      %dma_wait3A_750 = tpu.memref_slice %arg6[%dma_wait3A_748, %dma_wait3A_749] : memref<20000x64xf32, #tpu.memory_space<hbm>> -> memref<20000x64xf32, #tpu.memory_space<hbm>>
      tpu.wait_indirect_dma semaphore(%arg32 : memref<!tpu.dma_semaphore, #tpu.memory_space<semaphore_mem>>) src(%dma_wait3A_750 : memref<20000x64xf32, #tpu.memory_space<hbm>>) dst(%arg18 : memref<80x64xf32, #tpu.memory_space<vmem>>)
      %parallel_loop3A_751 = arith.constant 0 : i32
      %parallel_loop3A_752 = arith.constant 80 : i32
      %parallel_loop3A_753 = arith.constant 1 : i32
      scf.for %parallel_loop3A_1227 = %parallel_loop3A_751 to %parallel_loop3A_752 step %parallel_loop3A_753  : i32 {
        %parallel_loop3A_1228 = vector.broadcast %parallel_loop3A_1227 : i32 to vector<16xi32>
        %parallel_loop3A_1229 = tpu.vector_load_idx %arg17[%parallel_loop3A_1228] : memref<80xf32, #tpu.memory_space<vmem>>[vector<16xi32>], vector<16xf32>,
        %parallel_loop3A_1230 = arith.index_cast %parallel_loop3A_1227 : i32 to index
        %parallel_loop3A_1231 = arith.constant 0 : index
        %parallel_loop3A_1232 = tpu.vector_load %arg18[%parallel_loop3A_1230, %parallel_loop3A_1231] {strides = array<i32>} : memref<80x64xf32, #tpu.memory_space<vmem>>, vector<16xf32>,
        %parallel_loop3A_1233 = arith.mulf %parallel_loop3A_1232, %parallel_loop3A_1229 : vector<16xf32>
        %parallel_loop3A_1234 = arith.index_cast %parallel_loop3A_1227 : i32 to index
        %parallel_loop3A_1235 = arith.constant 0 : index
        %parallel_loop3A_1236 = tpu.vector_load %arg18[%parallel_loop3A_1234, %parallel_loop3A_1235] {strides = array<i32>} : memref<80x64xf32, #tpu.memory_space<vmem>>, vector<16xf32>,
        tpu.vector_store %arg18[%parallel_loop3A_1234, %parallel_loop3A_1235], %parallel_loop3A_1233 {strides = array<i32>} : memref<80x64xf32, #tpu.memory_space<vmem>>, vector<16xf32>,
        %parallel_loop3A_1237 = arith.index_cast %parallel_loop3A_1227 : i32 to index
        %parallel_loop3A_1238 = arith.constant 16 : index
        %parallel_loop3A_1239 = tpu.vector_load %arg18[%parallel_loop3A_1237, %parallel_loop3A_1238] {strides = array<i32>} : memref<80x64xf32, #tpu.memory_space<vmem>>, vector<16xf32>,
        %parallel_loop3A_1240 = arith.mulf %parallel_loop3A_1239, %parallel_loop3A_1229 : vector<16xf32>
        %parallel_loop3A_1241 = arith.index_cast %parallel_loop3A_1227 : i32 to index
        %parallel_loop3A_1242 = arith.constant 16 : index
        %parallel_loop3A_1243 = tpu.vector_load %arg18[%parallel_loop3A_1241, %parallel_loop3A_1242] {strides = array<i32>} : memref<80x64xf32, #tpu.memory_space<vmem>>, vector<16xf32>,
        tpu.vector_store %arg18[%parallel_loop3A_1241, %parallel_loop3A_1242], %parallel_loop3A_1240 {strides = array<i32>} : memref<80x64xf32, #tpu.memory_space<vmem>>, vector<16xf32>,
        %parallel_loop3A_1244 = arith.index_cast %parallel_loop3A_1227 : i32 to index
        %parallel_loop3A_1245 = arith.constant 32 : index
        %parallel_loop3A_1246 = tpu.vector_load %arg18[%parallel_loop3A_1244, %parallel_loop3A_1245] {strides = array<i32>} : memref<80x64xf32, #tpu.memory_space<vmem>>, vector<16xf32>,
        %parallel_loop3A_1247 = arith.mulf %parallel_loop3A_1246, %parallel_loop3A_1229 : vector<16xf32>
        %parallel_loop3A_1248 = arith.index_cast %parallel_loop3A_1227 : i32 to index
        %parallel_loop3A_1249 = arith.constant 32 : index
        %parallel_loop3A_1250 = tpu.vector_load %arg18[%parallel_loop3A_1248, %parallel_loop3A_1249] {strides = array<i32>} : memref<80x64xf32, #tpu.memory_space<vmem>>, vector<16xf32>,
        tpu.vector_store %arg18[%parallel_loop3A_1248, %parallel_loop3A_1249], %parallel_loop3A_1247 {strides = array<i32>} : memref<80x64xf32, #tpu.memory_space<vmem>>, vector<16xf32>,
        %parallel_loop3A_1251 = arith.index_cast %parallel_loop3A_1227 : i32 to index
        %parallel_loop3A_1252 = arith.constant 48 : index
        %parallel_loop3A_1253 = tpu.vector_load %arg18[%parallel_loop3A_1251, %parallel_loop3A_1252] {strides = array<i32>} : memref<80x64xf32, #tpu.memory_space<vmem>>, vector<16xf32>,
        %parallel_loop3A_1254 = arith.mulf %parallel_loop3A_1253, %parallel_loop3A_1229 : vector<16xf32>
        %parallel_loop3A_1255 = arith.index_cast %parallel_loop3A_1227 : i32 to index
        %parallel_loop3A_1256 = arith.constant 48 : index
        %parallel_loop3A_1257 = tpu.vector_load %arg18[%parallel_loop3A_1255, %parallel_loop3A_1256] {strides = array<i32>} : memref<80x64xf32, #tpu.memory_space<vmem>>, vector<16xf32>,
        tpu.vector_store %arg18[%parallel_loop3A_1255, %parallel_loop3A_1256], %parallel_loop3A_1254 {strides = array<i32>} : memref<80x64xf32, #tpu.memory_space<vmem>>, vector<16xf32>,
      } {sc.loop_unroll_factor = 8 : i64, sc.parallel_access}
      %dma_start3A_754 = arith.constant 0 : i32
      %dma_start3A_755 = arith.constant 0 : i32
      %dma_start3A_756 = tpu.memref_slice %arg9[%dma_start3A_754, %dma_start3A_755] : memref<10000x64xf32, #tpu.memory_space<vmem_shared>> -> memref<10000x64xf32, #tpu.memory_space<vmem_shared>>
      tpu.enqueue_indirect_dma source(%arg18 : memref<80x64xf32, #tpu.memory_space<vmem>>) target(%dma_start3A_756 : memref<10000x64xf32, #tpu.memory_space<vmem_shared>>) offsets(%arg16 : memref<80xi32, #tpu.memory_space<vmem>>) semaphore(%arg34 : memref<!tpu.dma_semaphore, #tpu.memory_space<semaphore_mem>>) {add = true}
      %eq3A_757 = arith.constant 0 : i32
      %eq3A_758 = arith.cmpi eq, %arg0, %eq3A_757 : i32
      %convert_element_type3A_759 = arith.extui %eq3A_758 : i1 to i32
      %cond3A_760 = arith.constant 0 : i32
      %cond3A_761 = arith.cmpi ne, %convert_element_type3A_759, %cond3A_760 : i32
      scf.if %cond3A_761 {
        %dma_start3A_1227 = arith.constant 0 : i32
        %dma_start3A_1228 = tpu.memref_slice %arg10[%dma_start3A_1227] : memref<10000xf32, #tpu.memory_space<vmem_shared>> -> memref<10000xf32, #tpu.memory_space<vmem_shared>>
        tpu.enqueue_indirect_dma source(%arg17 : memref<80xf32, #tpu.memory_space<vmem>>) target(%dma_start3A_1228 : memref<10000xf32, #tpu.memory_space<vmem_shared>>) offsets(%arg16 : memref<80xi32, #tpu.memory_space<vmem>>) semaphore(%arg36 : memref<!tpu.dma_semaphore, #tpu.memory_space<semaphore_mem>>) {add = true}
      } else {
      }
      %mul3A_762 = arith.constant 4 : i32
      %mul3A_763 = arith.muli %mul3A_762, %scan3A_608 : i32
      %add3A_764 = arith.constant 1 : i32
      %add3A_765 = arith.addi %mul3A_763, %add3A_764 : i32
      %gt3A_766 = arith.constant 0 : i32
      %gt3A_767 = arith.cmpi sgt, %scan3A_608, %gt3A_766 : i32
      %convert_element_type3A_768 = arith.extui %gt3A_767 : i1 to i32
      %cond3A_769 = arith.constant 0 : i32
      %cond3A_770 = arith.cmpi ne, %convert_element_type3A_768, %cond3A_769 : i32
      scf.if %cond3A_770 {
        %dma_wait3A_1227 = arith.constant 0 : i32
        %dma_wait3A_1228 = arith.constant 0 : i32
        %dma_wait3A_1229 = tpu.memref_slice %arg9[%dma_wait3A_1227, %dma_wait3A_1228] : memref<10000x64xf32, #tpu.memory_space<vmem_shared>> -> memref<10000x64xf32, #tpu.memory_space<vmem_shared>>
        tpu.wait_indirect_dma semaphore(%arg41 : memref<!tpu.dma_semaphore, #tpu.memory_space<semaphore_mem>>) src(%arg30 : memref<80x64xf32, #tpu.memory_space<vmem>>) dst(%dma_wait3A_1229 : memref<10000x64xf32, #tpu.memory_space<vmem_shared>>)
        %eq3A_1230 = arith.constant 0 : i32
        %eq3A_1231 = arith.cmpi eq, %arg0, %eq3A_1230 : i32
        %convert_element_type3A_1232 = arith.extui %eq3A_1231 : i1 to i32
        %cond3A_1233 = arith.constant 0 : i32
        %cond3A_1234 = arith.cmpi ne, %convert_element_type3A_1232, %cond3A_1233 : i32
        scf.if %cond3A_1234 {
          %dma_wait3A_1235 = arith.constant 0 : i32
          %dma_wait3A_1236 = tpu.memref_slice %arg10[%dma_wait3A_1235] : memref<10000xf32, #tpu.memory_space<vmem_shared>> -> memref<10000xf32, #tpu.memory_space<vmem_shared>>
          tpu.wait_indirect_dma semaphore(%arg43 : memref<!tpu.dma_semaphore, #tpu.memory_space<semaphore_mem>>) src(%arg29 : memref<80xf32, #tpu.memory_space<vmem>>) dst(%dma_wait3A_1236 : memref<10000xf32, #tpu.memory_space<vmem_shared>>)
        } else {
        }
      } else {
      }
      %add3A_771 = arith.constant 2 : i32
      %add3A_772 = arith.addi %add3A_765, %add3A_771 : i32
      %get3A_773 = arith.index_cast %add3A_772 : i32 to index
      %get3A_774 = arith.constant 0 : index
      %get3A_775 = tpu.vector_load %arg13[%get3A_773, %get3A_774] {strides = array<i32>} : memref<250x80xi32, #tpu.memory_space<vmem>>, vector<16xi32>,
      %get3A_776 = arith.index_cast %add3A_772 : i32 to index
      %get3A_777 = arith.constant 0 : index
      %get3A_778 = tpu.vector_load %arg14[%get3A_776, %get3A_777] {strides = array<i32>} : memref<250x80xi32, #tpu.memory_space<vmem>>, vector<16xi32>,
      %add3A_779 = vector.broadcast %mul3A_195 : i32 to vector<16xi32>
      %add3A_780 = arith.addi %get3A_775, %add3A_779 : vector<16xi32>
      %swap3A_781 = arith.constant 0 : index
      %swap3A_782 = tpu.vector_load %arg27[%swap3A_781] {strides = array<i32>} : memref<80xi32, #tpu.memory_space<vmem>>, vector<16xi32>,
      tpu.vector_store %arg27[%swap3A_781], %add3A_780 {strides = array<i32>} : memref<80xi32, #tpu.memory_space<vmem>>, vector<16xi32>,
      %swap3A_783 = arith.constant 0 : index
      %swap3A_784 = tpu.vector_load %arg28[%swap3A_783] {strides = array<i32>} : memref<80xi32, #tpu.memory_space<vmem>>, vector<16xi32>,
      tpu.vector_store %arg28[%swap3A_783], %get3A_778 {strides = array<i32>} : memref<80xi32, #tpu.memory_space<vmem>>, vector<16xi32>,
      %gather3A_785 = tpu.vector_load_idx %arg11[%get3A_775] : memref<10000xf32, #tpu.memory_space<vmem>>[vector<16xi32>], vector<16xf32>,
      %gather3A_786 = tpu.vector_load_idx %arg12[%get3A_778] : memref<10000xf32, #tpu.memory_space<vmem>>[vector<16xi32>], vector<16xf32>,
      %add3A_787 = arith.addf %gather3A_785, %gather3A_786 : vector<16xf32>
      %gt3A_788 = arith.constant 0.000000e+00 : f32
      %gt3A_789 = vector.broadcast %gt3A_788 : f32 to vector<16xf32>
      %gt3A_790 = arith.cmpf ogt, %add3A_787, %gt3A_789 : vector<16xf32>
      %mul3A_791 = arith.constant 2.000000e-01 : f32
      %mul3A_792 = vector.broadcast %mul3A_791 : f32 to vector<16xf32>
      %mul3A_793 = arith.mulf %mul3A_792, %add3A_787 : vector<16xf32>
      %select_n3A_794 = arith.select %gt3A_790, %add3A_787, %mul3A_793 : vector<16xi1>, vector<16xf32>
      %exp3A_795 = math.exp %select_n3A_794 : vector<16xf32>
      %swap3A_796 = arith.constant 0 : index
      %swap3A_797 = tpu.vector_load %arg29[%swap3A_796] {strides = array<i32>} : memref<80xf32, #tpu.memory_space<vmem>>, vector<16xf32>,
      tpu.vector_store %arg29[%swap3A_796], %exp3A_795 {strides = array<i32>} : memref<80xf32, #tpu.memory_space<vmem>>, vector<16xf32>,
      %get3A_798 = arith.index_cast %add3A_772 : i32 to index
      %get3A_799 = arith.constant 16 : index
      %get3A_800 = tpu.vector_load %arg13[%get3A_798, %get3A_799] {strides = array<i32>} : memref<250x80xi32, #tpu.memory_space<vmem>>, vector<16xi32>,
      %get3A_801 = arith.index_cast %add3A_772 : i32 to index
      %get3A_802 = arith.constant 16 : index
      %get3A_803 = tpu.vector_load %arg14[%get3A_801, %get3A_802] {strides = array<i32>} : memref<250x80xi32, #tpu.memory_space<vmem>>, vector<16xi32>,
      %add3A_804 = vector.broadcast %mul3A_195 : i32 to vector<16xi32>
      %add3A_805 = arith.addi %get3A_800, %add3A_804 : vector<16xi32>
      %swap3A_806 = arith.constant 16 : index
      %swap3A_807 = tpu.vector_load %arg27[%swap3A_806] {strides = array<i32>} : memref<80xi32, #tpu.memory_space<vmem>>, vector<16xi32>,
      tpu.vector_store %arg27[%swap3A_806], %add3A_805 {strides = array<i32>} : memref<80xi32, #tpu.memory_space<vmem>>, vector<16xi32>,
      %swap3A_808 = arith.constant 16 : index
      %swap3A_809 = tpu.vector_load %arg28[%swap3A_808] {strides = array<i32>} : memref<80xi32, #tpu.memory_space<vmem>>, vector<16xi32>,
      tpu.vector_store %arg28[%swap3A_808], %get3A_803 {strides = array<i32>} : memref<80xi32, #tpu.memory_space<vmem>>, vector<16xi32>,
      %gather3A_810 = tpu.vector_load_idx %arg11[%get3A_800] : memref<10000xf32, #tpu.memory_space<vmem>>[vector<16xi32>], vector<16xf32>,
      %gather3A_811 = tpu.vector_load_idx %arg12[%get3A_803] : memref<10000xf32, #tpu.memory_space<vmem>>[vector<16xi32>], vector<16xf32>,
      %add3A_812 = arith.addf %gather3A_810, %gather3A_811 : vector<16xf32>
      %gt3A_813 = arith.constant 0.000000e+00 : f32
      %gt3A_814 = vector.broadcast %gt3A_813 : f32 to vector<16xf32>
      %gt3A_815 = arith.cmpf ogt, %add3A_812, %gt3A_814 : vector<16xf32>
      %mul3A_816 = arith.constant 2.000000e-01 : f32
      %mul3A_817 = vector.broadcast %mul3A_816 : f32 to vector<16xf32>
      %mul3A_818 = arith.mulf %mul3A_817, %add3A_812 : vector<16xf32>
      %select_n3A_819 = arith.select %gt3A_815, %add3A_812, %mul3A_818 : vector<16xi1>, vector<16xf32>
      %exp3A_820 = math.exp %select_n3A_819 : vector<16xf32>
      %swap3A_821 = arith.constant 16 : index
      %swap3A_822 = tpu.vector_load %arg29[%swap3A_821] {strides = array<i32>} : memref<80xf32, #tpu.memory_space<vmem>>, vector<16xf32>,
      tpu.vector_store %arg29[%swap3A_821], %exp3A_820 {strides = array<i32>} : memref<80xf32, #tpu.memory_space<vmem>>, vector<16xf32>,
      %get3A_823 = arith.index_cast %add3A_772 : i32 to index
      %get3A_824 = arith.constant 32 : index
      %get3A_825 = tpu.vector_load %arg13[%get3A_823, %get3A_824] {strides = array<i32>} : memref<250x80xi32, #tpu.memory_space<vmem>>, vector<16xi32>,
      %get3A_826 = arith.index_cast %add3A_772 : i32 to index
      %get3A_827 = arith.constant 32 : index
      %get3A_828 = tpu.vector_load %arg14[%get3A_826, %get3A_827] {strides = array<i32>} : memref<250x80xi32, #tpu.memory_space<vmem>>, vector<16xi32>,
      %add3A_829 = vector.broadcast %mul3A_195 : i32 to vector<16xi32>
      %add3A_830 = arith.addi %get3A_825, %add3A_829 : vector<16xi32>
      %swap3A_831 = arith.constant 32 : index
      %swap3A_832 = tpu.vector_load %arg27[%swap3A_831] {strides = array<i32>} : memref<80xi32, #tpu.memory_space<vmem>>, vector<16xi32>,
      tpu.vector_store %arg27[%swap3A_831], %add3A_830 {strides = array<i32>} : memref<80xi32, #tpu.memory_space<vmem>>, vector<16xi32>,
      %swap3A_833 = arith.constant 32 : index
      %swap3A_834 = tpu.vector_load %arg28[%swap3A_833] {strides = array<i32>} : memref<80xi32, #tpu.memory_space<vmem>>, vector<16xi32>,
      tpu.vector_store %arg28[%swap3A_833], %get3A_828 {strides = array<i32>} : memref<80xi32, #tpu.memory_space<vmem>>, vector<16xi32>,
      %gather3A_835 = tpu.vector_load_idx %arg11[%get3A_825] : memref<10000xf32, #tpu.memory_space<vmem>>[vector<16xi32>], vector<16xf32>,
      %gather3A_836 = tpu.vector_load_idx %arg12[%get3A_828] : memref<10000xf32, #tpu.memory_space<vmem>>[vector<16xi32>], vector<16xf32>,
      %add3A_837 = arith.addf %gather3A_835, %gather3A_836 : vector<16xf32>
      %gt3A_838 = arith.constant 0.000000e+00 : f32
      %gt3A_839 = vector.broadcast %gt3A_838 : f32 to vector<16xf32>
      %gt3A_840 = arith.cmpf ogt, %add3A_837, %gt3A_839 : vector<16xf32>
      %mul3A_841 = arith.constant 2.000000e-01 : f32
      %mul3A_842 = vector.broadcast %mul3A_841 : f32 to vector<16xf32>
      %mul3A_843 = arith.mulf %mul3A_842, %add3A_837 : vector<16xf32>
      %select_n3A_844 = arith.select %gt3A_840, %add3A_837, %mul3A_843 : vector<16xi1>, vector<16xf32>
      %exp3A_845 = math.exp %select_n3A_844 : vector<16xf32>
      %swap3A_846 = arith.constant 32 : index
      %swap3A_847 = tpu.vector_load %arg29[%swap3A_846] {strides = array<i32>} : memref<80xf32, #tpu.memory_space<vmem>>, vector<16xf32>,
      tpu.vector_store %arg29[%swap3A_846], %exp3A_845 {strides = array<i32>} : memref<80xf32, #tpu.memory_space<vmem>>, vector<16xf32>,
      %get3A_848 = arith.index_cast %add3A_772 : i32 to index
      %get3A_849 = arith.constant 48 : index
      %get3A_850 = tpu.vector_load %arg13[%get3A_848, %get3A_849] {strides = array<i32>} : memref<250x80xi32, #tpu.memory_space<vmem>>, vector<16xi32>,
      %get3A_851 = arith.index_cast %add3A_772 : i32 to index
      %get3A_852 = arith.constant 48 : index
      %get3A_853 = tpu.vector_load %arg14[%get3A_851, %get3A_852] {strides = array<i32>} : memref<250x80xi32, #tpu.memory_space<vmem>>, vector<16xi32>,
      %add3A_854 = vector.broadcast %mul3A_195 : i32 to vector<16xi32>
      %add3A_855 = arith.addi %get3A_850, %add3A_854 : vector<16xi32>
      %swap3A_856 = arith.constant 48 : index
      %swap3A_857 = tpu.vector_load %arg27[%swap3A_856] {strides = array<i32>} : memref<80xi32, #tpu.memory_space<vmem>>, vector<16xi32>,
      tpu.vector_store %arg27[%swap3A_856], %add3A_855 {strides = array<i32>} : memref<80xi32, #tpu.memory_space<vmem>>, vector<16xi32>,
      %swap3A_858 = arith.constant 48 : index
      %swap3A_859 = tpu.vector_load %arg28[%swap3A_858] {strides = array<i32>} : memref<80xi32, #tpu.memory_space<vmem>>, vector<16xi32>,
      tpu.vector_store %arg28[%swap3A_858], %get3A_853 {strides = array<i32>} : memref<80xi32, #tpu.memory_space<vmem>>, vector<16xi32>,
      %gather3A_860 = tpu.vector_load_idx %arg11[%get3A_850] : memref<10000xf32, #tpu.memory_space<vmem>>[vector<16xi32>], vector<16xf32>,
      %gather3A_861 = tpu.vector_load_idx %arg12[%get3A_853] : memref<10000xf32, #tpu.memory_space<vmem>>[vector<16xi32>], vector<16xf32>,
      %add3A_862 = arith.addf %gather3A_860, %gather3A_861 : vector<16xf32>
      %gt3A_863 = arith.constant 0.000000e+00 : f32
      %gt3A_864 = vector.broadcast %gt3A_863 : f32 to vector<16xf32>
      %gt3A_865 = arith.cmpf ogt, %add3A_862, %gt3A_864 : vector<16xf32>
      %mul3A_866 = arith.constant 2.000000e-01 : f32
      %mul3A_867 = vector.broadcast %mul3A_866 : f32 to vector<16xf32>
      %mul3A_868 = arith.mulf %mul3A_867, %add3A_862 : vector<16xf32>
      %select_n3A_869 = arith.select %gt3A_865, %add3A_862, %mul3A_868 : vector<16xi1>, vector<16xf32>
      %exp3A_870 = math.exp %select_n3A_869 : vector<16xf32>
      %swap3A_871 = arith.constant 48 : index
      %swap3A_872 = tpu.vector_load %arg29[%swap3A_871] {strides = array<i32>} : memref<80xf32, #tpu.memory_space<vmem>>, vector<16xf32>,
      tpu.vector_store %arg29[%swap3A_871], %exp3A_870 {strides = array<i32>} : memref<80xf32, #tpu.memory_space<vmem>>, vector<16xf32>,
      %get3A_873 = arith.index_cast %add3A_772 : i32 to index
      %get3A_874 = arith.constant 64 : index
      %get3A_875 = tpu.vector_load %arg13[%get3A_873, %get3A_874] {strides = array<i32>} : memref<250x80xi32, #tpu.memory_space<vmem>>, vector<16xi32>,
      %get3A_876 = arith.index_cast %add3A_772 : i32 to index
      %get3A_877 = arith.constant 64 : index
      %get3A_878 = tpu.vector_load %arg14[%get3A_876, %get3A_877] {strides = array<i32>} : memref<250x80xi32, #tpu.memory_space<vmem>>, vector<16xi32>,
      %add3A_879 = vector.broadcast %mul3A_195 : i32 to vector<16xi32>
      %add3A_880 = arith.addi %get3A_875, %add3A_879 : vector<16xi32>
      %swap3A_881 = arith.constant 64 : index
      %swap3A_882 = tpu.vector_load %arg27[%swap3A_881] {strides = array<i32>} : memref<80xi32, #tpu.memory_space<vmem>>, vector<16xi32>,
      tpu.vector_store %arg27[%swap3A_881], %add3A_880 {strides = array<i32>} : memref<80xi32, #tpu.memory_space<vmem>>, vector<16xi32>,
      %swap3A_883 = arith.constant 64 : index
      %swap3A_884 = tpu.vector_load %arg28[%swap3A_883] {strides = array<i32>} : memref<80xi32, #tpu.memory_space<vmem>>, vector<16xi32>,
      tpu.vector_store %arg28[%swap3A_883], %get3A_878 {strides = array<i32>} : memref<80xi32, #tpu.memory_space<vmem>>, vector<16xi32>,
      %gather3A_885 = tpu.vector_load_idx %arg11[%get3A_875] : memref<10000xf32, #tpu.memory_space<vmem>>[vector<16xi32>], vector<16xf32>,
      %gather3A_886 = tpu.vector_load_idx %arg12[%get3A_878] : memref<10000xf32, #tpu.memory_space<vmem>>[vector<16xi32>], vector<16xf32>,
      %add3A_887 = arith.addf %gather3A_885, %gather3A_886 : vector<16xf32>
      %gt3A_888 = arith.constant 0.000000e+00 : f32
      %gt3A_889 = vector.broadcast %gt3A_888 : f32 to vector<16xf32>
      %gt3A_890 = arith.cmpf ogt, %add3A_887, %gt3A_889 : vector<16xf32>
      %mul3A_891 = arith.constant 2.000000e-01 : f32
      %mul3A_892 = vector.broadcast %mul3A_891 : f32 to vector<16xf32>
      %mul3A_893 = arith.mulf %mul3A_892, %add3A_887 : vector<16xf32>
      %select_n3A_894 = arith.select %gt3A_890, %add3A_887, %mul3A_893 : vector<16xi1>, vector<16xf32>
      %exp3A_895 = math.exp %select_n3A_894 : vector<16xf32>
      %swap3A_896 = arith.constant 64 : index
      %swap3A_897 = tpu.vector_load %arg29[%swap3A_896] {strides = array<i32>} : memref<80xf32, #tpu.memory_space<vmem>>, vector<16xf32>,
      tpu.vector_store %arg29[%swap3A_896], %exp3A_895 {strides = array<i32>} : memref<80xf32, #tpu.memory_space<vmem>>, vector<16xf32>,
      %dma_start3A_898 = arith.constant 0 : i32
      %dma_start3A_899 = arith.constant 0 : i32
      %dma_start3A_900 = tpu.memref_slice %arg6[%dma_start3A_898, %dma_start3A_899] : memref<20000x64xf32, #tpu.memory_space<hbm>> -> memref<20000x64xf32, #tpu.memory_space<hbm>>
      tpu.enqueue_indirect_dma source(%dma_start3A_900 : memref<20000x64xf32, #tpu.memory_space<hbm>>) target(%arg30 : memref<80x64xf32, #tpu.memory_space<vmem>>) offsets(%arg27 : memref<80xi32, #tpu.memory_space<vmem>>) semaphore(%arg39 : memref<!tpu.dma_semaphore, #tpu.memory_space<semaphore_mem>>)
      %dma_wait3A_901 = arith.constant 0 : i32
      %dma_wait3A_902 = arith.constant 0 : i32
      %dma_wait3A_903 = tpu.memref_slice %arg6[%dma_wait3A_901, %dma_wait3A_902] : memref<20000x64xf32, #tpu.memory_space<hbm>> -> memref<20000x64xf32, #tpu.memory_space<hbm>>
      tpu.wait_indirect_dma semaphore(%arg33 : memref<!tpu.dma_semaphore, #tpu.memory_space<semaphore_mem>>) src(%dma_wait3A_903 : memref<20000x64xf32, #tpu.memory_space<hbm>>) dst(%arg22 : memref<80x64xf32, #tpu.memory_space<vmem>>)
      %parallel_loop3A_904 = arith.constant 0 : i32
      %parallel_loop3A_905 = arith.constant 80 : i32
      %parallel_loop3A_906 = arith.constant 1 : i32
      scf.for %parallel_loop3A_1227 = %parallel_loop3A_904 to %parallel_loop3A_905 step %parallel_loop3A_906  : i32 {
        %parallel_loop3A_1228 = vector.broadcast %parallel_loop3A_1227 : i32 to vector<16xi32>
        %parallel_loop3A_1229 = tpu.vector_load_idx %arg21[%parallel_loop3A_1228] : memref<80xf32, #tpu.memory_space<vmem>>[vector<16xi32>], vector<16xf32>,
        %parallel_loop3A_1230 = arith.index_cast %parallel_loop3A_1227 : i32 to index
        %parallel_loop3A_1231 = arith.constant 0 : index
        %parallel_loop3A_1232 = tpu.vector_load %arg22[%parallel_loop3A_1230, %parallel_loop3A_1231] {strides = array<i32>} : memref<80x64xf32, #tpu.memory_space<vmem>>, vector<16xf32>,
        %parallel_loop3A_1233 = arith.mulf %parallel_loop3A_1232, %parallel_loop3A_1229 : vector<16xf32>
        %parallel_loop3A_1234 = arith.index_cast %parallel_loop3A_1227 : i32 to index
        %parallel_loop3A_1235 = arith.constant 0 : index
        %parallel_loop3A_1236 = tpu.vector_load %arg22[%parallel_loop3A_1234, %parallel_loop3A_1235] {strides = array<i32>} : memref<80x64xf32, #tpu.memory_space<vmem>>, vector<16xf32>,
        tpu.vector_store %arg22[%parallel_loop3A_1234, %parallel_loop3A_1235], %parallel_loop3A_1233 {strides = array<i32>} : memref<80x64xf32, #tpu.memory_space<vmem>>, vector<16xf32>,
        %parallel_loop3A_1237 = arith.index_cast %parallel_loop3A_1227 : i32 to index
        %parallel_loop3A_1238 = arith.constant 16 : index
        %parallel_loop3A_1239 = tpu.vector_load %arg22[%parallel_loop3A_1237, %parallel_loop3A_1238] {strides = array<i32>} : memref<80x64xf32, #tpu.memory_space<vmem>>, vector<16xf32>,
        %parallel_loop3A_1240 = arith.mulf %parallel_loop3A_1239, %parallel_loop3A_1229 : vector<16xf32>
        %parallel_loop3A_1241 = arith.index_cast %parallel_loop3A_1227 : i32 to index
        %parallel_loop3A_1242 = arith.constant 16 : index
        %parallel_loop3A_1243 = tpu.vector_load %arg22[%parallel_loop3A_1241, %parallel_loop3A_1242] {strides = array<i32>} : memref<80x64xf32, #tpu.memory_space<vmem>>, vector<16xf32>,
        tpu.vector_store %arg22[%parallel_loop3A_1241, %parallel_loop3A_1242], %parallel_loop3A_1240 {strides = array<i32>} : memref<80x64xf32, #tpu.memory_space<vmem>>, vector<16xf32>,
        %parallel_loop3A_1244 = arith.index_cast %parallel_loop3A_1227 : i32 to index
        %parallel_loop3A_1245 = arith.constant 32 : index
        %parallel_loop3A_1246 = tpu.vector_load %arg22[%parallel_loop3A_1244, %parallel_loop3A_1245] {strides = array<i32>} : memref<80x64xf32, #tpu.memory_space<vmem>>, vector<16xf32>,
        %parallel_loop3A_1247 = arith.mulf %parallel_loop3A_1246, %parallel_loop3A_1229 : vector<16xf32>
        %parallel_loop3A_1248 = arith.index_cast %parallel_loop3A_1227 : i32 to index
        %parallel_loop3A_1249 = arith.constant 32 : index
        %parallel_loop3A_1250 = tpu.vector_load %arg22[%parallel_loop3A_1248, %parallel_loop3A_1249] {strides = array<i32>} : memref<80x64xf32, #tpu.memory_space<vmem>>, vector<16xf32>,
        tpu.vector_store %arg22[%parallel_loop3A_1248, %parallel_loop3A_1249], %parallel_loop3A_1247 {strides = array<i32>} : memref<80x64xf32, #tpu.memory_space<vmem>>, vector<16xf32>,
        %parallel_loop3A_1251 = arith.index_cast %parallel_loop3A_1227 : i32 to index
        %parallel_loop3A_1252 = arith.constant 48 : index
        %parallel_loop3A_1253 = tpu.vector_load %arg22[%parallel_loop3A_1251, %parallel_loop3A_1252] {strides = array<i32>} : memref<80x64xf32, #tpu.memory_space<vmem>>, vector<16xf32>,
        %parallel_loop3A_1254 = arith.mulf %parallel_loop3A_1253, %parallel_loop3A_1229 : vector<16xf32>
        %parallel_loop3A_1255 = arith.index_cast %parallel_loop3A_1227 : i32 to index
        %parallel_loop3A_1256 = arith.constant 48 : index
        %parallel_loop3A_1257 = tpu.vector_load %arg22[%parallel_loop3A_1255, %parallel_loop3A_1256] {strides = array<i32>} : memref<80x64xf32, #tpu.memory_space<vmem>>, vector<16xf32>,
        tpu.vector_store %arg22[%parallel_loop3A_1255, %parallel_loop3A_1256], %parallel_loop3A_1254 {strides = array<i32>} : memref<80x64xf32, #tpu.memory_space<vmem>>, vector<16xf32>,
      } {sc.loop_unroll_factor = 8 : i64, sc.parallel_access}
      %dma_start3A_907 = arith.constant 0 : i32
      %dma_start3A_908 = arith.constant 0 : i32
      %dma_start3A_909 = tpu.memref_slice %arg9[%dma_start3A_907, %dma_start3A_908] : memref<10000x64xf32, #tpu.memory_space<vmem_shared>> -> memref<10000x64xf32, #tpu.memory_space<vmem_shared>>
      tpu.enqueue_indirect_dma source(%arg22 : memref<80x64xf32, #tpu.memory_space<vmem>>) target(%dma_start3A_909 : memref<10000x64xf32, #tpu.memory_space<vmem_shared>>) offsets(%arg20 : memref<80xi32, #tpu.memory_space<vmem>>) semaphore(%arg35 : memref<!tpu.dma_semaphore, #tpu.memory_space<semaphore_mem>>) {add = true}
      %eq3A_910 = arith.constant 0 : i32
      %eq3A_911 = arith.cmpi eq, %arg0, %eq3A_910 : i32
      %convert_element_type3A_912 = arith.extui %eq3A_911 : i1 to i32
      %cond3A_913 = arith.constant 0 : i32
      %cond3A_914 = arith.cmpi ne, %convert_element_type3A_912, %cond3A_913 : i32
      scf.if %cond3A_914 {
        %dma_start3A_1227 = arith.constant 0 : i32
        %dma_start3A_1228 = tpu.memref_slice %arg10[%dma_start3A_1227] : memref<10000xf32, #tpu.memory_space<vmem_shared>> -> memref<10000xf32, #tpu.memory_space<vmem_shared>>
        tpu.enqueue_indirect_dma source(%arg21 : memref<80xf32, #tpu.memory_space<vmem>>) target(%dma_start3A_1228 : memref<10000xf32, #tpu.memory_space<vmem_shared>>) offsets(%arg20 : memref<80xi32, #tpu.memory_space<vmem>>) semaphore(%arg37 : memref<!tpu.dma_semaphore, #tpu.memory_space<semaphore_mem>>) {add = true}
      } else {
      }
      %mul3A_915 = arith.constant 4 : i32
      %mul3A_916 = arith.muli %mul3A_915, %scan3A_608 : i32
      %add3A_917 = arith.constant 2 : i32
      %add3A_918 = arith.addi %mul3A_916, %add3A_917 : i32
      %dma_wait3A_919 = arith.constant 0 : i32
      %dma_wait3A_920 = arith.constant 0 : i32
      %dma_wait3A_921 = tpu.memref_slice %arg9[%dma_wait3A_919, %dma_wait3A_920] : memref<10000x64xf32, #tpu.memory_space<vmem_shared>> -> memref<10000x64xf32, #tpu.memory_space<vmem_shared>>
      tpu.wait_indirect_dma semaphore(%arg34 : memref<!tpu.dma_semaphore, #tpu.memory_space<semaphore_mem>>) src(%arg18 : memref<80x64xf32, #tpu.memory_space<vmem>>) dst(%dma_wait3A_921 : memref<10000x64xf32, #tpu.memory_space<vmem_shared>>)
      %eq3A_922 = arith.constant 0 : i32
      %eq3A_923 = arith.cmpi eq, %arg0, %eq3A_922 : i32
      %convert_element_type3A_924 = arith.extui %eq3A_923 : i1 to i32
      %cond3A_925 = arith.constant 0 : i32
      %cond3A_926 = arith.cmpi ne, %convert_element_type3A_924, %cond3A_925 : i32
      scf.if %cond3A_926 {
        %dma_wait3A_1227 = arith.constant 0 : i32
        %dma_wait3A_1228 = tpu.memref_slice %arg10[%dma_wait3A_1227] : memref<10000xf32, #tpu.memory_space<vmem_shared>> -> memref<10000xf32, #tpu.memory_space<vmem_shared>>
        tpu.wait_indirect_dma semaphore(%arg36 : memref<!tpu.dma_semaphore, #tpu.memory_space<semaphore_mem>>) src(%arg17 : memref<80xf32, #tpu.memory_space<vmem>>) dst(%dma_wait3A_1228 : memref<10000xf32, #tpu.memory_space<vmem_shared>>)
      } else {
      }
      %add3A_927 = arith.constant 2 : i32
      %add3A_928 = arith.addi %add3A_918, %add3A_927 : i32
      %get3A_929 = arith.index_cast %add3A_928 : i32 to index
      %get3A_930 = arith.constant 0 : index
      %get3A_931 = tpu.vector_load %arg13[%get3A_929, %get3A_930] {strides = array<i32>} : memref<250x80xi32, #tpu.memory_space<vmem>>, vector<16xi32>,
      %get3A_932 = arith.index_cast %add3A_928 : i32 to index
      %get3A_933 = arith.constant 0 : index
      %get3A_934 = tpu.vector_load %arg14[%get3A_932, %get3A_933] {strides = array<i32>} : memref<250x80xi32, #tpu.memory_space<vmem>>, vector<16xi32>,
      %add3A_935 = vector.broadcast %mul3A_195 : i32 to vector<16xi32>
      %add3A_936 = arith.addi %get3A_931, %add3A_935 : vector<16xi32>
      %swap3A_937 = arith.constant 0 : index
      %swap3A_938 = tpu.vector_load %arg15[%swap3A_937] {strides = array<i32>} : memref<80xi32, #tpu.memory_space<vmem>>, vector<16xi32>,
      tpu.vector_store %arg15[%swap3A_937], %add3A_936 {strides = array<i32>} : memref<80xi32, #tpu.memory_space<vmem>>, vector<16xi32>,
      %swap3A_939 = arith.constant 0 : index
      %swap3A_940 = tpu.vector_load %arg16[%swap3A_939] {strides = array<i32>} : memref<80xi32, #tpu.memory_space<vmem>>, vector<16xi32>,
      tpu.vector_store %arg16[%swap3A_939], %get3A_934 {strides = array<i32>} : memref<80xi32, #tpu.memory_space<vmem>>, vector<16xi32>,
      %gather3A_941 = tpu.vector_load_idx %arg11[%get3A_931] : memref<10000xf32, #tpu.memory_space<vmem>>[vector<16xi32>], vector<16xf32>,
      %gather3A_942 = tpu.vector_load_idx %arg12[%get3A_934] : memref<10000xf32, #tpu.memory_space<vmem>>[vector<16xi32>], vector<16xf32>,
      %add3A_943 = arith.addf %gather3A_941, %gather3A_942 : vector<16xf32>
      %gt3A_944 = arith.constant 0.000000e+00 : f32
      %gt3A_945 = vector.broadcast %gt3A_944 : f32 to vector<16xf32>
      %gt3A_946 = arith.cmpf ogt, %add3A_943, %gt3A_945 : vector<16xf32>
      %mul3A_947 = arith.constant 2.000000e-01 : f32
      %mul3A_948 = vector.broadcast %mul3A_947 : f32 to vector<16xf32>
      %mul3A_949 = arith.mulf %mul3A_948, %add3A_943 : vector<16xf32>
      %select_n3A_950 = arith.select %gt3A_946, %add3A_943, %mul3A_949 : vector<16xi1>, vector<16xf32>
      %exp3A_951 = math.exp %select_n3A_950 : vector<16xf32>
      %swap3A_952 = arith.constant 0 : index
      %swap3A_953 = tpu.vector_load %arg17[%swap3A_952] {strides = array<i32>} : memref<80xf32, #tpu.memory_space<vmem>>, vector<16xf32>,
      tpu.vector_store %arg17[%swap3A_952], %exp3A_951 {strides = array<i32>} : memref<80xf32, #tpu.memory_space<vmem>>, vector<16xf32>,
      %get3A_954 = arith.index_cast %add3A_928 : i32 to index
      %get3A_955 = arith.constant 16 : index
      %get3A_956 = tpu.vector_load %arg13[%get3A_954, %get3A_955] {strides = array<i32>} : memref<250x80xi32, #tpu.memory_space<vmem>>, vector<16xi32>,
      %get3A_957 = arith.index_cast %add3A_928 : i32 to index
      %get3A_958 = arith.constant 16 : index
      %get3A_959 = tpu.vector_load %arg14[%get3A_957, %get3A_958] {strides = array<i32>} : memref<250x80xi32, #tpu.memory_space<vmem>>, vector<16xi32>,
      %add3A_960 = vector.broadcast %mul3A_195 : i32 to vector<16xi32>
      %add3A_961 = arith.addi %get3A_956, %add3A_960 : vector<16xi32>
      %swap3A_962 = arith.constant 16 : index
      %swap3A_963 = tpu.vector_load %arg15[%swap3A_962] {strides = array<i32>} : memref<80xi32, #tpu.memory_space<vmem>>, vector<16xi32>,
      tpu.vector_store %arg15[%swap3A_962], %add3A_961 {strides = array<i32>} : memref<80xi32, #tpu.memory_space<vmem>>, vector<16xi32>,
      %swap3A_964 = arith.constant 16 : index
      %swap3A_965 = tpu.vector_load %arg16[%swap3A_964] {strides = array<i32>} : memref<80xi32, #tpu.memory_space<vmem>>, vector<16xi32>,
      tpu.vector_store %arg16[%swap3A_964], %get3A_959 {strides = array<i32>} : memref<80xi32, #tpu.memory_space<vmem>>, vector<16xi32>,
      %gather3A_966 = tpu.vector_load_idx %arg11[%get3A_956] : memref<10000xf32, #tpu.memory_space<vmem>>[vector<16xi32>], vector<16xf32>,
      %gather3A_967 = tpu.vector_load_idx %arg12[%get3A_959] : memref<10000xf32, #tpu.memory_space<vmem>>[vector<16xi32>], vector<16xf32>,
      %add3A_968 = arith.addf %gather3A_966, %gather3A_967 : vector<16xf32>
      %gt3A_969 = arith.constant 0.000000e+00 : f32
      %gt3A_970 = vector.broadcast %gt3A_969 : f32 to vector<16xf32>
      %gt3A_971 = arith.cmpf ogt, %add3A_968, %gt3A_970 : vector<16xf32>
      %mul3A_972 = arith.constant 2.000000e-01 : f32
      %mul3A_973 = vector.broadcast %mul3A_972 : f32 to vector<16xf32>
      %mul3A_974 = arith.mulf %mul3A_973, %add3A_968 : vector<16xf32>
      %select_n3A_975 = arith.select %gt3A_971, %add3A_968, %mul3A_974 : vector<16xi1>, vector<16xf32>
      %exp3A_976 = math.exp %select_n3A_975 : vector<16xf32>
      %swap3A_977 = arith.constant 16 : index
      %swap3A_978 = tpu.vector_load %arg17[%swap3A_977] {strides = array<i32>} : memref<80xf32, #tpu.memory_space<vmem>>, vector<16xf32>,
      tpu.vector_store %arg17[%swap3A_977], %exp3A_976 {strides = array<i32>} : memref<80xf32, #tpu.memory_space<vmem>>, vector<16xf32>,
      %get3A_979 = arith.index_cast %add3A_928 : i32 to index
      %get3A_980 = arith.constant 32 : index
      %get3A_981 = tpu.vector_load %arg13[%get3A_979, %get3A_980] {strides = array<i32>} : memref<250x80xi32, #tpu.memory_space<vmem>>, vector<16xi32>,
      %get3A_982 = arith.index_cast %add3A_928 : i32 to index
      %get3A_983 = arith.constant 32 : index
      %get3A_984 = tpu.vector_load %arg14[%get3A_982, %get3A_983] {strides = array<i32>} : memref<250x80xi32, #tpu.memory_space<vmem>>, vector<16xi32>,
      %add3A_985 = vector.broadcast %mul3A_195 : i32 to vector<16xi32>
      %add3A_986 = arith.addi %get3A_981, %add3A_985 : vector<16xi32>
      %swap3A_987 = arith.constant 32 : index
      %swap3A_988 = tpu.vector_load %arg15[%swap3A_987] {strides = array<i32>} : memref<80xi32, #tpu.memory_space<vmem>>, vector<16xi32>,
      tpu.vector_store %arg15[%swap3A_987], %add3A_986 {strides = array<i32>} : memref<80xi32, #tpu.memory_space<vmem>>, vector<16xi32>,
      %swap3A_989 = arith.constant 32 : index
      %swap3A_990 = tpu.vector_load %arg16[%swap3A_989] {strides = array<i32>} : memref<80xi32, #tpu.memory_space<vmem>>, vector<16xi32>,
      tpu.vector_store %arg16[%swap3A_989], %get3A_984 {strides = array<i32>} : memref<80xi32, #tpu.memory_space<vmem>>, vector<16xi32>,
      %gather3A_991 = tpu.vector_load_idx %arg11[%get3A_981] : memref<10000xf32, #tpu.memory_space<vmem>>[vector<16xi32>], vector<16xf32>,
      %gather3A_992 = tpu.vector_load_idx %arg12[%get3A_984] : memref<10000xf32, #tpu.memory_space<vmem>>[vector<16xi32>], vector<16xf32>,
      %add3A_993 = arith.addf %gather3A_991, %gather3A_992 : vector<16xf32>
      %gt3A_994 = arith.constant 0.000000e+00 : f32
      %gt3A_995 = vector.broadcast %gt3A_994 : f32 to vector<16xf32>
      %gt3A_996 = arith.cmpf ogt, %add3A_993, %gt3A_995 : vector<16xf32>
      %mul3A_997 = arith.constant 2.000000e-01 : f32
      %mul3A_998 = vector.broadcast %mul3A_997 : f32 to vector<16xf32>
      %mul3A_999 = arith.mulf %mul3A_998, %add3A_993 : vector<16xf32>
      %select_n3A_1000 = arith.select %gt3A_996, %add3A_993, %mul3A_999 : vector<16xi1>, vector<16xf32>
      %exp3A_1001 = math.exp %select_n3A_1000 : vector<16xf32>
      %swap3A_1002 = arith.constant 32 : index
      %swap3A_1003 = tpu.vector_load %arg17[%swap3A_1002] {strides = array<i32>} : memref<80xf32, #tpu.memory_space<vmem>>, vector<16xf32>,
      tpu.vector_store %arg17[%swap3A_1002], %exp3A_1001 {strides = array<i32>} : memref<80xf32, #tpu.memory_space<vmem>>, vector<16xf32>,
      %get3A_1004 = arith.index_cast %add3A_928 : i32 to index
      %get3A_1005 = arith.constant 48 : index
      %get3A_1006 = tpu.vector_load %arg13[%get3A_1004, %get3A_1005] {strides = array<i32>} : memref<250x80xi32, #tpu.memory_space<vmem>>, vector<16xi32>,
      %get3A_1007 = arith.index_cast %add3A_928 : i32 to index
      %get3A_1008 = arith.constant 48 : index
      %get3A_1009 = tpu.vector_load %arg14[%get3A_1007, %get3A_1008] {strides = array<i32>} : memref<250x80xi32, #tpu.memory_space<vmem>>, vector<16xi32>,
      %add3A_1010 = vector.broadcast %mul3A_195 : i32 to vector<16xi32>
      %add3A_1011 = arith.addi %get3A_1006, %add3A_1010 : vector<16xi32>
      %swap3A_1012 = arith.constant 48 : index
      %swap3A_1013 = tpu.vector_load %arg15[%swap3A_1012] {strides = array<i32>} : memref<80xi32, #tpu.memory_space<vmem>>, vector<16xi32>,
      tpu.vector_store %arg15[%swap3A_1012], %add3A_1011 {strides = array<i32>} : memref<80xi32, #tpu.memory_space<vmem>>, vector<16xi32>,
      %swap3A_1014 = arith.constant 48 : index
      %swap3A_1015 = tpu.vector_load %arg16[%swap3A_1014] {strides = array<i32>} : memref<80xi32, #tpu.memory_space<vmem>>, vector<16xi32>,
      tpu.vector_store %arg16[%swap3A_1014], %get3A_1009 {strides = array<i32>} : memref<80xi32, #tpu.memory_space<vmem>>, vector<16xi32>,
      %gather3A_1016 = tpu.vector_load_idx %arg11[%get3A_1006] : memref<10000xf32, #tpu.memory_space<vmem>>[vector<16xi32>], vector<16xf32>,
      %gather3A_1017 = tpu.vector_load_idx %arg12[%get3A_1009] : memref<10000xf32, #tpu.memory_space<vmem>>[vector<16xi32>], vector<16xf32>,
      %add3A_1018 = arith.addf %gather3A_1016, %gather3A_1017 : vector<16xf32>
      %gt3A_1019 = arith.constant 0.000000e+00 : f32
      %gt3A_1020 = vector.broadcast %gt3A_1019 : f32 to vector<16xf32>
      %gt3A_1021 = arith.cmpf ogt, %add3A_1018, %gt3A_1020 : vector<16xf32>
      %mul3A_1022 = arith.constant 2.000000e-01 : f32
      %mul3A_1023 = vector.broadcast %mul3A_1022 : f32 to vector<16xf32>
      %mul3A_1024 = arith.mulf %mul3A_1023, %add3A_1018 : vector<16xf32>
      %select_n3A_1025 = arith.select %gt3A_1021, %add3A_1018, %mul3A_1024 : vector<16xi1>, vector<16xf32>
      %exp3A_1026 = math.exp %select_n3A_1025 : vector<16xf32>
      %swap3A_1027 = arith.constant 48 : index
      %swap3A_1028 = tpu.vector_load %arg17[%swap3A_1027] {strides = array<i32>} : memref<80xf32, #tpu.memory_space<vmem>>, vector<16xf32>,
      tpu.vector_store %arg17[%swap3A_1027], %exp3A_1026 {strides = array<i32>} : memref<80xf32, #tpu.memory_space<vmem>>, vector<16xf32>,
      %get3A_1029 = arith.index_cast %add3A_928 : i32 to index
      %get3A_1030 = arith.constant 64 : index
      %get3A_1031 = tpu.vector_load %arg13[%get3A_1029, %get3A_1030] {strides = array<i32>} : memref<250x80xi32, #tpu.memory_space<vmem>>, vector<16xi32>,
      %get3A_1032 = arith.index_cast %add3A_928 : i32 to index
      %get3A_1033 = arith.constant 64 : index
      %get3A_1034 = tpu.vector_load %arg14[%get3A_1032, %get3A_1033] {strides = array<i32>} : memref<250x80xi32, #tpu.memory_space<vmem>>, vector<16xi32>,
      %add3A_1035 = vector.broadcast %mul3A_195 : i32 to vector<16xi32>
      %add3A_1036 = arith.addi %get3A_1031, %add3A_1035 : vector<16xi32>
      %swap3A_1037 = arith.constant 64 : index
      %swap3A_1038 = tpu.vector_load %arg15[%swap3A_1037] {strides = array<i32>} : memref<80xi32, #tpu.memory_space<vmem>>, vector<16xi32>,
      tpu.vector_store %arg15[%swap3A_1037], %add3A_1036 {strides = array<i32>} : memref<80xi32, #tpu.memory_space<vmem>>, vector<16xi32>,
      %swap3A_1039 = arith.constant 64 : index
      %swap3A_1040 = tpu.vector_load %arg16[%swap3A_1039] {strides = array<i32>} : memref<80xi32, #tpu.memory_space<vmem>>, vector<16xi32>,
      tpu.vector_store %arg16[%swap3A_1039], %get3A_1034 {strides = array<i32>} : memref<80xi32, #tpu.memory_space<vmem>>, vector<16xi32>,
      %gather3A_1041 = tpu.vector_load_idx %arg11[%get3A_1031] : memref<10000xf32, #tpu.memory_space<vmem>>[vector<16xi32>], vector<16xf32>,
      %gather3A_1042 = tpu.vector_load_idx %arg12[%get3A_1034] : memref<10000xf32, #tpu.memory_space<vmem>>[vector<16xi32>], vector<16xf32>,
      %add3A_1043 = arith.addf %gather3A_1041, %gather3A_1042 : vector<16xf32>
      %gt3A_1044 = arith.constant 0.000000e+00 : f32
      %gt3A_1045 = vector.broadcast %gt3A_1044 : f32 to vector<16xf32>
      %gt3A_1046 = arith.cmpf ogt, %add3A_1043, %gt3A_1045 : vector<16xf32>
      %mul3A_1047 = arith.constant 2.000000e-01 : f32
      %mul3A_1048 = vector.broadcast %mul3A_1047 : f32 to vector<16xf32>
      %mul3A_1049 = arith.mulf %mul3A_1048, %add3A_1043 : vector<16xf32>
      %select_n3A_1050 = arith.select %gt3A_1046, %add3A_1043, %mul3A_1049 : vector<16xi1>, vector<16xf32>
      %exp3A_1051 = math.exp %select_n3A_1050 : vector<16xf32>
      %swap3A_1052 = arith.constant 64 : index
      %swap3A_1053 = tpu.vector_load %arg17[%swap3A_1052] {strides = array<i32>} : memref<80xf32, #tpu.memory_space<vmem>>, vector<16xf32>,
      tpu.vector_store %arg17[%swap3A_1052], %exp3A_1051 {strides = array<i32>} : memref<80xf32, #tpu.memory_space<vmem>>, vector<16xf32>,
      %dma_start3A_1054 = arith.constant 0 : i32
      %dma_start3A_1055 = arith.constant 0 : i32
      %dma_start3A_1056 = tpu.memref_slice %arg6[%dma_start3A_1054, %dma_start3A_1055] : memref<20000x64xf32, #tpu.memory_space<hbm>> -> memref<20000x64xf32, #tpu.memory_space<hbm>>
      tpu.enqueue_indirect_dma source(%dma_start3A_1056 : memref<20000x64xf32, #tpu.memory_space<hbm>>) target(%arg18 : memref<80x64xf32, #tpu.memory_space<vmem>>) offsets(%arg15 : memref<80xi32, #tpu.memory_space<vmem>>) semaphore(%arg32 : memref<!tpu.dma_semaphore, #tpu.memory_space<semaphore_mem>>)
      %dma_wait3A_1057 = arith.constant 0 : i32
      %dma_wait3A_1058 = arith.constant 0 : i32
      %dma_wait3A_1059 = tpu.memref_slice %arg6[%dma_wait3A_1057, %dma_wait3A_1058] : memref<20000x64xf32, #tpu.memory_space<hbm>> -> memref<20000x64xf32, #tpu.memory_space<hbm>>
      tpu.wait_indirect_dma semaphore(%arg38 : memref<!tpu.dma_semaphore, #tpu.memory_space<semaphore_mem>>) src(%dma_wait3A_1059 : memref<20000x64xf32, #tpu.memory_space<hbm>>) dst(%arg26 : memref<80x64xf32, #tpu.memory_space<vmem>>)
      %parallel_loop3A_1060 = arith.constant 0 : i32
      %parallel_loop3A_1061 = arith.constant 80 : i32
      %parallel_loop3A_1062 = arith.constant 1 : i32
      scf.for %parallel_loop3A_1227 = %parallel_loop3A_1060 to %parallel_loop3A_1061 step %parallel_loop3A_1062  : i32 {
        %parallel_loop3A_1228 = vector.broadcast %parallel_loop3A_1227 : i32 to vector<16xi32>
        %parallel_loop3A_1229 = tpu.vector_load_idx %arg25[%parallel_loop3A_1228] : memref<80xf32, #tpu.memory_space<vmem>>[vector<16xi32>], vector<16xf32>,
        %parallel_loop3A_1230 = arith.index_cast %parallel_loop3A_1227 : i32 to index
        %parallel_loop3A_1231 = arith.constant 0 : index
        %parallel_loop3A_1232 = tpu.vector_load %arg26[%parallel_loop3A_1230, %parallel_loop3A_1231] {strides = array<i32>} : memref<80x64xf32, #tpu.memory_space<vmem>>, vector<16xf32>,
        %parallel_loop3A_1233 = arith.mulf %parallel_loop3A_1232, %parallel_loop3A_1229 : vector<16xf32>
        %parallel_loop3A_1234 = arith.index_cast %parallel_loop3A_1227 : i32 to index
        %parallel_loop3A_1235 = arith.constant 0 : index
        %parallel_loop3A_1236 = tpu.vector_load %arg26[%parallel_loop3A_1234, %parallel_loop3A_1235] {strides = array<i32>} : memref<80x64xf32, #tpu.memory_space<vmem>>, vector<16xf32>,
        tpu.vector_store %arg26[%parallel_loop3A_1234, %parallel_loop3A_1235], %parallel_loop3A_1233 {strides = array<i32>} : memref<80x64xf32, #tpu.memory_space<vmem>>, vector<16xf32>,
        %parallel_loop3A_1237 = arith.index_cast %parallel_loop3A_1227 : i32 to index
        %parallel_loop3A_1238 = arith.constant 16 : index
        %parallel_loop3A_1239 = tpu.vector_load %arg26[%parallel_loop3A_1237, %parallel_loop3A_1238] {strides = array<i32>} : memref<80x64xf32, #tpu.memory_space<vmem>>, vector<16xf32>,
        %parallel_loop3A_1240 = arith.mulf %parallel_loop3A_1239, %parallel_loop3A_1229 : vector<16xf32>
        %parallel_loop3A_1241 = arith.index_cast %parallel_loop3A_1227 : i32 to index
        %parallel_loop3A_1242 = arith.constant 16 : index
        %parallel_loop3A_1243 = tpu.vector_load %arg26[%parallel_loop3A_1241, %parallel_loop3A_1242] {strides = array<i32>} : memref<80x64xf32, #tpu.memory_space<vmem>>, vector<16xf32>,
        tpu.vector_store %arg26[%parallel_loop3A_1241, %parallel_loop3A_1242], %parallel_loop3A_1240 {strides = array<i32>} : memref<80x64xf32, #tpu.memory_space<vmem>>, vector<16xf32>,
        %parallel_loop3A_1244 = arith.index_cast %parallel_loop3A_1227 : i32 to index
        %parallel_loop3A_1245 = arith.constant 32 : index
        %parallel_loop3A_1246 = tpu.vector_load %arg26[%parallel_loop3A_1244, %parallel_loop3A_1245] {strides = array<i32>} : memref<80x64xf32, #tpu.memory_space<vmem>>, vector<16xf32>,
        %parallel_loop3A_1247 = arith.mulf %parallel_loop3A_1246, %parallel_loop3A_1229 : vector<16xf32>
        %parallel_loop3A_1248 = arith.index_cast %parallel_loop3A_1227 : i32 to index
        %parallel_loop3A_1249 = arith.constant 32 : index
        %parallel_loop3A_1250 = tpu.vector_load %arg26[%parallel_loop3A_1248, %parallel_loop3A_1249] {strides = array<i32>} : memref<80x64xf32, #tpu.memory_space<vmem>>, vector<16xf32>,
        tpu.vector_store %arg26[%parallel_loop3A_1248, %parallel_loop3A_1249], %parallel_loop3A_1247 {strides = array<i32>} : memref<80x64xf32, #tpu.memory_space<vmem>>, vector<16xf32>,
        %parallel_loop3A_1251 = arith.index_cast %parallel_loop3A_1227 : i32 to index
        %parallel_loop3A_1252 = arith.constant 48 : index
        %parallel_loop3A_1253 = tpu.vector_load %arg26[%parallel_loop3A_1251, %parallel_loop3A_1252] {strides = array<i32>} : memref<80x64xf32, #tpu.memory_space<vmem>>, vector<16xf32>,
        %parallel_loop3A_1254 = arith.mulf %parallel_loop3A_1253, %parallel_loop3A_1229 : vector<16xf32>
        %parallel_loop3A_1255 = arith.index_cast %parallel_loop3A_1227 : i32 to index
        %parallel_loop3A_1256 = arith.constant 48 : index
        %parallel_loop3A_1257 = tpu.vector_load %arg26[%parallel_loop3A_1255, %parallel_loop3A_1256] {strides = array<i32>} : memref<80x64xf32, #tpu.memory_space<vmem>>, vector<16xf32>,
        tpu.vector_store %arg26[%parallel_loop3A_1255, %parallel_loop3A_1256], %parallel_loop3A_1254 {strides = array<i32>} : memref<80x64xf32, #tpu.memory_space<vmem>>, vector<16xf32>,
      } {sc.loop_unroll_factor = 8 : i64, sc.parallel_access}
      %dma_start3A_1063 = arith.constant 0 : i32
      %dma_start3A_1064 = arith.constant 0 : i32
      %dma_start3A_1065 = tpu.memref_slice %arg9[%dma_start3A_1063, %dma_start3A_1064] : memref<10000x64xf32, #tpu.memory_space<vmem_shared>> -> memref<10000x64xf32, #tpu.memory_space<vmem_shared>>
      tpu.enqueue_indirect_dma source(%arg26 : memref<80x64xf32, #tpu.memory_space<vmem>>) target(%dma_start3A_1065 : memref<10000x64xf32, #tpu.memory_space<vmem_shared>>) offsets(%arg24 : memref<80xi32, #tpu.memory_space<vmem>>) semaphore(%arg40 : memref<!tpu.dma_semaphore, #tpu.memory_space<semaphore_mem>>) {add = true}
      %eq3A_1066 = arith.constant 0 : i32
      %eq3A_1067 = arith.cmpi eq, %arg0, %eq3A_1066 : i32
      %convert_element_type3A_1068 = arith.extui %eq3A_1067 : i1 to i32
      %cond3A_1069 = arith.constant 0 : i32
      %cond3A_1070 = arith.cmpi ne, %convert_element_type3A_1068, %cond3A_1069 : i32
      scf.if %cond3A_1070 {
        %dma_start3A_1227 = arith.constant 0 : i32
        %dma_start3A_1228 = tpu.memref_slice %arg10[%dma_start3A_1227] : memref<10000xf32, #tpu.memory_space<vmem_shared>> -> memref<10000xf32, #tpu.memory_space<vmem_shared>>
        tpu.enqueue_indirect_dma source(%arg25 : memref<80xf32, #tpu.memory_space<vmem>>) target(%dma_start3A_1228 : memref<10000xf32, #tpu.memory_space<vmem_shared>>) offsets(%arg24 : memref<80xi32, #tpu.memory_space<vmem>>) semaphore(%arg42 : memref<!tpu.dma_semaphore, #tpu.memory_space<semaphore_mem>>) {add = true}
      } else {
      }
      %mul3A_1071 = arith.constant 4 : i32
      %mul3A_1072 = arith.muli %mul3A_1071, %scan3A_608 : i32
      %add3A_1073 = arith.constant 3 : i32
      %add3A_1074 = arith.addi %mul3A_1072, %add3A_1073 : i32
      %dma_wait3A_1075 = arith.constant 0 : i32
      %dma_wait3A_1076 = arith.constant 0 : i32
      %dma_wait3A_1077 = tpu.memref_slice %arg9[%dma_wait3A_1075, %dma_wait3A_1076] : memref<10000x64xf32, #tpu.memory_space<vmem_shared>> -> memref<10000x64xf32, #tpu.memory_space<vmem_shared>>
      tpu.wait_indirect_dma semaphore(%arg35 : memref<!tpu.dma_semaphore, #tpu.memory_space<semaphore_mem>>) src(%arg22 : memref<80x64xf32, #tpu.memory_space<vmem>>) dst(%dma_wait3A_1077 : memref<10000x64xf32, #tpu.memory_space<vmem_shared>>)
      %eq3A_1078 = arith.constant 0 : i32
      %eq3A_1079 = arith.cmpi eq, %arg0, %eq3A_1078 : i32
      %convert_element_type3A_1080 = arith.extui %eq3A_1079 : i1 to i32
      %cond3A_1081 = arith.constant 0 : i32
      %cond3A_1082 = arith.cmpi ne, %convert_element_type3A_1080, %cond3A_1081 : i32
      scf.if %cond3A_1082 {
        %dma_wait3A_1227 = arith.constant 0 : i32
        %dma_wait3A_1228 = tpu.memref_slice %arg10[%dma_wait3A_1227] : memref<10000xf32, #tpu.memory_space<vmem_shared>> -> memref<10000xf32, #tpu.memory_space<vmem_shared>>
        tpu.wait_indirect_dma semaphore(%arg37 : memref<!tpu.dma_semaphore, #tpu.memory_space<semaphore_mem>>) src(%arg21 : memref<80xf32, #tpu.memory_space<vmem>>) dst(%dma_wait3A_1228 : memref<10000xf32, #tpu.memory_space<vmem_shared>>)
      } else {
      }
      %add3A_1083 = arith.constant 2 : i32
      %add3A_1084 = arith.addi %add3A_1074, %add3A_1083 : i32
      %get3A_1085 = arith.index_cast %add3A_1084 : i32 to index
      %get3A_1086 = arith.constant 0 : index
      %get3A_1087 = tpu.vector_load %arg13[%get3A_1085, %get3A_1086] {strides = array<i32>} : memref<250x80xi32, #tpu.memory_space<vmem>>, vector<16xi32>,
      %get3A_1088 = arith.index_cast %add3A_1084 : i32 to index
      %get3A_1089 = arith.constant 0 : index
      %get3A_1090 = tpu.vector_load %arg14[%get3A_1088, %get3A_1089] {strides = array<i32>} : memref<250x80xi32, #tpu.memory_space<vmem>>, vector<16xi32>,
      %add3A_1091 = vector.broadcast %mul3A_195 : i32 to vector<16xi32>
      %add3A_1092 = arith.addi %get3A_1087, %add3A_1091 : vector<16xi32>
      %swap3A_1093 = arith.constant 0 : index
      %swap3A_1094 = tpu.vector_load %arg19[%swap3A_1093] {strides = array<i32>} : memref<80xi32, #tpu.memory_space<vmem>>, vector<16xi32>,
      tpu.vector_store %arg19[%swap3A_1093], %add3A_1092 {strides = array<i32>} : memref<80xi32, #tpu.memory_space<vmem>>, vector<16xi32>,
      %swap3A_1095 = arith.constant 0 : index
      %swap3A_1096 = tpu.vector_load %arg20[%swap3A_1095] {strides = array<i32>} : memref<80xi32, #tpu.memory_space<vmem>>, vector<16xi32>,
      tpu.vector_store %arg20[%swap3A_1095], %get3A_1090 {strides = array<i32>} : memref<80xi32, #tpu.memory_space<vmem>>, vector<16xi32>,
      %gather3A_1097 = tpu.vector_load_idx %arg11[%get3A_1087] : memref<10000xf32, #tpu.memory_space<vmem>>[vector<16xi32>], vector<16xf32>,
      %gather3A_1098 = tpu.vector_load_idx %arg12[%get3A_1090] : memref<10000xf32, #tpu.memory_space<vmem>>[vector<16xi32>], vector<16xf32>,
      %add3A_1099 = arith.addf %gather3A_1097, %gather3A_1098 : vector<16xf32>
      %gt3A_1100 = arith.constant 0.000000e+00 : f32
      %gt3A_1101 = vector.broadcast %gt3A_1100 : f32 to vector<16xf32>
      %gt3A_1102 = arith.cmpf ogt, %add3A_1099, %gt3A_1101 : vector<16xf32>
      %mul3A_1103 = arith.constant 2.000000e-01 : f32
      %mul3A_1104 = vector.broadcast %mul3A_1103 : f32 to vector<16xf32>
      %mul3A_1105 = arith.mulf %mul3A_1104, %add3A_1099 : vector<16xf32>
      %select_n3A_1106 = arith.select %gt3A_1102, %add3A_1099, %mul3A_1105 : vector<16xi1>, vector<16xf32>
      %exp3A_1107 = math.exp %select_n3A_1106 : vector<16xf32>
      %swap3A_1108 = arith.constant 0 : index
      %swap3A_1109 = tpu.vector_load %arg21[%swap3A_1108] {strides = array<i32>} : memref<80xf32, #tpu.memory_space<vmem>>, vector<16xf32>,
      tpu.vector_store %arg21[%swap3A_1108], %exp3A_1107 {strides = array<i32>} : memref<80xf32, #tpu.memory_space<vmem>>, vector<16xf32>,
      %get3A_1110 = arith.index_cast %add3A_1084 : i32 to index
      %get3A_1111 = arith.constant 16 : index
      %get3A_1112 = tpu.vector_load %arg13[%get3A_1110, %get3A_1111] {strides = array<i32>} : memref<250x80xi32, #tpu.memory_space<vmem>>, vector<16xi32>,
      %get3A_1113 = arith.index_cast %add3A_1084 : i32 to index
      %get3A_1114 = arith.constant 16 : index
      %get3A_1115 = tpu.vector_load %arg14[%get3A_1113, %get3A_1114] {strides = array<i32>} : memref<250x80xi32, #tpu.memory_space<vmem>>, vector<16xi32>,
      %add3A_1116 = vector.broadcast %mul3A_195 : i32 to vector<16xi32>
      %add3A_1117 = arith.addi %get3A_1112, %add3A_1116 : vector<16xi32>
      %swap3A_1118 = arith.constant 16 : index
      %swap3A_1119 = tpu.vector_load %arg19[%swap3A_1118] {strides = array<i32>} : memref<80xi32, #tpu.memory_space<vmem>>, vector<16xi32>,
      tpu.vector_store %arg19[%swap3A_1118], %add3A_1117 {strides = array<i32>} : memref<80xi32, #tpu.memory_space<vmem>>, vector<16xi32>,
      %swap3A_1120 = arith.constant 16 : index
      %swap3A_1121 = tpu.vector_load %arg20[%swap3A_1120] {strides = array<i32>} : memref<80xi32, #tpu.memory_space<vmem>>, vector<16xi32>,
      tpu.vector_store %arg20[%swap3A_1120], %get3A_1115 {strides = array<i32>} : memref<80xi32, #tpu.memory_space<vmem>>, vector<16xi32>,
      %gather3A_1122 = tpu.vector_load_idx %arg11[%get3A_1112] : memref<10000xf32, #tpu.memory_space<vmem>>[vector<16xi32>], vector<16xf32>,
      %gather3A_1123 = tpu.vector_load_idx %arg12[%get3A_1115] : memref<10000xf32, #tpu.memory_space<vmem>>[vector<16xi32>], vector<16xf32>,
      %add3A_1124 = arith.addf %gather3A_1122, %gather3A_1123 : vector<16xf32>
      %gt3A_1125 = arith.constant 0.000000e+00 : f32
      %gt3A_1126 = vector.broadcast %gt3A_1125 : f32 to vector<16xf32>
      %gt3A_1127 = arith.cmpf ogt, %add3A_1124, %gt3A_1126 : vector<16xf32>
      %mul3A_1128 = arith.constant 2.000000e-01 : f32
      %mul3A_1129 = vector.broadcast %mul3A_1128 : f32 to vector<16xf32>
      %mul3A_1130 = arith.mulf %mul3A_1129, %add3A_1124 : vector<16xf32>
      %select_n3A_1131 = arith.select %gt3A_1127, %add3A_1124, %mul3A_1130 : vector<16xi1>, vector<16xf32>
      %exp3A_1132 = math.exp %select_n3A_1131 : vector<16xf32>
      %swap3A_1133 = arith.constant 16 : index
      %swap3A_1134 = tpu.vector_load %arg21[%swap3A_1133] {strides = array<i32>} : memref<80xf32, #tpu.memory_space<vmem>>, vector<16xf32>,
      tpu.vector_store %arg21[%swap3A_1133], %exp3A_1132 {strides = array<i32>} : memref<80xf32, #tpu.memory_space<vmem>>, vector<16xf32>,
      %get3A_1135 = arith.index_cast %add3A_1084 : i32 to index
      %get3A_1136 = arith.constant 32 : index
      %get3A_1137 = tpu.vector_load %arg13[%get3A_1135, %get3A_1136] {strides = array<i32>} : memref<250x80xi32, #tpu.memory_space<vmem>>, vector<16xi32>,
      %get3A_1138 = arith.index_cast %add3A_1084 : i32 to index
      %get3A_1139 = arith.constant 32 : index
      %get3A_1140 = tpu.vector_load %arg14[%get3A_1138, %get3A_1139] {strides = array<i32>} : memref<250x80xi32, #tpu.memory_space<vmem>>, vector<16xi32>,
      %add3A_1141 = vector.broadcast %mul3A_195 : i32 to vector<16xi32>
      %add3A_1142 = arith.addi %get3A_1137, %add3A_1141 : vector<16xi32>
      %swap3A_1143 = arith.constant 32 : index
      %swap3A_1144 = tpu.vector_load %arg19[%swap3A_1143] {strides = array<i32>} : memref<80xi32, #tpu.memory_space<vmem>>, vector<16xi32>,
      tpu.vector_store %arg19[%swap3A_1143], %add3A_1142 {strides = array<i32>} : memref<80xi32, #tpu.memory_space<vmem>>, vector<16xi32>,
      %swap3A_1145 = arith.constant 32 : index
      %swap3A_1146 = tpu.vector_load %arg20[%swap3A_1145] {strides = array<i32>} : memref<80xi32, #tpu.memory_space<vmem>>, vector<16xi32>,
      tpu.vector_store %arg20[%swap3A_1145], %get3A_1140 {strides = array<i32>} : memref<80xi32, #tpu.memory_space<vmem>>, vector<16xi32>,
      %gather3A_1147 = tpu.vector_load_idx %arg11[%get3A_1137] : memref<10000xf32, #tpu.memory_space<vmem>>[vector<16xi32>], vector<16xf32>,
      %gather3A_1148 = tpu.vector_load_idx %arg12[%get3A_1140] : memref<10000xf32, #tpu.memory_space<vmem>>[vector<16xi32>], vector<16xf32>,
      %add3A_1149 = arith.addf %gather3A_1147, %gather3A_1148 : vector<16xf32>
      %gt3A_1150 = arith.constant 0.000000e+00 : f32
      %gt3A_1151 = vector.broadcast %gt3A_1150 : f32 to vector<16xf32>
      %gt3A_1152 = arith.cmpf ogt, %add3A_1149, %gt3A_1151 : vector<16xf32>
      %mul3A_1153 = arith.constant 2.000000e-01 : f32
      %mul3A_1154 = vector.broadcast %mul3A_1153 : f32 to vector<16xf32>
      %mul3A_1155 = arith.mulf %mul3A_1154, %add3A_1149 : vector<16xf32>
      %select_n3A_1156 = arith.select %gt3A_1152, %add3A_1149, %mul3A_1155 : vector<16xi1>, vector<16xf32>
      %exp3A_1157 = math.exp %select_n3A_1156 : vector<16xf32>
      %swap3A_1158 = arith.constant 32 : index
      %swap3A_1159 = tpu.vector_load %arg21[%swap3A_1158] {strides = array<i32>} : memref<80xf32, #tpu.memory_space<vmem>>, vector<16xf32>,
      tpu.vector_store %arg21[%swap3A_1158], %exp3A_1157 {strides = array<i32>} : memref<80xf32, #tpu.memory_space<vmem>>, vector<16xf32>,
      %get3A_1160 = arith.index_cast %add3A_1084 : i32 to index
      %get3A_1161 = arith.constant 48 : index
      %get3A_1162 = tpu.vector_load %arg13[%get3A_1160, %get3A_1161] {strides = array<i32>} : memref<250x80xi32, #tpu.memory_space<vmem>>, vector<16xi32>,
      %get3A_1163 = arith.index_cast %add3A_1084 : i32 to index
      %get3A_1164 = arith.constant 48 : index
      %get3A_1165 = tpu.vector_load %arg14[%get3A_1163, %get3A_1164] {strides = array<i32>} : memref<250x80xi32, #tpu.memory_space<vmem>>, vector<16xi32>,
      %add3A_1166 = vector.broadcast %mul3A_195 : i32 to vector<16xi32>
      %add3A_1167 = arith.addi %get3A_1162, %add3A_1166 : vector<16xi32>
      %swap3A_1168 = arith.constant 48 : index
      %swap3A_1169 = tpu.vector_load %arg19[%swap3A_1168] {strides = array<i32>} : memref<80xi32, #tpu.memory_space<vmem>>, vector<16xi32>,
      tpu.vector_store %arg19[%swap3A_1168], %add3A_1167 {strides = array<i32>} : memref<80xi32, #tpu.memory_space<vmem>>, vector<16xi32>,
      %swap3A_1170 = arith.constant 48 : index
      %swap3A_1171 = tpu.vector_load %arg20[%swap3A_1170] {strides = array<i32>} : memref<80xi32, #tpu.memory_space<vmem>>, vector<16xi32>,
      tpu.vector_store %arg20[%swap3A_1170], %get3A_1165 {strides = array<i32>} : memref<80xi32, #tpu.memory_space<vmem>>, vector<16xi32>,
      %gather3A_1172 = tpu.vector_load_idx %arg11[%get3A_1162] : memref<10000xf32, #tpu.memory_space<vmem>>[vector<16xi32>], vector<16xf32>,
      %gather3A_1173 = tpu.vector_load_idx %arg12[%get3A_1165] : memref<10000xf32, #tpu.memory_space<vmem>>[vector<16xi32>], vector<16xf32>,
      %add3A_1174 = arith.addf %gather3A_1172, %gather3A_1173 : vector<16xf32>
      %gt3A_1175 = arith.constant 0.000000e+00 : f32
      %gt3A_1176 = vector.broadcast %gt3A_1175 : f32 to vector<16xf32>
      %gt3A_1177 = arith.cmpf ogt, %add3A_1174, %gt3A_1176 : vector<16xf32>
      %mul3A_1178 = arith.constant 2.000000e-01 : f32
      %mul3A_1179 = vector.broadcast %mul3A_1178 : f32 to vector<16xf32>
      %mul3A_1180 = arith.mulf %mul3A_1179, %add3A_1174 : vector<16xf32>
      %select_n3A_1181 = arith.select %gt3A_1177, %add3A_1174, %mul3A_1180 : vector<16xi1>, vector<16xf32>
      %exp3A_1182 = math.exp %select_n3A_1181 : vector<16xf32>
      %swap3A_1183 = arith.constant 48 : index
      %swap3A_1184 = tpu.vector_load %arg21[%swap3A_1183] {strides = array<i32>} : memref<80xf32, #tpu.memory_space<vmem>>, vector<16xf32>,
      tpu.vector_store %arg21[%swap3A_1183], %exp3A_1182 {strides = array<i32>} : memref<80xf32, #tpu.memory_space<vmem>>, vector<16xf32>,
      %get3A_1185 = arith.index_cast %add3A_1084 : i32 to index
      %get3A_1186 = arith.constant 64 : index
      %get3A_1187 = tpu.vector_load %arg13[%get3A_1185, %get3A_1186] {strides = array<i32>} : memref<250x80xi32, #tpu.memory_space<vmem>>, vector<16xi32>,
      %get3A_1188 = arith.index_cast %add3A_1084 : i32 to index
      %get3A_1189 = arith.constant 64 : index
      %get3A_1190 = tpu.vector_load %arg14[%get3A_1188, %get3A_1189] {strides = array<i32>} : memref<250x80xi32, #tpu.memory_space<vmem>>, vector<16xi32>,
      %add3A_1191 = vector.broadcast %mul3A_195 : i32 to vector<16xi32>
      %add3A_1192 = arith.addi %get3A_1187, %add3A_1191 : vector<16xi32>
      %swap3A_1193 = arith.constant 64 : index
      %swap3A_1194 = tpu.vector_load %arg19[%swap3A_1193] {strides = array<i32>} : memref<80xi32, #tpu.memory_space<vmem>>, vector<16xi32>,
      tpu.vector_store %arg19[%swap3A_1193], %add3A_1192 {strides = array<i32>} : memref<80xi32, #tpu.memory_space<vmem>>, vector<16xi32>,
      %swap3A_1195 = arith.constant 64 : index
      %swap3A_1196 = tpu.vector_load %arg20[%swap3A_1195] {strides = array<i32>} : memref<80xi32, #tpu.memory_space<vmem>>, vector<16xi32>,
      tpu.vector_store %arg20[%swap3A_1195], %get3A_1190 {strides = array<i32>} : memref<80xi32, #tpu.memory_space<vmem>>, vector<16xi32>,
      %gather3A_1197 = tpu.vector_load_idx %arg11[%get3A_1187] : memref<10000xf32, #tpu.memory_space<vmem>>[vector<16xi32>], vector<16xf32>,
      %gather3A_1198 = tpu.vector_load_idx %arg12[%get3A_1190] : memref<10000xf32, #tpu.memory_space<vmem>>[vector<16xi32>], vector<16xf32>,
      %add3A_1199 = arith.addf %gather3A_1197, %gather3A_1198 : vector<16xf32>
      %gt3A_1200 = arith.constant 0.000000e+00 : f32
      %gt3A_1201 = vector.broadcast %gt3A_1200 : f32 to vector<16xf32>
      %gt3A_1202 = arith.cmpf ogt, %add3A_1199, %gt3A_1201 : vector<16xf32>
      %mul3A_1203 = arith.constant 2.000000e-01 : f32
      %mul3A_1204 = vector.broadcast %mul3A_1203 : f32 to vector<16xf32>
      %mul3A_1205 = arith.mulf %mul3A_1204, %add3A_1199 : vector<16xf32>
      %select_n3A_1206 = arith.select %gt3A_1202, %add3A_1199, %mul3A_1205 : vector<16xi1>, vector<16xf32>
      %exp3A_1207 = math.exp %select_n3A_1206 : vector<16xf32>
      %swap3A_1208 = arith.constant 64 : index
      %swap3A_1209 = tpu.vector_load %arg21[%swap3A_1208] {strides = array<i32>} : memref<80xf32, #tpu.memory_space<vmem>>, vector<16xf32>,
      tpu.vector_store %arg21[%swap3A_1208], %exp3A_1207 {strides = array<i32>} : memref<80xf32, #tpu.memory_space<vmem>>, vector<16xf32>,
      %dma_start3A_1210 = arith.constant 0 : i32
      %dma_start3A_1211 = arith.constant 0 : i32
      %dma_start3A_1212 = tpu.memref_slice %arg6[%dma_start3A_1210, %dma_start3A_1211] : memref<20000x64xf32, #tpu.memory_space<hbm>> -> memref<20000x64xf32, #tpu.memory_space<hbm>>
      tpu.enqueue_indirect_dma source(%dma_start3A_1212 : memref<20000x64xf32, #tpu.memory_space<hbm>>) target(%arg22 : memref<80x64xf32, #tpu.memory_space<vmem>>) offsets(%arg19 : memref<80xi32, #tpu.memory_space<vmem>>) semaphore(%arg33 : memref<!tpu.dma_semaphore, #tpu.memory_space<semaphore_mem>>)
      %dma_wait3A_1213 = arith.constant 0 : i32
      %dma_wait3A_1214 = arith.constant 0 : i32
      %dma_wait3A_1215 = tpu.memref_slice %arg6[%dma_wait3A_1213, %dma_wait3A_1214] : memref<20000x64xf32, #tpu.memory_space<hbm>> -> memref<20000x64xf32, #tpu.memory_space<hbm>>
      tpu.wait_indirect_dma semaphore(%arg39 : memref<!tpu.dma_semaphore, #tpu.memory_space<semaphore_mem>>) src(%dma_wait3A_1215 : memref<20000x64xf32, #tpu.memory_space<hbm>>) dst(%arg30 : memref<80x64xf32, #tpu.memory_space<vmem>>)
      %parallel_loop3A_1216 = arith.constant 0 : i32
      %parallel_loop3A_1217 = arith.constant 80 : i32
      %parallel_loop3A_1218 = arith.constant 1 : i32
      scf.for %parallel_loop3A_1227 = %parallel_loop3A_1216 to %parallel_loop3A_1217 step %parallel_loop3A_1218  : i32 {
        %parallel_loop3A_1228 = vector.broadcast %parallel_loop3A_1227 : i32 to vector<16xi32>
        %parallel_loop3A_1229 = tpu.vector_load_idx %arg29[%parallel_loop3A_1228] : memref<80xf32, #tpu.memory_space<vmem>>[vector<16xi32>], vector<16xf32>,
        %parallel_loop3A_1230 = arith.index_cast %parallel_loop3A_1227 : i32 to index
        %parallel_loop3A_1231 = arith.constant 0 : index
        %parallel_loop3A_1232 = tpu.vector_load %arg30[%parallel_loop3A_1230, %parallel_loop3A_1231] {strides = array<i32>} : memref<80x64xf32, #tpu.memory_space<vmem>>, vector<16xf32>,
        %parallel_loop3A_1233 = arith.mulf %parallel_loop3A_1232, %parallel_loop3A_1229 : vector<16xf32>
        %parallel_loop3A_1234 = arith.index_cast %parallel_loop3A_1227 : i32 to index
        %parallel_loop3A_1235 = arith.constant 0 : index
        %parallel_loop3A_1236 = tpu.vector_load %arg30[%parallel_loop3A_1234, %parallel_loop3A_1235] {strides = array<i32>} : memref<80x64xf32, #tpu.memory_space<vmem>>, vector<16xf32>,
        tpu.vector_store %arg30[%parallel_loop3A_1234, %parallel_loop3A_1235], %parallel_loop3A_1233 {strides = array<i32>} : memref<80x64xf32, #tpu.memory_space<vmem>>, vector<16xf32>,
        %parallel_loop3A_1237 = arith.index_cast %parallel_loop3A_1227 : i32 to index
        %parallel_loop3A_1238 = arith.constant 16 : index
        %parallel_loop3A_1239 = tpu.vector_load %arg30[%parallel_loop3A_1237, %parallel_loop3A_1238] {strides = array<i32>} : memref<80x64xf32, #tpu.memory_space<vmem>>, vector<16xf32>,
        %parallel_loop3A_1240 = arith.mulf %parallel_loop3A_1239, %parallel_loop3A_1229 : vector<16xf32>
        %parallel_loop3A_1241 = arith.index_cast %parallel_loop3A_1227 : i32 to index
        %parallel_loop3A_1242 = arith.constant 16 : index
        %parallel_loop3A_1243 = tpu.vector_load %arg30[%parallel_loop3A_1241, %parallel_loop3A_1242] {strides = array<i32>} : memref<80x64xf32, #tpu.memory_space<vmem>>, vector<16xf32>,
        tpu.vector_store %arg30[%parallel_loop3A_1241, %parallel_loop3A_1242], %parallel_loop3A_1240 {strides = array<i32>} : memref<80x64xf32, #tpu.memory_space<vmem>>, vector<16xf32>,
        %parallel_loop3A_1244 = arith.index_cast %parallel_loop3A_1227 : i32 to index
        %parallel_loop3A_1245 = arith.constant 32 : index
        %parallel_loop3A_1246 = tpu.vector_load %arg30[%parallel_loop3A_1244, %parallel_loop3A_1245] {strides = array<i32>} : memref<80x64xf32, #tpu.memory_space<vmem>>, vector<16xf32>,
        %parallel_loop3A_1247 = arith.mulf %parallel_loop3A_1246, %parallel_loop3A_1229 : vector<16xf32>
        %parallel_loop3A_1248 = arith.index_cast %parallel_loop3A_1227 : i32 to index
        %parallel_loop3A_1249 = arith.constant 32 : index
        %parallel_loop3A_1250 = tpu.vector_load %arg30[%parallel_loop3A_1248, %parallel_loop3A_1249] {strides = array<i32>} : memref<80x64xf32, #tpu.memory_space<vmem>>, vector<16xf32>,
        tpu.vector_store %arg30[%parallel_loop3A_1248, %parallel_loop3A_1249], %parallel_loop3A_1247 {strides = array<i32>} : memref<80x64xf32, #tpu.memory_space<vmem>>, vector<16xf32>,
        %parallel_loop3A_1251 = arith.index_cast %parallel_loop3A_1227 : i32 to index
        %parallel_loop3A_1252 = arith.constant 48 : index
        %parallel_loop3A_1253 = tpu.vector_load %arg30[%parallel_loop3A_1251, %parallel_loop3A_1252] {strides = array<i32>} : memref<80x64xf32, #tpu.memory_space<vmem>>, vector<16xf32>,
        %parallel_loop3A_1254 = arith.mulf %parallel_loop3A_1253, %parallel_loop3A_1229 : vector<16xf32>
        %parallel_loop3A_1255 = arith.index_cast %parallel_loop3A_1227 : i32 to index
        %parallel_loop3A_1256 = arith.constant 48 : index
        %parallel_loop3A_1257 = tpu.vector_load %arg30[%parallel_loop3A_1255, %parallel_loop3A_1256] {strides = array<i32>} : memref<80x64xf32, #tpu.memory_space<vmem>>, vector<16xf32>,
        tpu.vector_store %arg30[%parallel_loop3A_1255, %parallel_loop3A_1256], %parallel_loop3A_1254 {strides = array<i32>} : memref<80x64xf32, #tpu.memory_space<vmem>>, vector<16xf32>,
      } {sc.loop_unroll_factor = 8 : i64, sc.parallel_access}
      %dma_start3A_1219 = arith.constant 0 : i32
      %dma_start3A_1220 = arith.constant 0 : i32
      %dma_start3A_1221 = tpu.memref_slice %arg9[%dma_start3A_1219, %dma_start3A_1220] : memref<10000x64xf32, #tpu.memory_space<vmem_shared>> -> memref<10000x64xf32, #tpu.memory_space<vmem_shared>>
      tpu.enqueue_indirect_dma source(%arg30 : memref<80x64xf32, #tpu.memory_space<vmem>>) target(%dma_start3A_1221 : memref<10000x64xf32, #tpu.memory_space<vmem_shared>>) offsets(%arg28 : memref<80xi32, #tpu.memory_space<vmem>>) semaphore(%arg41 : memref<!tpu.dma_semaphore, #tpu.memory_space<semaphore_mem>>) {add = true}
      %eq3A_1222 = arith.constant 0 : i32
      %eq3A_1223 = arith.cmpi eq, %arg0, %eq3A_1222 : i32
      %convert_element_type3A_1224 = arith.extui %eq3A_1223 : i1 to i32
      %cond3A_1225 = arith.constant 0 : i32
      %cond3A_1226 = arith.cmpi ne, %convert_element_type3A_1224, %cond3A_1225 : i32
      scf.if %cond3A_1226 {
        %dma_start3A_1227 = arith.constant 0 : i32
        %dma_start3A_1228 = tpu.memref_slice %arg10[%dma_start3A_1227] : memref<10000xf32, #tpu.memory_space<vmem_shared>> -> memref<10000xf32, #tpu.memory_space<vmem_shared>>
        tpu.enqueue_indirect_dma source(%arg29 : memref<80xf32, #tpu.memory_space<vmem>>) target(%dma_start3A_1228 : memref<10000xf32, #tpu.memory_space<vmem_shared>>) offsets(%arg28 : memref<80xi32, #tpu.memory_space<vmem>>) semaphore(%arg43 : memref<!tpu.dma_semaphore, #tpu.memory_space<semaphore_mem>>) {add = true}
      } else {
      }
    }
    %scan3A_472 = arith.constant 62 : i32
    %dma_wait3A_473 = arith.constant 0 : i32
    %dma_wait3A_474 = arith.constant 0 : i32
    %dma_wait3A_475 = tpu.memref_slice %arg6[%dma_wait3A_473, %dma_wait3A_474] : memref<20000x64xf32, #tpu.memory_space<hbm>> -> memref<20000x64xf32, #tpu.memory_space<hbm>>
    tpu.wait_indirect_dma semaphore(%arg32 : memref<!tpu.dma_semaphore, #tpu.memory_space<semaphore_mem>>) src(%dma_wait3A_475 : memref<20000x64xf32, #tpu.memory_space<hbm>>) dst(%arg18 : memref<80x64xf32, #tpu.memory_space<vmem>>)
    %parallel_loop3A_476 = arith.constant 0 : i32
    %parallel_loop3A_477 = arith.constant 80 : i32
    %parallel_loop3A_478 = arith.constant 1 : i32
    scf.for %parallel_loop3A_608 = %parallel_loop3A_476 to %parallel_loop3A_477 step %parallel_loop3A_478  : i32 {
      %parallel_loop3A_609 = vector.broadcast %parallel_loop3A_608 : i32 to vector<16xi32>
      %parallel_loop3A_610 = tpu.vector_load_idx %arg17[%parallel_loop3A_609] : memref<80xf32, #tpu.memory_space<vmem>>[vector<16xi32>], vector<16xf32>,
      %parallel_loop3A_611 = arith.index_cast %parallel_loop3A_608 : i32 to index
      %parallel_loop3A_612 = arith.constant 0 : index
      %parallel_loop3A_613 = tpu.vector_load %arg18[%parallel_loop3A_611, %parallel_loop3A_612] {strides = array<i32>} : memref<80x64xf32, #tpu.memory_space<vmem>>, vector<16xf32>,
      %parallel_loop3A_614 = arith.mulf %parallel_loop3A_613, %parallel_loop3A_610 : vector<16xf32>
      %parallel_loop3A_615 = arith.index_cast %parallel_loop3A_608 : i32 to index
      %parallel_loop3A_616 = arith.constant 0 : index
      %parallel_loop3A_617 = tpu.vector_load %arg18[%parallel_loop3A_615, %parallel_loop3A_616] {strides = array<i32>} : memref<80x64xf32, #tpu.memory_space<vmem>>, vector<16xf32>,
      tpu.vector_store %arg18[%parallel_loop3A_615, %parallel_loop3A_616], %parallel_loop3A_614 {strides = array<i32>} : memref<80x64xf32, #tpu.memory_space<vmem>>, vector<16xf32>,
      %parallel_loop3A_618 = arith.index_cast %parallel_loop3A_608 : i32 to index
      %parallel_loop3A_619 = arith.constant 16 : index
      %parallel_loop3A_620 = tpu.vector_load %arg18[%parallel_loop3A_618, %parallel_loop3A_619] {strides = array<i32>} : memref<80x64xf32, #tpu.memory_space<vmem>>, vector<16xf32>,
      %parallel_loop3A_621 = arith.mulf %parallel_loop3A_620, %parallel_loop3A_610 : vector<16xf32>
      %parallel_loop3A_622 = arith.index_cast %parallel_loop3A_608 : i32 to index
      %parallel_loop3A_623 = arith.constant 16 : index
      %parallel_loop3A_624 = tpu.vector_load %arg18[%parallel_loop3A_622, %parallel_loop3A_623] {strides = array<i32>} : memref<80x64xf32, #tpu.memory_space<vmem>>, vector<16xf32>,
      tpu.vector_store %arg18[%parallel_loop3A_622, %parallel_loop3A_623], %parallel_loop3A_621 {strides = array<i32>} : memref<80x64xf32, #tpu.memory_space<vmem>>, vector<16xf32>,
      %parallel_loop3A_625 = arith.index_cast %parallel_loop3A_608 : i32 to index
      %parallel_loop3A_626 = arith.constant 32 : index
      %parallel_loop3A_627 = tpu.vector_load %arg18[%parallel_loop3A_625, %parallel_loop3A_626] {strides = array<i32>} : memref<80x64xf32, #tpu.memory_space<vmem>>, vector<16xf32>,
      %parallel_loop3A_628 = arith.mulf %parallel_loop3A_627, %parallel_loop3A_610 : vector<16xf32>
      %parallel_loop3A_629 = arith.index_cast %parallel_loop3A_608 : i32 to index
      %parallel_loop3A_630 = arith.constant 32 : index
      %parallel_loop3A_631 = tpu.vector_load %arg18[%parallel_loop3A_629, %parallel_loop3A_630] {strides = array<i32>} : memref<80x64xf32, #tpu.memory_space<vmem>>, vector<16xf32>,
      tpu.vector_store %arg18[%parallel_loop3A_629, %parallel_loop3A_630], %parallel_loop3A_628 {strides = array<i32>} : memref<80x64xf32, #tpu.memory_space<vmem>>, vector<16xf32>,
      %parallel_loop3A_632 = arith.index_cast %parallel_loop3A_608 : i32 to index
      %parallel_loop3A_633 = arith.constant 48 : index
      %parallel_loop3A_634 = tpu.vector_load %arg18[%parallel_loop3A_632, %parallel_loop3A_633] {strides = array<i32>} : memref<80x64xf32, #tpu.memory_space<vmem>>, vector<16xf32>,
      %parallel_loop3A_635 = arith.mulf %parallel_loop3A_634, %parallel_loop3A_610 : vector<16xf32>
      %parallel_loop3A_636 = arith.index_cast %parallel_loop3A_608 : i32 to index
      %parallel_loop3A_637 = arith.constant 48 : index
      %parallel_loop3A_638 = tpu.vector_load %arg18[%parallel_loop3A_636, %parallel_loop3A_637] {strides = array<i32>} : memref<80x64xf32, #tpu.memory_space<vmem>>, vector<16xf32>,
      tpu.vector_store %arg18[%parallel_loop3A_636, %parallel_loop3A_637], %parallel_loop3A_635 {strides = array<i32>} : memref<80x64xf32, #tpu.memory_space<vmem>>, vector<16xf32>,
    } {sc.loop_unroll_factor = 8 : i64, sc.parallel_access}
    %dma_start3A_479 = arith.constant 0 : i32
    %dma_start3A_480 = arith.constant 0 : i32
    %dma_start3A_481 = tpu.memref_slice %arg9[%dma_start3A_479, %dma_start3A_480] : memref<10000x64xf32, #tpu.memory_space<vmem_shared>> -> memref<10000x64xf32, #tpu.memory_space<vmem_shared>>
    tpu.enqueue_indirect_dma source(%arg18 : memref<80x64xf32, #tpu.memory_space<vmem>>) target(%dma_start3A_481 : memref<10000x64xf32, #tpu.memory_space<vmem_shared>>) offsets(%arg16 : memref<80xi32, #tpu.memory_space<vmem>>) semaphore(%arg34 : memref<!tpu.dma_semaphore, #tpu.memory_space<semaphore_mem>>) {add = true}
    %eq3A = arith.constant 0 : i32
    %eq3A_482 = arith.cmpi eq, %arg0, %eq3A : i32
    %convert_element_type3A_483 = arith.extui %eq3A_482 : i1 to i32
    %cond3A_484 = arith.constant 0 : i32
    %cond3A_485 = arith.cmpi ne, %convert_element_type3A_483, %cond3A_484 : i32
    scf.if %cond3A_485 {
      %dma_start3A_608 = arith.constant 0 : i32
      %dma_start3A_609 = tpu.memref_slice %arg10[%dma_start3A_608] : memref<10000xf32, #tpu.memory_space<vmem_shared>> -> memref<10000xf32, #tpu.memory_space<vmem_shared>>
      tpu.enqueue_indirect_dma source(%arg17 : memref<80xf32, #tpu.memory_space<vmem>>) target(%dma_start3A_609 : memref<10000xf32, #tpu.memory_space<vmem_shared>>) offsets(%arg16 : memref<80xi32, #tpu.memory_space<vmem>>) semaphore(%arg36 : memref<!tpu.dma_semaphore, #tpu.memory_space<semaphore_mem>>) {add = true}
    } else {
    }
    %dma_wait3A_486 = arith.constant 0 : i32
    %dma_wait3A_487 = arith.constant 0 : i32
    %dma_wait3A_488 = tpu.memref_slice %arg6[%dma_wait3A_486, %dma_wait3A_487] : memref<20000x64xf32, #tpu.memory_space<hbm>> -> memref<20000x64xf32, #tpu.memory_space<hbm>>
    tpu.wait_indirect_dma semaphore(%arg33 : memref<!tpu.dma_semaphore, #tpu.memory_space<semaphore_mem>>) src(%dma_wait3A_488 : memref<20000x64xf32, #tpu.memory_space<hbm>>) dst(%arg22 : memref<80x64xf32, #tpu.memory_space<vmem>>)
    %parallel_loop3A_489 = arith.constant 0 : i32
    %parallel_loop3A_490 = arith.constant 80 : i32
    %parallel_loop3A_491 = arith.constant 1 : i32
    scf.for %parallel_loop3A_608 = %parallel_loop3A_489 to %parallel_loop3A_490 step %parallel_loop3A_491  : i32 {
      %parallel_loop3A_609 = vector.broadcast %parallel_loop3A_608 : i32 to vector<16xi32>
      %parallel_loop3A_610 = tpu.vector_load_idx %arg21[%parallel_loop3A_609] : memref<80xf32, #tpu.memory_space<vmem>>[vector<16xi32>], vector<16xf32>,
      %parallel_loop3A_611 = arith.index_cast %parallel_loop3A_608 : i32 to index
      %parallel_loop3A_612 = arith.constant 0 : index
      %parallel_loop3A_613 = tpu.vector_load %arg22[%parallel_loop3A_611, %parallel_loop3A_612] {strides = array<i32>} : memref<80x64xf32, #tpu.memory_space<vmem>>, vector<16xf32>,
      %parallel_loop3A_614 = arith.mulf %parallel_loop3A_613, %parallel_loop3A_610 : vector<16xf32>
      %parallel_loop3A_615 = arith.index_cast %parallel_loop3A_608 : i32 to index
      %parallel_loop3A_616 = arith.constant 0 : index
      %parallel_loop3A_617 = tpu.vector_load %arg22[%parallel_loop3A_615, %parallel_loop3A_616] {strides = array<i32>} : memref<80x64xf32, #tpu.memory_space<vmem>>, vector<16xf32>,
      tpu.vector_store %arg22[%parallel_loop3A_615, %parallel_loop3A_616], %parallel_loop3A_614 {strides = array<i32>} : memref<80x64xf32, #tpu.memory_space<vmem>>, vector<16xf32>,
      %parallel_loop3A_618 = arith.index_cast %parallel_loop3A_608 : i32 to index
      %parallel_loop3A_619 = arith.constant 16 : index
      %parallel_loop3A_620 = tpu.vector_load %arg22[%parallel_loop3A_618, %parallel_loop3A_619] {strides = array<i32>} : memref<80x64xf32, #tpu.memory_space<vmem>>, vector<16xf32>,
      %parallel_loop3A_621 = arith.mulf %parallel_loop3A_620, %parallel_loop3A_610 : vector<16xf32>
      %parallel_loop3A_622 = arith.index_cast %parallel_loop3A_608 : i32 to index
      %parallel_loop3A_623 = arith.constant 16 : index
      %parallel_loop3A_624 = tpu.vector_load %arg22[%parallel_loop3A_622, %parallel_loop3A_623] {strides = array<i32>} : memref<80x64xf32, #tpu.memory_space<vmem>>, vector<16xf32>,
      tpu.vector_store %arg22[%parallel_loop3A_622, %parallel_loop3A_623], %parallel_loop3A_621 {strides = array<i32>} : memref<80x64xf32, #tpu.memory_space<vmem>>, vector<16xf32>,
      %parallel_loop3A_625 = arith.index_cast %parallel_loop3A_608 : i32 to index
      %parallel_loop3A_626 = arith.constant 32 : index
      %parallel_loop3A_627 = tpu.vector_load %arg22[%parallel_loop3A_625, %parallel_loop3A_626] {strides = array<i32>} : memref<80x64xf32, #tpu.memory_space<vmem>>, vector<16xf32>,
      %parallel_loop3A_628 = arith.mulf %parallel_loop3A_627, %parallel_loop3A_610 : vector<16xf32>
      %parallel_loop3A_629 = arith.index_cast %parallel_loop3A_608 : i32 to index
      %parallel_loop3A_630 = arith.constant 32 : index
      %parallel_loop3A_631 = tpu.vector_load %arg22[%parallel_loop3A_629, %parallel_loop3A_630] {strides = array<i32>} : memref<80x64xf32, #tpu.memory_space<vmem>>, vector<16xf32>,
      tpu.vector_store %arg22[%parallel_loop3A_629, %parallel_loop3A_630], %parallel_loop3A_628 {strides = array<i32>} : memref<80x64xf32, #tpu.memory_space<vmem>>, vector<16xf32>,
      %parallel_loop3A_632 = arith.index_cast %parallel_loop3A_608 : i32 to index
      %parallel_loop3A_633 = arith.constant 48 : index
      %parallel_loop3A_634 = tpu.vector_load %arg22[%parallel_loop3A_632, %parallel_loop3A_633] {strides = array<i32>} : memref<80x64xf32, #tpu.memory_space<vmem>>, vector<16xf32>,
      %parallel_loop3A_635 = arith.mulf %parallel_loop3A_634, %parallel_loop3A_610 : vector<16xf32>
      %parallel_loop3A_636 = arith.index_cast %parallel_loop3A_608 : i32 to index
      %parallel_loop3A_637 = arith.constant 48 : index
      %parallel_loop3A_638 = tpu.vector_load %arg22[%parallel_loop3A_636, %parallel_loop3A_637] {strides = array<i32>} : memref<80x64xf32, #tpu.memory_space<vmem>>, vector<16xf32>,
      tpu.vector_store %arg22[%parallel_loop3A_636, %parallel_loop3A_637], %parallel_loop3A_635 {strides = array<i32>} : memref<80x64xf32, #tpu.memory_space<vmem>>, vector<16xf32>,
    } {sc.loop_unroll_factor = 8 : i64, sc.parallel_access}
    %dma_start3A_492 = arith.constant 0 : i32
    %dma_start3A_493 = arith.constant 0 : i32
    %dma_start3A_494 = tpu.memref_slice %arg9[%dma_start3A_492, %dma_start3A_493] : memref<10000x64xf32, #tpu.memory_space<vmem_shared>> -> memref<10000x64xf32, #tpu.memory_space<vmem_shared>>
    tpu.enqueue_indirect_dma source(%arg22 : memref<80x64xf32, #tpu.memory_space<vmem>>) target(%dma_start3A_494 : memref<10000x64xf32, #tpu.memory_space<vmem_shared>>) offsets(%arg20 : memref<80xi32, #tpu.memory_space<vmem>>) semaphore(%arg35 : memref<!tpu.dma_semaphore, #tpu.memory_space<semaphore_mem>>) {add = true}
    %eq3A_495 = arith.constant 0 : i32
    %eq3A_496 = arith.cmpi eq, %arg0, %eq3A_495 : i32
    %convert_element_type3A_497 = arith.extui %eq3A_496 : i1 to i32
    %cond3A_498 = arith.constant 0 : i32
    %cond3A_499 = arith.cmpi ne, %convert_element_type3A_497, %cond3A_498 : i32
    scf.if %cond3A_499 {
      %dma_start3A_608 = arith.constant 0 : i32
      %dma_start3A_609 = tpu.memref_slice %arg10[%dma_start3A_608] : memref<10000xf32, #tpu.memory_space<vmem_shared>> -> memref<10000xf32, #tpu.memory_space<vmem_shared>>
      tpu.enqueue_indirect_dma source(%arg21 : memref<80xf32, #tpu.memory_space<vmem>>) target(%dma_start3A_609 : memref<10000xf32, #tpu.memory_space<vmem_shared>>) offsets(%arg20 : memref<80xi32, #tpu.memory_space<vmem>>) semaphore(%arg37 : memref<!tpu.dma_semaphore, #tpu.memory_space<semaphore_mem>>) {add = true}
    } else {
    }
    %dma_wait3A_500 = arith.constant 0 : i32
    %dma_wait3A_501 = arith.constant 0 : i32
    %dma_wait3A_502 = tpu.memref_slice %arg9[%dma_wait3A_500, %dma_wait3A_501] : memref<10000x64xf32, #tpu.memory_space<vmem_shared>> -> memref<10000x64xf32, #tpu.memory_space<vmem_shared>>
    tpu.wait_indirect_dma semaphore(%arg40 : memref<!tpu.dma_semaphore, #tpu.memory_space<semaphore_mem>>) src(%arg26 : memref<80x64xf32, #tpu.memory_space<vmem>>) dst(%dma_wait3A_502 : memref<10000x64xf32, #tpu.memory_space<vmem_shared>>)
    %eq3A_503 = arith.constant 0 : i32
    %eq3A_504 = arith.cmpi eq, %arg0, %eq3A_503 : i32
    %convert_element_type3A_505 = arith.extui %eq3A_504 : i1 to i32
    %cond3A_506 = arith.constant 0 : i32
    %cond3A_507 = arith.cmpi ne, %convert_element_type3A_505, %cond3A_506 : i32
    scf.if %cond3A_507 {
      %dma_wait3A_608 = arith.constant 0 : i32
      %dma_wait3A_609 = tpu.memref_slice %arg10[%dma_wait3A_608] : memref<10000xf32, #tpu.memory_space<vmem_shared>> -> memref<10000xf32, #tpu.memory_space<vmem_shared>>
      tpu.wait_indirect_dma semaphore(%arg42 : memref<!tpu.dma_semaphore, #tpu.memory_space<semaphore_mem>>) src(%arg25 : memref<80xf32, #tpu.memory_space<vmem>>) dst(%dma_wait3A_609 : memref<10000xf32, #tpu.memory_space<vmem_shared>>)
    } else {
    }
    %dma_wait3A_508 = arith.constant 0 : i32
    %dma_wait3A_509 = arith.constant 0 : i32
    %dma_wait3A_510 = tpu.memref_slice %arg9[%dma_wait3A_508, %dma_wait3A_509] : memref<10000x64xf32, #tpu.memory_space<vmem_shared>> -> memref<10000x64xf32, #tpu.memory_space<vmem_shared>>
    tpu.wait_indirect_dma semaphore(%arg41 : memref<!tpu.dma_semaphore, #tpu.memory_space<semaphore_mem>>) src(%arg30 : memref<80x64xf32, #tpu.memory_space<vmem>>) dst(%dma_wait3A_510 : memref<10000x64xf32, #tpu.memory_space<vmem_shared>>)
    %eq3A_511 = arith.constant 0 : i32
    %eq3A_512 = arith.cmpi eq, %arg0, %eq3A_511 : i32
    %convert_element_type3A_513 = arith.extui %eq3A_512 : i1 to i32
    %cond3A_514 = arith.constant 0 : i32
    %cond3A_515 = arith.cmpi ne, %convert_element_type3A_513, %cond3A_514 : i32
    scf.if %cond3A_515 {
      %dma_wait3A_608 = arith.constant 0 : i32
      %dma_wait3A_609 = tpu.memref_slice %arg10[%dma_wait3A_608] : memref<10000xf32, #tpu.memory_space<vmem_shared>> -> memref<10000xf32, #tpu.memory_space<vmem_shared>>
      tpu.wait_indirect_dma semaphore(%arg43 : memref<!tpu.dma_semaphore, #tpu.memory_space<semaphore_mem>>) src(%arg29 : memref<80xf32, #tpu.memory_space<vmem>>) dst(%dma_wait3A_609 : memref<10000xf32, #tpu.memory_space<vmem_shared>>)
    } else {
    }
    %dma_wait3A_516 = arith.constant 0 : i32
    %dma_wait3A_517 = arith.constant 0 : i32
    %dma_wait3A_518 = tpu.memref_slice %arg9[%dma_wait3A_516, %dma_wait3A_517] : memref<10000x64xf32, #tpu.memory_space<vmem_shared>> -> memref<10000x64xf32, #tpu.memory_space<vmem_shared>>
    tpu.wait_indirect_dma semaphore(%arg34 : memref<!tpu.dma_semaphore, #tpu.memory_space<semaphore_mem>>) src(%arg18 : memref<80x64xf32, #tpu.memory_space<vmem>>) dst(%dma_wait3A_518 : memref<10000x64xf32, #tpu.memory_space<vmem_shared>>)
    %eq3A_519 = arith.constant 0 : i32
    %eq3A_520 = arith.cmpi eq, %arg0, %eq3A_519 : i32
    %convert_element_type3A_521 = arith.extui %eq3A_520 : i1 to i32
    %cond3A_522 = arith.constant 0 : i32
    %cond3A_523 = arith.cmpi ne, %convert_element_type3A_521, %cond3A_522 : i32
    scf.if %cond3A_523 {
      %dma_wait3A_608 = arith.constant 0 : i32
      %dma_wait3A_609 = tpu.memref_slice %arg10[%dma_wait3A_608] : memref<10000xf32, #tpu.memory_space<vmem_shared>> -> memref<10000xf32, #tpu.memory_space<vmem_shared>>
      tpu.wait_indirect_dma semaphore(%arg36 : memref<!tpu.dma_semaphore, #tpu.memory_space<semaphore_mem>>) src(%arg17 : memref<80xf32, #tpu.memory_space<vmem>>) dst(%dma_wait3A_609 : memref<10000xf32, #tpu.memory_space<vmem_shared>>)
    } else {
    }
    %dma_wait3A_524 = arith.constant 0 : i32
    %dma_wait3A_525 = arith.constant 0 : i32
    %dma_wait3A_526 = tpu.memref_slice %arg9[%dma_wait3A_524, %dma_wait3A_525] : memref<10000x64xf32, #tpu.memory_space<vmem_shared>> -> memref<10000x64xf32, #tpu.memory_space<vmem_shared>>
    tpu.wait_indirect_dma semaphore(%arg35 : memref<!tpu.dma_semaphore, #tpu.memory_space<semaphore_mem>>) src(%arg22 : memref<80x64xf32, #tpu.memory_space<vmem>>) dst(%dma_wait3A_526 : memref<10000x64xf32, #tpu.memory_space<vmem_shared>>)
    %eq3A_527 = arith.constant 0 : i32
    %eq3A_528 = arith.cmpi eq, %arg0, %eq3A_527 : i32
    %convert_element_type3A_529 = arith.extui %eq3A_528 : i1 to i32
    %cond3A_530 = arith.constant 0 : i32
    %cond3A_531 = arith.cmpi ne, %convert_element_type3A_529, %cond3A_530 : i32
    scf.if %cond3A_531 {
      %dma_wait3A_608 = arith.constant 0 : i32
      %dma_wait3A_609 = tpu.memref_slice %arg10[%dma_wait3A_608] : memref<10000xf32, #tpu.memory_space<vmem_shared>> -> memref<10000xf32, #tpu.memory_space<vmem_shared>>
      tpu.wait_indirect_dma semaphore(%arg37 : memref<!tpu.dma_semaphore, #tpu.memory_space<semaphore_mem>>) src(%arg21 : memref<80xf32, #tpu.memory_space<vmem>>) dst(%dma_wait3A_609 : memref<10000xf32, #tpu.memory_space<vmem_shared>>)
    } else {
    }
    %barrier3A_532 = arith.constant 0 : index
    tpu.barrier barrier_id(%barrier3A_532)
    %add3A_533 = arith.constant 0 : i32
    %add3A_534 = arith.addi %arg1, %add3A_533 : i32
    %lt3A_535 = arith.constant 125 : i32
    %lt3A_536 = arith.cmpi slt, %add3A_534, %lt3A_535 : i32
    %convert_element_type3A_537 = arith.extui %lt3A_536 : i1 to i32
    %cond3A_538 = arith.constant 0 : i32
    %cond3A_539 = arith.cmpi ne, %convert_element_type3A_537, %cond3A_538 : i32
    scf.if %cond3A_539 {
      %mul3A_608 = arith.constant 80 : i32
      %mul3A_609 = arith.muli %mul3A_608, %add3A_534 : i32
      "tpu.region"() ({
        %run_scoped3A = tpu.sem_alloc : memref<!tpu.dma_semaphore, #tpu.memory_space<semaphore_mem>>
        %dma_start3A_618 = arith.constant 0 : i32
        %dma_start3A_619 = tpu.memref_slice %arg9[%mul3A_609, %dma_start3A_618] : memref<10000x64xf32, #tpu.memory_space<vmem_shared>> -> memref<80x64xf32, #tpu.memory_space<vmem_shared>>
        %dma_start3A_620 = arith.constant 0 : i32
        %dma_start3A_621 = tpu.memref_slice %arg9[%mul3A_609, %dma_start3A_620] : memref<10000x64xf32, #tpu.memory_space<vmem_shared>> -> memref<80x64xf32, #tpu.memory_space<vmem_shared>>
        tpu.enqueue_dma source(%dma_start3A_621 : memref<80x64xf32, #tpu.memory_space<vmem_shared>>) target(%arg18 : memref<80x64xf32, #tpu.memory_space<vmem>>) target_semaphore(%run_scoped3A : memref<!tpu.dma_semaphore, #tpu.memory_space<semaphore_mem>>)
        %dma_wait3A_622 = arith.constant 0 : i32
        %dma_wait3A_623 = tpu.memref_slice %arg9[%mul3A_609, %dma_wait3A_622] : memref<10000x64xf32, #tpu.memory_space<vmem_shared>> -> memref<80x64xf32, #tpu.memory_space<vmem_shared>>
        %dma_wait3A_624 = arith.constant 0 : i32
        %dma_wait3A_625 = tpu.memref_slice %arg9[%mul3A_609, %dma_wait3A_624] : memref<10000x64xf32, #tpu.memory_space<vmem_shared>> -> memref<80x64xf32, #tpu.memory_space<vmem_shared>>
        tpu.wait_dma2 semaphore(%run_scoped3A : memref<!tpu.dma_semaphore, #tpu.memory_space<semaphore_mem>>) src(%dma_wait3A_625 : memref<80x64xf32, #tpu.memory_space<vmem_shared>>) dst(%arg18 : memref<80x64xf32, #tpu.memory_space<vmem>>)
        tpu.yield
      }) : () -> ()
      %mul3A_610 = arith.constant 80 : i32
      %mul3A_611 = arith.muli %mul3A_610, %add3A_534 : i32
      %dma_start3A_612 = arith.constant 0 : i32
      %dma_start3A_613 = tpu.memref_slice %arg7[%arg0, %mul3A_611, %dma_start3A_612] : memref<2x10000x64xf32, #tpu.memory_space<hbm>> -> memref<1x80x64xf32, #tpu.memory_space<hbm>>
      %dma_start3A_614 = tpu.memref_squeeze %dma_start3A_613 : memref<1x80x64xf32, #tpu.memory_space<hbm>> -> memref<80x64xf32, #tpu.memory_space<hbm>>
      %dma_start3A_615 = arith.constant 0 : i32
      %dma_start3A_616 = tpu.memref_slice %arg7[%arg0, %mul3A_611, %dma_start3A_615] : memref<2x10000x64xf32, #tpu.memory_space<hbm>> -> memref<1x80x64xf32, #tpu.memory_space<hbm>>
      %dma_start3A_617 = tpu.memref_squeeze %dma_start3A_616 : memref<1x80x64xf32, #tpu.memory_space<hbm>> -> memref<80x64xf32, #tpu.memory_space<hbm>>
      tpu.enqueue_dma source(%arg18 : memref<80x64xf32, #tpu.memory_space<vmem>>) target(%dma_start3A_617 : memref<80x64xf32, #tpu.memory_space<hbm>>) target_semaphore(%arg34 : memref<!tpu.dma_semaphore, #tpu.memory_space<semaphore_mem>>)
    } else {
    }
    %add3A_540 = arith.constant 16 : i32
    %add3A_541 = arith.addi %arg1, %add3A_540 : i32
    %lt3A_542 = arith.constant 125 : i32
    %lt3A_543 = arith.cmpi slt, %add3A_541, %lt3A_542 : i32
    %convert_element_type3A_544 = arith.extui %lt3A_543 : i1 to i32
    %cond3A_545 = arith.constant 0 : i32
    %cond3A_546 = arith.cmpi ne, %convert_element_type3A_544, %cond3A_545 : i32
    scf.if %cond3A_546 {
      %mul3A_608 = arith.constant 80 : i32
      %mul3A_609 = arith.muli %mul3A_608, %add3A_541 : i32
      "tpu.region"() ({
        %run_scoped3A = tpu.sem_alloc : memref<!tpu.dma_semaphore, #tpu.memory_space<semaphore_mem>>
        %dma_start3A_618 = arith.constant 0 : i32
        %dma_start3A_619 = tpu.memref_slice %arg9[%mul3A_609, %dma_start3A_618] : memref<10000x64xf32, #tpu.memory_space<vmem_shared>> -> memref<80x64xf32, #tpu.memory_space<vmem_shared>>
        %dma_start3A_620 = arith.constant 0 : i32
        %dma_start3A_621 = tpu.memref_slice %arg9[%mul3A_609, %dma_start3A_620] : memref<10000x64xf32, #tpu.memory_space<vmem_shared>> -> memref<80x64xf32, #tpu.memory_space<vmem_shared>>
        tpu.enqueue_dma source(%dma_start3A_621 : memref<80x64xf32, #tpu.memory_space<vmem_shared>>) target(%arg22 : memref<80x64xf32, #tpu.memory_space<vmem>>) target_semaphore(%run_scoped3A : memref<!tpu.dma_semaphore, #tpu.memory_space<semaphore_mem>>)
        %dma_wait3A_622 = arith.constant 0 : i32
        %dma_wait3A_623 = tpu.memref_slice %arg9[%mul3A_609, %dma_wait3A_622] : memref<10000x64xf32, #tpu.memory_space<vmem_shared>> -> memref<80x64xf32, #tpu.memory_space<vmem_shared>>
        %dma_wait3A_624 = arith.constant 0 : i32
        %dma_wait3A_625 = tpu.memref_slice %arg9[%mul3A_609, %dma_wait3A_624] : memref<10000x64xf32, #tpu.memory_space<vmem_shared>> -> memref<80x64xf32, #tpu.memory_space<vmem_shared>>
        tpu.wait_dma2 semaphore(%run_scoped3A : memref<!tpu.dma_semaphore, #tpu.memory_space<semaphore_mem>>) src(%dma_wait3A_625 : memref<80x64xf32, #tpu.memory_space<vmem_shared>>) dst(%arg22 : memref<80x64xf32, #tpu.memory_space<vmem>>)
        tpu.yield
      }) : () -> ()
      %mul3A_610 = arith.constant 80 : i32
      %mul3A_611 = arith.muli %mul3A_610, %add3A_541 : i32
      %dma_start3A_612 = arith.constant 0 : i32
      %dma_start3A_613 = tpu.memref_slice %arg7[%arg0, %mul3A_611, %dma_start3A_612] : memref<2x10000x64xf32, #tpu.memory_space<hbm>> -> memref<1x80x64xf32, #tpu.memory_space<hbm>>
      %dma_start3A_614 = tpu.memref_squeeze %dma_start3A_613 : memref<1x80x64xf32, #tpu.memory_space<hbm>> -> memref<80x64xf32, #tpu.memory_space<hbm>>
      %dma_start3A_615 = arith.constant 0 : i32
      %dma_start3A_616 = tpu.memref_slice %arg7[%arg0, %mul3A_611, %dma_start3A_615] : memref<2x10000x64xf32, #tpu.memory_space<hbm>> -> memref<1x80x64xf32, #tpu.memory_space<hbm>>
      %dma_start3A_617 = tpu.memref_squeeze %dma_start3A_616 : memref<1x80x64xf32, #tpu.memory_space<hbm>> -> memref<80x64xf32, #tpu.memory_space<hbm>>
      tpu.enqueue_dma source(%arg22 : memref<80x64xf32, #tpu.memory_space<vmem>>) target(%dma_start3A_617 : memref<80x64xf32, #tpu.memory_space<hbm>>) target_semaphore(%arg35 : memref<!tpu.dma_semaphore, #tpu.memory_space<semaphore_mem>>)
    } else {
    }
    %add3A_547 = arith.constant 32 : i32
    %add3A_548 = arith.addi %arg1, %add3A_547 : i32
    %lt3A_549 = arith.constant 125 : i32
    %lt3A_550 = arith.cmpi slt, %add3A_548, %lt3A_549 : i32
    %convert_element_type3A_551 = arith.extui %lt3A_550 : i1 to i32
    %cond3A_552 = arith.constant 0 : i32
    %cond3A_553 = arith.cmpi ne, %convert_element_type3A_551, %cond3A_552 : i32
    scf.if %cond3A_553 {
      %sub3A = arith.constant 32 : i32
      %sub3A_608 = arith.subi %add3A_548, %sub3A : i32
      %mul3A_609 = arith.constant 80 : i32
      %mul3A_610 = arith.muli %mul3A_609, %sub3A_608 : i32
      %dma_wait3A_611 = arith.constant 0 : i32
      %dma_wait3A_612 = tpu.memref_slice %arg7[%arg0, %mul3A_610, %dma_wait3A_611] : memref<2x10000x64xf32, #tpu.memory_space<hbm>> -> memref<1x80x64xf32, #tpu.memory_space<hbm>>
      %dma_wait3A_613 = tpu.memref_squeeze %dma_wait3A_612 : memref<1x80x64xf32, #tpu.memory_space<hbm>> -> memref<80x64xf32, #tpu.memory_space<hbm>>
      %dma_wait3A_614 = arith.constant 0 : i32
      %dma_wait3A_615 = tpu.memref_slice %arg7[%arg0, %mul3A_610, %dma_wait3A_614] : memref<2x10000x64xf32, #tpu.memory_space<hbm>> -> memref<1x80x64xf32, #tpu.memory_space<hbm>>
      %dma_wait3A_616 = tpu.memref_squeeze %dma_wait3A_615 : memref<1x80x64xf32, #tpu.memory_space<hbm>> -> memref<80x64xf32, #tpu.memory_space<hbm>>
      tpu.wait_dma2 semaphore(%arg34 : memref<!tpu.dma_semaphore, #tpu.memory_space<semaphore_mem>>) src(%arg18 : memref<80x64xf32, #tpu.memory_space<vmem>>) dst(%dma_wait3A_616 : memref<80x64xf32, #tpu.memory_space<hbm>>)
      %mul3A_617 = arith.constant 80 : i32
      %mul3A_618 = arith.muli %mul3A_617, %add3A_548 : i32
      "tpu.region"() ({
        %run_scoped3A = tpu.sem_alloc : memref<!tpu.dma_semaphore, #tpu.memory_space<semaphore_mem>>
        %dma_start3A_627 = arith.constant 0 : i32
        %dma_start3A_628 = tpu.memref_slice %arg9[%mul3A_618, %dma_start3A_627] : memref<10000x64xf32, #tpu.memory_space<vmem_shared>> -> memref<80x64xf32, #tpu.memory_space<vmem_shared>>
        %dma_start3A_629 = arith.constant 0 : i32
        %dma_start3A_630 = tpu.memref_slice %arg9[%mul3A_618, %dma_start3A_629] : memref<10000x64xf32, #tpu.memory_space<vmem_shared>> -> memref<80x64xf32, #tpu.memory_space<vmem_shared>>
        tpu.enqueue_dma source(%dma_start3A_630 : memref<80x64xf32, #tpu.memory_space<vmem_shared>>) target(%arg18 : memref<80x64xf32, #tpu.memory_space<vmem>>) target_semaphore(%run_scoped3A : memref<!tpu.dma_semaphore, #tpu.memory_space<semaphore_mem>>)
        %dma_wait3A_631 = arith.constant 0 : i32
        %dma_wait3A_632 = tpu.memref_slice %arg9[%mul3A_618, %dma_wait3A_631] : memref<10000x64xf32, #tpu.memory_space<vmem_shared>> -> memref<80x64xf32, #tpu.memory_space<vmem_shared>>
        %dma_wait3A_633 = arith.constant 0 : i32
        %dma_wait3A_634 = tpu.memref_slice %arg9[%mul3A_618, %dma_wait3A_633] : memref<10000x64xf32, #tpu.memory_space<vmem_shared>> -> memref<80x64xf32, #tpu.memory_space<vmem_shared>>
        tpu.wait_dma2 semaphore(%run_scoped3A : memref<!tpu.dma_semaphore, #tpu.memory_space<semaphore_mem>>) src(%dma_wait3A_634 : memref<80x64xf32, #tpu.memory_space<vmem_shared>>) dst(%arg18 : memref<80x64xf32, #tpu.memory_space<vmem>>)
        tpu.yield
      }) : () -> ()
      %mul3A_619 = arith.constant 80 : i32
      %mul3A_620 = arith.muli %mul3A_619, %add3A_548 : i32
      %dma_start3A_621 = arith.constant 0 : i32
      %dma_start3A_622 = tpu.memref_slice %arg7[%arg0, %mul3A_620, %dma_start3A_621] : memref<2x10000x64xf32, #tpu.memory_space<hbm>> -> memref<1x80x64xf32, #tpu.memory_space<hbm>>
      %dma_start3A_623 = tpu.memref_squeeze %dma_start3A_622 : memref<1x80x64xf32, #tpu.memory_space<hbm>> -> memref<80x64xf32, #tpu.memory_space<hbm>>
      %dma_start3A_624 = arith.constant 0 : i32
      %dma_start3A_625 = tpu.memref_slice %arg7[%arg0, %mul3A_620, %dma_start3A_624] : memref<2x10000x64xf32, #tpu.memory_space<hbm>> -> memref<1x80x64xf32, #tpu.memory_space<hbm>>
      %dma_start3A_626 = tpu.memref_squeeze %dma_start3A_625 : memref<1x80x64xf32, #tpu.memory_space<hbm>> -> memref<80x64xf32, #tpu.memory_space<hbm>>
      tpu.enqueue_dma source(%arg18 : memref<80x64xf32, #tpu.memory_space<vmem>>) target(%dma_start3A_626 : memref<80x64xf32, #tpu.memory_space<hbm>>) target_semaphore(%arg34 : memref<!tpu.dma_semaphore, #tpu.memory_space<semaphore_mem>>)
    } else {
    }
    %add3A_554 = arith.constant 48 : i32
    %add3A_555 = arith.addi %arg1, %add3A_554 : i32
    %lt3A_556 = arith.constant 125 : i32
    %lt3A_557 = arith.cmpi slt, %add3A_555, %lt3A_556 : i32
    %convert_element_type3A_558 = arith.extui %lt3A_557 : i1 to i32
    %cond3A_559 = arith.constant 0 : i32
    %cond3A_560 = arith.cmpi ne, %convert_element_type3A_558, %cond3A_559 : i32
    scf.if %cond3A_560 {
      %sub3A = arith.constant 32 : i32
      %sub3A_608 = arith.subi %add3A_555, %sub3A : i32
      %mul3A_609 = arith.constant 80 : i32
      %mul3A_610 = arith.muli %mul3A_609, %sub3A_608 : i32
      %dma_wait3A_611 = arith.constant 0 : i32
      %dma_wait3A_612 = tpu.memref_slice %arg7[%arg0, %mul3A_610, %dma_wait3A_611] : memref<2x10000x64xf32, #tpu.memory_space<hbm>> -> memref<1x80x64xf32, #tpu.memory_space<hbm>>
      %dma_wait3A_613 = tpu.memref_squeeze %dma_wait3A_612 : memref<1x80x64xf32, #tpu.memory_space<hbm>> -> memref<80x64xf32, #tpu.memory_space<hbm>>
      %dma_wait3A_614 = arith.constant 0 : i32
      %dma_wait3A_615 = tpu.memref_slice %arg7[%arg0, %mul3A_610, %dma_wait3A_614] : memref<2x10000x64xf32, #tpu.memory_space<hbm>> -> memref<1x80x64xf32, #tpu.memory_space<hbm>>
      %dma_wait3A_616 = tpu.memref_squeeze %dma_wait3A_615 : memref<1x80x64xf32, #tpu.memory_space<hbm>> -> memref<80x64xf32, #tpu.memory_space<hbm>>
      tpu.wait_dma2 semaphore(%arg35 : memref<!tpu.dma_semaphore, #tpu.memory_space<semaphore_mem>>) src(%arg22 : memref<80x64xf32, #tpu.memory_space<vmem>>) dst(%dma_wait3A_616 : memref<80x64xf32, #tpu.memory_space<hbm>>)
      %mul3A_617 = arith.constant 80 : i32
      %mul3A_618 = arith.muli %mul3A_617, %add3A_555 : i32
      "tpu.region"() ({
        %run_scoped3A = tpu.sem_alloc : memref<!tpu.dma_semaphore, #tpu.memory_space<semaphore_mem>>
        %dma_start3A_627 = arith.constant 0 : i32
        %dma_start3A_628 = tpu.memref_slice %arg9[%mul3A_618, %dma_start3A_627] : memref<10000x64xf32, #tpu.memory_space<vmem_shared>> -> memref<80x64xf32, #tpu.memory_space<vmem_shared>>
        %dma_start3A_629 = arith.constant 0 : i32
        %dma_start3A_630 = tpu.memref_slice %arg9[%mul3A_618, %dma_start3A_629] : memref<10000x64xf32, #tpu.memory_space<vmem_shared>> -> memref<80x64xf32, #tpu.memory_space<vmem_shared>>
        tpu.enqueue_dma source(%dma_start3A_630 : memref<80x64xf32, #tpu.memory_space<vmem_shared>>) target(%arg22 : memref<80x64xf32, #tpu.memory_space<vmem>>) target_semaphore(%run_scoped3A : memref<!tpu.dma_semaphore, #tpu.memory_space<semaphore_mem>>)
        %dma_wait3A_631 = arith.constant 0 : i32
        %dma_wait3A_632 = tpu.memref_slice %arg9[%mul3A_618, %dma_wait3A_631] : memref<10000x64xf32, #tpu.memory_space<vmem_shared>> -> memref<80x64xf32, #tpu.memory_space<vmem_shared>>
        %dma_wait3A_633 = arith.constant 0 : i32
        %dma_wait3A_634 = tpu.memref_slice %arg9[%mul3A_618, %dma_wait3A_633] : memref<10000x64xf32, #tpu.memory_space<vmem_shared>> -> memref<80x64xf32, #tpu.memory_space<vmem_shared>>
        tpu.wait_dma2 semaphore(%run_scoped3A : memref<!tpu.dma_semaphore, #tpu.memory_space<semaphore_mem>>) src(%dma_wait3A_634 : memref<80x64xf32, #tpu.memory_space<vmem_shared>>) dst(%arg22 : memref<80x64xf32, #tpu.memory_space<vmem>>)
        tpu.yield
      }) : () -> ()
      %mul3A_619 = arith.constant 80 : i32
      %mul3A_620 = arith.muli %mul3A_619, %add3A_555 : i32
      %dma_start3A_621 = arith.constant 0 : i32
      %dma_start3A_622 = tpu.memref_slice %arg7[%arg0, %mul3A_620, %dma_start3A_621] : memref<2x10000x64xf32, #tpu.memory_space<hbm>> -> memref<1x80x64xf32, #tpu.memory_space<hbm>>
      %dma_start3A_623 = tpu.memref_squeeze %dma_start3A_622 : memref<1x80x64xf32, #tpu.memory_space<hbm>> -> memref<80x64xf32, #tpu.memory_space<hbm>>
      %dma_start3A_624 = arith.constant 0 : i32
      %dma_start3A_625 = tpu.memref_slice %arg7[%arg0, %mul3A_620, %dma_start3A_624] : memref<2x10000x64xf32, #tpu.memory_space<hbm>> -> memref<1x80x64xf32, #tpu.memory_space<hbm>>
      %dma_start3A_626 = tpu.memref_squeeze %dma_start3A_625 : memref<1x80x64xf32, #tpu.memory_space<hbm>> -> memref<80x64xf32, #tpu.memory_space<hbm>>
      tpu.enqueue_dma source(%arg22 : memref<80x64xf32, #tpu.memory_space<vmem>>) target(%dma_start3A_626 : memref<80x64xf32, #tpu.memory_space<hbm>>) target_semaphore(%arg35 : memref<!tpu.dma_semaphore, #tpu.memory_space<semaphore_mem>>)
    } else {
    }
    %add3A_561 = arith.constant 64 : i32
    %add3A_562 = arith.addi %arg1, %add3A_561 : i32
    %lt3A_563 = arith.constant 125 : i32
    %lt3A_564 = arith.cmpi slt, %add3A_562, %lt3A_563 : i32
    %convert_element_type3A_565 = arith.extui %lt3A_564 : i1 to i32
    %cond3A_566 = arith.constant 0 : i32
    %cond3A_567 = arith.cmpi ne, %convert_element_type3A_565, %cond3A_566 : i32
    scf.if %cond3A_567 {
      %sub3A = arith.constant 32 : i32
      %sub3A_608 = arith.subi %add3A_562, %sub3A : i32
      %mul3A_609 = arith.constant 80 : i32
      %mul3A_610 = arith.muli %mul3A_609, %sub3A_608 : i32
      %dma_wait3A_611 = arith.constant 0 : i32
      %dma_wait3A_612 = tpu.memref_slice %arg7[%arg0, %mul3A_610, %dma_wait3A_611] : memref<2x10000x64xf32, #tpu.memory_space<hbm>> -> memref<1x80x64xf32, #tpu.memory_space<hbm>>
      %dma_wait3A_613 = tpu.memref_squeeze %dma_wait3A_612 : memref<1x80x64xf32, #tpu.memory_space<hbm>> -> memref<80x64xf32, #tpu.memory_space<hbm>>
      %dma_wait3A_614 = arith.constant 0 : i32
      %dma_wait3A_615 = tpu.memref_slice %arg7[%arg0, %mul3A_610, %dma_wait3A_614] : memref<2x10000x64xf32, #tpu.memory_space<hbm>> -> memref<1x80x64xf32, #tpu.memory_space<hbm>>
      %dma_wait3A_616 = tpu.memref_squeeze %dma_wait3A_615 : memref<1x80x64xf32, #tpu.memory_space<hbm>> -> memref<80x64xf32, #tpu.memory_space<hbm>>
      tpu.wait_dma2 semaphore(%arg34 : memref<!tpu.dma_semaphore, #tpu.memory_space<semaphore_mem>>) src(%arg18 : memref<80x64xf32, #tpu.memory_space<vmem>>) dst(%dma_wait3A_616 : memref<80x64xf32, #tpu.memory_space<hbm>>)
      %mul3A_617 = arith.constant 80 : i32
      %mul3A_618 = arith.muli %mul3A_617, %add3A_562 : i32
      "tpu.region"() ({
        %run_scoped3A = tpu.sem_alloc : memref<!tpu.dma_semaphore, #tpu.memory_space<semaphore_mem>>
        %dma_start3A_627 = arith.constant 0 : i32
        %dma_start3A_628 = tpu.memref_slice %arg9[%mul3A_618, %dma_start3A_627] : memref<10000x64xf32, #tpu.memory_space<vmem_shared>> -> memref<80x64xf32, #tpu.memory_space<vmem_shared>>
        %dma_start3A_629 = arith.constant 0 : i32
        %dma_start3A_630 = tpu.memref_slice %arg9[%mul3A_618, %dma_start3A_629] : memref<10000x64xf32, #tpu.memory_space<vmem_shared>> -> memref<80x64xf32, #tpu.memory_space<vmem_shared>>
        tpu.enqueue_dma source(%dma_start3A_630 : memref<80x64xf32, #tpu.memory_space<vmem_shared>>) target(%arg18 : memref<80x64xf32, #tpu.memory_space<vmem>>) target_semaphore(%run_scoped3A : memref<!tpu.dma_semaphore, #tpu.memory_space<semaphore_mem>>)
        %dma_wait3A_631 = arith.constant 0 : i32
        %dma_wait3A_632 = tpu.memref_slice %arg9[%mul3A_618, %dma_wait3A_631] : memref<10000x64xf32, #tpu.memory_space<vmem_shared>> -> memref<80x64xf32, #tpu.memory_space<vmem_shared>>
        %dma_wait3A_633 = arith.constant 0 : i32
        %dma_wait3A_634 = tpu.memref_slice %arg9[%mul3A_618, %dma_wait3A_633] : memref<10000x64xf32, #tpu.memory_space<vmem_shared>> -> memref<80x64xf32, #tpu.memory_space<vmem_shared>>
        tpu.wait_dma2 semaphore(%run_scoped3A : memref<!tpu.dma_semaphore, #tpu.memory_space<semaphore_mem>>) src(%dma_wait3A_634 : memref<80x64xf32, #tpu.memory_space<vmem_shared>>) dst(%arg18 : memref<80x64xf32, #tpu.memory_space<vmem>>)
        tpu.yield
      }) : () -> ()
      %mul3A_619 = arith.constant 80 : i32
      %mul3A_620 = arith.muli %mul3A_619, %add3A_562 : i32
      %dma_start3A_621 = arith.constant 0 : i32
      %dma_start3A_622 = tpu.memref_slice %arg7[%arg0, %mul3A_620, %dma_start3A_621] : memref<2x10000x64xf32, #tpu.memory_space<hbm>> -> memref<1x80x64xf32, #tpu.memory_space<hbm>>
      %dma_start3A_623 = tpu.memref_squeeze %dma_start3A_622 : memref<1x80x64xf32, #tpu.memory_space<hbm>> -> memref<80x64xf32, #tpu.memory_space<hbm>>
      %dma_start3A_624 = arith.constant 0 : i32
      %dma_start3A_625 = tpu.memref_slice %arg7[%arg0, %mul3A_620, %dma_start3A_624] : memref<2x10000x64xf32, #tpu.memory_space<hbm>> -> memref<1x80x64xf32, #tpu.memory_space<hbm>>
      %dma_start3A_626 = tpu.memref_squeeze %dma_start3A_625 : memref<1x80x64xf32, #tpu.memory_space<hbm>> -> memref<80x64xf32, #tpu.memory_space<hbm>>
      tpu.enqueue_dma source(%arg18 : memref<80x64xf32, #tpu.memory_space<vmem>>) target(%dma_start3A_626 : memref<80x64xf32, #tpu.memory_space<hbm>>) target_semaphore(%arg34 : memref<!tpu.dma_semaphore, #tpu.memory_space<semaphore_mem>>)
    } else {
    }
    %add3A_568 = arith.constant 80 : i32
    %add3A_569 = arith.addi %arg1, %add3A_568 : i32
    %lt3A_570 = arith.constant 125 : i32
    %lt3A_571 = arith.cmpi slt, %add3A_569, %lt3A_570 : i32
    %convert_element_type3A_572 = arith.extui %lt3A_571 : i1 to i32
    %cond3A_573 = arith.constant 0 : i32
    %cond3A_574 = arith.cmpi ne, %convert_element_type3A_572, %cond3A_573 : i32
    scf.if %cond3A_574 {
      %sub3A = arith.constant 32 : i32
      %sub3A_608 = arith.subi %add3A_569, %sub3A : i32
      %mul3A_609 = arith.constant 80 : i32
      %mul3A_610 = arith.muli %mul3A_609, %sub3A_608 : i32
      %dma_wait3A_611 = arith.constant 0 : i32
      %dma_wait3A_612 = tpu.memref_slice %arg7[%arg0, %mul3A_610, %dma_wait3A_611] : memref<2x10000x64xf32, #tpu.memory_space<hbm>> -> memref<1x80x64xf32, #tpu.memory_space<hbm>>
      %dma_wait3A_613 = tpu.memref_squeeze %dma_wait3A_612 : memref<1x80x64xf32, #tpu.memory_space<hbm>> -> memref<80x64xf32, #tpu.memory_space<hbm>>
      %dma_wait3A_614 = arith.constant 0 : i32
      %dma_wait3A_615 = tpu.memref_slice %arg7[%arg0, %mul3A_610, %dma_wait3A_614] : memref<2x10000x64xf32, #tpu.memory_space<hbm>> -> memref<1x80x64xf32, #tpu.memory_space<hbm>>
      %dma_wait3A_616 = tpu.memref_squeeze %dma_wait3A_615 : memref<1x80x64xf32, #tpu.memory_space<hbm>> -> memref<80x64xf32, #tpu.memory_space<hbm>>
      tpu.wait_dma2 semaphore(%arg35 : memref<!tpu.dma_semaphore, #tpu.memory_space<semaphore_mem>>) src(%arg22 : memref<80x64xf32, #tpu.memory_space<vmem>>) dst(%dma_wait3A_616 : memref<80x64xf32, #tpu.memory_space<hbm>>)
      %mul3A_617 = arith.constant 80 : i32
      %mul3A_618 = arith.muli %mul3A_617, %add3A_569 : i32
      "tpu.region"() ({
        %run_scoped3A = tpu.sem_alloc : memref<!tpu.dma_semaphore, #tpu.memory_space<semaphore_mem>>
        %dma_start3A_627 = arith.constant 0 : i32
        %dma_start3A_628 = tpu.memref_slice %arg9[%mul3A_618, %dma_start3A_627] : memref<10000x64xf32, #tpu.memory_space<vmem_shared>> -> memref<80x64xf32, #tpu.memory_space<vmem_shared>>
        %dma_start3A_629 = arith.constant 0 : i32
        %dma_start3A_630 = tpu.memref_slice %arg9[%mul3A_618, %dma_start3A_629] : memref<10000x64xf32, #tpu.memory_space<vmem_shared>> -> memref<80x64xf32, #tpu.memory_space<vmem_shared>>
        tpu.enqueue_dma source(%dma_start3A_630 : memref<80x64xf32, #tpu.memory_space<vmem_shared>>) target(%arg22 : memref<80x64xf32, #tpu.memory_space<vmem>>) target_semaphore(%run_scoped3A : memref<!tpu.dma_semaphore, #tpu.memory_space<semaphore_mem>>)
        %dma_wait3A_631 = arith.constant 0 : i32
        %dma_wait3A_632 = tpu.memref_slice %arg9[%mul3A_618, %dma_wait3A_631] : memref<10000x64xf32, #tpu.memory_space<vmem_shared>> -> memref<80x64xf32, #tpu.memory_space<vmem_shared>>
        %dma_wait3A_633 = arith.constant 0 : i32
        %dma_wait3A_634 = tpu.memref_slice %arg9[%mul3A_618, %dma_wait3A_633] : memref<10000x64xf32, #tpu.memory_space<vmem_shared>> -> memref<80x64xf32, #tpu.memory_space<vmem_shared>>
        tpu.wait_dma2 semaphore(%run_scoped3A : memref<!tpu.dma_semaphore, #tpu.memory_space<semaphore_mem>>) src(%dma_wait3A_634 : memref<80x64xf32, #tpu.memory_space<vmem_shared>>) dst(%arg22 : memref<80x64xf32, #tpu.memory_space<vmem>>)
        tpu.yield
      }) : () -> ()
      %mul3A_619 = arith.constant 80 : i32
      %mul3A_620 = arith.muli %mul3A_619, %add3A_569 : i32
      %dma_start3A_621 = arith.constant 0 : i32
      %dma_start3A_622 = tpu.memref_slice %arg7[%arg0, %mul3A_620, %dma_start3A_621] : memref<2x10000x64xf32, #tpu.memory_space<hbm>> -> memref<1x80x64xf32, #tpu.memory_space<hbm>>
      %dma_start3A_623 = tpu.memref_squeeze %dma_start3A_622 : memref<1x80x64xf32, #tpu.memory_space<hbm>> -> memref<80x64xf32, #tpu.memory_space<hbm>>
      %dma_start3A_624 = arith.constant 0 : i32
      %dma_start3A_625 = tpu.memref_slice %arg7[%arg0, %mul3A_620, %dma_start3A_624] : memref<2x10000x64xf32, #tpu.memory_space<hbm>> -> memref<1x80x64xf32, #tpu.memory_space<hbm>>
      %dma_start3A_626 = tpu.memref_squeeze %dma_start3A_625 : memref<1x80x64xf32, #tpu.memory_space<hbm>> -> memref<80x64xf32, #tpu.memory_space<hbm>>
      tpu.enqueue_dma source(%arg22 : memref<80x64xf32, #tpu.memory_space<vmem>>) target(%dma_start3A_626 : memref<80x64xf32, #tpu.memory_space<hbm>>) target_semaphore(%arg35 : memref<!tpu.dma_semaphore, #tpu.memory_space<semaphore_mem>>)
    } else {
    }
    %add3A_575 = arith.constant 96 : i32
    %add3A_576 = arith.addi %arg1, %add3A_575 : i32
    %lt3A_577 = arith.constant 125 : i32
    %lt3A_578 = arith.cmpi slt, %add3A_576, %lt3A_577 : i32
    %convert_element_type3A_579 = arith.extui %lt3A_578 : i1 to i32
    %cond3A_580 = arith.constant 0 : i32
    %cond3A_581 = arith.cmpi ne, %convert_element_type3A_579, %cond3A_580 : i32
    scf.if %cond3A_581 {
      %sub3A = arith.constant 32 : i32
      %sub3A_608 = arith.subi %add3A_576, %sub3A : i32
      %mul3A_609 = arith.constant 80 : i32
      %mul3A_610 = arith.muli %mul3A_609, %sub3A_608 : i32
      %dma_wait3A_611 = arith.constant 0 : i32
      %dma_wait3A_612 = tpu.memref_slice %arg7[%arg0, %mul3A_610, %dma_wait3A_611] : memref<2x10000x64xf32, #tpu.memory_space<hbm>> -> memref<1x80x64xf32, #tpu.memory_space<hbm>>
      %dma_wait3A_613 = tpu.memref_squeeze %dma_wait3A_612 : memref<1x80x64xf32, #tpu.memory_space<hbm>> -> memref<80x64xf32, #tpu.memory_space<hbm>>
      %dma_wait3A_614 = arith.constant 0 : i32
      %dma_wait3A_615 = tpu.memref_slice %arg7[%arg0, %mul3A_610, %dma_wait3A_614] : memref<2x10000x64xf32, #tpu.memory_space<hbm>> -> memref<1x80x64xf32, #tpu.memory_space<hbm>>
      %dma_wait3A_616 = tpu.memref_squeeze %dma_wait3A_615 : memref<1x80x64xf32, #tpu.memory_space<hbm>> -> memref<80x64xf32, #tpu.memory_space<hbm>>
      tpu.wait_dma2 semaphore(%arg34 : memref<!tpu.dma_semaphore, #tpu.memory_space<semaphore_mem>>) src(%arg18 : memref<80x64xf32, #tpu.memory_space<vmem>>) dst(%dma_wait3A_616 : memref<80x64xf32, #tpu.memory_space<hbm>>)
      %mul3A_617 = arith.constant 80 : i32
      %mul3A_618 = arith.muli %mul3A_617, %add3A_576 : i32
      "tpu.region"() ({
        %run_scoped3A = tpu.sem_alloc : memref<!tpu.dma_semaphore, #tpu.memory_space<semaphore_mem>>
        %dma_start3A_627 = arith.constant 0 : i32
        %dma_start3A_628 = tpu.memref_slice %arg9[%mul3A_618, %dma_start3A_627] : memref<10000x64xf32, #tpu.memory_space<vmem_shared>> -> memref<80x64xf32, #tpu.memory_space<vmem_shared>>
        %dma_start3A_629 = arith.constant 0 : i32
        %dma_start3A_630 = tpu.memref_slice %arg9[%mul3A_618, %dma_start3A_629] : memref<10000x64xf32, #tpu.memory_space<vmem_shared>> -> memref<80x64xf32, #tpu.memory_space<vmem_shared>>
        tpu.enqueue_dma source(%dma_start3A_630 : memref<80x64xf32, #tpu.memory_space<vmem_shared>>) target(%arg18 : memref<80x64xf32, #tpu.memory_space<vmem>>) target_semaphore(%run_scoped3A : memref<!tpu.dma_semaphore, #tpu.memory_space<semaphore_mem>>)
        %dma_wait3A_631 = arith.constant 0 : i32
        %dma_wait3A_632 = tpu.memref_slice %arg9[%mul3A_618, %dma_wait3A_631] : memref<10000x64xf32, #tpu.memory_space<vmem_shared>> -> memref<80x64xf32, #tpu.memory_space<vmem_shared>>
        %dma_wait3A_633 = arith.constant 0 : i32
        %dma_wait3A_634 = tpu.memref_slice %arg9[%mul3A_618, %dma_wait3A_633] : memref<10000x64xf32, #tpu.memory_space<vmem_shared>> -> memref<80x64xf32, #tpu.memory_space<vmem_shared>>
        tpu.wait_dma2 semaphore(%run_scoped3A : memref<!tpu.dma_semaphore, #tpu.memory_space<semaphore_mem>>) src(%dma_wait3A_634 : memref<80x64xf32, #tpu.memory_space<vmem_shared>>) dst(%arg18 : memref<80x64xf32, #tpu.memory_space<vmem>>)
        tpu.yield
      }) : () -> ()
      %mul3A_619 = arith.constant 80 : i32
      %mul3A_620 = arith.muli %mul3A_619, %add3A_576 : i32
      %dma_start3A_621 = arith.constant 0 : i32
      %dma_start3A_622 = tpu.memref_slice %arg7[%arg0, %mul3A_620, %dma_start3A_621] : memref<2x10000x64xf32, #tpu.memory_space<hbm>> -> memref<1x80x64xf32, #tpu.memory_space<hbm>>
      %dma_start3A_623 = tpu.memref_squeeze %dma_start3A_622 : memref<1x80x64xf32, #tpu.memory_space<hbm>> -> memref<80x64xf32, #tpu.memory_space<hbm>>
      %dma_start3A_624 = arith.constant 0 : i32
      %dma_start3A_625 = tpu.memref_slice %arg7[%arg0, %mul3A_620, %dma_start3A_624] : memref<2x10000x64xf32, #tpu.memory_space<hbm>> -> memref<1x80x64xf32, #tpu.memory_space<hbm>>
      %dma_start3A_626 = tpu.memref_squeeze %dma_start3A_625 : memref<1x80x64xf32, #tpu.memory_space<hbm>> -> memref<80x64xf32, #tpu.memory_space<hbm>>
      tpu.enqueue_dma source(%arg18 : memref<80x64xf32, #tpu.memory_space<vmem>>) target(%dma_start3A_626 : memref<80x64xf32, #tpu.memory_space<hbm>>) target_semaphore(%arg34 : memref<!tpu.dma_semaphore, #tpu.memory_space<semaphore_mem>>)
    } else {
    }
    %add3A_582 = arith.constant 112 : i32
    %add3A_583 = arith.addi %arg1, %add3A_582 : i32
    %lt3A_584 = arith.constant 125 : i32
    %lt3A_585 = arith.cmpi slt, %add3A_583, %lt3A_584 : i32
    %convert_element_type3A_586 = arith.extui %lt3A_585 : i1 to i32
    %cond3A_587 = arith.constant 0 : i32
    %cond3A_588 = arith.cmpi ne, %convert_element_type3A_586, %cond3A_587 : i32
    scf.if %cond3A_588 {
      %sub3A = arith.constant 32 : i32
      %sub3A_608 = arith.subi %add3A_583, %sub3A : i32
      %mul3A_609 = arith.constant 80 : i32
      %mul3A_610 = arith.muli %mul3A_609, %sub3A_608 : i32
      %dma_wait3A_611 = arith.constant 0 : i32
      %dma_wait3A_612 = tpu.memref_slice %arg7[%arg0, %mul3A_610, %dma_wait3A_611] : memref<2x10000x64xf32, #tpu.memory_space<hbm>> -> memref<1x80x64xf32, #tpu.memory_space<hbm>>
      %dma_wait3A_613 = tpu.memref_squeeze %dma_wait3A_612 : memref<1x80x64xf32, #tpu.memory_space<hbm>> -> memref<80x64xf32, #tpu.memory_space<hbm>>
      %dma_wait3A_614 = arith.constant 0 : i32
      %dma_wait3A_615 = tpu.memref_slice %arg7[%arg0, %mul3A_610, %dma_wait3A_614] : memref<2x10000x64xf32, #tpu.memory_space<hbm>> -> memref<1x80x64xf32, #tpu.memory_space<hbm>>
      %dma_wait3A_616 = tpu.memref_squeeze %dma_wait3A_615 : memref<1x80x64xf32, #tpu.memory_space<hbm>> -> memref<80x64xf32, #tpu.memory_space<hbm>>
      tpu.wait_dma2 semaphore(%arg35 : memref<!tpu.dma_semaphore, #tpu.memory_space<semaphore_mem>>) src(%arg22 : memref<80x64xf32, #tpu.memory_space<vmem>>) dst(%dma_wait3A_616 : memref<80x64xf32, #tpu.memory_space<hbm>>)
      %mul3A_617 = arith.constant 80 : i32
      %mul3A_618 = arith.muli %mul3A_617, %add3A_583 : i32
      "tpu.region"() ({
        %run_scoped3A = tpu.sem_alloc : memref<!tpu.dma_semaphore, #tpu.memory_space<semaphore_mem>>
        %dma_start3A_627 = arith.constant 0 : i32
        %dma_start3A_628 = tpu.memref_slice %arg9[%mul3A_618, %dma_start3A_627] : memref<10000x64xf32, #tpu.memory_space<vmem_shared>> -> memref<80x64xf32, #tpu.memory_space<vmem_shared>>
        %dma_start3A_629 = arith.constant 0 : i32
        %dma_start3A_630 = tpu.memref_slice %arg9[%mul3A_618, %dma_start3A_629] : memref<10000x64xf32, #tpu.memory_space<vmem_shared>> -> memref<80x64xf32, #tpu.memory_space<vmem_shared>>
        tpu.enqueue_dma source(%dma_start3A_630 : memref<80x64xf32, #tpu.memory_space<vmem_shared>>) target(%arg22 : memref<80x64xf32, #tpu.memory_space<vmem>>) target_semaphore(%run_scoped3A : memref<!tpu.dma_semaphore, #tpu.memory_space<semaphore_mem>>)
        %dma_wait3A_631 = arith.constant 0 : i32
        %dma_wait3A_632 = tpu.memref_slice %arg9[%mul3A_618, %dma_wait3A_631] : memref<10000x64xf32, #tpu.memory_space<vmem_shared>> -> memref<80x64xf32, #tpu.memory_space<vmem_shared>>
        %dma_wait3A_633 = arith.constant 0 : i32
        %dma_wait3A_634 = tpu.memref_slice %arg9[%mul3A_618, %dma_wait3A_633] : memref<10000x64xf32, #tpu.memory_space<vmem_shared>> -> memref<80x64xf32, #tpu.memory_space<vmem_shared>>
        tpu.wait_dma2 semaphore(%run_scoped3A : memref<!tpu.dma_semaphore, #tpu.memory_space<semaphore_mem>>) src(%dma_wait3A_634 : memref<80x64xf32, #tpu.memory_space<vmem_shared>>) dst(%arg22 : memref<80x64xf32, #tpu.memory_space<vmem>>)
        tpu.yield
      }) : () -> ()
      %mul3A_619 = arith.constant 80 : i32
      %mul3A_620 = arith.muli %mul3A_619, %add3A_583 : i32
      %dma_start3A_621 = arith.constant 0 : i32
      %dma_start3A_622 = tpu.memref_slice %arg7[%arg0, %mul3A_620, %dma_start3A_621] : memref<2x10000x64xf32, #tpu.memory_space<hbm>> -> memref<1x80x64xf32, #tpu.memory_space<hbm>>
      %dma_start3A_623 = tpu.memref_squeeze %dma_start3A_622 : memref<1x80x64xf32, #tpu.memory_space<hbm>> -> memref<80x64xf32, #tpu.memory_space<hbm>>
      %dma_start3A_624 = arith.constant 0 : i32
      %dma_start3A_625 = tpu.memref_slice %arg7[%arg0, %mul3A_620, %dma_start3A_624] : memref<2x10000x64xf32, #tpu.memory_space<hbm>> -> memref<1x80x64xf32, #tpu.memory_space<hbm>>
      %dma_start3A_626 = tpu.memref_squeeze %dma_start3A_625 : memref<1x80x64xf32, #tpu.memory_space<hbm>> -> memref<80x64xf32, #tpu.memory_space<hbm>>
      tpu.enqueue_dma source(%arg22 : memref<80x64xf32, #tpu.memory_space<vmem>>) target(%dma_start3A_626 : memref<80x64xf32, #tpu.memory_space<hbm>>) target_semaphore(%arg35 : memref<!tpu.dma_semaphore, #tpu.memory_space<semaphore_mem>>)
    } else {
    }
    %add3A_589 = arith.constant 96 : i32
    %add3A_590 = arith.addi %arg1, %add3A_589 : i32
    %lt3A_591 = arith.constant 125 : i32
    %lt3A_592 = arith.cmpi slt, %add3A_590, %lt3A_591 : i32
    %convert_element_type3A_593 = arith.extui %lt3A_592 : i1 to i32
    %cond3A_594 = arith.constant 0 : i32
    %cond3A_595 = arith.cmpi ne, %convert_element_type3A_593, %cond3A_594 : i32
    scf.if %cond3A_595 {
      %mul3A_608 = arith.constant 80 : i32
      %mul3A_609 = arith.muli %mul3A_608, %add3A_590 : i32
      %dma_wait3A_610 = arith.constant 0 : i32
      %dma_wait3A_611 = tpu.memref_slice %arg7[%arg0, %mul3A_609, %dma_wait3A_610] : memref<2x10000x64xf32, #tpu.memory_space<hbm>> -> memref<1x80x64xf32, #tpu.memory_space<hbm>>
      %dma_wait3A_612 = tpu.memref_squeeze %dma_wait3A_611 : memref<1x80x64xf32, #tpu.memory_space<hbm>> -> memref<80x64xf32, #tpu.memory_space<hbm>>
      %dma_wait3A_613 = arith.constant 0 : i32
      %dma_wait3A_614 = tpu.memref_slice %arg7[%arg0, %mul3A_609, %dma_wait3A_613] : memref<2x10000x64xf32, #tpu.memory_space<hbm>> -> memref<1x80x64xf32, #tpu.memory_space<hbm>>
      %dma_wait3A_615 = tpu.memref_squeeze %dma_wait3A_614 : memref<1x80x64xf32, #tpu.memory_space<hbm>> -> memref<80x64xf32, #tpu.memory_space<hbm>>
      tpu.wait_dma2 semaphore(%arg34 : memref<!tpu.dma_semaphore, #tpu.memory_space<semaphore_mem>>) src(%arg18 : memref<80x64xf32, #tpu.memory_space<vmem>>) dst(%dma_wait3A_615 : memref<80x64xf32, #tpu.memory_space<hbm>>)
    } else {
    }
    %add3A_596 = arith.constant 112 : i32
    %add3A_597 = arith.addi %arg1, %add3A_596 : i32
    %lt3A_598 = arith.constant 125 : i32
    %lt3A_599 = arith.cmpi slt, %add3A_597, %lt3A_598 : i32
    %convert_element_type3A_600 = arith.extui %lt3A_599 : i1 to i32
    %cond3A_601 = arith.constant 0 : i32
    %cond3A_602 = arith.cmpi ne, %convert_element_type3A_600, %cond3A_601 : i32
    scf.if %cond3A_602 {
      %mul3A_608 = arith.constant 80 : i32
      %mul3A_609 = arith.muli %mul3A_608, %add3A_597 : i32
      %dma_wait3A_610 = arith.constant 0 : i32
      %dma_wait3A_611 = tpu.memref_slice %arg7[%arg0, %mul3A_609, %dma_wait3A_610] : memref<2x10000x64xf32, #tpu.memory_space<hbm>> -> memref<1x80x64xf32, #tpu.memory_space<hbm>>
      %dma_wait3A_612 = tpu.memref_squeeze %dma_wait3A_611 : memref<1x80x64xf32, #tpu.memory_space<hbm>> -> memref<80x64xf32, #tpu.memory_space<hbm>>
      %dma_wait3A_613 = arith.constant 0 : i32
      %dma_wait3A_614 = tpu.memref_slice %arg7[%arg0, %mul3A_609, %dma_wait3A_613] : memref<2x10000x64xf32, #tpu.memory_space<hbm>> -> memref<1x80x64xf32, #tpu.memory_space<hbm>>
      %dma_wait3A_615 = tpu.memref_squeeze %dma_wait3A_614 : memref<1x80x64xf32, #tpu.memory_space<hbm>> -> memref<80x64xf32, #tpu.memory_space<hbm>>
      tpu.wait_dma2 semaphore(%arg35 : memref<!tpu.dma_semaphore, #tpu.memory_space<semaphore_mem>>) src(%arg22 : memref<80x64xf32, #tpu.memory_space<vmem>>) dst(%dma_wait3A_615 : memref<80x64xf32, #tpu.memory_space<hbm>>)
    } else {
    }
    %eq3A_603 = arith.constant 0 : i32
    %eq3A_604 = arith.cmpi eq, %arg0, %eq3A_603 : i32
    %convert_element_type3A_605 = arith.extui %eq3A_604 : i1 to i32
    %cond3A_606 = arith.constant 0 : i32
    %cond3A_607 = arith.cmpi ne, %convert_element_type3A_605, %cond3A_606 : i32
    scf.if %cond3A_607 {
      %scan3A_608 = arith.constant 0 : i32
      %scan3A_609 = arith.constant 0 : i32
      %scan3A_610 = arith.constant 2 : i32
      %scan3A_611 = arith.addi %scan3A_609, %scan3A_610 : i32
      %scan3A_612 = arith.constant 1 : i32
      scf.for %scan3A_614 = %scan3A_609 to %scan3A_611 step %scan3A_612  : i32 {
        %mul3A_615 = arith.constant 16 : i32
        %mul3A_616 = arith.muli %mul3A_615, %scan3A_614 : i32
        %add3A_617 = arith.addi %arg1, %mul3A_616 : i32
        %lt3A_618 = arith.constant 25 : i32
        %lt3A_619 = arith.cmpi slt, %add3A_617, %lt3A_618 : i32
        %convert_element_type3A_620 = arith.extui %lt3A_619 : i1 to i32
        %cond3A_621 = arith.constant 0 : i32
        %cond3A_622 = arith.cmpi ne, %convert_element_type3A_620, %cond3A_621 : i32
        scf.if %cond3A_622 {
          %mul3A_623 = arith.constant 400 : i32
          %mul3A_624 = arith.muli %mul3A_623, %add3A_617 : i32
          "tpu.region"() ({
            %run_scoped3A = tpu.sem_alloc : memref<!tpu.dma_semaphore, #tpu.memory_space<semaphore_mem>>
            %dma_start3A_627 = tpu.memref_slice %arg10[%mul3A_624] : memref<10000xf32, #tpu.memory_space<vmem_shared>> -> memref<400xf32, #tpu.memory_space<vmem_shared>>
            %dma_start3A_628 = tpu.memref_slice %arg10[%mul3A_624] : memref<10000xf32, #tpu.memory_space<vmem_shared>> -> memref<400xf32, #tpu.memory_space<vmem_shared>>
            tpu.enqueue_dma source(%dma_start3A_628 : memref<400xf32, #tpu.memory_space<vmem_shared>>) target(%arg31 : memref<400xf32, #tpu.memory_space<vmem>>) target_semaphore(%run_scoped3A : memref<!tpu.dma_semaphore, #tpu.memory_space<semaphore_mem>>)
            %dma_wait3A_629 = tpu.memref_slice %arg10[%mul3A_624] : memref<10000xf32, #tpu.memory_space<vmem_shared>> -> memref<400xf32, #tpu.memory_space<vmem_shared>>
            %dma_wait3A_630 = tpu.memref_slice %arg10[%mul3A_624] : memref<10000xf32, #tpu.memory_space<vmem_shared>> -> memref<400xf32, #tpu.memory_space<vmem_shared>>
            tpu.wait_dma2 semaphore(%run_scoped3A : memref<!tpu.dma_semaphore, #tpu.memory_space<semaphore_mem>>) src(%dma_wait3A_630 : memref<400xf32, #tpu.memory_space<vmem_shared>>) dst(%arg31 : memref<400xf32, #tpu.memory_space<vmem>>)
            tpu.yield
          }) : () -> ()
          %mul3A_625 = arith.constant 400 : i32
          %mul3A_626 = arith.muli %mul3A_625, %add3A_617 : i32
          "tpu.region"() ({
            %run_scoped3A = tpu.sem_alloc : memref<!tpu.dma_semaphore, #tpu.memory_space<semaphore_mem>>
            %dma_start3A_627 = tpu.memref_slice %arg8[%mul3A_626] : memref<10000xf32, #tpu.memory_space<hbm>> -> memref<400xf32, #tpu.memory_space<hbm>>
            %dma_start3A_628 = tpu.memref_slice %arg8[%mul3A_626] : memref<10000xf32, #tpu.memory_space<hbm>> -> memref<400xf32, #tpu.memory_space<hbm>>
            tpu.enqueue_dma source(%arg31 : memref<400xf32, #tpu.memory_space<vmem>>) target(%dma_start3A_628 : memref<400xf32, #tpu.memory_space<hbm>>) target_semaphore(%run_scoped3A : memref<!tpu.dma_semaphore, #tpu.memory_space<semaphore_mem>>)
            %dma_wait3A_629 = tpu.memref_slice %arg8[%mul3A_626] : memref<10000xf32, #tpu.memory_space<hbm>> -> memref<400xf32, #tpu.memory_space<hbm>>
            %dma_wait3A_630 = tpu.memref_slice %arg8[%mul3A_626] : memref<10000xf32, #tpu.memory_space<hbm>> -> memref<400xf32, #tpu.memory_space<hbm>>
            tpu.wait_dma2 semaphore(%run_scoped3A : memref<!tpu.dma_semaphore, #tpu.memory_space<semaphore_mem>>) src(%arg31 : memref<400xf32, #tpu.memory_space<vmem>>) dst(%dma_wait3A_630 : memref<400xf32, #tpu.memory_space<hbm>>)
            tpu.yield
          }) : () -> ()
        } else {
        }
      }
      %scan3A_613 = arith.constant 2 : i32
    } else {
    }
    return
  }
}

module attributes {stable_mosaic.version = 14 : i64} {
  func.func @_prep_body(%arg0: i32, %arg1: memref<1000x128xf32, #tpu.memory_space<vmem>>, %arg2: memref<128x128xf32, #tpu.memory_space<vmem>>, %arg3: memref<1x128xf32, #tpu.memory_space<vmem>>, %arg4: memref<1x128xf32, #tpu.memory_space<vmem>>, %arg5: memref<2x1000x64xf32, #tpu.memory_space<vmem>>, %arg6: memref<1000x1xf32, #tpu.memory_space<vmem>>, %arg7: memref<1000x1xf32, #tpu.memory_space<vmem>>, %arg8: memref<1000x1xf32, #tpu.memory_space<vmem>>) attributes {dimension_semantics = [#tpu.dimension_semantics<arbitrary>], iteration_bounds = array<i64: 10>, scalar_prefetch = 0 : i64, scratch_operands = 0 : i64, tpu.core_type = #tpu.core_type<tc>, window_params = [{transform_indices = @transform_0, window_bounds = array<i64: 1000, 128>}, {pipeline_mode = #tpu.pipeline_mode<synchronous>, transform_indices = @transform_1, window_bounds = array<i64: 128, 128>}, {pipeline_mode = #tpu.pipeline_mode<synchronous>, transform_indices = @transform_2, window_bounds = array<i64: 1, 128>}, {pipeline_mode = #tpu.pipeline_mode<synchronous>, transform_indices = @transform_3, window_bounds = array<i64: 1, 128>}, {transform_indices = @transform_4, window_bounds = array<i64: 2, 1000, 64>}, {transform_indices = @transform_5, window_bounds = array<i64: 1000, 1>}, {transform_indices = @transform_6, window_bounds = array<i64: 1000, 1>}, {transform_indices = @transform_7, window_bounds = array<i64: 1000, 1>}]} {
    %get3A = arith.constant 0 : index
    %get3A_0 = arith.constant 0 : index
    %get3A_1 = vector.load %arg1[%get3A, %get3A_0] : memref<1000x128xf32, #tpu.memory_space<vmem>>, vector<1000x128xf32>
    %get3A_2 = arith.constant 0 : index
    %get3A_3 = arith.constant 0 : index
    %get3A_4 = vector.load %arg2[%get3A_2, %get3A_3] : memref<128x128xf32, #tpu.memory_space<vmem>>, vector<128x128xf32>
    %dot_general3A = arith.constant dense<0.000000e+00> : vector<1000x128xf32>
    %dot_general3A_5 = tpu.matmul %get3A_1, %get3A_4, %dot_general3A {dimension_numbers = #tpu.dot_dimension_numbers<[1], [0], [0], [1], [0, 0, 1, 1], [], []>, transpose_lhs_hint = false} : vector<1000x128xf32>, vector<128x128xf32>, vector<1000x128xf32> -> vector<1000x128xf32>
    %slice3A = vector.extract_strided_slice %dot_general3A_5 {offsets = [0, 0], sizes = [1000, 64], strides = [1, 1]} : vector<1000x128xf32> to vector<1000x64xf32>
    %slice3A_6 = vector.extract_strided_slice %dot_general3A_5 {offsets = [0, 64], sizes = [1000, 64], strides = [1, 1]} : vector<1000x128xf32> to vector<1000x64xf32>
    %stack3A = vector.shape_cast %slice3A : vector<1000x64xf32> to vector<1x1000x64xf32>
    %stack3A_7 = vector.shape_cast %slice3A_6 : vector<1000x64xf32> to vector<1x1000x64xf32>
    %stack3A_8 = tpu.concatenate %stack3A, %stack3A_7 in 0 : vector<1x1000x64xf32>, vector<1x1000x64xf32> -> vector<2x1000x64xf32>
    %swap3A = arith.constant 0 : index
    %swap3A_9 = arith.constant 0 : index
    %swap3A_10 = arith.constant 0 : index
    %swap3A_11 = vector.load %arg5[%swap3A, %swap3A_9, %swap3A_10] : memref<2x1000x64xf32, #tpu.memory_space<vmem>>, vector<2x1000x64xf32>
    tpu.vector_store %arg5[%swap3A, %swap3A_9, %swap3A_10], %stack3A_8 {strides = array<i32>} : memref<2x1000x64xf32, #tpu.memory_space<vmem>>, vector<2x1000x64xf32>,
    %get3A_12 = arith.constant 0 : index
    %get3A_13 = arith.constant 0 : index
    %get3A_14 = vector.load %arg3[%get3A_12, %get3A_13] : memref<1x128xf32, #tpu.memory_space<vmem>>, vector<1x128xf32>
    %mul3A = vector.broadcast %get3A_14 : vector<1x128xf32> to vector<1000x128xf32>
    %mul3A_15 = arith.mulf %dot_general3A_5, %mul3A : vector<1000x128xf32>
    %reduce_sum3A = arith.constant dense<0.000000e+00> : vector<1000xf32>
    %reduce_sum3A_16 = vector.multi_reduction <add>, %mul3A_15, %reduce_sum3A [1] : vector<1000x128xf32> to vector<1000xf32>
    %broadcast_in_dim3A = vector.shape_cast %reduce_sum3A_16 : vector<1000xf32> to vector<1000x1xf32>
    %get3A_17 = arith.constant 0 : index
    %get3A_18 = arith.constant 0 : index
    %get3A_19 = vector.load %arg4[%get3A_17, %get3A_18] : memref<1x128xf32, #tpu.memory_space<vmem>>, vector<1x128xf32>
    %mul3A_20 = vector.broadcast %get3A_19 : vector<1x128xf32> to vector<1000x128xf32>
    %mul3A_21 = arith.mulf %dot_general3A_5, %mul3A_20 : vector<1000x128xf32>
    %reduce_sum3A_22 = arith.constant dense<0.000000e+00> : vector<1000xf32>
    %reduce_sum3A_23 = vector.multi_reduction <add>, %mul3A_21, %reduce_sum3A_22 [1] : vector<1000x128xf32> to vector<1000xf32>
    %broadcast_in_dim3A_24 = vector.shape_cast %reduce_sum3A_23 : vector<1000xf32> to vector<1000x1xf32>
    %swap3A_25 = arith.constant 0 : index
    %swap3A_26 = arith.constant 0 : index
    %swap3A_27 = vector.load %arg6[%swap3A_25, %swap3A_26] : memref<1000x1xf32, #tpu.memory_space<vmem>>, vector<1000x1xf32>
    tpu.vector_store %arg6[%swap3A_25, %swap3A_26], %broadcast_in_dim3A {strides = array<i32>} : memref<1000x1xf32, #tpu.memory_space<vmem>>, vector<1000x1xf32>,
    %swap3A_28 = arith.constant 0 : index
    %swap3A_29 = arith.constant 0 : index
    %swap3A_30 = vector.load %arg7[%swap3A_28, %swap3A_29] : memref<1000x1xf32, #tpu.memory_space<vmem>>, vector<1000x1xf32>
    tpu.vector_store %arg7[%swap3A_28, %swap3A_29], %broadcast_in_dim3A_24 {strides = array<i32>} : memref<1000x1xf32, #tpu.memory_space<vmem>>, vector<1000x1xf32>,
    %add3A = arith.addf %broadcast_in_dim3A, %broadcast_in_dim3A_24 : vector<1000x1xf32>
    %gt3A = arith.constant 0.000000e+00 : f32
    %gt3A_31 = vector.broadcast %gt3A : f32 to vector<1000x1xf32>
    %gt3A_32 = arith.cmpf ogt, %add3A, %gt3A_31 : vector<1000x1xf32>
    %mul3A_33 = arith.constant 2.000000e-01 : f32
    %mul3A_34 = vector.broadcast %mul3A_33 : f32 to vector<1000x1xf32>
    %mul3A_35 = arith.mulf %mul3A_34, %add3A : vector<1000x1xf32>
    %select_n3A = arith.select %gt3A_32, %add3A, %mul3A_35 : vector<1000x1xi1>, vector<1000x1xf32>
    %exp3A = math.exp %select_n3A : vector<1000x1xf32>
    %swap3A_36 = arith.constant 0 : index
    %swap3A_37 = arith.constant 0 : index
    %swap3A_38 = vector.load %arg8[%swap3A_36, %swap3A_37] : memref<1000x1xf32, #tpu.memory_space<vmem>>, vector<1000x1xf32>
    tpu.vector_store %arg8[%swap3A_36, %swap3A_37], %exp3A {strides = array<i32>} : memref<1000x1xf32, #tpu.memory_space<vmem>>, vector<1000x1xf32>,
    return
  }
  func.func @transform_0(%arg0: i32) -> (i32, i32) {
    %c0_i32 = arith.constant 0 : i32
    %c0_i32_0 = arith.constant 0 : i32
    return %arg0, %c0_i32 : i32, i32
  }
  func.func @transform_1(%arg0: i32) -> (i32, i32) {
    %c0_i32 = arith.constant 0 : i32
    %c0_i32_0 = arith.constant 0 : i32
    %c0_i32_1 = arith.constant 0 : i32
    return %c0_i32, %c0_i32_0 : i32, i32
  }
  func.func @transform_2(%arg0: i32) -> (i32, i32) {
    %c0_i32 = arith.constant 0 : i32
    %c0_i32_0 = arith.constant 0 : i32
    %c0_i32_1 = arith.constant 0 : i32
    return %c0_i32, %c0_i32_0 : i32, i32
  }
  func.func @transform_3(%arg0: i32) -> (i32, i32) {
    %c0_i32 = arith.constant 0 : i32
    %c0_i32_0 = arith.constant 0 : i32
    %c0_i32_1 = arith.constant 0 : i32
    return %c0_i32, %c0_i32_0 : i32, i32
  }
  func.func @transform_4(%arg0: i32) -> (i32, i32, i32) {
    %c0_i32 = arith.constant 0 : i32
    %c0_i32_0 = arith.constant 0 : i32
    %c0_i32_1 = arith.constant 0 : i32
    return %c0_i32, %arg0, %c0_i32_0 : i32, i32, i32
  }
  func.func @transform_5(%arg0: i32) -> (i32, i32) {
    %c0_i32 = arith.constant 0 : i32
    %c0_i32_0 = arith.constant 0 : i32
    return %arg0, %c0_i32 : i32, i32
  }
  func.func @transform_6(%arg0: i32) -> (i32, i32) {
    %c0_i32 = arith.constant 0 : i32
    %c0_i32_0 = arith.constant 0 : i32
    return %arg0, %c0_i32 : i32, i32
  }
  func.func @transform_7(%arg0: i32) -> (i32, i32) {
    %c0_i32 = arith.constant 0 : i32
    %c0_i32_0 = arith.constant 0 : i32
    return %arg0, %c0_i32 : i32, i32
  }
}

module attributes {stable_mosaic.version = 14 : i64} {
  func.func @_final_body(%arg0: i32, %arg1: memref<2x1000x64xf32, #tpu.memory_space<vmem>>, %arg2: memref<1000x1xf32, #tpu.memory_space<vmem>>, %arg3: memref<2x1000x64xf32, #tpu.memory_space<vmem>>, %arg4: memref<1000x64xf32, #tpu.memory_space<vmem>>, %arg5: memref<1000x1xf32, #tpu.memory_space<vmem>>, %arg6: memref<1x128xf32, #tpu.memory_space<vmem>>, %arg7: memref<128x128xf32, #tpu.memory_space<vmem>>, %arg8: memref<64x128xf32, #tpu.memory_space<vmem>>, %arg9: memref<1x128xf32, #tpu.memory_space<vmem>>, %arg10: memref<128x128xf32, #tpu.memory_space<vmem>>, %arg11: memref<1x128xf32, #tpu.memory_space<vmem>>, %arg12: memref<128x64xf32, #tpu.memory_space<vmem>>, %arg13: memref<1x64xf32, #tpu.memory_space<vmem>>, %arg14: memref<1000x64xf32, #tpu.memory_space<vmem>>) attributes {dimension_semantics = [#tpu.dimension_semantics<arbitrary>], iteration_bounds = array<i64: 10>, scalar_prefetch = 0 : i64, scratch_operands = 0 : i64, tpu.core_type = #tpu.core_type<tc>, window_params = [{transform_indices = @transform_0, window_bounds = array<i64: 2, 1000, 64>}, {transform_indices = @transform_1, window_bounds = array<i64: 1000, 1>}, {transform_indices = @transform_2, window_bounds = array<i64: 2, 1000, 64>}, {transform_indices = @transform_3, window_bounds = array<i64: 1000, 64>}, {transform_indices = @transform_4, window_bounds = array<i64: 1000, 1>}, {pipeline_mode = #tpu.pipeline_mode<synchronous>, transform_indices = @transform_5, window_bounds = array<i64: 1, 128>}, {pipeline_mode = #tpu.pipeline_mode<synchronous>, transform_indices = @transform_6, window_bounds = array<i64: 128, 128>}, {pipeline_mode = #tpu.pipeline_mode<synchronous>, transform_indices = @transform_7, window_bounds = array<i64: 64, 128>}, {pipeline_mode = #tpu.pipeline_mode<synchronous>, transform_indices = @transform_8, window_bounds = array<i64: 1, 128>}, {pipeline_mode = #tpu.pipeline_mode<synchronous>, transform_indices = @transform_9, window_bounds = array<i64: 128, 128>}, {pipeline_mode = #tpu.pipeline_mode<synchronous>, transform_indices = @transform_10, window_bounds = array<i64: 1, 128>}, {pipeline_mode = #tpu.pipeline_mode<synchronous>, transform_indices = @transform_11, window_bounds = array<i64: 128, 64>}, {pipeline_mode = #tpu.pipeline_mode<synchronous>, transform_indices = @transform_12, window_bounds = array<i64: 1, 64>}, {transform_indices = @transform_13, window_bounds = array<i64: 1000, 64>}]} {
    %get3A = arith.constant 0 : index
    %get3A_0 = arith.constant 0 : index
    %get3A_1 = arith.constant 0 : index
    %get3A_2 = vector.load %arg3[%get3A, %get3A_0, %get3A_1] : memref<2x1000x64xf32, #tpu.memory_space<vmem>>, vector<1x1000x64xf32>
    %get3A_3 = vector.shape_cast %get3A_2 : vector<1x1000x64xf32> to vector<1000x64xf32>
    %get3A_4 = arith.constant 1 : index
    %get3A_5 = arith.constant 0 : index
    %get3A_6 = arith.constant 0 : index
    %get3A_7 = vector.load %arg3[%get3A_4, %get3A_5, %get3A_6] : memref<2x1000x64xf32, #tpu.memory_space<vmem>>, vector<1x1000x64xf32>
    %get3A_8 = vector.shape_cast %get3A_7 : vector<1x1000x64xf32> to vector<1000x64xf32>
    %concatenate3A = tpu.concatenate %get3A_3, %get3A_8 in 1 : vector<1000x64xf32>, vector<1000x64xf32> -> vector<1000x128xf32>
    %get3A_9 = arith.constant 0 : index
    %get3A_10 = arith.constant 0 : index
    %get3A_11 = vector.load %arg5[%get3A_9, %get3A_10] : memref<1000x1xf32, #tpu.memory_space<vmem>>, vector<1000x1xf32>
    %get3A_12 = arith.constant 0 : index
    %get3A_13 = arith.constant 0 : index
    %get3A_14 = arith.constant 0 : index
    %get3A_15 = vector.load %arg1[%get3A_12, %get3A_13, %get3A_14] : memref<2x1000x64xf32, #tpu.memory_space<vmem>>, vector<1x1000x64xf32>
    %get3A_16 = vector.shape_cast %get3A_15 : vector<1x1000x64xf32> to vector<1000x64xf32>
    %get3A_17 = arith.constant 1 : index
    %get3A_18 = arith.constant 0 : index
    %get3A_19 = arith.constant 0 : index
    %get3A_20 = vector.load %arg1[%get3A_17, %get3A_18, %get3A_19] : memref<2x1000x64xf32, #tpu.memory_space<vmem>>, vector<1x1000x64xf32>
    %get3A_21 = vector.shape_cast %get3A_20 : vector<1x1000x64xf32> to vector<1000x64xf32>
    %concatenate3A_22 = tpu.concatenate %get3A_16, %get3A_21 in 1 : vector<1000x64xf32>, vector<1000x64xf32> -> vector<1000x128xf32>
    %mul3A = vector.broadcast %get3A_11 : vector<1000x1xf32> to vector<1000x128xf32>
    %mul3A_23 = arith.mulf %mul3A, %concatenate3A : vector<1000x128xf32>
    %add3A = arith.addf %concatenate3A_22, %mul3A_23 : vector<1000x128xf32>
    %get3A_24 = arith.constant 0 : index
    %get3A_25 = arith.constant 0 : index
    %get3A_26 = vector.load %arg2[%get3A_24, %get3A_25] : memref<1000x1xf32, #tpu.memory_space<vmem>>, vector<1000x1xf32>
    %add3A_27 = arith.addf %get3A_26, %get3A_11 : vector<1000x1xf32>
    %div3A = vector.broadcast %add3A_27 : vector<1000x1xf32> to vector<1000x128xf32>
    %div3A_28 = arith.divf %add3A, %div3A : vector<1000x128xf32>
    %get3A_29 = arith.constant 0 : index
    %get3A_30 = arith.constant 0 : index
    %get3A_31 = vector.load %arg6[%get3A_29, %get3A_30] : memref<1x128xf32, #tpu.memory_space<vmem>>, vector<1x128xf32>
    %add3A_32 = vector.broadcast %get3A_31 : vector<1x128xf32> to vector<1000x128xf32>
    %add3A_33 = arith.addf %div3A_28, %add3A_32 : vector<1000x128xf32>
    %max3A = arith.constant 0.000000e+00 : f32
    %max3A_34 = vector.broadcast %max3A : f32 to vector<1000x128xf32>
    %max3A_35 = arith.maximumf %add3A_33, %max3A_34 : vector<1000x128xf32>
    %get3A_36 = arith.constant 0 : index
    %get3A_37 = arith.constant 0 : index
    %get3A_38 = vector.load %arg7[%get3A_36, %get3A_37] : memref<128x128xf32, #tpu.memory_space<vmem>>, vector<128x128xf32>
    %dot_general3A = arith.constant dense<0.000000e+00> : vector<1000x128xf32>
    %dot_general3A_39 = tpu.matmul %max3A_35, %get3A_38, %dot_general3A {dimension_numbers = #tpu.dot_dimension_numbers<[1], [0], [0], [1], [0, 0, 1, 1], [], []>, transpose_lhs_hint = false} : vector<1000x128xf32>, vector<128x128xf32>, vector<1000x128xf32> -> vector<1000x128xf32>
    %get3A_40 = arith.constant 0 : index
    %get3A_41 = arith.constant 0 : index
    %get3A_42 = vector.load %arg4[%get3A_40, %get3A_41] : memref<1000x64xf32, #tpu.memory_space<vmem>>, vector<1000x64xf32>
    %get3A_43 = arith.constant 0 : index
    %get3A_44 = arith.constant 0 : index
    %get3A_45 = vector.load %arg8[%get3A_43, %get3A_44] : memref<64x128xf32, #tpu.memory_space<vmem>>, vector<64x128xf32>
    %dot_general3A_46 = arith.constant dense<0.000000e+00> : vector<1000x128xf32>
    %dot_general3A_47 = tpu.matmul %get3A_42, %get3A_45, %dot_general3A_46 {dimension_numbers = #tpu.dot_dimension_numbers<[1], [0], [0], [1], [0, 0, 1, 1], [], []>, transpose_lhs_hint = false} : vector<1000x64xf32>, vector<64x128xf32>, vector<1000x128xf32> -> vector<1000x128xf32>
    %add3A_48 = arith.addf %dot_general3A_39, %dot_general3A_47 : vector<1000x128xf32>
    %get3A_49 = arith.constant 0 : index
    %get3A_50 = arith.constant 0 : index
    %get3A_51 = vector.load %arg9[%get3A_49, %get3A_50] : memref<1x128xf32, #tpu.memory_space<vmem>>, vector<1x128xf32>
    %add3A_52 = vector.broadcast %get3A_51 : vector<1x128xf32> to vector<1000x128xf32>
    %add3A_53 = arith.addf %add3A_48, %add3A_52 : vector<1000x128xf32>
    %max3A_54 = arith.constant 0.000000e+00 : f32
    %max3A_55 = vector.broadcast %max3A_54 : f32 to vector<1000x128xf32>
    %max3A_56 = arith.maximumf %add3A_53, %max3A_55 : vector<1000x128xf32>
    %get3A_57 = arith.constant 0 : index
    %get3A_58 = arith.constant 0 : index
    %get3A_59 = vector.load %arg10[%get3A_57, %get3A_58] : memref<128x128xf32, #tpu.memory_space<vmem>>, vector<128x128xf32>
    %dot_general3A_60 = arith.constant dense<0.000000e+00> : vector<1000x128xf32>
    %dot_general3A_61 = tpu.matmul %max3A_56, %get3A_59, %dot_general3A_60 {dimension_numbers = #tpu.dot_dimension_numbers<[1], [0], [0], [1], [0, 0, 1, 1], [], []>, transpose_lhs_hint = false} : vector<1000x128xf32>, vector<128x128xf32>, vector<1000x128xf32> -> vector<1000x128xf32>
    %get3A_62 = arith.constant 0 : index
    %get3A_63 = arith.constant 0 : index
    %get3A_64 = vector.load %arg11[%get3A_62, %get3A_63] : memref<1x128xf32, #tpu.memory_space<vmem>>, vector<1x128xf32>
    %add3A_65 = vector.broadcast %get3A_64 : vector<1x128xf32> to vector<1000x128xf32>
    %add3A_66 = arith.addf %dot_general3A_61, %add3A_65 : vector<1000x128xf32>
    %get3A_67 = arith.constant 0 : index
    %get3A_68 = arith.constant 0 : index
    %get3A_69 = vector.load %arg12[%get3A_67, %get3A_68] : memref<128x64xf32, #tpu.memory_space<vmem>>, vector<128x64xf32>
    %dot_general3A_70 = arith.constant dense<0.000000e+00> : vector<1000x64xf32>
    %dot_general3A_71 = tpu.matmul %add3A_66, %get3A_69, %dot_general3A_70 {dimension_numbers = #tpu.dot_dimension_numbers<[1], [0], [0], [1], [0, 0, 1, 1], [], []>, transpose_lhs_hint = false} : vector<1000x128xf32>, vector<128x64xf32>, vector<1000x64xf32> -> vector<1000x64xf32>
    %get3A_72 = arith.constant 0 : index
    %get3A_73 = arith.constant 0 : index
    %get3A_74 = vector.load %arg13[%get3A_72, %get3A_73] : memref<1x64xf32, #tpu.memory_space<vmem>>, vector<1x64xf32>
    %add3A_75 = vector.broadcast %get3A_74 : vector<1x64xf32> to vector<1000x64xf32>
    %add3A_76 = arith.addf %dot_general3A_71, %add3A_75 : vector<1000x64xf32>
    %swap3A = arith.constant 0 : index
    %swap3A_77 = arith.constant 0 : index
    %swap3A_78 = vector.load %arg14[%swap3A, %swap3A_77] : memref<1000x64xf32, #tpu.memory_space<vmem>>, vector<1000x64xf32>
    tpu.vector_store %arg14[%swap3A, %swap3A_77], %add3A_76 {strides = array<i32>} : memref<1000x64xf32, #tpu.memory_space<vmem>>, vector<1000x64xf32>,
    return
  }
  func.func @transform_0(%arg0: i32) -> (i32, i32, i32) {
    %c0_i32 = arith.constant 0 : i32
    %c0_i32_0 = arith.constant 0 : i32
    %c0_i32_1 = arith.constant 0 : i32
    return %c0_i32, %arg0, %c0_i32_0 : i32, i32, i32
  }
  func.func @transform_1(%arg0: i32) -> (i32, i32) {
    %c0_i32 = arith.constant 0 : i32
    %c0_i32_0 = arith.constant 0 : i32
    return %arg0, %c0_i32 : i32, i32
  }
  func.func @transform_2(%arg0: i32) -> (i32, i32, i32) {
    %c0_i32 = arith.constant 0 : i32
    %c0_i32_0 = arith.constant 0 : i32
    %c0_i32_1 = arith.constant 0 : i32
    return %c0_i32, %arg0, %c0_i32_0 : i32, i32, i32
  }
  func.func @transform_3(%arg0: i32) -> (i32, i32) {
    %c0_i32 = arith.constant 0 : i32
    %c0_i32_0 = arith.constant 0 : i32
    return %arg0, %c0_i32 : i32, i32
  }
  func.func @transform_4(%arg0: i32) -> (i32, i32) {
    %c0_i32 = arith.constant 0 : i32
    %c0_i32_0 = arith.constant 0 : i32
    return %arg0, %c0_i32 : i32, i32
  }
  func.func @transform_5(%arg0: i32) -> (i32, i32) {
    %c0_i32 = arith.constant 0 : i32
    %c0_i32_0 = arith.constant 0 : i32
    %c0_i32_1 = arith.constant 0 : i32
    return %c0_i32, %c0_i32_0 : i32, i32
  }
  func.func @transform_6(%arg0: i32) -> (i32, i32) {
    %c0_i32 = arith.constant 0 : i32
    %c0_i32_0 = arith.constant 0 : i32
    %c0_i32_1 = arith.constant 0 : i32
    return %c0_i32, %c0_i32_0 : i32, i32
  }
  func.func @transform_7(%arg0: i32) -> (i32, i32) {
    %c0_i32 = arith.constant 0 : i32
    %c0_i32_0 = arith.constant 0 : i32
    %c0_i32_1 = arith.constant 0 : i32
    return %c0_i32, %c0_i32_0 : i32, i32
  }
  func.func @transform_8(%arg0: i32) -> (i32, i32) {
    %c0_i32 = arith.constant 0 : i32
    %c0_i32_0 = arith.constant 0 : i32
    %c0_i32_1 = arith.constant 0 : i32
    return %c0_i32, %c0_i32_0 : i32, i32
  }
  func.func @transform_9(%arg0: i32) -> (i32, i32) {
    %c0_i32 = arith.constant 0 : i32
    %c0_i32_0 = arith.constant 0 : i32
    %c0_i32_1 = arith.constant 0 : i32
    return %c0_i32, %c0_i32_0 : i32, i32
  }
  func.func @transform_10(%arg0: i32) -> (i32, i32) {
    %c0_i32 = arith.constant 0 : i32
    %c0_i32_0 = arith.constant 0 : i32
    %c0_i32_1 = arith.constant 0 : i32
    return %c0_i32, %c0_i32_0 : i32, i32
  }
  func.func @transform_11(%arg0: i32) -> (i32, i32) {
    %c0_i32 = arith.constant 0 : i32
    %c0_i32_0 = arith.constant 0 : i32
    %c0_i32_1 = arith.constant 0 : i32
    return %c0_i32, %c0_i32_0 : i32, i32
  }
  func.func @transform_12(%arg0: i32) -> (i32, i32) {
    %c0_i32 = arith.constant 0 : i32
    %c0_i32_0 = arith.constant 0 : i32
    %c0_i32_1 = arith.constant 0 : i32
    return %c0_i32, %c0_i32_0 : i32, i32
  }
  func.func @transform_13(%arg0: i32) -> (i32, i32) {
    %c0_i32 = arith.constant 0 : i32
    %c0_i32_0 = arith.constant 0 : i32
    return %arg0, %c0_i32 : i32, i32
  }
}

</mosaic_0001>

<sc_bundles>
// kernel: kernel.5.cloned.1.call-start
scs
__scs_entry_jumppad:
0x0: {  	(pc) =	sbr.rel $0x88, $3  }
0x1: {  	(tag) =	ssettag $0x0;
	lr =	simm.s32 $0x1  }
0x2: {  	[smem:$0x3F94] =	sst lr;
	_ =	strace $0xD0000000  }
0x3: {  	_ = 	snop  }
0x4: {  	_ = 	snop  }
0x5: {  	_ = 	snop  }
0x6: {  	_ = 	snop  }
0x7: {  	_ = 	snop  }
__scs_overlays_trampoline_lowered:
0x8: {  	[smem:$0x3FA3] =	sst s0  }
0x9: {  	[smem:$0x3FA4] =	sst s1  }
0xa: {  	[smem:$0x3FA5] =	sst s2  }
0xb: {  	[smem:$0x3FA6] =	sst s3  }
0xc: {  	[smem:$0x3FA7] =	sst s4  }
0xd: {  	[smem:$0x3FA8] =	sst s5  }
0xe: {  	[smem:$0x3FA9] =	sst s6  }
0xf: {  	[smem:$0x3FAA] =	sst s7  }
0x10: {  	[smem:$0x3FAB] =	sst s8  }
0x11: {  	[smem:$0x3FAC] =	sst s9;
	s0 =	simm.s32 @!p0 $0x0  }
0x12: {  	s1 =	sld [smem:$0x3F92];
	s0 =	simm.s32 @p0 $0x1  }
0x13: {  	[smem:$0x3FAD] =	sst s0;
	s0 =	simm.s32 @!p1 $0x0  }
0x14: {  	s2 =	sld [smem:$0x3F91];
	s0 =	simm.s32 @p1 $0x1  }
0x15: {  	[smem:$0x3FAE] =	sst s0;
	s0 =	simm.s32 @!p2 $0x0  }
0x16: {  	s3 =	sld [smem:$0x3FDB];
	s0 =	simm.s32 @p2 $0x1  }
0x17: {  	s4 =	simm.s32 $0x1BF5;
	[smem:$0x3FB0] =	sst s0  }
0x18: {  	s0 =	sld [smem:$0x3F93];
	_ =	swait.ge [sflag:s4], $0x0  }
0x19: {  	s7 =	sld [smem:$0x3F94]  }
0x1a: {  	s8 =	sadd.s32 $0xFFFFE003, lr  }
0x1b: {  	s9 =	sadd.s32 $0xFFFFFEF7, lr;
	s5 =	simm.s32 $0xFFFFFFFF;
	p2 =	slt.u32 s8, $0xFFFFF086  }
0x1c: {  	p1 =	slt.u32 s9, $0xF7A;
	s5 =	simm.s32 @!p2 $0x0  }
0x1d: {  	s5 =	simm.s32 @p1 $0x1;
	p0 =	seq.s32 s7, s2  }
0x1e: {  	s7 =	smul.u32 @!p0 $0xF7A, s2;
	p2 =	seq.s32 @!p0 s5, $0x0  }
0x1f: {  	s9 =	smul.u32 $0xF7A, s1;
	s8 =	simm.s32 @!p0 $0x1BF5;
	p2 =	por !p2, p0  }
0x20: {  	[sflag:s8] =	ssyncset.s32 @!p0 $0xFFFFF086;
	s6 =	sadd.s32 @!p0 s3, s7;
	s7 =	simm.s32 @!p0 $0x108  }
0x21: {  	s3 =	sadd.s32 s3, s9;
	s6 =	sadd.s32 @!p0 $0x88, s6;
	s7 =	simm.s32 @p2 $0x1082  }
0x22: {  	[simem:s7], [sflag:s8] =	dma.local @!p0 [hbm:s6], $0xF7A  }
0x23: {  	s9 =	sor.u32 $0xD0000000, s2;
	s6 =	simm.s32 $0x108;
	_ =	swait.ge @!p0 [sflag:s8], $0x0  }
0x24: {  	s3 =	sadd.s32 $0x88, s3;
	s6 =	simm.s32 @!p1 $0x1082;
	[sflag:s4] =	ssyncset.s32 $0xFFFFF086  }
0x25: {  	[simem:s6], [sflag:s4] =	dma.local [hbm:s3], $0xF7A  }
0x26: {  	[smem:$0x3F94] =	sst s1;
	(tag) =	ssettag s2;
	_ =	strace s9  }
0x27: {  	s1 =	sld [smem:$0x3FA4]  }
0x28: {  	s2 =	sld [smem:$0x3FA5]  }
0x29: {  	s4 =	sld [smem:$0x3FA7]  }
0x2a: {  	p0 =	seq.s32 s5, $0x0;
	s5 =	sld [smem:$0x3FA8]  }
0x2b: {  	s6 =	sld [smem:$0x3FA9]  }
0x2c: {  	s7 =	sld [smem:$0x3FAA]  }
0x2d: {  	s3 =	simm.s32 $0x108;
	s8 =	sld [smem:$0x3FAB]  }
0x2e: {  	s3 =	simm.s32 @!p0 $0x1082;
	s9 =	sld [smem:$0x3FAC]  }
0x2f: {  	lr =	sadd.s32 s0, s3;
	s0 =	sld [smem:$0x3FA3]  }
0x30: {  	s3 =	sld [smem:$0x3FA6]  }
0x31: {  	[smem:$0x3FAF] =	sst s10  }
0x32: {  	s10 =	sld [smem:$0x3FAD];
	_ =	sdelay $0x3  }
0x33: {  	p0 =	seq.s32 s10, $0x1;
	s10 =	sld [smem:$0x3FAF];
	_ =	sdelay $0x3  }
0x34: {  	[smem:$0x3FAF] =	sst s10  }
0x35: {  	s10 =	sld [smem:$0x3FAE];
	_ =	sdelay $0x3  }
0x36: {  	p1 =	seq.s32 s10, $0x1;
	s10 =	sld [smem:$0x3FAF];
	_ =	sdelay $0x3  }
0x37: {  	[smem:$0x3FAF] =	sst s10  }
0x38: {  	s10 =	sld [smem:$0x3FB0]  }
0x39: {  	_ = 	snop;
	(pc) =	sbr.ind lr, $3  }
0x3a: {  	_ = 	snop  }
0x3b: {  	_ = 	snop  }
0x3c: {  	p2 =	seq.s32 s10, $0x1;
	s10 =	sld [smem:$0x3FAF]  }
0x3d: {  	_ =	shalt  }
0x3e: {  	_ =	shalt  }
0x3f: {  	_ =	shalt  }
0x40: {  	_ =	shalt  }
0x41: {  	_ =	shalt  }
0x42: {  	_ =	shalt  }
0x43: {  	_ =	shalt  }
0x44: {  	_ =	shalt  }
0x45: {  	_ =	shalt  }
0x46: {  	_ =	shalt  }
0x47: {  	_ =	shalt  }
0x48: {  	_ =	shalt  }
0x49: {  	_ =	shalt  }
0x4a: {  	_ =	shalt  }
0x4b: {  	_ =	shalt  }
0x4c: {  	_ =	shalt  }
0x4d: {  	_ =	shalt  }
0x4e: {  	_ =	shalt  }
0x4f: {  	_ =	shalt  }
0x50: {  	_ =	shalt  }
0x51: {  	_ =	shalt  }
0x52: {  	_ =	shalt  }
0x53: {  	_ =	shalt  }
0x54: {  	_ =	shalt  }
0x55: {  	_ =	shalt  }
0x56: {  	_ =	shalt  }
0x57: {  	_ =	shalt  }
0x58: {  	_ =	shalt  }
0x59: {  	_ =	shalt  }
0x5a: {  	_ =	shalt  }
0x5b: {  	_ =	shalt  }
0x5c: {  	_ =	shalt  }
0x5d: {  	_ =	shalt  }
0x5e: {  	_ =	shalt  }
0x5f: {  	_ =	shalt  }
0x60: {  	_ =	shalt  }
0x61: {  	_ =	shalt  }
0x62: {  	_ =	shalt  }
0x63: {  	_ =	shalt  }
0x64: {  	_ =	shalt  }
0x65: {  	_ =	shalt  }
0x66: {  	_ =	shalt  }
0x67: {  	_ =	shalt  }
0x68: {  	_ =	shalt  }
0x69: {  	_ =	shalt  }
0x6a: {  	_ =	shalt  }
0x6b: {  	_ =	shalt  }
0x6c: {  	_ =	shalt  }
0x6d: {  	_ =	shalt  }
0x6e: {  	_ =	shalt  }
0x6f: {  	_ =	shalt  }
0x70: {  	_ =	shalt  }
0x71: {  	_ =	shalt  }
0x72: {  	_ =	shalt  }
0x73: {  	_ =	shalt  }
0x74: {  	_ =	shalt  }
0x75: {  	_ =	shalt  }
0x76: {  	_ =	shalt  }
0x77: {  	_ =	shalt  }
0x78: {  	_ =	shalt  }
0x79: {  	_ =	shalt  }
0x7a: {  	_ =	shalt  }
0x7b: {  	_ =	shalt  }
0x7c: {  	_ =	shalt  }
0x7d: {  	_ =	shalt  }
0x7e: {  	_ =	shalt  }
0x7f: {  	_ =	shalt  }
0x80: {  	_ =	shalt  }
0x81: {  	_ =	shalt  }
0x82: {  	_ =	shalt  }
0x83: {  	_ =	shalt  }
0x84: {  	_ =	shalt  }
0x85: {  	_ =	shalt  }
0x86: {  	_ =	shalt  }
0x87: {  	_ =	shalt  }
.Lfunc_end0:
.L_simem_size_0:
called_computation_lowered:
.L_overlay_start_0:
0x88: {  	s2 =	sld [smem:$0x3FD9]  }
0x89: {  	s3 =	sld [smem:$0x3FFE];
	_ =	sdelay $0x1  }
0x8a: {  	s1 =	srdreg.scid  }
0x8b: {  	s0 =	sand.u32 $0x1, s1  }
0x8c: {  	s17 =	sshll.u32 s0, $0xA;
	s2 =	sadd.s32 s3, s2  }
0x8d: {  	s2 =	sadd.s32 s2, s17  }
0x8e: {  	[smem:$0x3FBB] =	sst s2  }
0x8f: {  	_ = 	snop  }
0x90: {  	s2 =	sld [smem:$0x3FD0];
	(tm) =	ssettm $0x1  }
0x91: {  	s18 =	sld [smem:$0x3FFB];
	_ =	sdelay $0x3  }
0x92: {  	_ =	strace s18  }
0x93: {  	s3 =	sld [smem:$0x3FFC];
	_ =	sdelay $0x3  }
0x94: {  	_ =	strace s3  }
0x95: {  	s3 =	sld [smem:$0x3FFD];
	_ =	sdelay $0x3  }
0x96: {  	_ =	strace s3  }
0x97: {  	_ =	strace $0x8FFFFFFF  }
0x98: {  	s19 =	sld [smem:$0x3FDB];
	_ =	sdelay $0x1  }
0x99: {  	s4 =	simm.s32 $_scs_section_size  }
0x9a: {  	s5 =	simm.s32 $_size__tile_overlayer_lowered;
	s6 =	simm.s32 $_tile_overlayer_lowered  }
0x9b: {  	s22 =	simm.s32 $0x1BFF;
	s21 =	sshll.u32 s6, $0x1;
	s3 =	sadd.s32 s4, s19  }
0x9c: {  	s7 =	simm.s32 $0x0;
	s20 =	sshll.u32 s5, $0x1;
	s5 =	sadd.s32 s21, s3  }
0x9d: {  	[timem:s7], [sflag:s22] =	dma.local [hbm:s5], s20  }
0x9e: {  	_ =	swait.ge [sflag:s22], s20  }
0x9f: {  	s4 =	ssub.s32 $0x0, s20;
	[sflag:s22] =	ssyncset.done $0x0  }
0xa0: {  	[sflag:s22] =	ssyncadd.s32 s4;
	_ =	sdelay $0x1  }
0xa1: {  	s23 =	simm.s32 $0x1B8B  }
0xa2: {  	_ =	swait.ge [sflag:s23], $0x1  }
0xa3: {  	[sflag:s23] =	ssyncset.done $0x0  }
0xa4: {  	s25 =	simm.s32 $0x1B8E;
	s24 =	sld [smem:$0x3FFE];
	[sflag:s23] =	ssyncadd.s32 $0xFFFFFFFF  }
0xa5: {  	s26 =	simm.s32 $execute0_lowered;
	[smem:$0x3FD2] =	sst s25  }
0xa6: {  	s5 =	sshll.u32 s26, $0x1;
	_ =	strace $0x80000046;
	[dreg:$0x1] =	wrdreg $0xFFFFFFFF  }
0xa7: {  	s28 =	simm.s32 $_size_execute0_lowered;
	s3 =	sadd.s32 s3, s5;
	[dreg:$0x0] =	wrdreg $0x0  }
0xa8: {  	s5 =	sshll.u32 s28, $0x1;
	[dreg:$0x2] =	wrdreg s3  }
0xa9: {  	[dreg:$0x3] =	wrdreg s5  }
0xaa: {  	[dreg:$0x4] =	wrdreg $0xC0  }
0xab: {  	_ =	task [dreg:s7], $0x5FFFF  }
0xac: {  	[dreg:$0x1] =	wrdreg $0xFFFFFFFF  }
0xad: {  	[dreg:$0x0] =	wrdreg $0x60  }
0xae: {  	[dreg:$0x2] =	wrdreg s24  }
0xaf: {  	[dreg:$0x3] =	wrdreg s2  }
0xb0: {  	[dreg:$0x4] =	wrdreg $0x0  }
0xb1: {  	[dreg:$0x5] =	wrdreg $0x9C400  }
0xb2: {  	[dreg:$0x6] =	wrdreg $0x9  }
0xb3: {  	_ =	task.clear_ibuf [dreg:s7], $0x7FFFF;
	_ =	strace $0x90000046  }
0xb4: {  	s29 =	simm.s32 $0x9;
	_ =	strace $0x80000048  }
0xb5: {  	_ =	swait.ge [sflag:s29], $0x1  }
0xb6: {  	[sflag:s29] =	ssyncadd.s32 $0xFFFFFFFF  }
0xb7: {  	_ =	strace $0x90000048  }
0xb8: {  	_ =	sfence  }
0xb9: {  	s30 =	sld [smem:$0x0];
	_ =	sdelay $0x2  }
0xba: {  	s31 =	sshll.u32 s1, $0xD;
	s1 =	sshrl.u32 s1, $0x2  }
0xbb: {  	s3 =	sand.u32 $0x4000, s31;
	s1 =	sadd.s32 s1, s30  }
0xbc: {  	s0 =	sor.u32 s3, s0;
	s1 =	sshll.u32 s1, $0x11  }
0xbd: {  	s0 =	sor.u32 s1, s0  }
0xbe: {  	s0 =	sadd.s32 $0x8F2B, s0  }
0xbf: {  	[sflag:s0] =	ssyncadd.remote.s32 $0x1  }
0xc0: {  	_ =	sfence.sel $0xFFFF  }
0xc1: {  	[dreg:$0x0] =	wrdreg $0xFFFFFFFF;
	(pc) =	sbr.abs _section_cstart, $3  }
0xc2: {  	[dreg:$0x1] =	wrdreg $0xFFFFFFFF  }
0xc3: {  	_ =	task.clear_ibuf [dreg:s7], $0x2FFFF;
	_ =	strace $0x9FFFFFFF  }
0xc4: {  	(tm) =	ssettm $0x7FFFFFFF  }
0xc5: {  	_ =	shalt  }
tec
execute0_lowered:
.L_overlay_start_1:
0x0: {  	(tag) =	ssettag $0x1  }
0x1: {  	s0 =	srdreg.scid;
	s9 =	rddreg [dreg:$0x0];
	s30 =	simm.s32 $0x0  }
0x2: {  	s28 =	stileid.u32;
	s29 =	simm.s32 $0x19EF8;
	s31 =	simm.s32 $0x1B3E8  }
0x3: {  	s0 =	sand.u32 $0x1, s0;
	[smem:$0x7FF] =	sst s30;
	s12 =	sadd.s32 $0x81600, s9  }
0x4: {  	s3 =	smul.u32 $0x1400, s28;
	s15 =	sor.u32 $0x20, s28;
	s16 =	sor.u32 $0x30, s28  }
0x5: {  	s17 =	sor.u32 $0x40, s28;
	s18 =	sor.u32 $0x50, s28;
	s10 =	smul.u32 $0x9C400, s0  }
0x6: {  	s14 =	sor.u32 $0x60, s28;
	s13 =	sor.u32 $0x70, s28;
	s5 =	smul.u32 $0x1400, s15  }
0x7: {  	p2 =	sgt.u32 s28, $0xC;
	s1 =	ssub.s32 $0x2, s0;
	s11 =	smul.u32 $0x1400, s18  }
0x8: {  	s15 =	smul.u32 $0x5000, s15;
	p0 =	sne.s32 s0, $0x0;
	s2 =	sshrl.u32 s1, $0x1  }
0x9: {  	p3 =	seq.s32 s0, $0x0;
	s1 =	ssub.s32 s1, s2;
	s2 =	sor.u32 $0x10, s28  }
0xa: {  	s6 =	sadd.s32 s3, s10;
	s21 =	sadd.s32 s10, s5;
	s4 =	smul.u32 $0x1400, s2  }
0xb: {  	s23 =	sadd.s32 s10, s11;
	s8 =	sshrl.u32 s6, $0x3;
	s6 =	smul.u32 $0x1400, s16  }
0xc: {  	s20 =	sshrl.u32 s21, $0x3;
	s16 =	smul.u32 $0x5000, s16;
	p1 =	sgt.u32 s2, $0x18  }
0xd: {  	p4 =	sgt.u32 @!p0 s2, $0x18;
	s1 =	smax.u32 s1, $0x1;
	s8 =	sadd.s32 s12, s8  }
0xe: {  	s20 =	sadd.s32 s12, s20;
	p4 =	por p4, p0;
	s7 =	sadd.s32 s10, s4  }
0xf: {  	[dreg:$0x5] =	wrdreg s8;
	s8 =	smul.u32 $0x1400, s17;
	s19 =	sadd.s32 s10, s6  }
0x10: {  	[dreg:$0x7] =	wrdreg s20;
	s20 =	sshrl.u32 s23, $0x3;
	s23 =	smul.u32 $0x190, s2  }
0x11: {  	s17 =	smul.u32 $0x5000, s17;
	s7 =	sshrl.u32 s7, $0x3;
	s19 =	sshrl.u32 s19, $0x3  }
0x12: {  	s24 =	sadd.s32 s12, s20;
	s20 =	smul.u32 $0x190, s28;
	s7 =	sadd.s32 s12, s7  }
0x13: {  	s19 =	sadd.s32 s12, s19;
	s22 =	sadd.s32 s10, s8;
	[dreg:$0x6] =	wrdreg s7  }
0x14: {  	s7 =	smul.u32 $0x1400, s14;
	[dreg:$0x8] =	wrdreg s19;
	s19 =	sshrl.u32 s22, $0x3  }
0x15: {  	[dreg:$0xa] =	wrdreg s24;
	s22 =	smul.u32 $0x1400, s13;
	s19 =	sadd.s32 s12, s19  }
0x16: {  	s24 =	sadd.s32 $0x81000, s9;
	s21 =	sadd.s32 s10, s7;
	[dreg:$0x9] =	wrdreg s19  }
0x17: {  	s10 =	sadd.s32 s10, s22;
	s19 =	rddreg [dreg:$0x1];
	s21 =	sshrl.u32 s21, $0x3  }
0x18: {  	s26 =	sshrl.u32 s10, $0x3;
	s10 =	rddreg [dreg:$0x2];
	s25 =	sadd.s32 s12, s21  }
0x19: {  	s14 =	smul.u32 $0x5000, s14;
	s12 =	sadd.s32 s12, s26;
	[dreg:$0xb] =	wrdreg s25  }
0x1a: {  	s21 =	smul.u32 $0x9C4, s28;
	[dreg:$0xc] =	wrdreg s12;
	s25 =	sshrl.u32 s20, $0x3  }
0x1b: {  	s26 =	sshrl.u32 s23, $0x3;
	s12 =	rddreg [dreg:$0x3];
	s25 =	sadd.s32 s24, s25  }
0x1c: {  	s13 =	smul.u32 $0x5000, s13;
	s24 =	sadd.s32 s24, s26;
	[dreg:$0xd] =	wrdreg s25  }
0x1d: {  	s14 =	sshrl.u32 s14, $0x2;
	s19 =	sadd.s32 s19, s21;
	[dreg:$0xe] =	wrdreg s24  }
0x1e: {  	s24 =	sadd.s32 $0x59200, s9;
	_ =	strace $0x80000047;
	[dreg:$0xf] =	wrdreg s19  }
0x1f: {  	s21 =	sadd.s32 s21, s9;
	s25 =	sadd.s32 $0x59800, s9;
	[dreg:$0x10] =	wrdreg s24  }
0x20: {  	s3 =	sadd.s32 s3, s10;
	s21 =	sadd.s32 $0x1200, s21;
	[dreg:$0x11] =	wrdreg s25  }
0x21: {  	s4 =	sadd.s32 s4, s10;
	s5 =	sadd.s32 s5, s10;
	[dreg:$0x12] =	wrdreg s21  }
0x22: {  	s6 =	sadd.s32 s6, s10;
	s26 =	smul.u32 $0x5000, s2;
	[dreg:$0x1b] =	wrdreg s3  }
0x23: {  	s2 =	smul.u32 $0x640, s2;
	s20 =	sadd.s32 s20, s12;
	[dreg:$0x1c] =	wrdreg s4  }
0x24: {  	s24 =	smul.u32 $0x5000, s28;
	s19 =	sadd.s32 $0x59E00, s9;
	[dreg:$0x1d] =	wrdreg s5  }
0x25: {  	s9 =	sshrl.u32 s26, $0x2;
	s25 =	sshrl.u32 s15, $0x2;
	[dreg:$0x1e] =	wrdreg s6  }
0x26: {  	s26 =	smul.u32 $0x5000, s18;
	s18 =	sshrl.u32 s16, $0x2;
	[smem:$0x7F9] =	sst s1  }
0x27: {  	s15 =	sadd.s32 s7, s10;
	s16 =	sadd.s32 s22, s10;
	[smem:$0x7FC] =	sst s20  }
0x28: {  	s22 =	smul.u32 $0x2710, s0;
	s20 =	simm.s32 $0x1;
	s4 =	simm.s32 $0x1C8D8  }
0x29: {  	s5 =	simm.s32 $0x19EA8;
	s6 =	simm.s32 $0x19E58;
	[smem:$0x7F7] =	sst s15  }
0x2a: {  	s7 =	simm.s32 $0x7;
	s9 =	sadd.s32 s9, s10;
	[smem:$0x7F8] =	sst s16  }
0x2b: {  	s15 =	simm.s32 $0x9EB8;
	s16 =	simm.s32 $0xC5C8;
	s24 =	sshrl.u32 s24, $0x2  }
0x2c: {  	[dreg:$0x14] =	wrdreg s9;
	s9 =	sadd.s32 s25, s10;
	s25 =	sadd.s32 s14, s10  }
0x2d: {  	s14 =	smul.u32 $0x640, s28;
	s28 =	simm.s32 $0x19E08;
	v0 =	vmov s22;
	s22 =	simm.s32 $0x1C838  }
0x2e: {  	s21 =	sadd.s32 s24, s10;
	[dreg:$0x15] =	wrdreg s9;
	s9 =	sadd.s32 s18, s10  }
0x2f: {  	s24 =	sshrl.u32 s26, $0x2;
	[dreg:$0x19] =	wrdreg s25;
	s26 =	sshrl.u32 s13, $0x2  }
0x30: {  	s13 =	sadd.s32 s11, s10;
	s18 =	sshrl.u32 s2, $0x2;
	[dreg:$0x13] =	wrdreg s21  }
0x31: {  	s25 =	simm.s32 $0x50;
	s11 =	simm.s32 $0x8;
	[dreg:$0x16] =	wrdreg s9  }
0x32: {  	s21 =	sshrl.u32 s17, $0x2;
	[smem:$0x7F6] =	sst s13;
	s3 =	sshrl.u32 s14, $0x2  }
0x33: {  	s1 =	sadd.s32 s18, s12;
	s13 =	simm.s32 $0x189B8;
	s14 =	simm.s32 $0x1C888  }
0x34: {  	s9 =	sadd.s32 s21, s10;
	s17 =	sadd.s32 s3, s12;
	[smem:$0x7FB] =	sst s1  }
0x35: {  	s21 =	sadd.s32 s23, s12;
	s23 =	simm.s32 $0xD;
	[dreg:$0x17] =	wrdreg s9  }
0x36: {  	s1 =	simm.s32 $0x18968;
	s9 =	sadd.s32 s24, s10;
	[smem:$0x7FA] =	sst s17  }
0x37: {  	[smem:$0x7FD] =	sst s21;
	s17 =	simm.s32 $0x18A08;
	s21 =	simm.s32 $0x2  }
0x38: {  	s24 =	simm.s32 $0x3;
	[dreg:$0x18] =	wrdreg s9;
	s9 =	sadd.s32 s26, s10  }
0x39: {  	v2 =	vimm.s32 $0x0;
	vm0 =	vcmask $0x300;
	s26 =	simm.s32 $0x18918;
	[dreg:$0x1a] =	wrdreg s9;
	s9 =	sadd.s32 s8, s10  }
0x3a: {  	v1 =	vimm.f32 $0.0e+00;
	v2 =	vsel vm0, $0x3, v2;
	s8 =	simm.s32 $0x1B398;
	[dreg:$0x1f] =	wrdreg s9;
	s9 =	simm.s32 $0x0  }
.LBB2_1:
0x3b: {  	s2 =	rddreg [dreg:$0x10]  }
0x3c: {  	[tilespmem:s15], [sflag:$0x1] =	stream.linear.gather [hbm4b:s2+s30], $0x2710, $0x38;
	[tilespmem:$0x1DE68] =	vst v63  }
0x3d: {  	s3 =	rddreg [dreg:$0x11]  }
0x3e: {  	[tilespmem:s16], [sflag:$0x2] =	stream.linear.gather [hbm4b:s3+s30], $0x2710, $0x38;
	[tilespmem:$0x1DE68] =	vst v63  }
0x3f: {  	s18 =	rddreg [dreg:$0x12];
	s3 =	simm.s32 $0xECD8  }
0x40: {  	[tilespmem:s3], [sflag:$0x5] =	stream.linear.gather [hbm4b:s18+s30], $0x4E20, $0x38;
	[tilespmem:$0x1DE68] =	vst v63  }
0x41: {  	s2 =	simm.s32 $0x18B08;
	s3 =	rddreg [dreg:$0xf];
	s18 =	simm.s32 $0x13AF8  }
0x42: {  	[tilespmem:s18], [sflag:$0x6] =	stream.linear.gather [hbm4b:s3+s30], $0x4E20, $0x38;
	[tilespmem:$0x1DE68] =	vst v63  }
0x43: {  	[tilespmem:s2+$0xFFFFFF00] =	vst v1  }
0x44: {  	[tilespmem:s2+$0xF0] =	vst v1  }
0x45: {  	[tilespmem:s2+$0xE0] =	vst v1  }
0x46: {  	[tilespmem:s2+$0xD0] =	vst v1  }
0x47: {  	[tilespmem:s2+$0xC0] =	vst v1  }
0x48: {  	[tilespmem:s2+$0xB0] =	vst v1  }
0x49: {  	[tilespmem:s2+$0xA0] =	vst v1  }
0x4a: {  	[tilespmem:s2+$0x90] =	vst v1  }
0x4b: {  	[tilespmem:s2+$0x80] =	vst v1  }
0x4c: {  	[tilespmem:s2+$0x70] =	vst v1  }
0x4d: {  	[tilespmem:s2+$0x60] =	vst v1  }
0x4e: {  	[tilespmem:s2+$0x50] =	vst v1  }
0x4f: {  	[tilespmem:s2+$0x40] =	vst v1  }
0x50: {  	[tilespmem:s2+$0x30] =	vst v1  }
0x51: {  	[tilespmem:s2+$0x20] =	vst v1  }
0x52: {  	[tilespmem:s2+$0x10] =	vst v1  }
0x53: {  	[tilespmem:s2+$0x0] =	vst v1  }
0x54: {  	[tilespmem:s2+$0xFFFFFFF0] =	vst v1  }
0x55: {  	[tilespmem:s2+$0xFFFFFFE0] =	vst v1  }
0x56: {  	[tilespmem:s2+$0xFFFFFFD0] =	vst v1  }
0x57: {  	[tilespmem:s2+$0xFFFFFFC0] =	vst v1  }
0x58: {  	[tilespmem:s2+$0xFFFFFFB0] =	vst v1  }
0x59: {  	[tilespmem:s2+$0xFFFFFFA0] =	vst v1  }
0x5a: {  	[tilespmem:s2+$0xFFFFFF90] =	vst v1  }
0x5b: {  	[tilespmem:s2+$0xFFFFFF80] =	vst v1  }
0x5c: {  	[tilespmem:s2+$0xFFFFFF70] =	vst v1  }
0x5d: {  	[tilespmem:s2+$0xFFFFFF60] =	vst v1  }
0x5e: {  	[tilespmem:s2+$0xFFFFFF50] =	vst v1  }
0x5f: {  	[tilespmem:s2+$0xFFFFFF40] =	vst v1  }
0x60: {  	[tilespmem:s2+$0xFFFFFF30] =	vst v1  }
0x61: {  	s18 =	simm.s32 $0x0;
	[tilespmem:s2+$0xFFFFFF20] =	vst v1  }
.LBB2_2:
0x62: {  	s18 =	sadd.s32 $0x8, s18;
	[tilespmem:s2+$0xFFFFFF10] =	vst v1;
	s2 =	sadd.s32 $0x200, s2  }
0x63: {  	[tilespmem:s2+$0xFFFFFF00] =	vst v1;
	p5 =	slt.u32 s18, $0x48  }
0x64: {  	[tilespmem:s2+$0xF0] =	vst v1  }
0x65: {  	[tilespmem:s2+$0xE0] =	vst v1  }
0x66: {  	[tilespmem:s2+$0xD0] =	vst v1  }
0x67: {  	[tilespmem:s2+$0xC0] =	vst v1  }
0x68: {  	[tilespmem:s2+$0xB0] =	vst v1  }
0x69: {  	[tilespmem:s2+$0xA0] =	vst v1  }
0x6a: {  	[tilespmem:s2+$0x90] =	vst v1  }
0x6b: {  	[tilespmem:s2+$0x80] =	vst v1  }
0x6c: {  	[tilespmem:s2+$0x70] =	vst v1  }
0x6d: {  	[tilespmem:s2+$0x60] =	vst v1  }
0x6e: {  	[tilespmem:s2+$0x50] =	vst v1  }
0x6f: {  	[tilespmem:s2+$0x40] =	vst v1  }
0x70: {  	[tilespmem:s2+$0x30] =	vst v1  }
0x71: {  	[tilespmem:s2+$0x20] =	vst v1  }
0x72: {  	[tilespmem:s2+$0x10] =	vst v1  }
0x73: {  	[tilespmem:s2+$0x0] =	vst v1  }
0x74: {  	[tilespmem:s2+$0xFFFFFFF0] =	vst v1  }
0x75: {  	[tilespmem:s2+$0xFFFFFFE0] =	vst v1  }
0x76: {  	[tilespmem:s2+$0xFFFFFFD0] =	vst v1  }
0x77: {  	[tilespmem:s2+$0xFFFFFFC0] =	vst v1  }
0x78: {  	[tilespmem:s2+$0xFFFFFFB0] =	vst v1  }
0x79: {  	[tilespmem:s2+$0xFFFFFFA0] =	vst v1  }
0x7a: {  	[tilespmem:s2+$0xFFFFFF90] =	vst v1  }
0x7b: {  	[tilespmem:s2+$0xFFFFFF80] =	vst v1  }
0x7c: {  	[tilespmem:s2+$0xFFFFFF70] =	vst v1  }
.Ltmp0:
0x7d: {  	[tilespmem:s2+$0xFFFFFF60] =	vst v1;
	(pc) =	sbr.rel @p5 .LBB2_2-.Ltmp0, $4  }
0x7e: {  	[tilespmem:s2+$0xFFFFFF50] =	vst v1  }
0x7f: {  	[tilespmem:s2+$0xFFFFFF40] =	vst v1  }
0x80: {  	[tilespmem:s2+$0xFFFFFF30] =	vst v1  }
0x81: {  	[tilespmem:s2+$0xFFFFFF20] =	vst v1  }
0x82: {  	[smem:$0x7F5] =	sst s9  }
0x83: {  	[tilespmem:s2+$0xFFFFFF10] =	vst v1  }
0x84: {  	[tilespmem:$0x1DCD8] =	vst v1  }
0x85: {  	[tilespmem:$0x1DCE8] =	vst v1  }
0x86: {  	[tilespmem:$0x1DCF8] =	vst v1  }
0x87: {  	[tilespmem:$0x1DD08] =	vst v1  }
0x88: {  	[tilespmem:$0x1DD18] =	vst v1  }
0x89: {  	[tilespmem:$0x1DD28] =	vst v1  }
0x8a: {  	[tilespmem:$0x1DD38] =	vst v1  }
0x8b: {  	[tilespmem:$0x1DD48] =	vst v1  }
0x8c: {  	[tilespmem:$0x1DD58] =	vst v1  }
0x8d: {  	[tilespmem:$0x1DD68] =	vst v1  }
0x8e: {  	[tilespmem:$0x1DD78] =	vst v1  }
0x8f: {  	[tilespmem:$0x1DD88] =	vst v1  }
0x90: {  	[tilespmem:$0x1DD98] =	vst v1  }
0x91: {  	[tilespmem:$0x1DDA8] =	vst v1  }
0x92: {  	[tilespmem:$0x1DDB8] =	vst v1  }
0x93: {  	[tilespmem:$0x1DDC8] =	vst v1  }
0x94: {  	[tilespmem:$0x1DDD8] =	vst v1  }
0x95: {  	[tilespmem:$0x1DDE8] =	vst v1  }
0x96: {  	[tilespmem:$0x1DDF8] =	vst v1  }
0x97: {  	[tilespmem:$0x1DE08] =	vst v1  }
0x98: {  	[tilespmem:$0x1DE18] =	vst v1  }
0x99: {  	[tilespmem:$0x1DE28] =	vst v1  }
0x9a: {  	[tilespmem:$0x1DE38] =	vst v1  }
0x9b: {  	[tilespmem:$0x1DE48] =	vst v1;
	s2 =	rddreg [dreg:$0x13]  }
0x9c: {  	[tilespmem:$0x1DE58] =	vst v1;
	s30 =	rddreg [dreg:$0x14]  }
0x9d: {  	[spmem:s2] =	stream.linear.scatter [tilespmem:s17], [sflag:$0x3], $0x1400, $0x38;
	[tilespmem:$0x1DE68] =	vst v63  }
0x9e: {  	s3 =	rddreg [dreg:$0x15]  }
0x9f: {  	[spmem:s30] =	stream.linear.scatter [tilespmem:s17], [sflag:$0x3], $0x1400, $0x38;
	[tilespmem:$0x1DE68] =	vst v63  }
0xa0: {  	s9 =	rddreg [dreg:$0x16]  }
0xa1: {  	[spmem:s3] =	stream.linear.scatter [tilespmem:s17], [sflag:$0x3], $0x1400, $0x38;
	[tilespmem:$0x1DE68] =	vst v63  }
0xa2: {  	s18 =	rddreg [dreg:$0x17]  }
0xa3: {  	[spmem:s9] =	stream.linear.scatter [tilespmem:s17], [sflag:$0x3], $0x1400, $0x38;
	[tilespmem:$0x1DE68] =	vst v63  }
0xa4: {  	s30 =	rddreg [dreg:$0x18]  }
0xa5: {  	[spmem:s18] =	stream.linear.scatter [tilespmem:s17], [sflag:$0x3], $0x1400, $0x38;
	[tilespmem:$0x1DE68] =	vst v63  }
0xa6: {  	s3 =	rddreg [dreg:$0x19]  }
0xa7: {  	[spmem:s30] =	stream.linear.scatter [tilespmem:s17], [sflag:$0x3], $0x1400, $0x38;
	[tilespmem:$0x1DE68] =	vst v63  }
0xa8: {  	s9 =	sld [smem:$0x7FA]  }
0xa9: {  	[spmem:s3] =	stream.linear.scatter [tilespmem:s17], [sflag:$0x3], $0x1400, $0x38;
	[tilespmem:$0x1DE68] =	vst v63  }
0xaa: {  	s2 =	simm.s32 @!p2 $0x18A08;
	s3 =	rddreg [dreg:$0x1a]  }
0xab: {  	[spmem:s3] =	stream.linear.scatter @!p2 [tilespmem:s2], [sflag:$0x3], $0x1400, $0x38;
	[tilespmem:$0x1DE68] =	vst v63  }
0xac: {  	s18 =	simm.s32 $0x1DCD8  }
0xad: {  	[spmem:s9] =	stream.linear.scatter [tilespmem:s18], [sflag:$0xD], $0x190, $0x38;
	[tilespmem:$0x1DE68] =	vst v63  }
0xae: {  	_ =	swait.ge [sflag:s23], $0x190  }
0xaf: {  	s3 =	sld [smem:$0x7FB]  }
0xb0: {  	[sflag:s23] =	ssyncset.done $0x0  }
0xb1: {  	s2 =	simm.s32 @!p1 $0x1DCD8;
	[sflag:s23] =	ssyncadd.s32 $0xFFFFFE70  }
0xb2: {  	[spmem:s3] =	stream.linear.scatter @!p1 [tilespmem:s2], [sflag:$0xD], $0x190, $0x38;
	[tilespmem:$0x1DE68] =	vst v63  }
0xb3: {  	s2 =	simm.s32 @!p1 $0xD  }
0xb4: {  	_ =	swait.ge @!p1 [sflag:s2], $0x190  }
0xb5: {  	[sflag:s2] =	ssyncset.done @!p1 $0x0  }
0xb6: {  	[sflag:s2] =	ssyncadd.s32 @!p1 $0xFFFFFE70  }
0xb7: {  	_ =	swait.ge [sflag:s20], $0x2710  }
0xb8: {  	[sflag:s20] =	ssyncset.done $0x0  }
0xb9: {  	[sflag:s20] =	ssyncadd.s32 $0xFFFFD8F0  }
0xba: {  	_ =	swait.ge [sflag:s21], $0x2710  }
0xbb: {  	[sflag:s21] =	ssyncset.done $0x0  }
0xbc: {  	s23 =	simm.s32 $0x5;
	[sflag:s21] =	ssyncadd.s32 $0xFFFFD8F0  }
0xbd: {  	_ =	swait.ge [sflag:s23], $0x4E20  }
0xbe: {  	[sflag:s23] =	ssyncset.done $0x0  }
0xbf: {  	s30 =	simm.s32 $0x6;
	[sflag:s23] =	ssyncadd.s32 $0xFFFFB1E0  }
0xc0: {  	_ =	swait.ge [sflag:s30], $0x4E20  }
0xc1: {  	[sflag:s30] =	ssyncset.done $0x0  }
0xc2: {  	[sflag:s30] =	ssyncadd.s32 $0xFFFFB1E0  }
0xc3: {  	_ =	swait.ge [sflag:s24], $0x1400  }
0xc4: {  	[sflag:s24] =	ssyncset.done $0x0  }
0xc5: {  	[sflag:s24] =	ssyncadd.s32 $0xFFFFEC00  }
0xc6: {  	_ =	swait.ge [sflag:s24], $0x1400  }
0xc7: {  	[sflag:s24] =	ssyncset.done $0x0  }
0xc8: {  	[sflag:s24] =	ssyncadd.s32 $0xFFFFEC00  }
0xc9: {  	_ =	swait.ge [sflag:s24], $0x1400  }
0xca: {  	[sflag:s24] =	ssyncset.done $0x0  }
0xcb: {  	[sflag:s24] =	ssyncadd.s32 $0xFFFFEC00  }
0xcc: {  	_ =	swait.ge [sflag:s24], $0x1400  }
0xcd: {  	[sflag:s24] =	ssyncset.done $0x0  }
0xce: {  	[sflag:s24] =	ssyncadd.s32 $0xFFFFEC00  }
0xcf: {  	_ =	swait.ge [sflag:s24], $0x1400  }
0xd0: {  	[sflag:s24] =	ssyncset.done $0x0  }
0xd1: {  	[sflag:s24] =	ssyncadd.s32 $0xFFFFEC00  }
0xd2: {  	_ =	swait.ge [sflag:s24], $0x1400  }
0xd3: {  	[sflag:s24] =	ssyncset.done $0x0  }
0xd4: {  	[sflag:s24] =	ssyncadd.s32 $0xFFFFEC00  }
0xd5: {  	_ =	swait.ge [sflag:s24], $0x1400  }
0xd6: {  	[sflag:s24] =	ssyncset.done $0x0  }
0xd7: {  	s2 =	simm.s32 @!p2 $0x3;
	[sflag:s24] =	ssyncadd.s32 $0xFFFFEC00  }
0xd8: {  	_ =	swait.ge @!p2 [sflag:s2], $0x1400  }
0xd9: {  	[sflag:s2] =	ssyncset.done @!p2 $0x0  }
0xda: {  	[sflag:s2] =	ssyncadd.s32 @!p2 $0xFFFFEC00  }
0xdb: {  	[bflag:$0x0] =	sbarrier.arrive $0xFFFF  }
0xdc: {  	v3 =	vld [tilespmem:$0xECD8]  }
0xdd: {  	v4 =	vld [tilespmem:$0x13AF8];
	_ =	sdelay $0x4  }
0xde: {  	v5 =	vadd.s32 v0, v3;
	[tilespmem:$0x18968] =	vst v4  }
0xdf: {  	[tilespmem:$0x18918] =	vst v5  }
0xe0: {  	v3 =	vld.idx.msk [tilespmem:v3+s15+$0x0], $0xffff  }
0xe1: {  	v4 =	vld.idx.msk [tilespmem:v4+s16+$0x0], $0xffff;
	_ =	sdelay $0x4  }
0xe2: {  	v3 =	vadd.f32 v4, v3;
	_ =	sdelay $0x1  }
0xe3: {  	v4 =	vmul.f32 $2.000000030e-01, v3  }
0xe4: {  	vm0 =	vgt.f32 v3, $0.0e+00  }
0xe5: {  	v3 =	vsel vm0, v3, v4  }
0xe6: {  	v3 =	vmul.f32 $1.442695020e+00, v3;
	_ =	sdelay $0x1  }
0xe7: {  	(erf) = vpow2.f32 v3;
	_ =	sdelay $0x1  }
0xe8: {  	v38 =	vld [tilespmem:$0x13B08]  }
0xe9: {  	v3 =	vld [tilespmem:$0xECE8];
	_ =	sdelay $0x4  }
0xea: {  	[tilespmem:$0x18978] =	vst v38;
	v40 =	vadd.s32 v0, v3  }
0xeb: {  	[tilespmem:$0x18928] =	vst v40;
	v39 =	vpop (erf)  }
0xec: {  	[tilespmem:$0x189B8] =	vst v39  }
0xed: {  	v3 =	vld.idx.msk [tilespmem:v3+s15+$0x0], $0xffff  }
0xee: {  	v4 =	vld.idx.msk [tilespmem:v38+s16+$0x0], $0xffff;
	_ =	sdelay $0x4  }
0xef: {  	v3 =	vadd.f32 v4, v3;
	_ =	sdelay $0x1  }
0xf0: {  	v4 =	vmul.f32 $2.000000030e-01, v3  }
0xf1: {  	vm7 =	vgt.f32 v3, $0.0e+00  }
0xf2: {  	v3 =	vsel vm7, v3, v4  }
0xf3: {  	v3 =	vmul.f32 $1.442695020e+00, v3;
	_ =	sdelay $0x1  }
0xf4: {  	(erf) = vpow2.f32 v3;
	_ =	sdelay $0x1  }
0xf5: {  	v41 =	vld [tilespmem:$0x13B18]  }
0xf6: {  	v3 =	vld [tilespmem:$0xECF8];
	_ =	sdelay $0x4  }
0xf7: {  	[tilespmem:$0x18988] =	vst v41;
	v43 =	vadd.s32 v0, v3  }
0xf8: {  	[tilespmem:$0x18938] =	vst v43;
	v42 =	vpop (erf)  }
0xf9: {  	[tilespmem:$0x189C8] =	vst v42  }
0xfa: {  	v3 =	vld.idx.msk [tilespmem:v3+s15+$0x0], $0xffff  }
0xfb: {  	v4 =	vld.idx.msk [tilespmem:v41+s16+$0x0], $0xffff;
	_ =	sdelay $0x4  }
0xfc: {  	v3 =	vadd.f32 v4, v3;
	_ =	sdelay $0x1  }
0xfd: {  	v4 =	vmul.f32 $2.000000030e-01, v3  }
0xfe: {  	vm8 =	vgt.f32 v3, $0.0e+00  }
0xff: {  	v3 =	vsel vm8, v3, v4  }
0x100: {  	v3 =	vmul.f32 $1.442695020e+00, v3;
	_ =	sdelay $0x1  }
0x101: {  	(erf) = vpow2.f32 v3;
	_ =	sdelay $0x1  }
0x102: {  	v44 =	vld [tilespmem:$0x13B28]  }
0x103: {  	v3 =	vld [tilespmem:$0xED08];
	_ =	sdelay $0x4  }
0x104: {  	[tilespmem:$0x18998] =	vst v44;
	v46 =	vadd.s32 v0, v3  }
0x105: {  	[tilespmem:$0x18948] =	vst v46;
	v45 =	vpop (erf)  }
0x106: {  	[tilespmem:$0x189D8] =	vst v45  }
0x107: {  	v3 =	vld.idx.msk [tilespmem:v3+s15+$0x0], $0xffff  }
0x108: {  	v4 =	vld.idx.msk [tilespmem:v44+s16+$0x0], $0xffff;
	_ =	sdelay $0x4  }
0x109: {  	v3 =	vadd.f32 v4, v3;
	_ =	sdelay $0x1  }
0x10a: {  	v4 =	vmul.f32 $2.000000030e-01, v3  }
0x10b: {  	vm9 =	vgt.f32 v3, $0.0e+00  }
0x10c: {  	v3 =	vsel vm9, v3, v4  }
0x10d: {  	v3 =	vmul.f32 $1.442695020e+00, v3;
	_ =	sdelay $0x1  }
0x10e: {  	(erf) = vpow2.f32 v3;
	_ =	sdelay $0x1  }
0x10f: {  	v47 =	vld [tilespmem:$0x13B38]  }
0x110: {  	v3 =	vld [tilespmem:$0xED18];
	_ =	sdelay $0x4  }
0x111: {  	[tilespmem:$0x189A8] =	vst v47;
	v49 =	vadd.s32 v0, v3  }
0x112: {  	[tilespmem:$0x18958] =	vst v49;
	v48 =	vpop (erf)  }
0x113: {  	[tilespmem:$0x189E8] =	vst v48  }
0x114: {  	v3 =	vld.idx.msk [tilespmem:v3+s15+$0x0], $0xffff  }
0x115: {  	v4 =	vld.idx.msk [tilespmem:v47+s16+$0x0], $0xffff;
	_ =	sdelay $0x4  }
0x116: {  	v3 =	vadd.f32 v4, v3;
	_ =	sdelay $0x1  }
0x117: {  	v4 =	vmul.f32 $2.000000030e-01, v3  }
0x118: {  	vm10 =	vgt.f32 v3, $0.0e+00  }
0x119: {  	v3 =	vsel vm10, v3, v4  }
0x11a: {  	v3 =	vmul.f32 $1.442695020e+00, v3;
	_ =	sdelay $0x1  }
0x11b: {  	(erf) = vpow2.f32 v3;
	_ =	sdelay $0x8  }
0x11c: {  	v3 =	vpop (erf)  }
0x11d: {  	[tilespmem:$0x189F8] =	vst v3  }
0x11e: {  	[tilespmem:s17], [sflag:$0x1] =	stream.indirect.gather [hbm4b:s19+s25], $0x40, s26, s25, $0xb8;
	[tilespmem:$0x1DE68] =	vst v63  }
0x11f: {  	v3 =	vld [tilespmem:$0xED28]  }
0x120: {  	v50 =	vld [tilespmem:$0x13B48];
	_ =	sdelay $0x4  }
0x121: {  	v51 =	vadd.s32 v0, v3;
	[tilespmem:$0x19E58] =	vst v50  }
0x122: {  	[tilespmem:$0x19E08] =	vst v51  }
0x123: {  	v3 =	vld.idx.msk [tilespmem:v3+s15+$0x0], $0xffff  }
0x124: {  	v4 =	vld.idx.msk [tilespmem:v50+s16+$0x0], $0xffff;
	_ =	sdelay $0x4  }
0x125: {  	v3 =	vadd.f32 v4, v3;
	_ =	sdelay $0x1  }
0x126: {  	v4 =	vmul.f32 $2.000000030e-01, v3  }
0x127: {  	vm11 =	vgt.f32 v3, $0.0e+00  }
0x128: {  	v3 =	vsel vm11, v3, v4  }
0x129: {  	v3 =	vmul.f32 $1.442695020e+00, v3;
	_ =	sdelay $0x1  }
0x12a: {  	(erf) = vpow2.f32 v3;
	_ =	sdelay $0x1  }
0x12b: {  	v52 =	vld [tilespmem:$0x13B58]  }
0x12c: {  	v3 =	vld [tilespmem:$0xED38];
	_ =	sdelay $0x4  }
0x12d: {  	[tilespmem:$0x19E68] =	vst v52;
	v54 =	vadd.s32 v0, v3  }
0x12e: {  	[tilespmem:$0x19E18] =	vst v54;
	v53 =	vpop (erf)  }
0x12f: {  	[tilespmem:$0x19EA8] =	vst v53  }
0x130: {  	v3 =	vld.idx.msk [tilespmem:v3+s15+$0x0], $0xffff  }
0x131: {  	v4 =	vld.idx.msk [tilespmem:v52+s16+$0x0], $0xffff;
	_ =	sdelay $0x4  }
0x132: {  	v3 =	vadd.f32 v4, v3;
	_ =	sdelay $0x1  }
0x133: {  	v4 =	vmul.f32 $2.000000030e-01, v3  }
0x134: {  	vm12 =	vgt.f32 v3, $0.0e+00  }
0x135: {  	v3 =	vsel vm12, v3, v4  }
0x136: {  	v3 =	vmul.f32 $1.442695020e+00, v3;
	_ =	sdelay $0x1  }
0x137: {  	(erf) = vpow2.f32 v3;
	_ =	sdelay $0x1  }
0x138: {  	v55 =	vld [tilespmem:$0x13B68]  }
0x139: {  	v3 =	vld [tilespmem:$0xED48];
	_ =	sdelay $0x4  }
0x13a: {  	[tilespmem:$0x19E78] =	vst v55;
	v57 =	vadd.s32 v0, v3  }
0x13b: {  	[tilespmem:$0x19E28] =	vst v57;
	v56 =	vpop (erf)  }
0x13c: {  	[tilespmem:$0x19EB8] =	vst v56  }
0x13d: {  	v3 =	vld.idx.msk [tilespmem:v3+s15+$0x0], $0xffff  }
0x13e: {  	v4 =	vld.idx.msk [tilespmem:v55+s16+$0x0], $0xffff;
	_ =	sdelay $0x4  }
0x13f: {  	v3 =	vadd.f32 v4, v3;
	_ =	sdelay $0x1  }
0x140: {  	v4 =	vmul.f32 $2.000000030e-01, v3  }
0x141: {  	vm13 =	vgt.f32 v3, $0.0e+00  }
0x142: {  	v3 =	vsel vm13, v3, v4  }
0x143: {  	v3 =	vmul.f32 $1.442695020e+00, v3;
	_ =	sdelay $0x1  }
0x144: {  	(erf) = vpow2.f32 v3;
	_ =	sdelay $0x1  }
0x145: {  	v58 =	vld [tilespmem:$0x13B78]  }
0x146: {  	v3 =	vld [tilespmem:$0xED58];
	_ =	sdelay $0x4  }
0x147: {  	[tilespmem:$0x19E88] =	vst v58;
	v60 =	vadd.s32 v0, v3  }
0x148: {  	[tilespmem:$0x19E38] =	vst v60;
	v59 =	vpop (erf)  }
0x149: {  	[tilespmem:$0x19EC8] =	vst v59  }
0x14a: {  	v3 =	vld.idx.msk [tilespmem:v3+s15+$0x0], $0xffff  }
0x14b: {  	v4 =	vld.idx.msk [tilespmem:v58+s16+$0x0], $0xffff;
	_ =	sdelay $0x4  }
0x14c: {  	v3 =	vadd.f32 v4, v3;
	_ =	sdelay $0x1  }
0x14d: {  	v4 =	vmul.f32 $2.000000030e-01, v3  }
0x14e: {  	vm14 =	vgt.f32 v3, $0.0e+00  }
0x14f: {  	v3 =	vsel vm14, v3, v4  }
0x150: {  	v3 =	vmul.f32 $1.442695020e+00, v3;
	_ =	sdelay $0x1  }
0x151: {  	(erf) = vpow2.f32 v3;
	_ =	sdelay $0x1  }
0x152: {  	v61 =	vld [tilespmem:$0x13B88]  }
0x153: {  	v3 =	vld [tilespmem:$0xED68];
	_ =	sdelay $0x4  }
0x154: {  	[tilespmem:$0x19E98] =	vst v61;
	v63 =	vadd.s32 v0, v3  }
0x155: {  	[tilespmem:$0x19E48] =	vst v63;
	v62 =	vpop (erf)  }
0x156: {  	[tilespmem:$0x19ED8] =	vst v62  }
0x157: {  	v3 =	vld.idx.msk [tilespmem:v3+s15+$0x0], $0xffff  }
0x158: {  	v4 =	vld.idx.msk [tilespmem:v61+s16+$0x0], $0xffff;
	_ =	sdelay $0x4  }
0x159: {  	v3 =	vadd.f32 v4, v3;
	_ =	sdelay $0x1  }
0x15a: {  	v4 =	vmul.f32 $2.000000030e-01, v3  }
0x15b: {  	vm15 =	vgt.f32 v3, $0.0e+00  }
0x15c: {  	v3 =	vsel vm15, v3, v4  }
0x15d: {  	v3 =	vmul.f32 $1.442695020e+00, v3;
	_ =	sdelay $0x1  }
0x15e: {  	(erf) = vpow2.f32 v3;
	_ =	sdelay $0x8  }
0x15f: {  	v3 =	vpop (erf)  }
0x160: {  	s23 =	simm.s32 $0x0;
	s2 =	simm.s32 $0x0;
	[tilespmem:$0x19EE8] =	vst v3  }
0x161: {  	[tilespmem:s29], [sflag:$0x2] =	stream.indirect.gather [hbm4b:s19+s25], $0x40, s28, s25, $0xb8;
	[tilespmem:$0x1DE68] =	vst v63  }
.LBB2_4:
0x162: {  	p5 =	seq.s32 s23, $0x0  }
0x163: {  	s3 =	simm.s32 @!p5 $0x9  }
0x164: {  	p6 =	sne.s32 @!p5 s0, $0x0;
	_ =	swait.ge @!p5 [sflag:s3], $0x1400  }
0x165: {  	p6 =	por p6, p5;
	[sflag:s3] =	ssyncset.done @!p5 $0x0  }
0x166: {  	[sflag:s3] =	ssyncadd.s32 @!p5 $0xFFFFEC00;
	s3 =	simm.s32 @!p6 $0xB  }
0x167: {  	_ =	swait.ge @!p6 [sflag:s3], $0x50  }
0x168: {  	s18 =	smul.u32 $0x140, s23;
	[sflag:s3] =	ssyncset.done @!p6 $0x0  }
0x169: {  	[sflag:s3] =	ssyncadd.s32 @!p6 $0xFFFFFFB0  }
0x16a: {  	v3 =	vld [tilespmem:s18+$0xED78]  }
0x16b: {  	v4 =	vld [tilespmem:s18+$0x13B98];
	_ =	sdelay $0x4  }
0x16c: {  	v5 =	vadd.s32 v0, v3;
	[tilespmem:$0x1B348] =	vst v4  }
0x16d: {  	[tilespmem:$0x1B2F8] =	vst v5  }
0x16e: {  	v3 =	vld.idx.msk [tilespmem:v3+s15+$0x0], $0xffff  }
0x16f: {  	v4 =	vld.idx.msk [tilespmem:v4+s16+$0x0], $0xffff;
	_ =	sdelay $0x4  }
0x170: {  	v3 =	vadd.f32 v4, v3;
	_ =	sdelay $0x1  }
0x171: {  	v4 =	vmul.f32 $2.000000030e-01, v3  }
0x172: {  	vm0 =	vgt.f32 v3, $0.0e+00  }
0x173: {  	v3 =	vsel vm0, v3, v4  }
0x174: {  	v3 =	vmul.f32 $1.442695020e+00, v3;
	_ =	sdelay $0x1  }
0x175: {  	(erf) = vpow2.f32 v3;
	_ =	sdelay $0x8  }
0x176: {  	v3 =	vpop (erf)  }
0x177: {  	[tilespmem:$0x1B398] =	vst v3  }
0x178: {  	v3 =	vld [tilespmem:s18+$0xED88]  }
0x179: {  	v4 =	vld [tilespmem:s18+$0x13BA8];
	_ =	sdelay $0x4  }
0x17a: {  	v5 =	vadd.s32 v0, v3;
	[tilespmem:$0x1B358] =	vst v4  }
0x17b: {  	[tilespmem:$0x1B308] =	vst v5  }
0x17c: {  	v3 =	vld.idx.msk [tilespmem:v3+s15+$0x0], $0xffff  }
0x17d: {  	v4 =	vld.idx.msk [tilespmem:v4+s16+$0x0], $0xffff;
	_ =	sdelay $0x4  }
0x17e: {  	v3 =	vadd.f32 v4, v3;
	_ =	sdelay $0x1  }
0x17f: {  	v4 =	vmul.f32 $2.000000030e-01, v3  }
0x180: {  	vm12 =	vgt.f32 v3, $0.0e+00  }
0x181: {  	v3 =	vsel vm12, v3, v4  }
0x182: {  	v3 =	vmul.f32 $1.442695020e+00, v3;
	_ =	sdelay $0x1  }
0x183: {  	(erf) = vpow2.f32 v3;
	_ =	sdelay $0x8  }
0x184: {  	v3 =	vpop (erf)  }
0x185: {  	[tilespmem:$0x1B3A8] =	vst v3  }
0x186: {  	v3 =	vld [tilespmem:s18+$0xED98]  }
0x187: {  	v4 =	vld [tilespmem:s18+$0x13BB8];
	_ =	sdelay $0x4  }
0x188: {  	v5 =	vadd.s32 v0, v3;
	[tilespmem:$0x1B368] =	vst v4  }
0x189: {  	[tilespmem:$0x1B318] =	vst v5  }
0x18a: {  	v3 =	vld.idx.msk [tilespmem:v3+s15+$0x0], $0xffff  }
0x18b: {  	v4 =	vld.idx.msk [tilespmem:v4+s16+$0x0], $0xffff;
	_ =	sdelay $0x4  }
0x18c: {  	v3 =	vadd.f32 v4, v3;
	_ =	sdelay $0x1  }
0x18d: {  	v4 =	vmul.f32 $2.000000030e-01, v3  }
0x18e: {  	vm13 =	vgt.f32 v3, $0.0e+00  }
0x18f: {  	v3 =	vsel vm13, v3, v4  }
0x190: {  	v3 =	vmul.f32 $1.442695020e+00, v3;
	_ =	sdelay $0x1  }
0x191: {  	(erf) = vpow2.f32 v3;
	_ =	sdelay $0x8  }
0x192: {  	v3 =	vpop (erf)  }
0x193: {  	[tilespmem:$0x1B3B8] =	vst v3  }
0x194: {  	v3 =	vld [tilespmem:s18+$0xEDA8]  }
0x195: {  	v4 =	vld [tilespmem:s18+$0x13BC8];
	_ =	sdelay $0x4  }
0x196: {  	v5 =	vadd.s32 v0, v3;
	[tilespmem:$0x1B378] =	vst v4  }
0x197: {  	[tilespmem:$0x1B328] =	vst v5  }
0x198: {  	v3 =	vld.idx.msk [tilespmem:v3+s15+$0x0], $0xffff  }
0x199: {  	v4 =	vld.idx.msk [tilespmem:v4+s16+$0x0], $0xffff;
	_ =	sdelay $0x4  }
0x19a: {  	v3 =	vadd.f32 v4, v3;
	_ =	sdelay $0x1  }
0x19b: {  	v4 =	vmul.f32 $2.000000030e-01, v3  }
0x19c: {  	vm14 =	vgt.f32 v3, $0.0e+00  }
0x19d: {  	v3 =	vsel vm14, v3, v4  }
0x19e: {  	v3 =	vmul.f32 $1.442695020e+00, v3;
	_ =	sdelay $0x1  }
0x19f: {  	(erf) = vpow2.f32 v3;
	_ =	sdelay $0x8  }
0x1a0: {  	v3 =	vpop (erf)  }
0x1a1: {  	[tilespmem:$0x1B3C8] =	vst v3  }
0x1a2: {  	v3 =	vld [tilespmem:s18+$0xEDB8]  }
0x1a3: {  	v4 =	vld [tilespmem:s18+$0x13BD8];
	_ =	sdelay $0x4  }
0x1a4: {  	v5 =	vadd.s32 v0, v3;
	[tilespmem:$0x1B388] =	vst v4  }
0x1a5: {  	[tilespmem:$0x1B338] =	vst v5  }
0x1a6: {  	v3 =	vld.idx.msk [tilespmem:v3+s15+$0x0], $0xffff  }
0x1a7: {  	v4 =	vld.idx.msk [tilespmem:v4+s16+$0x0], $0xffff;
	_ =	sdelay $0x4  }
0x1a8: {  	v3 =	vadd.f32 v4, v3;
	_ =	sdelay $0x1  }
0x1a9: {  	v4 =	vmul.f32 $2.000000030e-01, v3  }
0x1aa: {  	vm15 =	vgt.f32 v3, $0.0e+00  }
0x1ab: {  	v3 =	vsel vm15, v3, v4  }
0x1ac: {  	v3 =	vmul.f32 $1.442695020e+00, v3;
	_ =	sdelay $0x1  }
0x1ad: {  	(erf) = vpow2.f32 v3  }
0x1ae: {  	s30 =	simm.s32 $0x4  }
0x1af: {  	v7 =	vmov s30  }
0x1b0: {  	s24 =	simm.s32 $0x2;
	v7 =	vshrl.u32 v7, $0x3  }
0x1b1: {  	v7 =	vshll.u32 v7, v2;
	v5 =	vmov s24;
	s24 =	simm.s32 $0x5  }
0x1b2: {  	s9 =	simm.s32 $0x1;
	v7 =	vadd.s32 $0x4, v7;
	v8 =	vmov s24;
	v5 =	vshrl.u32 v5, $0x3  }
0x1b3: {  	v5 =	vshll.u32 v5, v2;
	v4 =	vmov s9;
	v3 =	vmov s2  }
0x1b4: {  	v5 =	vadd.s32 $0x2, v5;
	s9 =	simm.s32 $0x3;
	v4 =	vshrl.u32 v4, $0x3;
	v3 =	vshrl.u32 v3, $0x3  }
0x1b5: {  	v6 =	vmov s9;
	v4 =	vshll.u32 v4, v2;
	v3 =	vshll.u32 v3, v2  }
0x1b6: {  	s9 =	simm.s32 $0x6;
	v6 =	vshrl.u32 v6, $0x3;
	v4 =	vadd.s32 $0x1, v4;
	v3 =	vbroadcast v3, $0x0;
	v10 =	vpop (erf)  }
0x1b7: {  	v9 =	vmov s9;
	s9 =	simm.s32 $0x1B2F8;
	v6 =	vshll.u32 v6, v2;
	v4 =	vbroadcast v4, $0x0;
	[tilespmem:$0x1B3D8] =	vst v10  }
0x1b8: {  	v8 =	vshrl.u32 v8, $0x3;
	v5 =	vbroadcast v5, $0x0;
	v6 =	vadd.s32 $0x3, v6;
	[tilespmem:s31], [sflag:$0x7] =	stream.indirect.gather [hbm4b:s19+s25], $0x40, s9, s25, $0xb8;
	[tilespmem:$0x1DE68] =	vst v63  }
0x1b9: {  	v7 =	vbroadcast v7, $0x0;
	s24 =	simm.s32 $0x7;
	v8 =	vshll.u32 v8, v2;
	v6 =	vbroadcast v6, $0x0;
	_ =	swait.ge [sflag:s20], $0x1400  }
0x1ba: {  	v8 =	vadd.s32 $0x5, v8;
	v9 =	vshrl.u32 v9, $0x3;
	v10 =	vmov s24;
	[sflag:s20] =	ssyncset.done $0x0  }
0x1bb: {  	v8 =	vbroadcast v8, $0x0;
	v9 =	vshll.u32 v9, v2;
	v10 =	vshrl.u32 v10, $0x3;
	[sflag:s20] =	ssyncadd.s32 $0xFFFFEC00  }
0x1bc: {  	v9 =	vadd.s32 $0x6, v9;
	v10 =	vshll.u32 v10, v2;
	v11 =	vld.idx.msk [tilespmem:v3+s13+$0x0], $0xffff  }
0x1bd: {  	v3 =	vbroadcast v9, $0x0;
	v9 =	vadd.s32 $0x7, v10;
	v10 =	vld.idx.msk [tilespmem:v4+s13+$0x0], $0xffff  }
0x1be: {  	v12 =	vld.idx.msk [tilespmem:v5+s13+$0x0], $0xffff  }
0x1bf: {  	v6 =	vld.idx.msk [tilespmem:v6+s13+$0x0], $0xffff;
	v9 =	vbroadcast v9, $0x0  }
0x1c0: {  	v13 =	vld.idx.msk [tilespmem:v7+s13+$0x0], $0xffff  }
0x1c1: {  	s24 =	simm.s32 $0x18B08;
	v5 =	vld.idx.msk [tilespmem:v8+s13+$0x0], $0xffff  }
0x1c2: {  	v7 =	vld [tilespmem:s24+$0xF0]  }
0x1c3: {  	v8 =	vld [tilespmem:s24+$0xFFFFFF00]  }
0x1c4: {  	v4 =	vld.idx.msk [tilespmem:v3+s13+$0x0], $0xffff  }
0x1c5: {  	v3 =	vld.idx.msk [tilespmem:v9+s13+$0x0], $0xffff  }
0x1c6: {  	v9 =	vld [tilespmem:s24+$0xFFFFFF10]  }
0x1c7: {  	v14 =	vld [tilespmem:s24+$0xFFFFFF20]  }
0x1c8: {  	v15 =	vld [tilespmem:s24+$0xFFFFFF30]  }
0x1c9: {  	v16 =	vld [tilespmem:s24+$0xFFFFFF40];
	v8 =	vmul.f32 v8, v11  }
0x1ca: {  	v17 =	vld [tilespmem:s24+$0xFFFFFF50];
	v7 =	vmul.f32 v7, v3  }
0x1cb: {  	[tilespmem:s24+$0xFFFFFF00] =	vst v8;
	v8 =	vld [tilespmem:s24+$0xFFFFFF70];
	v9 =	vmul.f32 v9, v11  }
0x1cc: {  	v18 =	vld [tilespmem:s24+$0xFFFFFF60];
	[tilespmem:s24+$0xF0] =	vst v7;
	v7 =	vmul.f32 v14, v11  }
0x1cd: {  	[tilespmem:s24+$0xFFFFFF10] =	vst v9;
	v9 =	vmul.f32 v15, v11;
	v14 =	vld [tilespmem:s24+$0xFFFFFF90]  }
0x1ce: {  	v11 =	vld [tilespmem:s24+$0xFFFFFF80];
	[tilespmem:s24+$0xFFFFFF20] =	vst v7;
	v7 =	vmul.f32 v16, v10  }
0x1cf: {  	v15 =	vld [tilespmem:s24+$0xFFFFFFA0];
	[tilespmem:s24+$0xFFFFFF30] =	vst v9;
	v9 =	vmul.f32 v17, v10  }
0x1d0: {  	v8 =	vmul.f32 v8, v10;
	v16 =	vld [tilespmem:s24+$0xFFFFFFB0];
	[tilespmem:s24+$0xFFFFFF40] =	vst v7  }
0x1d1: {  	v7 =	vmul.f32 v18, v10;
	[tilespmem:s24+$0xFFFFFF50] =	vst v9;
	v9 =	vld [tilespmem:s24+$0xFFFFFFC0]  }
0x1d2: {  	s9 =	simm.s32 $0x8;
	[tilespmem:s24+$0xFFFFFF70] =	vst v8;
	v8 =	vmul.f32 v14, v12;
	v14 =	vld [tilespmem:s24+$0xFFFFFFE0]  }
0x1d3: {  	s30 =	simm.s32 $0xA;
	v17 =	vmov s9;
	s9 =	simm.s32 $0x9;
	[tilespmem:s24+$0xFFFFFF60] =	vst v7;
	v7 =	vmul.f32 v11, v12;
	v11 =	vld [tilespmem:s24+$0xFFFFFFD0]  }
0x1d4: {  	v10 =	vshrl.u32 v17, $0x3;
	v17 =	vmov s9;
	v18 =	vmov s30;
	s9 =	simm.s32 $0xB;
	s30 =	simm.s32 $0xC  }
0x1d5: {  	v19 =	vmov s9;
	v20 =	vmov s30;
	s9 =	simm.s32 $0xD;
	[tilespmem:s24+$0xFFFFFF80] =	vst v7;
	v7 =	vmul.f32 v15, v12;
	v15 =	vld [tilespmem:s24+$0xFFFFFFF0]  }
0x1d6: {  	s30 =	simm.s32 $0xE;
	v10 =	vshll.u32 v10, v2;
	v21 =	vmov s9;
	[tilespmem:s24+$0xFFFFFF90] =	vst v8;
	v8 =	vmul.f32 v16, v12;
	v12 =	vld [tilespmem:s24+$0x0]  }
0x1d7: {  	v22 =	vmov s30;
	v16 =	vshrl.u32 v17, $0x3;
	[tilespmem:s24+$0xFFFFFFA0] =	vst v7;
	v7 =	vmul.f32 v9, v6;
	v9 =	vld [tilespmem:s24+$0x10]  }
0x1d8: {  	v17 =	vshrl.u32 v18, $0x3;
	[tilespmem:s24+$0xFFFFFFB0] =	vst v8;
	v14 =	vmul.f32 v14, v6;
	v8 =	vmul.f32 v11, v6;
	v11 =	vld [tilespmem:s24+$0x20]  }
0x1d9: {  	v62 =	vld [tilespmem:s24+$0x30];
	v18 =	vshrl.u32 v19, $0x3;
	v19 =	vshrl.u32 v20, $0x3;
	v20 =	vshrl.u32 v21, $0x3;
	[tilespmem:s24+$0xFFFFFFC0] =	vst v7  }
0x1da: {  	v16 =	vshll.u32 v16, v2;
	v17 =	vshll.u32 v17, v2;
	[tilespmem:s24+$0xFFFFFFE0] =	vst v14;
	v6 =	vmul.f32 v15, v6;
	v15 =	vld [tilespmem:s24+$0x40]  }
0x1db: {  	v19 =	vshll.u32 v19, v2;
	v20 =	vshll.u32 v20, v2;
	[tilespmem:s24+$0xFFFFFFD0] =	vst v8;
	v8 =	vmul.f32 v12, v13;
	v12 =	vld [tilespmem:s24+$0x50]  }
0x1dc: {  	v63 =	vld [tilespmem:s24+$0x60];
	v7 =	vbroadcast v10, $0x0;
	v10 =	vshrl.u32 v22, $0x3;
	[tilespmem:s24+$0xFFFFFFF0] =	vst v6;
	v6 =	vmul.f32 v9, v13  }
0x1dd: {  	v14 =	vshll.u32 v18, v2;
	v23 =	vshll.u32 v10, v2;
	[tilespmem:s24+$0x0] =	vst v8;
	v8 =	vld [tilespmem:s24+$0x70];
	v9 =	vmul.f32 v11, v13  }
0x1de: {  	v10 =	vadd.s32 $0x1, v16;
	v16 =	vadd.s32 $0x2, v17;
	v13 =	vmul.f32 v62, v13;
	[tilespmem:s24+$0x10] =	vst v6;
	v6 =	vld [tilespmem:s24+$0x80]  }
0x1df: {  	v18 =	vadd.s32 $0x3, v14;
	v14 =	vadd.s32 $0x4, v19;
	[tilespmem:s24+$0x20] =	vst v9;
	v19 =	vmul.f32 v15, v5;
	v9 =	vld [tilespmem:s24+$0x90]  }
0x1e0: {  	v11 =	vbroadcast v10, $0x0;
	v10 =	vld [tilespmem:s24+$0xA0];
	v15 =	vadd.s32 $0x5, v20;
	[tilespmem:s24+$0x30] =	vst v13;
	v17 =	vmul.f32 v12, v5  }
0x1e1: {  	s3 =	simm.s32 $0xF;
	s30 =	simm.s32 $0x10;
	v13 =	vbroadcast v16, $0x0;
	v16 =	vadd.s32 $0x6, v23;
	v12 =	vld [tilespmem:s24+$0xB0];
	[tilespmem:s24+$0x40] =	vst v19;
	v19 =	vmul.f32 v63, v5  }
.LBB2_5:
0x1e2: {  	p5 =	slt.u32 s30, $0x48;
	v18 =	vbroadcast v18, $0x0;
	v20 =	vmov s3;
	[tilespmem:s24+$0x50] =	vst v17;
	v5 =	vmul.f32 v8, v5;
	v8 =	vld [tilespmem:s24+$0xC0]  }
0x1e3: {  	v14 =	vbroadcast v14, $0x0;
	v17 =	vshrl.u32 v20, $0x3;
	[tilespmem:s24+$0x60] =	vst v19;
	v6 =	vmul.f32 v6, v4;
	v19 =	vld [tilespmem:s24+$0xD0]  }
0x1e4: {  	v15 =	vbroadcast v15, $0x0;
	v17 =	vshll.u32 v17, v2;
	[tilespmem:s24+$0x70] =	vst v5;
	v5 =	vmul.f32 v9, v4;
	v9 =	vld [tilespmem:s24+$0xE0]  }
0x1e5: {  	v16 =	vbroadcast v16, $0x0;
	v7 =	vld.idx.msk [tilespmem:v7+s13+$0x0], $0xffff;
	v17 =	vadd.s32 $0x7, v17;
	[tilespmem:s24+$0x80] =	vst v6;
	v6 =	vmul.f32 v10, v4  }
0x1e6: {  	v10 =	vld.idx.msk [tilespmem:v11+s13+$0x0], $0xffff;
	v11 =	vbroadcast v17, $0x0;
	[tilespmem:s24+$0x90] =	vst v5;
	v4 =	vmul.f32 v12, v4  }
0x1e7: {  	v12 =	vld.idx.msk [tilespmem:v13+s13+$0x0], $0xffff;
	[tilespmem:s24+$0xA0] =	vst v6;
	v5 =	vmul.f32 v8, v3  }
0x1e8: {  	v8 =	vld.idx.msk [tilespmem:v18+s13+$0x0], $0xffff;
	[tilespmem:s24+$0xB0] =	vst v4;
	v4 =	vmul.f32 v19, v3  }
0x1e9: {  	v6 =	vld.idx.msk [tilespmem:v14+s13+$0x0], $0xffff;
	[tilespmem:s24+$0xC0] =	vst v5;
	v3 =	vmul.f32 v9, v3  }
0x1ea: {  	v5 =	vld.idx.msk [tilespmem:v15+s13+$0x0], $0xffff;
	[tilespmem:s24+$0xD0] =	vst v4  }
0x1eb: {  	v4 =	vld.idx.msk [tilespmem:v16+s13+$0x0], $0xffff;
	[tilespmem:s24+$0xE0] =	vst v3  }
0x1ec: {  	s24 =	sadd.s32 $0x200, s24;
	v3 =	vld.idx.msk [tilespmem:v11+s13+$0x0], $0xffff  }
0x1ed: {  	v9 =	vld [tilespmem:s24+$0xF0]  }
0x1ee: {  	v11 =	vld [tilespmem:s24+$0xFFFFFF00]  }
0x1ef: {  	v13 =	vld [tilespmem:s24+$0xFFFFFF10]  }
0x1f0: {  	v14 =	vld [tilespmem:s24+$0xFFFFFF20]  }
0x1f1: {  	v15 =	vld [tilespmem:s24+$0xFFFFFF30]  }
0x1f2: {  	v16 =	vld [tilespmem:s24+$0xFFFFFF40];
	v9 =	vmul.f32 v9, v3  }
0x1f3: {  	v11 =	vmul.f32 v11, v7;
	v17 =	vld [tilespmem:s24+$0xFFFFFF50]  }
0x1f4: {  	v13 =	vmul.f32 v13, v7;
	v18 =	vld [tilespmem:s24+$0xFFFFFF60];
	[tilespmem:s24+$0xF0] =	vst v9  }
0x1f5: {  	[tilespmem:s24+$0xFFFFFF00] =	vst v11;
	v9 =	vmul.f32 v14, v7;
	v11 =	vld [tilespmem:s24+$0xFFFFFF70]  }
0x1f6: {  	[tilespmem:s24+$0xFFFFFF10] =	vst v13;
	v7 =	vmul.f32 v15, v7;
	v13 =	vld [tilespmem:s24+$0xFFFFFF80]  }
0x1f7: {  	[tilespmem:s24+$0xFFFFFF20] =	vst v9;
	v9 =	vmul.f32 v16, v10;
	v14 =	vld [tilespmem:s24+$0xFFFFFF90]  }
0x1f8: {  	[tilespmem:s24+$0xFFFFFF30] =	vst v7;
	v7 =	vmul.f32 v17, v10;
	v15 =	vld [tilespmem:s24+$0xFFFFFFA0]  }
0x1f9: {  	[tilespmem:s24+$0xFFFFFF40] =	vst v9;
	v9 =	vmul.f32 v18, v10;
	v16 =	vld [tilespmem:s24+$0xFFFFFFB0]  }
0x1fa: {  	v17 =	vmov s30;
	[tilespmem:s24+$0xFFFFFF50] =	vst v7;
	v7 =	vmul.f32 v11, v10;
	v10 =	vld [tilespmem:s24+$0xFFFFFFC0]  }
0x1fb: {  	s3 =	sadd.s32 $0x1, s30;
	s9 =	sadd.s32 $0x2, s30;
	v11 =	vshrl.u32 v17, $0x3;
	[tilespmem:s24+$0xFFFFFF60] =	vst v9;
	v9 =	vmul.f32 v13, v12;
	v13 =	vld [tilespmem:s24+$0xFFFFFFD0]  }
0x1fc: {  	v18 =	vmov s9;
	s9 =	sadd.s32 $0x4, s30;
	v17 =	vmov s3;
	s3 =	sadd.s32 $0x3, s30;
	[tilespmem:s24+$0xFFFFFF70] =	vst v7;
	v7 =	vmul.f32 v14, v12;
	v14 =	vld [tilespmem:s24+$0xFFFFFFE0]  }
0x1fd: {  	v20 =	vmov s9;
	s9 =	sadd.s32 $0x6, s30;
	v19 =	vmov s3;
	s3 =	sadd.s32 $0x5, s30;
	[tilespmem:s24+$0xFFFFFF80] =	vst v9;
	v9 =	vmul.f32 v15, v12;
	v15 =	vld [tilespmem:s24+$0xFFFFFFF0]  }
0x1fe: {  	v22 =	vmov s9;
	v21 =	vmov s3;
	[tilespmem:s24+$0xFFFFFF90] =	vst v7;
	v7 =	vmul.f32 v16, v12;
	v12 =	vld [tilespmem:s24+$0x0]  }
0x1ff: {  	v11 =	vshll.u32 v11, v2;
	v16 =	vshrl.u32 v17, $0x3;
	[tilespmem:s24+$0xFFFFFFA0] =	vst v9;
	v9 =	vmul.f32 v10, v8;
	v10 =	vld [tilespmem:s24+$0x10]  }
0x200: {  	v17 =	vshrl.u32 v18, $0x3;
	v18 =	vshrl.u32 v19, $0x3;
	[tilespmem:s24+$0xFFFFFFB0] =	vst v7;
	v13 =	vmul.f32 v13, v8;
	v19 =	vld [tilespmem:s24+$0x20]  }
0x201: {  	v20 =	vshrl.u32 v20, $0x3;
	v21 =	vshrl.u32 v21, $0x3;
	[tilespmem:s24+$0xFFFFFFC0] =	vst v9;
	v9 =	vmul.f32 v14, v8;
	v14 =	vld [tilespmem:s24+$0x30]  }
0x202: {  	v7 =	vbroadcast v11, $0x0;
	v11 =	vshrl.u32 v22, $0x3;
	[tilespmem:s24+$0xFFFFFFD0] =	vst v13;
	v8 =	vmul.f32 v15, v8;
	v13 =	vld [tilespmem:s24+$0x40]  }
0x203: {  	v15 =	vshll.u32 v16, v2;
	v16 =	vshll.u32 v17, v2;
	[tilespmem:s24+$0xFFFFFFE0] =	vst v9;
	v9 =	vmul.f32 v12, v6;
	v12 =	vld [tilespmem:s24+$0x50]  }
0x204: {  	v20 =	vshll.u32 v20, v2;
	v17 =	vshll.u32 v18, v2;
	[tilespmem:s24+$0xFFFFFFF0] =	vst v8;
	v10 =	vmul.f32 v10, v6;
	v22 =	vld [tilespmem:s24+$0x60]  }
.Ltmp1:
0x205: {  	v21 =	vshll.u32 v21, v2;
	v23 =	vshll.u32 v11, v2;
	[tilespmem:s24+$0x0] =	vst v9;
	v9 =	vmul.f32 v19, v6;
	v8 =	vld [tilespmem:s24+$0x70];
	(pc) =	sbr.rel @p5 .LBB2_5-.Ltmp1, $4  }
0x206: {  	v11 =	vadd.s32 $0x1, v15;
	v16 =	vadd.s32 $0x2, v16;
	[tilespmem:s24+$0x10] =	vst v10;
	v10 =	vmul.f32 v14, v6;
	v6 =	vld [tilespmem:s24+$0x80]  }
0x207: {  	v18 =	vadd.s32 $0x3, v17;
	v14 =	vadd.s32 $0x4, v20;
	[tilespmem:s24+$0x20] =	vst v9;
	v19 =	vmul.f32 v13, v5;
	v9 =	vld [tilespmem:s24+$0x90]  }
0x208: {  	v15 =	vadd.s32 $0x5, v21;
	v11 =	vbroadcast v11, $0x0;
	[tilespmem:s24+$0x30] =	vst v10;
	v17 =	vmul.f32 v12, v5;
	v10 =	vld [tilespmem:s24+$0xA0]  }
0x209: {  	s3 =	sadd.s32 $0x7, s30;
	s30 =	sadd.s32 $0x8, s30;
	v13 =	vbroadcast v16, $0x0;
	v16 =	vadd.s32 $0x6, v23;
	[tilespmem:s24+$0x40] =	vst v19;
	v19 =	vmul.f32 v22, v5;
	v12 =	vld [tilespmem:s24+$0xB0]  }
0x20a: {  	_ = 	snop  }
0x20b: {  	v21 =	vld [tilespmem:s24+$0xC0]  }
0x20c: {  	v22 =	vld [tilespmem:s24+$0xD0]  }
0x20d: {  	v20 =	vmov s3;
	v23 =	vld [tilespmem:s24+$0xE0]  }
0x20e: {  	v7 =	vld.idx.msk [tilespmem:v7+s13+$0x0], $0xffff;
	v20 =	vshrl.u32 v20, $0x3  }
0x20f: {  	v18 =	vbroadcast v18, $0x0;
	v11 =	vld.idx.msk [tilespmem:v11+s13+$0x0], $0xffff;
	v5 =	vmul.f32 v8, v5;
	v20 =	vshll.u32 v20, v2  }
0x210: {  	v15 =	vbroadcast v15, $0x0;
	[tilespmem:s24+$0x50] =	vst v17;
	s30 =	sadd.s32 $0x200, s24;
	v13 =	vld.idx.msk [tilespmem:v13+s13+$0x0], $0xffff;
	v6 =	vmul.f32 v6, v4;
	v20 =	vadd.s32 $0x7, v20  }
0x211: {  	v17 =	vld [tilespmem:s30+$0xFFFFFF60];
	[tilespmem:s24+$0x70] =	vst v5;
	v5 =	vmul.f32 v9, v4;
	v20 =	vbroadcast v20, $0x0  }
0x212: {  	v16 =	vbroadcast v16, $0x0;
	[tilespmem:s24+$0x80] =	vst v6;
	v6 =	vmul.f32 v10, v4;
	v10 =	vld [tilespmem:s30+$0xF0]  }
0x213: {  	[tilespmem:s24+$0x90] =	vst v5;
	v5 =	vld [tilespmem:s30+$0xFFFFFF00]  }
0x214: {  	v4 =	vmul.f32 v12, v4;
	v12 =	vld [tilespmem:s30+$0xFFFFFF10]  }
0x215: {  	v18 =	vld.idx.msk [tilespmem:v18+s13+$0x0], $0xffff  }
0x216: {  	v8 =	vld.idx.msk [tilespmem:v15+s13+$0x0], $0xffff  }
0x217: {  	v14 =	vbroadcast v14, $0x0;
	[tilespmem:s24+$0xA0] =	vst v6;
	v6 =	vmul.f32 v21, v3;
	v9 =	vld.idx.msk [tilespmem:v20+s13+$0x0], $0xffff  }
0x218: {  	v15 =	vld.idx.msk [tilespmem:v16+s13+$0x0], $0xffff;
	[tilespmem:s24+$0xB0] =	vst v4;
	v4 =	vmul.f32 v22, v3  }
0x219: {  	v16 =	vld [tilespmem:s30+$0xFFFFFF20];
	v3 =	vmul.f32 v23, v3;
	[tilespmem:s24+$0xC0] =	vst v6  }
0x21a: {  	v6 =	vld [tilespmem:s30+$0xFFFFFF30];
	[tilespmem:s24+$0xD0] =	vst v4  }
0x21b: {  	v4 =	vld [tilespmem:s30+$0xFFFFFF40];
	[tilespmem:s24+$0xE0] =	vst v3;
	v3 =	vmul.f32 v5, v7  }
0x21c: {  	[tilespmem:s24+$0x60] =	vst v19;
	v5 =	vld [tilespmem:s30+$0xFFFFFF50];
	v10 =	vmul.f32 v10, v9  }
0x21d: {  	v14 =	vld.idx.msk [tilespmem:v14+s13+$0x0], $0xffff;
	v12 =	vmul.f32 v12, v7;
	[tilespmem:s30+$0xFFFFFF00] =	vst v3  }
0x21e: {  	v3 =	vmul.f32 v16, v7;
	[tilespmem:s30+$0xF0] =	vst v10;
	v10 =	vld [tilespmem:s30+$0xFFFFFF70]  }
0x21f: {  	[tilespmem:s30+$0xFFFFFF10] =	vst v12;
	v6 =	vmul.f32 v6, v7;
	v7 =	vld [tilespmem:s30+$0xFFFFFF80]  }
0x220: {  	[tilespmem:s30+$0xFFFFFF20] =	vst v3;
	v3 =	vmul.f32 v4, v11;
	v4 =	vld [tilespmem:s30+$0xFFFFFF90]  }
0x221: {  	[tilespmem:s30+$0xFFFFFF30] =	vst v6;
	v5 =	vmul.f32 v5, v11;
	v6 =	vld [tilespmem:s30+$0xFFFFFFA0]  }
0x222: {  	v12 =	vld [tilespmem:s30+$0xFFFFFFB0];
	[tilespmem:s30+$0xFFFFFF40] =	vst v3;
	v3 =	vmul.f32 v17, v11  }
0x223: {  	[tilespmem:s30+$0xFFFFFF50] =	vst v5;
	v5 =	vmul.f32 v10, v11;
	v10 =	vld [tilespmem:s30+$0xFFFFFFC0]  }
0x224: {  	[tilespmem:s30+$0xFFFFFF60] =	vst v3;
	v3 =	vmul.f32 v7, v13;
	v7 =	vld [tilespmem:s30+$0xFFFFFFD0]  }
0x225: {  	v4 =	vmul.f32 v4, v13;
	[tilespmem:s30+$0xFFFFFF70] =	vst v5;
	v5 =	vld [tilespmem:s30+$0xFFFFFFE0]  }
0x226: {  	[tilespmem:s30+$0xFFFFFF80] =	vst v3;
	v3 =	vmul.f32 v6, v13;
	v6 =	vld [tilespmem:s30+$0xFFFFFFF0]  }
0x227: {  	[tilespmem:s30+$0xFFFFFF90] =	vst v4;
	v4 =	vmul.f32 v12, v13;
	v11 =	vld [tilespmem:s30+$0x0]  }
0x228: {  	[tilespmem:s30+$0xFFFFFFA0] =	vst v3;
	v3 =	vmul.f32 v10, v18;
	v10 =	vld [tilespmem:s30+$0x10]  }
0x229: {  	[tilespmem:s30+$0xFFFFFFB0] =	vst v4;
	v4 =	vmul.f32 v7, v18;
	v7 =	vld [tilespmem:s30+$0x20]  }
0x22a: {  	[tilespmem:s30+$0xFFFFFFC0] =	vst v3;
	v3 =	vmul.f32 v5, v18;
	v5 =	vld [tilespmem:s30+$0x30]  }
0x22b: {  	[tilespmem:s30+$0xFFFFFFD0] =	vst v4;
	v4 =	vmul.f32 v6, v18;
	v6 =	vld [tilespmem:s30+$0x40]  }
0x22c: {  	[tilespmem:s30+$0xFFFFFFE0] =	vst v3;
	v3 =	vmul.f32 v11, v14;
	v11 =	vld [tilespmem:s30+$0x50]  }
0x22d: {  	[tilespmem:s30+$0xFFFFFFF0] =	vst v4;
	v4 =	vmul.f32 v10, v14;
	v10 =	vld [tilespmem:s30+$0x60]  }
0x22e: {  	[tilespmem:s30+$0x0] =	vst v3;
	v3 =	vmul.f32 v7, v14;
	v7 =	vld [tilespmem:s30+$0x70]  }
0x22f: {  	[tilespmem:s30+$0x10] =	vst v4;
	v4 =	vmul.f32 v5, v14;
	v5 =	vld [tilespmem:s30+$0x80]  }
0x230: {  	[tilespmem:s30+$0x20] =	vst v3;
	v3 =	vmul.f32 v6, v8;
	v6 =	vld [tilespmem:s30+$0x90]  }
0x231: {  	[tilespmem:s30+$0x30] =	vst v4;
	v4 =	vmul.f32 v11, v8;
	v11 =	vld [tilespmem:s30+$0xA0]  }
0x232: {  	[tilespmem:s30+$0x40] =	vst v3;
	v3 =	vmul.f32 v10, v8;
	v10 =	vld [tilespmem:s30+$0xB0]  }
0x233: {  	[tilespmem:s30+$0x50] =	vst v4;
	v4 =	vmul.f32 v7, v8;
	v7 =	vld [tilespmem:s30+$0xC0]  }
0x234: {  	[tilespmem:s30+$0x60] =	vst v3;
	v3 =	vmul.f32 v5, v15;
	v5 =	vld [tilespmem:s30+$0xD0]  }
0x235: {  	[tilespmem:s30+$0x70] =	vst v4;
	v4 =	vmul.f32 v6, v15;
	v6 =	vld [tilespmem:s30+$0xE0]  }
0x236: {  	[tilespmem:s30+$0x80] =	vst v3;
	v3 =	vmul.f32 v11, v15  }
0x237: {  	[tilespmem:s30+$0x90] =	vst v4;
	v4 =	vmul.f32 v10, v15  }
0x238: {  	[tilespmem:s30+$0xA0] =	vst v3;
	v3 =	vmul.f32 v7, v9  }
0x239: {  	[tilespmem:s30+$0xB0] =	vst v4;
	v4 =	vmul.f32 v5, v9  }
0x23a: {  	p5 =	seq.s32 @p0 s23, $0x0;
	[tilespmem:s30+$0xC0] =	vst v3;
	v3 =	vmul.f32 v6, v9  }
0x23b: {  	p5 =	por p5, !p0;
	[tilespmem:s30+$0xD0] =	vst v4  }
0x23c: {  	s3 =	simm.s32 @!p5 $0xA;
	[tilespmem:s30+$0xE0] =	vst v3  }
0x23d: {  	[spmem:s10] =	stream.indirect.scatter.add.f32 [tilespmem:s17], [sflag:$0x3], $0x40, s1, s25, $0xb8;
	[tilespmem:$0x1DE68] =	vst v63  }
0x23e: {  	_ =	swait.ge @!p5 [sflag:s3], $0x1400  }
0x23f: {  	s9 =	simm.s32 @!p0 $0x18968;
	s24 =	simm.s32 @!p0 $0x189B8;
	[sflag:s3] =	ssyncset.done @!p5 $0x0  }
0x240: {  	[sflag:s3] =	ssyncadd.s32 @!p5 $0xFFFFEC00;
	p5 =	seq.s32 @!p0 s23, $0x0;
	s3 =	simm.s32 @!p0 $0x50  }
0x241: {  	[spmem:s12] =	stream.indirect.scatter.add.f32 @!p0 [tilespmem:s24], [sflag:$0x5], $0x1, s9, s3, $0xb8;
	[tilespmem:$0x1DE68] =	vst v63  }
0x242: {  	p5 =	por p5, p0  }
0x243: {  	s3 =	simm.s32 @!p5 $0xA  }
0x244: {  	_ =	swait.ge @!p5 [sflag:s3], $0x1400  }
0x245: {  	[sflag:s3] =	ssyncset.done @!p5 $0x0  }
0x246: {  	[sflag:s3] =	ssyncadd.s32 @!p5 $0xFFFFEC00;
	s3 =	simm.s32 @!p5 $0xC  }
0x247: {  	_ =	swait.ge @!p5 [sflag:s3], $0x50  }
0x248: {  	[sflag:s3] =	ssyncset.done @!p5 $0x0  }
0x249: {  	[sflag:s3] =	ssyncadd.s32 @!p5 $0xFFFFFFB0  }
0x24a: {  	v3 =	vld [tilespmem:s18+$0xEDC8]  }
0x24b: {  	v4 =	vld [tilespmem:s18+$0x13BE8];
	_ =	sdelay $0x4  }
0x24c: {  	v5 =	vadd.s32 v0, v3;
	[tilespmem:$0x1C838] =	vst v4  }
0x24d: {  	[tilespmem:$0x1C7E8] =	vst v5  }
0x24e: {  	v3 =	vld.idx.msk [tilespmem:v3+s15+$0x0], $0xffff  }
0x24f: {  	v4 =	vld.idx.msk [tilespmem:v4+s16+$0x0], $0xffff;
	_ =	sdelay $0x4  }
0x250: {  	v3 =	vadd.f32 v4, v3;
	_ =	sdelay $0x1  }
0x251: {  	v4 =	vmul.f32 $2.000000030e-01, v3  }
0x252: {  	vm0 =	vgt.f32 v3, $0.0e+00  }
0x253: {  	v3 =	vsel vm0, v3, v4  }
0x254: {  	v3 =	vmul.f32 $1.442695020e+00, v3;
	_ =	sdelay $0x1  }
0x255: {  	(erf) = vpow2.f32 v3;
	_ =	sdelay $0x8  }
0x256: {  	v3 =	vpop (erf)  }
0x257: {  	[tilespmem:$0x1C888] =	vst v3  }
0x258: {  	v3 =	vld [tilespmem:s18+$0xEDD8]  }
0x259: {  	v4 =	vld [tilespmem:s18+$0x13BF8];
	_ =	sdelay $0x4  }
0x25a: {  	v5 =	vadd.s32 v0, v3;
	[tilespmem:$0x1C848] =	vst v4  }
0x25b: {  	[tilespmem:$0x1C7F8] =	vst v5  }
0x25c: {  	v3 =	vld.idx.msk [tilespmem:v3+s15+$0x0], $0xffff  }
0x25d: {  	v4 =	vld.idx.msk [tilespmem:v4+s16+$0x0], $0xffff;
	_ =	sdelay $0x4  }
0x25e: {  	v3 =	vadd.f32 v4, v3;
	_ =	sdelay $0x1  }
0x25f: {  	v4 =	vmul.f32 $2.000000030e-01, v3  }
0x260: {  	vm12 =	vgt.f32 v3, $0.0e+00  }
0x261: {  	v3 =	vsel vm12, v3, v4  }
0x262: {  	v3 =	vmul.f32 $1.442695020e+00, v3;
	_ =	sdelay $0x1  }
0x263: {  	(erf) = vpow2.f32 v3;
	_ =	sdelay $0x8  }
0x264: {  	v3 =	vpop (erf)  }
0x265: {  	[tilespmem:$0x1C898] =	vst v3  }
0x266: {  	v3 =	vld [tilespmem:s18+$0xEDE8]  }
0x267: {  	v4 =	vld [tilespmem:s18+$0x13C08];
	_ =	sdelay $0x4  }
0x268: {  	v5 =	vadd.s32 v0, v3;
	[tilespmem:$0x1C858] =	vst v4  }
0x269: {  	[tilespmem:$0x1C808] =	vst v5  }
0x26a: {  	v3 =	vld.idx.msk [tilespmem:v3+s15+$0x0], $0xffff  }
0x26b: {  	v4 =	vld.idx.msk [tilespmem:v4+s16+$0x0], $0xffff;
	_ =	sdelay $0x4  }
0x26c: {  	v3 =	vadd.f32 v4, v3;
	_ =	sdelay $0x1  }
0x26d: {  	v4 =	vmul.f32 $2.000000030e-01, v3  }
0x26e: {  	vm13 =	vgt.f32 v3, $0.0e+00  }
0x26f: {  	v3 =	vsel vm13, v3, v4  }
0x270: {  	v3 =	vmul.f32 $1.442695020e+00, v3;
	_ =	sdelay $0x1  }
0x271: {  	(erf) = vpow2.f32 v3;
	_ =	sdelay $0x8  }
0x272: {  	v3 =	vpop (erf)  }
0x273: {  	[tilespmem:$0x1C8A8] =	vst v3  }
0x274: {  	v3 =	vld [tilespmem:s18+$0xEDF8]  }
0x275: {  	v4 =	vld [tilespmem:s18+$0x13C18];
	_ =	sdelay $0x4  }
0x276: {  	v5 =	vadd.s32 v0, v3;
	[tilespmem:$0x1C868] =	vst v4  }
0x277: {  	[tilespmem:$0x1C818] =	vst v5  }
0x278: {  	v3 =	vld.idx.msk [tilespmem:v3+s15+$0x0], $0xffff  }
0x279: {  	v4 =	vld.idx.msk [tilespmem:v4+s16+$0x0], $0xffff;
	_ =	sdelay $0x4  }
0x27a: {  	v3 =	vadd.f32 v4, v3;
	_ =	sdelay $0x1  }
0x27b: {  	v4 =	vmul.f32 $2.000000030e-01, v3  }
0x27c: {  	vm14 =	vgt.f32 v3, $0.0e+00  }
0x27d: {  	v3 =	vsel vm14, v3, v4  }
0x27e: {  	v3 =	vmul.f32 $1.442695020e+00, v3;
	_ =	sdelay $0x1  }
0x27f: {  	(erf) = vpow2.f32 v3;
	_ =	sdelay $0x8  }
0x280: {  	v3 =	vpop (erf)  }
0x281: {  	[tilespmem:$0x1C8B8] =	vst v3  }
0x282: {  	v3 =	vld [tilespmem:s18+$0xEE08]  }
0x283: {  	v4 =	vld [tilespmem:s18+$0x13C28];
	_ =	sdelay $0x4  }
0x284: {  	v5 =	vadd.s32 v0, v3;
	[tilespmem:$0x1C878] =	vst v4  }
0x285: {  	[tilespmem:$0x1C828] =	vst v5  }
0x286: {  	v3 =	vld.idx.msk [tilespmem:v3+s15+$0x0], $0xffff  }
0x287: {  	v4 =	vld.idx.msk [tilespmem:v4+s16+$0x0], $0xffff;
	_ =	sdelay $0x4  }
0x288: {  	v3 =	vadd.f32 v4, v3;
	_ =	sdelay $0x1  }
0x289: {  	v4 =	vmul.f32 $2.000000030e-01, v3  }
0x28a: {  	vm15 =	vgt.f32 v3, $0.0e+00  }
0x28b: {  	v3 =	vsel vm15, v3, v4  }
0x28c: {  	v3 =	vmul.f32 $1.442695020e+00, v3;
	_ =	sdelay $0x1  }
0x28d: {  	s3 =	simm.s32 $0x3;
	(erf) = vpow2.f32 v3  }
0x28e: {  	v6 =	vmov s3  }
0x28f: {  	v6 =	vshrl.u32 v6, $0x3  }
0x290: {  	s24 =	simm.s32 $0x1;
	v6 =	vshll.u32 v6, v2  }
0x291: {  	v6 =	vadd.s32 $0x3, v6;
	v4 =	vmov s24;
	s24 =	simm.s32 $0x4  }
0x292: {  	s9 =	simm.s32 $0x0;
	v6 =	vbroadcast v6, $0x0;
	v7 =	vmov s24;
	s24 =	simm.s32 $0x6  }
0x293: {  	v4 =	vshrl.u32 v4, $0x3;
	v9 =	vmov s24;
	v3 =	vmov s9;
	s9 =	simm.s32 $0x2  }
0x294: {  	v7 =	vshrl.u32 v7, $0x3;
	v3 =	vshrl.u32 v3, $0x3;
	v5 =	vmov s9  }
0x295: {  	v4 =	vshll.u32 v4, v2;
	v3 =	vshll.u32 v3, v2;
	v5 =	vshrl.u32 v5, $0x3  }
0x296: {  	v4 =	vadd.s32 $0x1, v4;
	s9 =	simm.s32 $0x5;
	v3 =	vbroadcast v3, $0x0;
	v5 =	vshll.u32 v5, v2;
	v10 =	vpop (erf)  }
0x297: {  	v4 =	vbroadcast v4, $0x0;
	v8 =	vmov s9;
	s9 =	simm.s32 $0x1C7E8;
	v5 =	vadd.s32 $0x2, v5;
	[tilespmem:$0x1C8C8] =	vst v10  }
0x298: {  	v7 =	vshll.u32 v7, v2;
	v8 =	vshrl.u32 v8, $0x3;
	v5 =	vbroadcast v5, $0x0;
	[tilespmem:s4], [sflag:$0x8] =	stream.indirect.gather [hbm4b:s19+s25], $0x40, s9, s25, $0xb8;
	[tilespmem:$0x1DE68] =	vst v63  }
0x299: {  	s24 =	simm.s32 $0x7;
	v9 =	vshrl.u32 v9, $0x3;
	v7 =	vadd.s32 $0x4, v7;
	v8 =	vshll.u32 v8, v2;
	_ =	swait.ge [sflag:s21], $0x1400  }
0x29a: {  	v7 =	vbroadcast v7, $0x0;
	v8 =	vadd.s32 $0x5, v8;
	v10 =	vmov s24;
	[sflag:s21] =	ssyncset.done $0x0  }
0x29b: {  	v9 =	vshll.u32 v9, v2;
	v8 =	vbroadcast v8, $0x0;
	v10 =	vshrl.u32 v10, $0x3;
	[sflag:s21] =	ssyncadd.s32 $0xFFFFEC00  }
0x29c: {  	v9 =	vadd.s32 $0x6, v9;
	v10 =	vshll.u32 v10, v2;
	v11 =	vld.idx.msk [tilespmem:v3+s5+$0x0], $0xffff  }
0x29d: {  	v3 =	vbroadcast v9, $0x0;
	v9 =	vadd.s32 $0x7, v10;
	v10 =	vld.idx.msk [tilespmem:v4+s5+$0x0], $0xffff  }
0x29e: {  	v12 =	vld.idx.msk [tilespmem:v5+s5+$0x0], $0xffff  }
0x29f: {  	v6 =	vld.idx.msk [tilespmem:v6+s5+$0x0], $0xffff;
	v9 =	vbroadcast v9, $0x0  }
0x2a0: {  	v13 =	vld.idx.msk [tilespmem:v7+s5+$0x0], $0xffff  }
0x2a1: {  	s24 =	simm.s32 $0x19FF8;
	v5 =	vld.idx.msk [tilespmem:v8+s5+$0x0], $0xffff  }
0x2a2: {  	v7 =	vld [tilespmem:s24+$0xF0]  }
0x2a3: {  	v8 =	vld [tilespmem:s24+$0xFFFFFF00]  }
0x2a4: {  	v4 =	vld.idx.msk [tilespmem:v3+s5+$0x0], $0xffff  }
0x2a5: {  	v3 =	vld.idx.msk [tilespmem:v9+s5+$0x0], $0xffff  }
0x2a6: {  	v9 =	vld [tilespmem:s24+$0xFFFFFF10]  }
0x2a7: {  	v14 =	vld [tilespmem:s24+$0xFFFFFF20]  }
0x2a8: {  	v15 =	vld [tilespmem:s24+$0xFFFFFF30]  }
0x2a9: {  	v16 =	vld [tilespmem:s24+$0xFFFFFF40];
	v8 =	vmul.f32 v8, v11  }
0x2aa: {  	v17 =	vld [tilespmem:s24+$0xFFFFFF50];
	v7 =	vmul.f32 v7, v3  }
0x2ab: {  	[tilespmem:s24+$0xFFFFFF00] =	vst v8;
	v8 =	vld [tilespmem:s24+$0xFFFFFF70];
	v9 =	vmul.f32 v9, v11  }
0x2ac: {  	v18 =	vld [tilespmem:s24+$0xFFFFFF60];
	[tilespmem:s24+$0xF0] =	vst v7;
	v7 =	vmul.f32 v14, v11  }
0x2ad: {  	[tilespmem:s24+$0xFFFFFF10] =	vst v9;
	v9 =	vmul.f32 v15, v11;
	v14 =	vld [tilespmem:s24+$0xFFFFFF90]  }
0x2ae: {  	v11 =	vld [tilespmem:s24+$0xFFFFFF80];
	[tilespmem:s24+$0xFFFFFF20] =	vst v7;
	v7 =	vmul.f32 v16, v10  }
0x2af: {  	v15 =	vld [tilespmem:s24+$0xFFFFFFA0];
	[tilespmem:s24+$0xFFFFFF30] =	vst v9;
	v9 =	vmul.f32 v17, v10  }
0x2b0: {  	v8 =	vmul.f32 v8, v10;
	v16 =	vld [tilespmem:s24+$0xFFFFFFB0];
	[tilespmem:s24+$0xFFFFFF40] =	vst v7  }
0x2b1: {  	v7 =	vmul.f32 v18, v10;
	[tilespmem:s24+$0xFFFFFF50] =	vst v9;
	v9 =	vld [tilespmem:s24+$0xFFFFFFC0]  }
0x2b2: {  	s9 =	simm.s32 $0x8;
	[tilespmem:s24+$0xFFFFFF70] =	vst v8;
	v8 =	vmul.f32 v14, v12;
	v14 =	vld [tilespmem:s24+$0xFFFFFFE0]  }
0x2b3: {  	s3 =	simm.s32 $0x9;
	v17 =	vmov s9;
	s9 =	simm.s32 $0xA;
	[tilespmem:s24+$0xFFFFFF60] =	vst v7;
	v7 =	vmul.f32 v11, v12;
	v11 =	vld [tilespmem:s24+$0xFFFFFFD0]  }
0x2b4: {  	v10 =	vshrl.u32 v17, $0x3;
	v17 =	vmov s3;
	v18 =	vmov s9;
	s3 =	simm.s32 $0xB;
	s9 =	simm.s32 $0xC  }
0x2b5: {  	v19 =	vmov s3;
	v20 =	vmov s9;
	s3 =	simm.s32 $0xD;
	[tilespmem:s24+$0xFFFFFF80] =	vst v7;
	v7 =	vmul.f32 v15, v12;
	v15 =	vld [tilespmem:s24+$0xFFFFFFF0]  }
0x2b6: {  	s9 =	simm.s32 $0xE;
	v10 =	vshll.u32 v10, v2;
	v59 =	vmov s3;
	[tilespmem:s24+$0xFFFFFF90] =	vst v8;
	v8 =	vmul.f32 v16, v12;
	v12 =	vld [tilespmem:s24+$0x0]  }
0x2b7: {  	v60 =	vmov s9;
	v16 =	vshrl.u32 v17, $0x3;
	[tilespmem:s24+$0xFFFFFFA0] =	vst v7;
	v7 =	vmul.f32 v9, v6;
	v9 =	vld [tilespmem:s24+$0x10]  }
0x2b8: {  	v17 =	vshrl.u32 v18, $0x3;
	[tilespmem:s24+$0xFFFFFFB0] =	vst v8;
	v14 =	vmul.f32 v14, v6;
	v8 =	vmul.f32 v11, v6;
	v11 =	vld [tilespmem:s24+$0x20]  }
0x2b9: {  	v61 =	vld [tilespmem:s24+$0x30];
	v18 =	vshrl.u32 v19, $0x3;
	v19 =	vshrl.u32 v20, $0x3;
	v20 =	vshrl.u32 v59, $0x3;
	[tilespmem:s24+$0xFFFFFFC0] =	vst v7  }
0x2ba: {  	v16 =	vshll.u32 v16, v2;
	v17 =	vshll.u32 v17, v2;
	[tilespmem:s24+$0xFFFFFFE0] =	vst v14;
	v6 =	vmul.f32 v15, v6;
	v15 =	vld [tilespmem:s24+$0x40]  }
0x2bb: {  	v19 =	vshll.u32 v19, v2;
	v20 =	vshll.u32 v20, v2;
	[tilespmem:s24+$0xFFFFFFD0] =	vst v8;
	v8 =	vmul.f32 v12, v13;
	v12 =	vld [tilespmem:s24+$0x50]  }
0x2bc: {  	v62 =	vld [tilespmem:s24+$0x60];
	v7 =	vbroadcast v10, $0x0;
	v10 =	vshrl.u32 v60, $0x3;
	[tilespmem:s24+$0xFFFFFFF0] =	vst v6;
	v6 =	vmul.f32 v9, v13  }
0x2bd: {  	v14 =	vshll.u32 v18, v2;
	v63 =	vshll.u32 v10, v2;
	[tilespmem:s24+$0x0] =	vst v8;
	v8 =	vld [tilespmem:s24+$0x70];
	v9 =	vmul.f32 v11, v13  }
0x2be: {  	v10 =	vadd.s32 $0x1, v16;
	v16 =	vadd.s32 $0x2, v17;
	v13 =	vmul.f32 v61, v13;
	[tilespmem:s24+$0x10] =	vst v6;
	v6 =	vld [tilespmem:s24+$0x80]  }
0x2bf: {  	v18 =	vadd.s32 $0x3, v14;
	v14 =	vadd.s32 $0x4, v19;
	[tilespmem:s24+$0x20] =	vst v9;
	v19 =	vmul.f32 v15, v5;
	v9 =	vld [tilespmem:s24+$0x90]  }
0x2c0: {  	v11 =	vbroadcast v10, $0x0;
	v10 =	vld [tilespmem:s24+$0xA0];
	v15 =	vadd.s32 $0x5, v20;
	[tilespmem:s24+$0x30] =	vst v13;
	v17 =	vmul.f32 v12, v5  }
0x2c1: {  	s30 =	simm.s32 $0x10;
	s3 =	simm.s32 $0xF;
	v13 =	vbroadcast v16, $0x0;
	v16 =	vadd.s32 $0x6, v63;
	v12 =	vld [tilespmem:s24+$0xB0];
	[tilespmem:s24+$0x40] =	vst v19;
	v19 =	vmul.f32 v62, v5  }
.LBB2_7:
0x2c2: {  	p5 =	slt.u32 s30, $0x48;
	v18 =	vbroadcast v18, $0x0;
	v20 =	vmov s3;
	[tilespmem:s24+$0x50] =	vst v17;
	v5 =	vmul.f32 v8, v5;
	v8 =	vld [tilespmem:s24+$0xC0]  }
0x2c3: {  	v14 =	vbroadcast v14, $0x0;
	v17 =	vshrl.u32 v20, $0x3;
	[tilespmem:s24+$0x60] =	vst v19;
	v6 =	vmul.f32 v6, v4;
	v19 =	vld [tilespmem:s24+$0xD0]  }
0x2c4: {  	v15 =	vbroadcast v15, $0x0;
	v17 =	vshll.u32 v17, v2;
	[tilespmem:s24+$0x70] =	vst v5;
	v5 =	vmul.f32 v9, v4;
	v9 =	vld [tilespmem:s24+$0xE0]  }
0x2c5: {  	v16 =	vbroadcast v16, $0x0;
	v7 =	vld.idx.msk [tilespmem:v7+s5+$0x0], $0xffff;
	v17 =	vadd.s32 $0x7, v17;
	[tilespmem:s24+$0x80] =	vst v6;
	v6 =	vmul.f32 v10, v4  }
0x2c6: {  	v10 =	vld.idx.msk [tilespmem:v11+s5+$0x0], $0xffff;
	v11 =	vbroadcast v17, $0x0;
	[tilespmem:s24+$0x90] =	vst v5;
	v4 =	vmul.f32 v12, v4  }
0x2c7: {  	v12 =	vld.idx.msk [tilespmem:v13+s5+$0x0], $0xffff;
	[tilespmem:s24+$0xA0] =	vst v6;
	v5 =	vmul.f32 v8, v3  }
0x2c8: {  	v8 =	vld.idx.msk [tilespmem:v18+s5+$0x0], $0xffff;
	[tilespmem:s24+$0xB0] =	vst v4;
	v4 =	vmul.f32 v19, v3  }
0x2c9: {  	v6 =	vld.idx.msk [tilespmem:v14+s5+$0x0], $0xffff;
	[tilespmem:s24+$0xC0] =	vst v5;
	v3 =	vmul.f32 v9, v3  }
0x2ca: {  	v5 =	vld.idx.msk [tilespmem:v15+s5+$0x0], $0xffff;
	[tilespmem:s24+$0xD0] =	vst v4  }
0x2cb: {  	v4 =	vld.idx.msk [tilespmem:v16+s5+$0x0], $0xffff;
	[tilespmem:s24+$0xE0] =	vst v3  }
0x2cc: {  	s24 =	sadd.s32 $0x200, s24;
	v3 =	vld.idx.msk [tilespmem:v11+s5+$0x0], $0xffff  }
0x2cd: {  	v9 =	vld [tilespmem:s24+$0xF0]  }
0x2ce: {  	v11 =	vld [tilespmem:s24+$0xFFFFFF00]  }
0x2cf: {  	v13 =	vld [tilespmem:s24+$0xFFFFFF10]  }
0x2d0: {  	v14 =	vld [tilespmem:s24+$0xFFFFFF20]  }
0x2d1: {  	v15 =	vld [tilespmem:s24+$0xFFFFFF30]  }
0x2d2: {  	v16 =	vld [tilespmem:s24+$0xFFFFFF40];
	v9 =	vmul.f32 v9, v3  }
0x2d3: {  	v11 =	vmul.f32 v11, v7;
	v17 =	vld [tilespmem:s24+$0xFFFFFF50]  }
0x2d4: {  	v13 =	vmul.f32 v13, v7;
	v18 =	vld [tilespmem:s24+$0xFFFFFF60];
	[tilespmem:s24+$0xF0] =	vst v9  }
0x2d5: {  	[tilespmem:s24+$0xFFFFFF00] =	vst v11;
	v9 =	vmul.f32 v14, v7;
	v11 =	vld [tilespmem:s24+$0xFFFFFF70]  }
0x2d6: {  	[tilespmem:s24+$0xFFFFFF10] =	vst v13;
	v7 =	vmul.f32 v15, v7;
	v13 =	vld [tilespmem:s24+$0xFFFFFF80]  }
0x2d7: {  	[tilespmem:s24+$0xFFFFFF20] =	vst v9;
	v9 =	vmul.f32 v16, v10;
	v14 =	vld [tilespmem:s24+$0xFFFFFF90]  }
0x2d8: {  	[tilespmem:s24+$0xFFFFFF30] =	vst v7;
	v7 =	vmul.f32 v17, v10;
	v15 =	vld [tilespmem:s24+$0xFFFFFFA0]  }
0x2d9: {  	[tilespmem:s24+$0xFFFFFF40] =	vst v9;
	v9 =	vmul.f32 v18, v10;
	v16 =	vld [tilespmem:s24+$0xFFFFFFB0]  }
0x2da: {  	v17 =	vmov s30;
	[tilespmem:s24+$0xFFFFFF50] =	vst v7;
	v7 =	vmul.f32 v11, v10;
	v10 =	vld [tilespmem:s24+$0xFFFFFFC0]  }
0x2db: {  	s3 =	sadd.s32 $0x1, s30;
	s9 =	sadd.s32 $0x2, s30;
	v11 =	vshrl.u32 v17, $0x3;
	[tilespmem:s24+$0xFFFFFF60] =	vst v9;
	v9 =	vmul.f32 v13, v12;
	v13 =	vld [tilespmem:s24+$0xFFFFFFD0]  }
0x2dc: {  	v18 =	vmov s9;
	s9 =	sadd.s32 $0x4, s30;
	v17 =	vmov s3;
	s3 =	sadd.s32 $0x3, s30;
	[tilespmem:s24+$0xFFFFFF70] =	vst v7;
	v7 =	vmul.f32 v14, v12;
	v14 =	vld [tilespmem:s24+$0xFFFFFFE0]  }
0x2dd: {  	v20 =	vmov s9;
	s9 =	sadd.s32 $0x6, s30;
	v19 =	vmov s3;
	s3 =	sadd.s32 $0x5, s30;
	[tilespmem:s24+$0xFFFFFF80] =	vst v9;
	v9 =	vmul.f32 v15, v12;
	v15 =	vld [tilespmem:s24+$0xFFFFFFF0]  }
0x2de: {  	v22 =	vmov s9;
	v21 =	vmov s3;
	[tilespmem:s24+$0xFFFFFF90] =	vst v7;
	v7 =	vmul.f32 v16, v12;
	v12 =	vld [tilespmem:s24+$0x0]  }
0x2df: {  	v11 =	vshll.u32 v11, v2;
	v16 =	vshrl.u32 v17, $0x3;
	[tilespmem:s24+$0xFFFFFFA0] =	vst v9;
	v9 =	vmul.f32 v10, v8;
	v10 =	vld [tilespmem:s24+$0x10]  }
0x2e0: {  	v17 =	vshrl.u32 v18, $0x3;
	v18 =	vshrl.u32 v19, $0x3;
	[tilespmem:s24+$0xFFFFFFB0] =	vst v7;
	v13 =	vmul.f32 v13, v8;
	v19 =	vld [tilespmem:s24+$0x20]  }
0x2e1: {  	v20 =	vshrl.u32 v20, $0x3;
	v21 =	vshrl.u32 v21, $0x3;
	[tilespmem:s24+$0xFFFFFFC0] =	vst v9;
	v9 =	vmul.f32 v14, v8;
	v14 =	vld [tilespmem:s24+$0x30]  }
0x2e2: {  	v7 =	vbroadcast v11, $0x0;
	v11 =	vshrl.u32 v22, $0x3;
	[tilespmem:s24+$0xFFFFFFD0] =	vst v13;
	v8 =	vmul.f32 v15, v8;
	v13 =	vld [tilespmem:s24+$0x40]  }
0x2e3: {  	v15 =	vshll.u32 v16, v2;
	v16 =	vshll.u32 v17, v2;
	[tilespmem:s24+$0xFFFFFFE0] =	vst v9;
	v9 =	vmul.f32 v12, v6;
	v12 =	vld [tilespmem:s24+$0x50]  }
0x2e4: {  	v20 =	vshll.u32 v20, v2;
	v17 =	vshll.u32 v18, v2;
	[tilespmem:s24+$0xFFFFFFF0] =	vst v8;
	v10 =	vmul.f32 v10, v6;
	v22 =	vld [tilespmem:s24+$0x60]  }
.Ltmp2:
0x2e5: {  	v21 =	vshll.u32 v21, v2;
	v23 =	vshll.u32 v11, v2;
	[tilespmem:s24+$0x0] =	vst v9;
	v9 =	vmul.f32 v19, v6;
	v8 =	vld [tilespmem:s24+$0x70];
	(pc) =	sbr.rel @p5 .LBB2_7-.Ltmp2, $4  }
0x2e6: {  	v11 =	vadd.s32 $0x1, v15;
	v16 =	vadd.s32 $0x2, v16;
	[tilespmem:s24+$0x10] =	vst v10;
	v10 =	vmul.f32 v14, v6;
	v6 =	vld [tilespmem:s24+$0x80]  }
0x2e7: {  	v18 =	vadd.s32 $0x3, v17;
	v14 =	vadd.s32 $0x4, v20;
	[tilespmem:s24+$0x20] =	vst v9;
	v19 =	vmul.f32 v13, v5;
	v9 =	vld [tilespmem:s24+$0x90]  }
0x2e8: {  	v15 =	vadd.s32 $0x5, v21;
	v11 =	vbroadcast v11, $0x0;
	[tilespmem:s24+$0x30] =	vst v10;
	v17 =	vmul.f32 v12, v5;
	v10 =	vld [tilespmem:s24+$0xA0]  }
0x2e9: {  	s3 =	sadd.s32 $0x7, s30;
	s30 =	sadd.s32 $0x8, s30;
	v13 =	vbroadcast v16, $0x0;
	v16 =	vadd.s32 $0x6, v23;
	[tilespmem:s24+$0x40] =	vst v19;
	v19 =	vmul.f32 v22, v5;
	v12 =	vld [tilespmem:s24+$0xB0]  }
0x2ea: {  	_ = 	snop  }
0x2eb: {  	v21 =	vld [tilespmem:s24+$0xC0]  }
0x2ec: {  	v22 =	vld [tilespmem:s24+$0xD0]  }
0x2ed: {  	v20 =	vmov s3;
	v23 =	vld [tilespmem:s24+$0xE0]  }
0x2ee: {  	v7 =	vld.idx.msk [tilespmem:v7+s5+$0x0], $0xffff;
	v20 =	vshrl.u32 v20, $0x3  }
0x2ef: {  	v18 =	vbroadcast v18, $0x0;
	v11 =	vld.idx.msk [tilespmem:v11+s5+$0x0], $0xffff;
	v5 =	vmul.f32 v8, v5;
	v20 =	vshll.u32 v20, v2  }
0x2f0: {  	v15 =	vbroadcast v15, $0x0;
	[tilespmem:s24+$0x50] =	vst v17;
	s30 =	sadd.s32 $0x200, s24;
	v13 =	vld.idx.msk [tilespmem:v13+s5+$0x0], $0xffff;
	v6 =	vmul.f32 v6, v4;
	v20 =	vadd.s32 $0x7, v20  }
0x2f1: {  	v17 =	vld [tilespmem:s30+$0xFFFFFF60];
	[tilespmem:s24+$0x70] =	vst v5;
	v5 =	vmul.f32 v9, v4;
	v20 =	vbroadcast v20, $0x0  }
0x2f2: {  	v16 =	vbroadcast v16, $0x0;
	[tilespmem:s24+$0x80] =	vst v6;
	v6 =	vmul.f32 v10, v4;
	v10 =	vld [tilespmem:s30+$0xF0]  }
0x2f3: {  	[tilespmem:s24+$0x90] =	vst v5;
	v5 =	vld [tilespmem:s30+$0xFFFFFF00]  }
0x2f4: {  	v4 =	vmul.f32 v12, v4;
	v12 =	vld [tilespmem:s30+$0xFFFFFF10]  }
0x2f5: {  	v18 =	vld.idx.msk [tilespmem:v18+s5+$0x0], $0xffff  }
0x2f6: {  	v8 =	vld.idx.msk [tilespmem:v15+s5+$0x0], $0xffff  }
0x2f7: {  	v14 =	vbroadcast v14, $0x0;
	[tilespmem:s24+$0xA0] =	vst v6;
	v6 =	vmul.f32 v21, v3;
	v9 =	vld.idx.msk [tilespmem:v20+s5+$0x0], $0xffff  }
0x2f8: {  	v15 =	vld.idx.msk [tilespmem:v16+s5+$0x0], $0xffff;
	[tilespmem:s24+$0xB0] =	vst v4;
	v4 =	vmul.f32 v22, v3  }
0x2f9: {  	v16 =	vld [tilespmem:s30+$0xFFFFFF20];
	v3 =	vmul.f32 v23, v3;
	[tilespmem:s24+$0xC0] =	vst v6  }
0x2fa: {  	v6 =	vld [tilespmem:s30+$0xFFFFFF30];
	[tilespmem:s24+$0xD0] =	vst v4  }
0x2fb: {  	v4 =	vld [tilespmem:s30+$0xFFFFFF40];
	[tilespmem:s24+$0xE0] =	vst v3;
	v3 =	vmul.f32 v5, v7  }
0x2fc: {  	[tilespmem:s24+$0x60] =	vst v19;
	v5 =	vld [tilespmem:s30+$0xFFFFFF50];
	v10 =	vmul.f32 v10, v9  }
0x2fd: {  	v14 =	vld.idx.msk [tilespmem:v14+s5+$0x0], $0xffff;
	v12 =	vmul.f32 v12, v7;
	[tilespmem:s30+$0xFFFFFF00] =	vst v3  }
0x2fe: {  	v3 =	vmul.f32 v16, v7;
	[tilespmem:s30+$0xF0] =	vst v10;
	v10 =	vld [tilespmem:s30+$0xFFFFFF70]  }
0x2ff: {  	[tilespmem:s30+$0xFFFFFF10] =	vst v12;
	v6 =	vmul.f32 v6, v7;
	v7 =	vld [tilespmem:s30+$0xFFFFFF80]  }
0x300: {  	[tilespmem:s30+$0xFFFFFF20] =	vst v3;
	v3 =	vmul.f32 v4, v11;
	v4 =	vld [tilespmem:s30+$0xFFFFFF90]  }
0x301: {  	[tilespmem:s30+$0xFFFFFF30] =	vst v6;
	v5 =	vmul.f32 v5, v11;
	v6 =	vld [tilespmem:s30+$0xFFFFFFA0]  }
0x302: {  	v12 =	vld [tilespmem:s30+$0xFFFFFFB0];
	[tilespmem:s30+$0xFFFFFF40] =	vst v3;
	v3 =	vmul.f32 v17, v11  }
0x303: {  	[tilespmem:s30+$0xFFFFFF50] =	vst v5;
	v5 =	vmul.f32 v10, v11;
	v10 =	vld [tilespmem:s30+$0xFFFFFFC0]  }
0x304: {  	[tilespmem:s30+$0xFFFFFF60] =	vst v3;
	v3 =	vmul.f32 v7, v13;
	v7 =	vld [tilespmem:s30+$0xFFFFFFD0]  }
0x305: {  	v4 =	vmul.f32 v4, v13;
	[tilespmem:s30+$0xFFFFFF70] =	vst v5;
	v5 =	vld [tilespmem:s30+$0xFFFFFFE0]  }
0x306: {  	[tilespmem:s30+$0xFFFFFF80] =	vst v3;
	v3 =	vmul.f32 v6, v13;
	v6 =	vld [tilespmem:s30+$0xFFFFFFF0]  }
0x307: {  	[tilespmem:s30+$0xFFFFFF90] =	vst v4;
	v4 =	vmul.f32 v12, v13;
	v11 =	vld [tilespmem:s30+$0x0]  }
0x308: {  	[tilespmem:s30+$0xFFFFFFA0] =	vst v3;
	v3 =	vmul.f32 v10, v18;
	v10 =	vld [tilespmem:s30+$0x10]  }
0x309: {  	[tilespmem:s30+$0xFFFFFFB0] =	vst v4;
	v4 =	vmul.f32 v7, v18;
	v7 =	vld [tilespmem:s30+$0x20]  }
0x30a: {  	[tilespmem:s30+$0xFFFFFFC0] =	vst v3;
	v3 =	vmul.f32 v5, v18;
	v5 =	vld [tilespmem:s30+$0x30]  }
0x30b: {  	[tilespmem:s30+$0xFFFFFFD0] =	vst v4;
	v4 =	vmul.f32 v6, v18;
	v6 =	vld [tilespmem:s30+$0x40]  }
0x30c: {  	[tilespmem:s30+$0xFFFFFFE0] =	vst v3;
	v3 =	vmul.f32 v11, v14;
	v11 =	vld [tilespmem:s30+$0x50]  }
0x30d: {  	[tilespmem:s30+$0xFFFFFFF0] =	vst v4;
	v4 =	vmul.f32 v10, v14;
	v10 =	vld [tilespmem:s30+$0x60]  }
0x30e: {  	[tilespmem:s30+$0x0] =	vst v3;
	v3 =	vmul.f32 v7, v14;
	v7 =	vld [tilespmem:s30+$0x70]  }
0x30f: {  	[tilespmem:s30+$0x10] =	vst v4;
	v4 =	vmul.f32 v5, v14;
	v5 =	vld [tilespmem:s30+$0x80]  }
0x310: {  	[tilespmem:s30+$0x20] =	vst v3;
	v3 =	vmul.f32 v6, v8;
	v6 =	vld [tilespmem:s30+$0x90]  }
0x311: {  	[tilespmem:s30+$0x30] =	vst v4;
	v4 =	vmul.f32 v11, v8;
	v11 =	vld [tilespmem:s30+$0xA0]  }
0x312: {  	[tilespmem:s30+$0x40] =	vst v3;
	v3 =	vmul.f32 v10, v8;
	v10 =	vld [tilespmem:s30+$0xB0]  }
0x313: {  	[tilespmem:s30+$0x50] =	vst v4;
	v4 =	vmul.f32 v7, v8;
	v7 =	vld [tilespmem:s30+$0xC0]  }
0x314: {  	[tilespmem:s30+$0x60] =	vst v3;
	v3 =	vmul.f32 v5, v15;
	v5 =	vld [tilespmem:s30+$0xD0]  }
0x315: {  	[tilespmem:s30+$0x70] =	vst v4;
	v4 =	vmul.f32 v6, v15;
	v6 =	vld [tilespmem:s30+$0xE0]  }
0x316: {  	[tilespmem:s30+$0x80] =	vst v3;
	v3 =	vmul.f32 v11, v15  }
0x317: {  	[tilespmem:s30+$0x90] =	vst v4;
	v4 =	vmul.f32 v10, v15  }
0x318: {  	[tilespmem:s30+$0xA0] =	vst v3;
	v3 =	vmul.f32 v7, v9  }
0x319: {  	[tilespmem:s30+$0xB0] =	vst v4;
	v4 =	vmul.f32 v5, v9  }
0x31a: {  	[tilespmem:s30+$0xC0] =	vst v3;
	v3 =	vmul.f32 v6, v9  }
0x31b: {  	[tilespmem:s30+$0xD0] =	vst v4  }
0x31c: {  	s3 =	simm.s32 @p0 $0x3;
	[tilespmem:s30+$0xE0] =	vst v3  }
0x31d: {  	[spmem:s10] =	stream.indirect.scatter.add.f32 [tilespmem:s29], [sflag:$0x4], $0x40, s6, s25, $0xb8;
	[tilespmem:$0x1DE68] =	vst v63  }
0x31e: {  	_ =	swait.ge @p0 [sflag:s3], $0x1400  }
0x31f: {  	s9 =	simm.s32 @!p0 $0x19E58;
	[sflag:s3] =	ssyncset.done @p0 $0x0  }
0x320: {  	s24 =	simm.s32 @!p0 $0x19EA8;
	[sflag:s3] =	ssyncadd.s32 @p0 $0xFFFFEC00;
	s3 =	simm.s32 @!p0 $0x50  }
0x321: {  	[spmem:s12] =	stream.indirect.scatter.add.f32 @!p0 [tilespmem:s24], [sflag:$0x6], $0x1, s9, s3, $0xb8;
	[tilespmem:$0x1DE68] =	vst v63  }
0x322: {  	s3 =	simm.s32 @!p0 $0x3  }
0x323: {  	_ =	swait.ge @!p0 [sflag:s3], $0x1400  }
0x324: {  	[sflag:s3] =	ssyncset.done @!p0 $0x0  }
0x325: {  	[sflag:s3] =	ssyncadd.s32 @!p0 $0xFFFFEC00;
	s3 =	simm.s32 @!p0 $0x5  }
0x326: {  	_ =	swait.ge @!p0 [sflag:s3], $0x50  }
0x327: {  	[sflag:s3] =	ssyncset.done @!p0 $0x0  }
0x328: {  	[sflag:s3] =	ssyncadd.s32 @!p0 $0xFFFFFFB0  }
0x329: {  	v3 =	vld [tilespmem:s18+$0xEE18]  }
0x32a: {  	v4 =	vld [tilespmem:s18+$0x13C38];
	_ =	sdelay $0x4  }
0x32b: {  	v5 =	vadd.s32 v0, v3;
	[tilespmem:$0x18968] =	vst v4  }
0x32c: {  	[tilespmem:$0x18918] =	vst v5  }
0x32d: {  	v3 =	vld.idx.msk [tilespmem:v3+s15+$0x0], $0xffff  }
0x32e: {  	v4 =	vld.idx.msk [tilespmem:v4+s16+$0x0], $0xffff;
	_ =	sdelay $0x4  }
0x32f: {  	v3 =	vadd.f32 v4, v3;
	_ =	sdelay $0x1  }
0x330: {  	v4 =	vmul.f32 $2.000000030e-01, v3  }
0x331: {  	vm0 =	vgt.f32 v3, $0.0e+00  }
0x332: {  	v3 =	vsel vm0, v3, v4  }
0x333: {  	v3 =	vmul.f32 $1.442695020e+00, v3;
	_ =	sdelay $0x1  }
0x334: {  	(erf) = vpow2.f32 v3;
	_ =	sdelay $0x8  }
0x335: {  	v3 =	vpop (erf)  }
0x336: {  	[tilespmem:$0x189B8] =	vst v3  }
0x337: {  	v3 =	vld [tilespmem:s18+$0xEE28]  }
0x338: {  	v4 =	vld [tilespmem:s18+$0x13C48];
	_ =	sdelay $0x4  }
0x339: {  	v5 =	vadd.s32 v0, v3;
	[tilespmem:$0x18978] =	vst v4  }
0x33a: {  	[tilespmem:$0x18928] =	vst v5  }
0x33b: {  	v3 =	vld.idx.msk [tilespmem:v3+s15+$0x0], $0xffff  }
0x33c: {  	v4 =	vld.idx.msk [tilespmem:v4+s16+$0x0], $0xffff;
	_ =	sdelay $0x4  }
0x33d: {  	v3 =	vadd.f32 v4, v3;
	_ =	sdelay $0x1  }
0x33e: {  	v4 =	vmul.f32 $2.000000030e-01, v3  }
0x33f: {  	vm12 =	vgt.f32 v3, $0.0e+00  }
0x340: {  	v3 =	vsel vm12, v3, v4  }
0x341: {  	v3 =	vmul.f32 $1.442695020e+00, v3;
	_ =	sdelay $0x1  }
0x342: {  	(erf) = vpow2.f32 v3;
	_ =	sdelay $0x8  }
0x343: {  	v3 =	vpop (erf)  }
0x344: {  	[tilespmem:$0x189C8] =	vst v3  }
0x345: {  	v3 =	vld [tilespmem:s18+$0xEE38]  }
0x346: {  	v4 =	vld [tilespmem:s18+$0x13C58];
	_ =	sdelay $0x4  }
0x347: {  	v5 =	vadd.s32 v0, v3;
	[tilespmem:$0x18988] =	vst v4  }
0x348: {  	[tilespmem:$0x18938] =	vst v5  }
0x349: {  	v3 =	vld.idx.msk [tilespmem:v3+s15+$0x0], $0xffff  }
0x34a: {  	v4 =	vld.idx.msk [tilespmem:v4+s16+$0x0], $0xffff;
	_ =	sdelay $0x4  }
0x34b: {  	v3 =	vadd.f32 v4, v3;
	_ =	sdelay $0x1  }
0x34c: {  	v4 =	vmul.f32 $2.000000030e-01, v3  }
0x34d: {  	vm13 =	vgt.f32 v3, $0.0e+00  }
0x34e: {  	v3 =	vsel vm13, v3, v4  }
0x34f: {  	v3 =	vmul.f32 $1.442695020e+00, v3;
	_ =	sdelay $0x1  }
0x350: {  	(erf) = vpow2.f32 v3;
	_ =	sdelay $0x8  }
0x351: {  	v3 =	vpop (erf)  }
0x352: {  	[tilespmem:$0x189D8] =	vst v3  }
0x353: {  	v3 =	vld [tilespmem:s18+$0xEE48]  }
0x354: {  	v4 =	vld [tilespmem:s18+$0x13C68];
	_ =	sdelay $0x4  }
0x355: {  	v5 =	vadd.s32 v0, v3;
	[tilespmem:$0x18998] =	vst v4  }
0x356: {  	[tilespmem:$0x18948] =	vst v5  }
0x357: {  	v3 =	vld.idx.msk [tilespmem:v3+s15+$0x0], $0xffff  }
0x358: {  	v4 =	vld.idx.msk [tilespmem:v4+s16+$0x0], $0xffff;
	_ =	sdelay $0x4  }
0x359: {  	v3 =	vadd.f32 v4, v3;
	_ =	sdelay $0x1  }
0x35a: {  	v4 =	vmul.f32 $2.000000030e-01, v3  }
0x35b: {  	vm14 =	vgt.f32 v3, $0.0e+00  }
0x35c: {  	v3 =	vsel vm14, v3, v4  }
0x35d: {  	v3 =	vmul.f32 $1.442695020e+00, v3;
	_ =	sdelay $0x1  }
0x35e: {  	(erf) = vpow2.f32 v3;
	_ =	sdelay $0x8  }
0x35f: {  	v3 =	vpop (erf)  }
0x360: {  	[tilespmem:$0x189E8] =	vst v3  }
0x361: {  	v3 =	vld [tilespmem:s18+$0xEE58]  }
0x362: {  	v4 =	vld [tilespmem:s18+$0x13C78];
	_ =	sdelay $0x4  }
0x363: {  	v5 =	vadd.s32 v0, v3;
	[tilespmem:$0x189A8] =	vst v4  }
0x364: {  	[tilespmem:$0x18958] =	vst v5  }
0x365: {  	v3 =	vld.idx.msk [tilespmem:v3+s15+$0x0], $0xffff  }
0x366: {  	v4 =	vld.idx.msk [tilespmem:v4+s16+$0x0], $0xffff;
	_ =	sdelay $0x4  }
0x367: {  	v3 =	vadd.f32 v4, v3;
	_ =	sdelay $0x1  }
0x368: {  	v4 =	vmul.f32 $2.000000030e-01, v3  }
0x369: {  	vm15 =	vgt.f32 v3, $0.0e+00  }
0x36a: {  	v3 =	vsel vm15, v3, v4  }
0x36b: {  	v3 =	vmul.f32 $1.442695020e+00, v3;
	_ =	sdelay $0x1  }
0x36c: {  	s3 =	simm.s32 $0x3;
	(erf) = vpow2.f32 v3  }
0x36d: {  	v6 =	vmov s3  }
0x36e: {  	v6 =	vshrl.u32 v6, $0x3  }
0x36f: {  	s24 =	simm.s32 $0x1;
	v6 =	vshll.u32 v6, v2  }
0x370: {  	v6 =	vadd.s32 $0x3, v6;
	v4 =	vmov s24;
	s24 =	simm.s32 $0x4  }
0x371: {  	s9 =	simm.s32 $0x0;
	v6 =	vbroadcast v6, $0x0;
	v7 =	vmov s24;
	s24 =	simm.s32 $0x6  }
0x372: {  	v4 =	vshrl.u32 v4, $0x3;
	v9 =	vmov s24;
	v3 =	vmov s9;
	s9 =	simm.s32 $0x2  }
0x373: {  	v7 =	vshrl.u32 v7, $0x3;
	v3 =	vshrl.u32 v3, $0x3;
	v5 =	vmov s9  }
0x374: {  	v4 =	vshll.u32 v4, v2;
	v3 =	vshll.u32 v3, v2;
	v5 =	vshrl.u32 v5, $0x3  }
0x375: {  	v4 =	vadd.s32 $0x1, v4;
	s9 =	simm.s32 $0x5;
	v3 =	vbroadcast v3, $0x0;
	v5 =	vshll.u32 v5, v2;
	v10 =	vpop (erf)  }
0x376: {  	v4 =	vbroadcast v4, $0x0;
	v8 =	vmov s9;
	v5 =	vadd.s32 $0x2, v5;
	[tilespmem:$0x189F8] =	vst v10  }
0x377: {  	v7 =	vshll.u32 v7, v2;
	v8 =	vshrl.u32 v8, $0x3;
	v5 =	vbroadcast v5, $0x0;
	[tilespmem:s17], [sflag:$0x1] =	stream.indirect.gather [hbm4b:s19+s25], $0x40, s26, s25, $0xb8;
	[tilespmem:$0x1DE68] =	vst v63  }
0x378: {  	s24 =	simm.s32 $0x7;
	v9 =	vshrl.u32 v9, $0x3;
	v7 =	vadd.s32 $0x4, v7;
	v8 =	vshll.u32 v8, v2;
	_ =	swait.ge [sflag:s7], $0x1400  }
0x379: {  	v7 =	vbroadcast v7, $0x0;
	v8 =	vadd.s32 $0x5, v8;
	v10 =	vmov s24;
	[sflag:s7] =	ssyncset.done $0x0  }
0x37a: {  	v9 =	vshll.u32 v9, v2;
	v8 =	vbroadcast v8, $0x0;
	v10 =	vshrl.u32 v10, $0x3;
	[sflag:s7] =	ssyncadd.s32 $0xFFFFEC00  }
0x37b: {  	v9 =	vadd.s32 $0x6, v9;
	v10 =	vshll.u32 v10, v2;
	v11 =	vld.idx.msk [tilespmem:v3+s8+$0x0], $0xffff  }
0x37c: {  	v3 =	vbroadcast v9, $0x0;
	v9 =	vadd.s32 $0x7, v10;
	v10 =	vld.idx.msk [tilespmem:v4+s8+$0x0], $0xffff  }
0x37d: {  	v12 =	vld.idx.msk [tilespmem:v5+s8+$0x0], $0xffff  }
0x37e: {  	v6 =	vld.idx.msk [tilespmem:v6+s8+$0x0], $0xffff;
	v9 =	vbroadcast v9, $0x0  }
0x37f: {  	v13 =	vld.idx.msk [tilespmem:v7+s8+$0x0], $0xffff  }
0x380: {  	s24 =	simm.s32 $0x1B4E8;
	v5 =	vld.idx.msk [tilespmem:v8+s8+$0x0], $0xffff  }
0x381: {  	v7 =	vld [tilespmem:s24+$0xF0]  }
0x382: {  	v8 =	vld [tilespmem:s24+$0xFFFFFF00]  }
0x383: {  	v4 =	vld.idx.msk [tilespmem:v3+s8+$0x0], $0xffff  }
0x384: {  	v3 =	vld.idx.msk [tilespmem:v9+s8+$0x0], $0xffff  }
0x385: {  	v9 =	vld [tilespmem:s24+$0xFFFFFF10]  }
0x386: {  	v14 =	vld [tilespmem:s24+$0xFFFFFF20]  }
0x387: {  	v15 =	vld [tilespmem:s24+$0xFFFFFF30]  }
0x388: {  	v16 =	vld [tilespmem:s24+$0xFFFFFF40];
	v8 =	vmul.f32 v8, v11  }
0x389: {  	v17 =	vld [tilespmem:s24+$0xFFFFFF50];
	v7 =	vmul.f32 v7, v3  }
0x38a: {  	[tilespmem:s24+$0xFFFFFF00] =	vst v8;
	v8 =	vld [tilespmem:s24+$0xFFFFFF70];
	v9 =	vmul.f32 v9, v11  }
0x38b: {  	v18 =	vld [tilespmem:s24+$0xFFFFFF60];
	[tilespmem:s24+$0xF0] =	vst v7;
	v7 =	vmul.f32 v14, v11  }
0x38c: {  	[tilespmem:s24+$0xFFFFFF10] =	vst v9;
	v9 =	vmul.f32 v15, v11;
	v14 =	vld [tilespmem:s24+$0xFFFFFF90]  }
0x38d: {  	v11 =	vld [tilespmem:s24+$0xFFFFFF80];
	[tilespmem:s24+$0xFFFFFF20] =	vst v7;
	v7 =	vmul.f32 v16, v10  }
0x38e: {  	v15 =	vld [tilespmem:s24+$0xFFFFFFA0];
	[tilespmem:s24+$0xFFFFFF30] =	vst v9;
	v9 =	vmul.f32 v17, v10  }
0x38f: {  	v8 =	vmul.f32 v8, v10;
	v16 =	vld [tilespmem:s24+$0xFFFFFFB0];
	[tilespmem:s24+$0xFFFFFF40] =	vst v7  }
0x390: {  	v7 =	vmul.f32 v18, v10;
	[tilespmem:s24+$0xFFFFFF50] =	vst v9;
	v9 =	vld [tilespmem:s24+$0xFFFFFFC0]  }
0x391: {  	s9 =	simm.s32 $0x8;
	[tilespmem:s24+$0xFFFFFF70] =	vst v8;
	v8 =	vmul.f32 v14, v12;
	v14 =	vld [tilespmem:s24+$0xFFFFFFE0]  }
0x392: {  	s3 =	simm.s32 $0x9;
	v17 =	vmov s9;
	s9 =	simm.s32 $0xA;
	[tilespmem:s24+$0xFFFFFF60] =	vst v7;
	v7 =	vmul.f32 v11, v12;
	v11 =	vld [tilespmem:s24+$0xFFFFFFD0]  }
0x393: {  	v10 =	vshrl.u32 v17, $0x3;
	v17 =	vmov s3;
	v18 =	vmov s9;
	s3 =	simm.s32 $0xB;
	s9 =	simm.s32 $0xC  }
0x394: {  	v19 =	vmov s3;
	v20 =	vmov s9;
	s3 =	simm.s32 $0xD;
	[tilespmem:s24+$0xFFFFFF80] =	vst v7;
	v7 =	vmul.f32 v15, v12;
	v15 =	vld [tilespmem:s24+$0xFFFFFFF0]  }
0x395: {  	s9 =	simm.s32 $0xE;
	v10 =	vshll.u32 v10, v2;
	v59 =	vmov s3;
	[tilespmem:s24+$0xFFFFFF90] =	vst v8;
	v8 =	vmul.f32 v16, v12;
	v12 =	vld [tilespmem:s24+$0x0]  }
0x396: {  	v60 =	vmov s9;
	v16 =	vshrl.u32 v17, $0x3;
	[tilespmem:s24+$0xFFFFFFA0] =	vst v7;
	v7 =	vmul.f32 v9, v6;
	v9 =	vld [tilespmem:s24+$0x10]  }
0x397: {  	v17 =	vshrl.u32 v18, $0x3;
	[tilespmem:s24+$0xFFFFFFB0] =	vst v8;
	v14 =	vmul.f32 v14, v6;
	v8 =	vmul.f32 v11, v6;
	v11 =	vld [tilespmem:s24+$0x20]  }
0x398: {  	v61 =	vld [tilespmem:s24+$0x30];
	v18 =	vshrl.u32 v19, $0x3;
	v19 =	vshrl.u32 v20, $0x3;
	v20 =	vshrl.u32 v59, $0x3;
	[tilespmem:s24+$0xFFFFFFC0] =	vst v7  }
0x399: {  	v16 =	vshll.u32 v16, v2;
	v17 =	vshll.u32 v17, v2;
	[tilespmem:s24+$0xFFFFFFE0] =	vst v14;
	v6 =	vmul.f32 v15, v6;
	v15 =	vld [tilespmem:s24+$0x40]  }
0x39a: {  	v19 =	vshll.u32 v19, v2;
	v20 =	vshll.u32 v20, v2;
	[tilespmem:s24+$0xFFFFFFD0] =	vst v8;
	v8 =	vmul.f32 v12, v13;
	v12 =	vld [tilespmem:s24+$0x50]  }
0x39b: {  	v62 =	vld [tilespmem:s24+$0x60];
	v7 =	vbroadcast v10, $0x0;
	v10 =	vshrl.u32 v60, $0x3;
	[tilespmem:s24+$0xFFFFFFF0] =	vst v6;
	v6 =	vmul.f32 v9, v13  }
0x39c: {  	v14 =	vshll.u32 v18, v2;
	v63 =	vshll.u32 v10, v2;
	[tilespmem:s24+$0x0] =	vst v8;
	v8 =	vld [tilespmem:s24+$0x70];
	v9 =	vmul.f32 v11, v13  }
0x39d: {  	v10 =	vadd.s32 $0x1, v16;
	v16 =	vadd.s32 $0x2, v17;
	v13 =	vmul.f32 v61, v13;
	[tilespmem:s24+$0x10] =	vst v6;
	v6 =	vld [tilespmem:s24+$0x80]  }
0x39e: {  	v18 =	vadd.s32 $0x3, v14;
	v14 =	vadd.s32 $0x4, v19;
	[tilespmem:s24+$0x20] =	vst v9;
	v19 =	vmul.f32 v15, v5;
	v9 =	vld [tilespmem:s24+$0x90]  }
0x39f: {  	v11 =	vbroadcast v10, $0x0;
	v10 =	vld [tilespmem:s24+$0xA0];
	v15 =	vadd.s32 $0x5, v20;
	[tilespmem:s24+$0x30] =	vst v13;
	v17 =	vmul.f32 v12, v5  }
0x3a0: {  	s30 =	simm.s32 $0x10;
	s3 =	simm.s32 $0xF;
	v13 =	vbroadcast v16, $0x0;
	v16 =	vadd.s32 $0x6, v63;
	v12 =	vld [tilespmem:s24+$0xB0];
	[tilespmem:s24+$0x40] =	vst v19;
	v19 =	vmul.f32 v62, v5  }
.LBB2_9:
0x3a1: {  	p5 =	slt.u32 s30, $0x48;
	v18 =	vbroadcast v18, $0x0;
	v20 =	vmov s3;
	[tilespmem:s24+$0x50] =	vst v17;
	v5 =	vmul.f32 v8, v5;
	v8 =	vld [tilespmem:s24+$0xC0]  }
0x3a2: {  	v14 =	vbroadcast v14, $0x0;
	v17 =	vshrl.u32 v20, $0x3;
	[tilespmem:s24+$0x60] =	vst v19;
	v6 =	vmul.f32 v6, v4;
	v19 =	vld [tilespmem:s24+$0xD0]  }
0x3a3: {  	v15 =	vbroadcast v15, $0x0;
	v17 =	vshll.u32 v17, v2;
	[tilespmem:s24+$0x70] =	vst v5;
	v5 =	vmul.f32 v9, v4;
	v9 =	vld [tilespmem:s24+$0xE0]  }
0x3a4: {  	v16 =	vbroadcast v16, $0x0;
	v7 =	vld.idx.msk [tilespmem:v7+s8+$0x0], $0xffff;
	v17 =	vadd.s32 $0x7, v17;
	[tilespmem:s24+$0x80] =	vst v6;
	v6 =	vmul.f32 v10, v4  }
0x3a5: {  	v10 =	vld.idx.msk [tilespmem:v11+s8+$0x0], $0xffff;
	v11 =	vbroadcast v17, $0x0;
	[tilespmem:s24+$0x90] =	vst v5;
	v4 =	vmul.f32 v12, v4  }
0x3a6: {  	v12 =	vld.idx.msk [tilespmem:v13+s8+$0x0], $0xffff;
	[tilespmem:s24+$0xA0] =	vst v6;
	v5 =	vmul.f32 v8, v3  }
0x3a7: {  	v8 =	vld.idx.msk [tilespmem:v18+s8+$0x0], $0xffff;
	[tilespmem:s24+$0xB0] =	vst v4;
	v4 =	vmul.f32 v19, v3  }
0x3a8: {  	v6 =	vld.idx.msk [tilespmem:v14+s8+$0x0], $0xffff;
	[tilespmem:s24+$0xC0] =	vst v5;
	v3 =	vmul.f32 v9, v3  }
0x3a9: {  	v5 =	vld.idx.msk [tilespmem:v15+s8+$0x0], $0xffff;
	[tilespmem:s24+$0xD0] =	vst v4  }
0x3aa: {  	v4 =	vld.idx.msk [tilespmem:v16+s8+$0x0], $0xffff;
	[tilespmem:s24+$0xE0] =	vst v3  }
0x3ab: {  	s24 =	sadd.s32 $0x200, s24;
	v3 =	vld.idx.msk [tilespmem:v11+s8+$0x0], $0xffff  }
0x3ac: {  	v9 =	vld [tilespmem:s24+$0xF0]  }
0x3ad: {  	v11 =	vld [tilespmem:s24+$0xFFFFFF00]  }
0x3ae: {  	v13 =	vld [tilespmem:s24+$0xFFFFFF10]  }
0x3af: {  	v14 =	vld [tilespmem:s24+$0xFFFFFF20]  }
0x3b0: {  	v15 =	vld [tilespmem:s24+$0xFFFFFF30]  }
0x3b1: {  	v16 =	vld [tilespmem:s24+$0xFFFFFF40];
	v9 =	vmul.f32 v9, v3  }
0x3b2: {  	v11 =	vmul.f32 v11, v7;
	v17 =	vld [tilespmem:s24+$0xFFFFFF50]  }
0x3b3: {  	v13 =	vmul.f32 v13, v7;
	v18 =	vld [tilespmem:s24+$0xFFFFFF60];
	[tilespmem:s24+$0xF0] =	vst v9  }
0x3b4: {  	[tilespmem:s24+$0xFFFFFF00] =	vst v11;
	v9 =	vmul.f32 v14, v7;
	v11 =	vld [tilespmem:s24+$0xFFFFFF70]  }
0x3b5: {  	[tilespmem:s24+$0xFFFFFF10] =	vst v13;
	v7 =	vmul.f32 v15, v7;
	v13 =	vld [tilespmem:s24+$0xFFFFFF80]  }
0x3b6: {  	[tilespmem:s24+$0xFFFFFF20] =	vst v9;
	v9 =	vmul.f32 v16, v10;
	v14 =	vld [tilespmem:s24+$0xFFFFFF90]  }
0x3b7: {  	[tilespmem:s24+$0xFFFFFF30] =	vst v7;
	v7 =	vmul.f32 v17, v10;
	v15 =	vld [tilespmem:s24+$0xFFFFFFA0]  }
0x3b8: {  	[tilespmem:s24+$0xFFFFFF40] =	vst v9;
	v9 =	vmul.f32 v18, v10;
	v16 =	vld [tilespmem:s24+$0xFFFFFFB0]  }
0x3b9: {  	v17 =	vmov s30;
	[tilespmem:s24+$0xFFFFFF50] =	vst v7;
	v7 =	vmul.f32 v11, v10;
	v10 =	vld [tilespmem:s24+$0xFFFFFFC0]  }
0x3ba: {  	s3 =	sadd.s32 $0x1, s30;
	s9 =	sadd.s32 $0x2, s30;
	v11 =	vshrl.u32 v17, $0x3;
	[tilespmem:s24+$0xFFFFFF60] =	vst v9;
	v9 =	vmul.f32 v13, v12;
	v13 =	vld [tilespmem:s24+$0xFFFFFFD0]  }
0x3bb: {  	v18 =	vmov s9;
	s9 =	sadd.s32 $0x4, s30;
	v17 =	vmov s3;
	s3 =	sadd.s32 $0x3, s30;
	[tilespmem:s24+$0xFFFFFF70] =	vst v7;
	v7 =	vmul.f32 v14, v12;
	v14 =	vld [tilespmem:s24+$0xFFFFFFE0]  }
0x3bc: {  	v20 =	vmov s9;
	s9 =	sadd.s32 $0x6, s30;
	v19 =	vmov s3;
	s3 =	sadd.s32 $0x5, s30;
	[tilespmem:s24+$0xFFFFFF80] =	vst v9;
	v9 =	vmul.f32 v15, v12;
	v15 =	vld [tilespmem:s24+$0xFFFFFFF0]  }
0x3bd: {  	v22 =	vmov s9;
	v21 =	vmov s3;
	[tilespmem:s24+$0xFFFFFF90] =	vst v7;
	v7 =	vmul.f32 v16, v12;
	v12 =	vld [tilespmem:s24+$0x0]  }
0x3be: {  	v11 =	vshll.u32 v11, v2;
	v16 =	vshrl.u32 v17, $0x3;
	[tilespmem:s24+$0xFFFFFFA0] =	vst v9;
	v9 =	vmul.f32 v10, v8;
	v10 =	vld [tilespmem:s24+$0x10]  }
0x3bf: {  	v17 =	vshrl.u32 v18, $0x3;
	v18 =	vshrl.u32 v19, $0x3;
	[tilespmem:s24+$0xFFFFFFB0] =	vst v7;
	v13 =	vmul.f32 v13, v8;
	v19 =	vld [tilespmem:s24+$0x20]  }
0x3c0: {  	v20 =	vshrl.u32 v20, $0x3;
	v21 =	vshrl.u32 v21, $0x3;
	[tilespmem:s24+$0xFFFFFFC0] =	vst v9;
	v9 =	vmul.f32 v14, v8;
	v14 =	vld [tilespmem:s24+$0x30]  }
0x3c1: {  	v7 =	vbroadcast v11, $0x0;
	v11 =	vshrl.u32 v22, $0x3;
	[tilespmem:s24+$0xFFFFFFD0] =	vst v13;
	v8 =	vmul.f32 v15, v8;
	v13 =	vld [tilespmem:s24+$0x40]  }
0x3c2: {  	v15 =	vshll.u32 v16, v2;
	v16 =	vshll.u32 v17, v2;
	[tilespmem:s24+$0xFFFFFFE0] =	vst v9;
	v9 =	vmul.f32 v12, v6;
	v12 =	vld [tilespmem:s24+$0x50]  }
0x3c3: {  	v20 =	vshll.u32 v20, v2;
	v17 =	vshll.u32 v18, v2;
	[tilespmem:s24+$0xFFFFFFF0] =	vst v8;
	v10 =	vmul.f32 v10, v6;
	v22 =	vld [tilespmem:s24+$0x60]  }
.Ltmp3:
0x3c4: {  	v21 =	vshll.u32 v21, v2;
	v23 =	vshll.u32 v11, v2;
	[tilespmem:s24+$0x0] =	vst v9;
	v9 =	vmul.f32 v19, v6;
	v8 =	vld [tilespmem:s24+$0x70];
	(pc) =	sbr.rel @p5 .LBB2_9-.Ltmp3, $4  }
0x3c5: {  	v11 =	vadd.s32 $0x1, v15;
	v16 =	vadd.s32 $0x2, v16;
	[tilespmem:s24+$0x10] =	vst v10;
	v10 =	vmul.f32 v14, v6;
	v6 =	vld [tilespmem:s24+$0x80]  }
0x3c6: {  	v18 =	vadd.s32 $0x3, v17;
	v14 =	vadd.s32 $0x4, v20;
	[tilespmem:s24+$0x20] =	vst v9;
	v19 =	vmul.f32 v13, v5;
	v9 =	vld [tilespmem:s24+$0x90]  }
0x3c7: {  	v15 =	vadd.s32 $0x5, v21;
	v11 =	vbroadcast v11, $0x0;
	[tilespmem:s24+$0x30] =	vst v10;
	v17 =	vmul.f32 v12, v5;
	v10 =	vld [tilespmem:s24+$0xA0]  }
0x3c8: {  	s3 =	sadd.s32 $0x7, s30;
	s30 =	sadd.s32 $0x8, s30;
	v13 =	vbroadcast v16, $0x0;
	v16 =	vadd.s32 $0x6, v23;
	[tilespmem:s24+$0x40] =	vst v19;
	v19 =	vmul.f32 v22, v5;
	v12 =	vld [tilespmem:s24+$0xB0]  }
0x3c9: {  	_ = 	snop  }
0x3ca: {  	v21 =	vld [tilespmem:s24+$0xC0]  }
0x3cb: {  	v22 =	vld [tilespmem:s24+$0xD0]  }
0x3cc: {  	v20 =	vmov s3;
	v23 =	vld [tilespmem:s24+$0xE0]  }
0x3cd: {  	v7 =	vld.idx.msk [tilespmem:v7+s8+$0x0], $0xffff;
	v20 =	vshrl.u32 v20, $0x3  }
0x3ce: {  	v18 =	vbroadcast v18, $0x0;
	v11 =	vld.idx.msk [tilespmem:v11+s8+$0x0], $0xffff;
	v5 =	vmul.f32 v8, v5;
	v20 =	vshll.u32 v20, v2  }
0x3cf: {  	v15 =	vbroadcast v15, $0x0;
	[tilespmem:s24+$0x50] =	vst v17;
	s30 =	sadd.s32 $0x200, s24;
	v13 =	vld.idx.msk [tilespmem:v13+s8+$0x0], $0xffff;
	v6 =	vmul.f32 v6, v4;
	v20 =	vadd.s32 $0x7, v20  }
0x3d0: {  	v17 =	vld [tilespmem:s30+$0xFFFFFF60];
	[tilespmem:s24+$0x70] =	vst v5;
	v5 =	vmul.f32 v9, v4;
	v20 =	vbroadcast v20, $0x0  }
0x3d1: {  	v16 =	vbroadcast v16, $0x0;
	[tilespmem:s24+$0x80] =	vst v6;
	v6 =	vmul.f32 v10, v4;
	v10 =	vld [tilespmem:s30+$0xF0]  }
0x3d2: {  	[tilespmem:s24+$0x90] =	vst v5;
	v5 =	vld [tilespmem:s30+$0xFFFFFF00]  }
0x3d3: {  	v4 =	vmul.f32 v12, v4;
	v12 =	vld [tilespmem:s30+$0xFFFFFF10]  }
0x3d4: {  	v18 =	vld.idx.msk [tilespmem:v18+s8+$0x0], $0xffff  }
0x3d5: {  	v8 =	vld.idx.msk [tilespmem:v15+s8+$0x0], $0xffff  }
0x3d6: {  	v14 =	vbroadcast v14, $0x0;
	[tilespmem:s24+$0xA0] =	vst v6;
	v6 =	vmul.f32 v21, v3;
	v9 =	vld.idx.msk [tilespmem:v20+s8+$0x0], $0xffff  }
0x3d7: {  	v15 =	vld.idx.msk [tilespmem:v16+s8+$0x0], $0xffff;
	[tilespmem:s24+$0xB0] =	vst v4;
	v4 =	vmul.f32 v22, v3  }
0x3d8: {  	v16 =	vld [tilespmem:s30+$0xFFFFFF20];
	v3 =	vmul.f32 v23, v3;
	[tilespmem:s24+$0xC0] =	vst v6  }
0x3d9: {  	v6 =	vld [tilespmem:s30+$0xFFFFFF30];
	[tilespmem:s24+$0xD0] =	vst v4  }
0x3da: {  	v4 =	vld [tilespmem:s30+$0xFFFFFF40];
	[tilespmem:s24+$0xE0] =	vst v3;
	v3 =	vmul.f32 v5, v7  }
0x3db: {  	[tilespmem:s24+$0x60] =	vst v19;
	v5 =	vld [tilespmem:s30+$0xFFFFFF50];
	v10 =	vmul.f32 v10, v9  }
0x3dc: {  	v14 =	vld.idx.msk [tilespmem:v14+s8+$0x0], $0xffff;
	v12 =	vmul.f32 v12, v7;
	[tilespmem:s30+$0xFFFFFF00] =	vst v3  }
0x3dd: {  	v3 =	vmul.f32 v16, v7;
	[tilespmem:s30+$0xF0] =	vst v10;
	v10 =	vld [tilespmem:s30+$0xFFFFFF70]  }
0x3de: {  	[tilespmem:s30+$0xFFFFFF10] =	vst v12;
	v6 =	vmul.f32 v6, v7;
	v7 =	vld [tilespmem:s30+$0xFFFFFF80]  }
0x3df: {  	[tilespmem:s30+$0xFFFFFF20] =	vst v3;
	v3 =	vmul.f32 v4, v11;
	v4 =	vld [tilespmem:s30+$0xFFFFFF90]  }
0x3e0: {  	[tilespmem:s30+$0xFFFFFF30] =	vst v6;
	v5 =	vmul.f32 v5, v11;
	v6 =	vld [tilespmem:s30+$0xFFFFFFA0]  }
0x3e1: {  	v12 =	vld [tilespmem:s30+$0xFFFFFFB0];
	[tilespmem:s30+$0xFFFFFF40] =	vst v3;
	v3 =	vmul.f32 v17, v11  }
0x3e2: {  	[tilespmem:s30+$0xFFFFFF50] =	vst v5;
	v5 =	vmul.f32 v10, v11;
	v10 =	vld [tilespmem:s30+$0xFFFFFFC0]  }
0x3e3: {  	[tilespmem:s30+$0xFFFFFF60] =	vst v3;
	v3 =	vmul.f32 v7, v13;
	v7 =	vld [tilespmem:s30+$0xFFFFFFD0]  }
0x3e4: {  	v4 =	vmul.f32 v4, v13;
	[tilespmem:s30+$0xFFFFFF70] =	vst v5;
	v5 =	vld [tilespmem:s30+$0xFFFFFFE0]  }
0x3e5: {  	[tilespmem:s30+$0xFFFFFF80] =	vst v3;
	v3 =	vmul.f32 v6, v13;
	v6 =	vld [tilespmem:s30+$0xFFFFFFF0]  }
0x3e6: {  	[tilespmem:s30+$0xFFFFFF90] =	vst v4;
	v4 =	vmul.f32 v12, v13;
	v11 =	vld [tilespmem:s30+$0x0]  }
0x3e7: {  	[tilespmem:s30+$0xFFFFFFA0] =	vst v3;
	v3 =	vmul.f32 v10, v18;
	v10 =	vld [tilespmem:s30+$0x10]  }
0x3e8: {  	[tilespmem:s30+$0xFFFFFFB0] =	vst v4;
	v4 =	vmul.f32 v7, v18;
	v7 =	vld [tilespmem:s30+$0x20]  }
0x3e9: {  	[tilespmem:s30+$0xFFFFFFC0] =	vst v3;
	v3 =	vmul.f32 v5, v18;
	v5 =	vld [tilespmem:s30+$0x30]  }
0x3ea: {  	[tilespmem:s30+$0xFFFFFFD0] =	vst v4;
	v4 =	vmul.f32 v6, v18;
	v6 =	vld [tilespmem:s30+$0x40]  }
0x3eb: {  	[tilespmem:s30+$0xFFFFFFE0] =	vst v3;
	v3 =	vmul.f32 v11, v14;
	v11 =	vld [tilespmem:s30+$0x50]  }
0x3ec: {  	[tilespmem:s30+$0xFFFFFFF0] =	vst v4;
	v4 =	vmul.f32 v10, v14;
	v10 =	vld [tilespmem:s30+$0x60]  }
0x3ed: {  	[tilespmem:s30+$0x0] =	vst v3;
	v3 =	vmul.f32 v7, v14;
	v7 =	vld [tilespmem:s30+$0x70]  }
0x3ee: {  	[tilespmem:s30+$0x10] =	vst v4;
	v4 =	vmul.f32 v5, v14;
	v5 =	vld [tilespmem:s30+$0x80]  }
0x3ef: {  	[tilespmem:s30+$0x20] =	vst v3;
	v3 =	vmul.f32 v6, v8;
	v6 =	vld [tilespmem:s30+$0x90]  }
0x3f0: {  	[tilespmem:s30+$0x30] =	vst v4;
	v4 =	vmul.f32 v11, v8;
	v11 =	vld [tilespmem:s30+$0xA0]  }
0x3f1: {  	[tilespmem:s30+$0x40] =	vst v3;
	v3 =	vmul.f32 v10, v8;
	v10 =	vld [tilespmem:s30+$0xB0]  }
0x3f2: {  	[tilespmem:s30+$0x50] =	vst v4;
	v4 =	vmul.f32 v7, v8;
	v7 =	vld [tilespmem:s30+$0xC0]  }
0x3f3: {  	[tilespmem:s30+$0x60] =	vst v3;
	v3 =	vmul.f32 v5, v15;
	v5 =	vld [tilespmem:s30+$0xD0]  }
0x3f4: {  	[tilespmem:s30+$0x70] =	vst v4;
	v4 =	vmul.f32 v6, v15;
	v6 =	vld [tilespmem:s30+$0xE0]  }
0x3f5: {  	[tilespmem:s30+$0x80] =	vst v3;
	v3 =	vmul.f32 v11, v15  }
0x3f6: {  	[tilespmem:s30+$0x90] =	vst v4;
	v4 =	vmul.f32 v10, v15  }
0x3f7: {  	[tilespmem:s30+$0xA0] =	vst v3;
	v3 =	vmul.f32 v7, v9  }
0x3f8: {  	[tilespmem:s30+$0xB0] =	vst v4;
	v4 =	vmul.f32 v5, v9  }
0x3f9: {  	[tilespmem:s30+$0xC0] =	vst v3;
	v3 =	vmul.f32 v6, v9  }
0x3fa: {  	[tilespmem:s30+$0xD0] =	vst v4  }
0x3fb: {  	s3 =	simm.s32 @p0 $0x4;
	s24 =	simm.s32 $0x1B348;
	[tilespmem:s30+$0xE0] =	vst v3  }
0x3fc: {  	[spmem:s10] =	stream.indirect.scatter.add.f32 [tilespmem:s31], [sflag:$0x9], $0x40, s24, s25, $0xb8;
	[tilespmem:$0x1DE68] =	vst v63  }
0x3fd: {  	_ =	swait.ge @p0 [sflag:s3], $0x1400  }
0x3fe: {  	s9 =	simm.s32 @!p0 $0x1B348;
	[sflag:s3] =	ssyncset.done @p0 $0x0  }
0x3ff: {  	s24 =	simm.s32 @!p0 $0x1B398;
	[sflag:s3] =	ssyncadd.s32 @p0 $0xFFFFEC00;
	s3 =	simm.s32 @!p0 $0x50  }
0x400: {  	[spmem:s12] =	stream.indirect.scatter.add.f32 @!p0 [tilespmem:s24], [sflag:$0xB], $0x1, s9, s3, $0xb8;
	[tilespmem:$0x1DE68] =	vst v63  }
0x401: {  	s3 =	simm.s32 @!p0 $0x4  }
0x402: {  	_ =	swait.ge @!p0 [sflag:s3], $0x1400  }
0x403: {  	[sflag:s3] =	ssyncset.done @!p0 $0x0  }
0x404: {  	[sflag:s3] =	ssyncadd.s32 @!p0 $0xFFFFEC00;
	s3 =	simm.s32 @!p0 $0x6  }
0x405: {  	_ =	swait.ge @!p0 [sflag:s3], $0x50  }
0x406: {  	[sflag:s3] =	ssyncset.done @!p0 $0x0  }
0x407: {  	[sflag:s3] =	ssyncadd.s32 @!p0 $0xFFFFFFB0  }
0x408: {  	v3 =	vld [tilespmem:s18+$0xEE68]  }
0x409: {  	v4 =	vld [tilespmem:s18+$0x13C88];
	_ =	sdelay $0x4  }
0x40a: {  	v5 =	vadd.s32 v0, v3;
	[tilespmem:$0x19E58] =	vst v4  }
0x40b: {  	[tilespmem:$0x19E08] =	vst v5  }
0x40c: {  	v3 =	vld.idx.msk [tilespmem:v3+s15+$0x0], $0xffff  }
0x40d: {  	v4 =	vld.idx.msk [tilespmem:v4+s16+$0x0], $0xffff;
	_ =	sdelay $0x4  }
0x40e: {  	v3 =	vadd.f32 v4, v3;
	_ =	sdelay $0x1  }
0x40f: {  	v4 =	vmul.f32 $2.000000030e-01, v3  }
0x410: {  	vm0 =	vgt.f32 v3, $0.0e+00  }
0x411: {  	v3 =	vsel vm0, v3, v4  }
0x412: {  	v3 =	vmul.f32 $1.442695020e+00, v3;
	_ =	sdelay $0x1  }
0x413: {  	(erf) = vpow2.f32 v3;
	_ =	sdelay $0x8  }
0x414: {  	v3 =	vpop (erf)  }
0x415: {  	[tilespmem:$0x19EA8] =	vst v3  }
0x416: {  	v3 =	vld [tilespmem:s18+$0xEE78]  }
0x417: {  	v4 =	vld [tilespmem:s18+$0x13C98];
	_ =	sdelay $0x4  }
0x418: {  	v5 =	vadd.s32 v0, v3;
	[tilespmem:$0x19E68] =	vst v4  }
0x419: {  	[tilespmem:$0x19E18] =	vst v5  }
0x41a: {  	v3 =	vld.idx.msk [tilespmem:v3+s15+$0x0], $0xffff  }
0x41b: {  	v4 =	vld.idx.msk [tilespmem:v4+s16+$0x0], $0xffff;
	_ =	sdelay $0x4  }
0x41c: {  	v3 =	vadd.f32 v4, v3;
	_ =	sdelay $0x1  }
0x41d: {  	v4 =	vmul.f32 $2.000000030e-01, v3  }
0x41e: {  	vm12 =	vgt.f32 v3, $0.0e+00  }
0x41f: {  	v3 =	vsel vm12, v3, v4  }
0x420: {  	v3 =	vmul.f32 $1.442695020e+00, v3;
	_ =	sdelay $0x1  }
0x421: {  	(erf) = vpow2.f32 v3;
	_ =	sdelay $0x8  }
0x422: {  	v3 =	vpop (erf)  }
0x423: {  	[tilespmem:$0x19EB8] =	vst v3  }
0x424: {  	v3 =	vld [tilespmem:s18+$0xEE88]  }
0x425: {  	v4 =	vld [tilespmem:s18+$0x13CA8];
	_ =	sdelay $0x4  }
0x426: {  	v5 =	vadd.s32 v0, v3;
	[tilespmem:$0x19E78] =	vst v4  }
0x427: {  	[tilespmem:$0x19E28] =	vst v5  }
0x428: {  	v3 =	vld.idx.msk [tilespmem:v3+s15+$0x0], $0xffff  }
0x429: {  	v4 =	vld.idx.msk [tilespmem:v4+s16+$0x0], $0xffff;
	_ =	sdelay $0x4  }
0x42a: {  	v3 =	vadd.f32 v4, v3;
	_ =	sdelay $0x1  }
0x42b: {  	v4 =	vmul.f32 $2.000000030e-01, v3  }
0x42c: {  	vm13 =	vgt.f32 v3, $0.0e+00  }
0x42d: {  	v3 =	vsel vm13, v3, v4  }
0x42e: {  	v3 =	vmul.f32 $1.442695020e+00, v3;
	_ =	sdelay $0x1  }
0x42f: {  	(erf) = vpow2.f32 v3;
	_ =	sdelay $0x8  }
0x430: {  	v3 =	vpop (erf)  }
0x431: {  	[tilespmem:$0x19EC8] =	vst v3  }
0x432: {  	v3 =	vld [tilespmem:s18+$0xEE98]  }
0x433: {  	v4 =	vld [tilespmem:s18+$0x13CB8];
	_ =	sdelay $0x4  }
0x434: {  	v5 =	vadd.s32 v0, v3;
	[tilespmem:$0x19E88] =	vst v4  }
0x435: {  	[tilespmem:$0x19E38] =	vst v5  }
0x436: {  	v3 =	vld.idx.msk [tilespmem:v3+s15+$0x0], $0xffff  }
0x437: {  	v4 =	vld.idx.msk [tilespmem:v4+s16+$0x0], $0xffff;
	_ =	sdelay $0x4  }
0x438: {  	v3 =	vadd.f32 v4, v3;
	_ =	sdelay $0x1  }
0x439: {  	v4 =	vmul.f32 $2.000000030e-01, v3  }
0x43a: {  	vm14 =	vgt.f32 v3, $0.0e+00  }
0x43b: {  	v3 =	vsel vm14, v3, v4  }
0x43c: {  	v3 =	vmul.f32 $1.442695020e+00, v3;
	_ =	sdelay $0x1  }
0x43d: {  	(erf) = vpow2.f32 v3;
	_ =	sdelay $0x8  }
0x43e: {  	v3 =	vpop (erf)  }
0x43f: {  	[tilespmem:$0x19ED8] =	vst v3  }
0x440: {  	v3 =	vld [tilespmem:s18+$0xEEA8]  }
0x441: {  	v4 =	vld [tilespmem:s18+$0x13CC8];
	_ =	sdelay $0x4  }
0x442: {  	v5 =	vadd.s32 v0, v3;
	[tilespmem:$0x19E98] =	vst v4  }
0x443: {  	[tilespmem:$0x19E48] =	vst v5  }
0x444: {  	v3 =	vld.idx.msk [tilespmem:v3+s15+$0x0], $0xffff  }
0x445: {  	v4 =	vld.idx.msk [tilespmem:v4+s16+$0x0], $0xffff;
	_ =	sdelay $0x4  }
0x446: {  	v3 =	vadd.f32 v4, v3;
	_ =	sdelay $0x1  }
0x447: {  	v4 =	vmul.f32 $2.000000030e-01, v3  }
0x448: {  	vm15 =	vgt.f32 v3, $0.0e+00  }
0x449: {  	v3 =	vsel vm15, v3, v4  }
0x44a: {  	v3 =	vmul.f32 $1.442695020e+00, v3;
	_ =	sdelay $0x1  }
0x44b: {  	(erf) = vpow2.f32 v3  }
0x44c: {  	s24 =	simm.s32 $0x3  }
0x44d: {  	v6 =	vmov s24  }
0x44e: {  	s24 =	simm.s32 $0x6;
	v6 =	vshrl.u32 v6, $0x3  }
0x44f: {  	v9 =	vmov s24;
	v6 =	vshll.u32 v6, v2;
	s18 =	simm.s32 $0x2  }
0x450: {  	s30 =	simm.s32 $0x0;
	s9 =	simm.s32 $0x1;
	v9 =	vshrl.u32 v9, $0x3;
	v6 =	vadd.s32 $0x3, v6;
	v5 =	vmov s18;
	s18 =	simm.s32 $0x5  }
0x451: {  	v8 =	vmov s18;
	v4 =	vmov s9;
	v3 =	vmov s30  }
0x452: {  	v5 =	vshrl.u32 v5, $0x3;
	v4 =	vshrl.u32 v4, $0x3;
	v3 =	vshrl.u32 v3, $0x3  }
0x453: {  	v5 =	vshll.u32 v5, v2;
	v4 =	vshll.u32 v4, v2;
	s30 =	simm.s32 $0x4;
	v3 =	vshll.u32 v3, v2  }
0x454: {  	v4 =	vadd.s32 $0x1, v4;
	v7 =	vmov s30;
	v3 =	vbroadcast v3, $0x0;
	v10 =	vpop (erf)  }
0x455: {  	v5 =	vadd.s32 $0x2, v5;
	v4 =	vbroadcast v4, $0x0;
	v7 =	vshrl.u32 v7, $0x3;
	[tilespmem:$0x19EE8] =	vst v10  }
0x456: {  	v8 =	vshrl.u32 v8, $0x3;
	v5 =	vbroadcast v5, $0x0;
	v7 =	vshll.u32 v7, v2;
	[tilespmem:s29], [sflag:$0x2] =	stream.indirect.gather [hbm4b:s19+s25], $0x40, s28, s25, $0xb8;
	[tilespmem:$0x1DE68] =	vst v63  }
0x457: {  	v6 =	vbroadcast v6, $0x0;
	v8 =	vshll.u32 v8, v2;
	s30 =	simm.s32 $0x7;
	v7 =	vadd.s32 $0x4, v7;
	_ =	swait.ge [sflag:s11], $0x1400  }
0x458: {  	v8 =	vadd.s32 $0x5, v8;
	v7 =	vbroadcast v7, $0x0;
	v10 =	vmov s30;
	[sflag:s11] =	ssyncset.done $0x0  }
0x459: {  	v9 =	vshll.u32 v9, v2;
	v8 =	vbroadcast v8, $0x0;
	v10 =	vshrl.u32 v10, $0x3;
	[sflag:s11] =	ssyncadd.s32 $0xFFFFEC00  }
0x45a: {  	v9 =	vadd.s32 $0x6, v9;
	v10 =	vshll.u32 v10, v2;
	v11 =	vld.idx.msk [tilespmem:v3+s14+$0x0], $0xffff  }
0x45b: {  	v3 =	vbroadcast v9, $0x0;
	v9 =	vadd.s32 $0x7, v10;
	v10 =	vld.idx.msk [tilespmem:v4+s14+$0x0], $0xffff  }
0x45c: {  	v12 =	vld.idx.msk [tilespmem:v5+s14+$0x0], $0xffff  }
0x45d: {  	v6 =	vld.idx.msk [tilespmem:v6+s14+$0x0], $0xffff;
	v9 =	vbroadcast v9, $0x0  }
0x45e: {  	v13 =	vld.idx.msk [tilespmem:v7+s14+$0x0], $0xffff  }
0x45f: {  	s18 =	simm.s32 $0x1C9D8;
	v5 =	vld.idx.msk [tilespmem:v8+s14+$0x0], $0xffff  }
0x460: {  	v7 =	vld [tilespmem:s18+$0xF0]  }
0x461: {  	v8 =	vld [tilespmem:s18+$0xFFFFFF00]  }
0x462: {  	v4 =	vld.idx.msk [tilespmem:v3+s14+$0x0], $0xffff  }
0x463: {  	v3 =	vld.idx.msk [tilespmem:v9+s14+$0x0], $0xffff  }
0x464: {  	v9 =	vld [tilespmem:s18+$0xFFFFFF10]  }
0x465: {  	v14 =	vld [tilespmem:s18+$0xFFFFFF20]  }
0x466: {  	v15 =	vld [tilespmem:s18+$0xFFFFFF30]  }
0x467: {  	v16 =	vld [tilespmem:s18+$0xFFFFFF40];
	v8 =	vmul.f32 v8, v11  }
0x468: {  	v17 =	vld [tilespmem:s18+$0xFFFFFF50];
	v7 =	vmul.f32 v7, v3  }
0x469: {  	[tilespmem:s18+$0xFFFFFF00] =	vst v8;
	v8 =	vld [tilespmem:s18+$0xFFFFFF70];
	v9 =	vmul.f32 v9, v11  }
0x46a: {  	v18 =	vld [tilespmem:s18+$0xFFFFFF60];
	[tilespmem:s18+$0xF0] =	vst v7;
	v7 =	vmul.f32 v14, v11  }
0x46b: {  	[tilespmem:s18+$0xFFFFFF10] =	vst v9;
	v9 =	vmul.f32 v15, v11;
	v14 =	vld [tilespmem:s18+$0xFFFFFF90]  }
0x46c: {  	v11 =	vld [tilespmem:s18+$0xFFFFFF80];
	[tilespmem:s18+$0xFFFFFF20] =	vst v7;
	v7 =	vmul.f32 v16, v10  }
0x46d: {  	v15 =	vld [tilespmem:s18+$0xFFFFFFA0];
	[tilespmem:s18+$0xFFFFFF30] =	vst v9;
	v9 =	vmul.f32 v17, v10  }
0x46e: {  	v8 =	vmul.f32 v8, v10;
	v16 =	vld [tilespmem:s18+$0xFFFFFFB0];
	[tilespmem:s18+$0xFFFFFF40] =	vst v7  }
0x46f: {  	v7 =	vmul.f32 v18, v10;
	[tilespmem:s18+$0xFFFFFF50] =	vst v9;
	v9 =	vld [tilespmem:s18+$0xFFFFFFC0]  }
0x470: {  	s9 =	simm.s32 $0x8;
	[tilespmem:s18+$0xFFFFFF70] =	vst v8;
	v8 =	vmul.f32 v14, v12;
	v14 =	vld [tilespmem:s18+$0xFFFFFFE0]  }
0x471: {  	s24 =	simm.s32 $0x9;
	s30 =	simm.s32 $0xA;
	v17 =	vmov s9;
	[tilespmem:s18+$0xFFFFFF60] =	vst v7;
	v7 =	vmul.f32 v11, v12;
	v11 =	vld [tilespmem:s18+$0xFFFFFFD0]  }
0x472: {  	v10 =	vshrl.u32 v17, $0x3;
	v17 =	vmov s24;
	v18 =	vmov s30;
	s24 =	simm.s32 $0xB;
	s30 =	simm.s32 $0xC  }
0x473: {  	v19 =	vmov s24;
	v20 =	vmov s30;
	s24 =	simm.s32 $0xD;
	[tilespmem:s18+$0xFFFFFF80] =	vst v7;
	v7 =	vmul.f32 v15, v12;
	v15 =	vld [tilespmem:s18+$0xFFFFFFF0]  }
0x474: {  	s30 =	simm.s32 $0xE;
	v10 =	vshll.u32 v10, v2;
	v59 =	vmov s24;
	[tilespmem:s18+$0xFFFFFF90] =	vst v8;
	v8 =	vmul.f32 v16, v12;
	v12 =	vld [tilespmem:s18+$0x0]  }
0x475: {  	v60 =	vmov s30;
	v16 =	vshrl.u32 v17, $0x3;
	[tilespmem:s18+$0xFFFFFFA0] =	vst v7;
	v7 =	vmul.f32 v9, v6;
	v9 =	vld [tilespmem:s18+$0x10]  }
0x476: {  	v17 =	vshrl.u32 v18, $0x3;
	[tilespmem:s18+$0xFFFFFFB0] =	vst v8;
	v14 =	vmul.f32 v14, v6;
	v8 =	vmul.f32 v11, v6;
	v11 =	vld [tilespmem:s18+$0x20]  }
0x477: {  	v61 =	vld [tilespmem:s18+$0x30];
	v18 =	vshrl.u32 v19, $0x3;
	v19 =	vshrl.u32 v20, $0x3;
	v20 =	vshrl.u32 v59, $0x3;
	[tilespmem:s18+$0xFFFFFFC0] =	vst v7  }
0x478: {  	v16 =	vshll.u32 v16, v2;
	v17 =	vshll.u32 v17, v2;
	[tilespmem:s18+$0xFFFFFFE0] =	vst v14;
	v6 =	vmul.f32 v15, v6;
	v15 =	vld [tilespmem:s18+$0x40]  }
0x479: {  	v19 =	vshll.u32 v19, v2;
	v20 =	vshll.u32 v20, v2;
	[tilespmem:s18+$0xFFFFFFD0] =	vst v8;
	v8 =	vmul.f32 v12, v13;
	v12 =	vld [tilespmem:s18+$0x50]  }
0x47a: {  	v62 =	vld [tilespmem:s18+$0x60];
	v7 =	vbroadcast v10, $0x0;
	v10 =	vshrl.u32 v60, $0x3;
	[tilespmem:s18+$0xFFFFFFF0] =	vst v6;
	v6 =	vmul.f32 v9, v13  }
0x47b: {  	v14 =	vshll.u32 v18, v2;
	v63 =	vshll.u32 v10, v2;
	[tilespmem:s18+$0x0] =	vst v8;
	v8 =	vld [tilespmem:s18+$0x70];
	v9 =	vmul.f32 v11, v13  }
0x47c: {  	v10 =	vadd.s32 $0x1, v16;
	v16 =	vadd.s32 $0x2, v17;
	v13 =	vmul.f32 v61, v13;
	[tilespmem:s18+$0x10] =	vst v6;
	v6 =	vld [tilespmem:s18+$0x80]  }
0x47d: {  	v18 =	vadd.s32 $0x3, v14;
	v14 =	vadd.s32 $0x4, v19;
	[tilespmem:s18+$0x20] =	vst v9;
	v19 =	vmul.f32 v15, v5;
	v9 =	vld [tilespmem:s18+$0x90]  }
0x47e: {  	v11 =	vbroadcast v10, $0x0;
	v10 =	vld [tilespmem:s18+$0xA0];
	v15 =	vadd.s32 $0x5, v20;
	[tilespmem:s18+$0x30] =	vst v13;
	v17 =	vmul.f32 v12, v5  }
0x47f: {  	s3 =	simm.s32 $0xF;
	s24 =	simm.s32 $0x10;
	v13 =	vbroadcast v16, $0x0;
	v16 =	vadd.s32 $0x6, v63;
	v12 =	vld [tilespmem:s18+$0xB0];
	[tilespmem:s18+$0x40] =	vst v19;
	v19 =	vmul.f32 v62, v5  }
.LBB2_11:
0x480: {  	p5 =	slt.u32 s24, $0x48;
	v18 =	vbroadcast v18, $0x0;
	v20 =	vmov s3;
	[tilespmem:s18+$0x50] =	vst v17;
	v5 =	vmul.f32 v8, v5;
	v8 =	vld [tilespmem:s18+$0xC0]  }
0x481: {  	v14 =	vbroadcast v14, $0x0;
	v17 =	vshrl.u32 v20, $0x3;
	[tilespmem:s18+$0x60] =	vst v19;
	v6 =	vmul.f32 v6, v4;
	v19 =	vld [tilespmem:s18+$0xD0]  }
0x482: {  	v15 =	vbroadcast v15, $0x0;
	v17 =	vshll.u32 v17, v2;
	[tilespmem:s18+$0x70] =	vst v5;
	v5 =	vmul.f32 v9, v4;
	v9 =	vld [tilespmem:s18+$0xE0]  }
0x483: {  	v16 =	vbroadcast v16, $0x0;
	v7 =	vld.idx.msk [tilespmem:v7+s14+$0x0], $0xffff;
	v17 =	vadd.s32 $0x7, v17;
	[tilespmem:s18+$0x80] =	vst v6;
	v6 =	vmul.f32 v10, v4  }
0x484: {  	v10 =	vld.idx.msk [tilespmem:v11+s14+$0x0], $0xffff;
	v11 =	vbroadcast v17, $0x0;
	[tilespmem:s18+$0x90] =	vst v5;
	v4 =	vmul.f32 v12, v4  }
0x485: {  	v12 =	vld.idx.msk [tilespmem:v13+s14+$0x0], $0xffff;
	[tilespmem:s18+$0xA0] =	vst v6;
	v5 =	vmul.f32 v8, v3  }
0x486: {  	v8 =	vld.idx.msk [tilespmem:v18+s14+$0x0], $0xffff;
	[tilespmem:s18+$0xB0] =	vst v4;
	v4 =	vmul.f32 v19, v3  }
0x487: {  	v6 =	vld.idx.msk [tilespmem:v14+s14+$0x0], $0xffff;
	[tilespmem:s18+$0xC0] =	vst v5;
	v3 =	vmul.f32 v9, v3  }
0x488: {  	v5 =	vld.idx.msk [tilespmem:v15+s14+$0x0], $0xffff;
	[tilespmem:s18+$0xD0] =	vst v4  }
0x489: {  	v4 =	vld.idx.msk [tilespmem:v16+s14+$0x0], $0xffff;
	[tilespmem:s18+$0xE0] =	vst v3  }
0x48a: {  	s18 =	sadd.s32 $0x200, s18;
	v3 =	vld.idx.msk [tilespmem:v11+s14+$0x0], $0xffff  }
0x48b: {  	v9 =	vld [tilespmem:s18+$0xF0]  }
0x48c: {  	v11 =	vld [tilespmem:s18+$0xFFFFFF00]  }
0x48d: {  	v13 =	vld [tilespmem:s18+$0xFFFFFF10]  }
0x48e: {  	v14 =	vld [tilespmem:s18+$0xFFFFFF20]  }
0x48f: {  	v15 =	vld [tilespmem:s18+$0xFFFFFF30]  }
0x490: {  	v16 =	vld [tilespmem:s18+$0xFFFFFF40];
	v9 =	vmul.f32 v9, v3  }
0x491: {  	v11 =	vmul.f32 v11, v7;
	v17 =	vld [tilespmem:s18+$0xFFFFFF50]  }
0x492: {  	v13 =	vmul.f32 v13, v7;
	v18 =	vld [tilespmem:s18+$0xFFFFFF60];
	[tilespmem:s18+$0xF0] =	vst v9  }
0x493: {  	[tilespmem:s18+$0xFFFFFF00] =	vst v11;
	v9 =	vmul.f32 v14, v7;
	v11 =	vld [tilespmem:s18+$0xFFFFFF70]  }
0x494: {  	[tilespmem:s18+$0xFFFFFF10] =	vst v13;
	v7 =	vmul.f32 v15, v7;
	v13 =	vld [tilespmem:s18+$0xFFFFFF80]  }
0x495: {  	[tilespmem:s18+$0xFFFFFF20] =	vst v9;
	v9 =	vmul.f32 v16, v10;
	v14 =	vld [tilespmem:s18+$0xFFFFFF90]  }
0x496: {  	[tilespmem:s18+$0xFFFFFF30] =	vst v7;
	v7 =	vmul.f32 v17, v10;
	v15 =	vld [tilespmem:s18+$0xFFFFFFA0]  }
0x497: {  	[tilespmem:s18+$0xFFFFFF40] =	vst v9;
	v9 =	vmul.f32 v18, v10;
	v16 =	vld [tilespmem:s18+$0xFFFFFFB0]  }
0x498: {  	v17 =	vmov s24;
	[tilespmem:s18+$0xFFFFFF50] =	vst v7;
	v7 =	vmul.f32 v11, v10;
	v10 =	vld [tilespmem:s18+$0xFFFFFFC0]  }
0x499: {  	s3 =	sadd.s32 $0x1, s24;
	s9 =	sadd.s32 $0x2, s24;
	v11 =	vshrl.u32 v17, $0x3;
	[tilespmem:s18+$0xFFFFFF60] =	vst v9;
	v9 =	vmul.f32 v13, v12;
	v13 =	vld [tilespmem:s18+$0xFFFFFFD0]  }
0x49a: {  	v18 =	vmov s9;
	s9 =	sadd.s32 $0x4, s24;
	v17 =	vmov s3;
	s3 =	sadd.s32 $0x3, s24;
	[tilespmem:s18+$0xFFFFFF70] =	vst v7;
	v7 =	vmul.f32 v14, v12;
	v14 =	vld [tilespmem:s18+$0xFFFFFFE0]  }
0x49b: {  	v20 =	vmov s9;
	s9 =	sadd.s32 $0x6, s24;
	v19 =	vmov s3;
	s3 =	sadd.s32 $0x5, s24;
	[tilespmem:s18+$0xFFFFFF80] =	vst v9;
	v9 =	vmul.f32 v15, v12;
	v15 =	vld [tilespmem:s18+$0xFFFFFFF0]  }
0x49c: {  	v22 =	vmov s9;
	v21 =	vmov s3;
	[tilespmem:s18+$0xFFFFFF90] =	vst v7;
	v7 =	vmul.f32 v16, v12;
	v12 =	vld [tilespmem:s18+$0x0]  }
0x49d: {  	v11 =	vshll.u32 v11, v2;
	v16 =	vshrl.u32 v17, $0x3;
	[tilespmem:s18+$0xFFFFFFA0] =	vst v9;
	v9 =	vmul.f32 v10, v8;
	v10 =	vld [tilespmem:s18+$0x10]  }
0x49e: {  	v17 =	vshrl.u32 v18, $0x3;
	v18 =	vshrl.u32 v19, $0x3;
	[tilespmem:s18+$0xFFFFFFB0] =	vst v7;
	v13 =	vmul.f32 v13, v8;
	v19 =	vld [tilespmem:s18+$0x20]  }
0x49f: {  	v20 =	vshrl.u32 v20, $0x3;
	v21 =	vshrl.u32 v21, $0x3;
	[tilespmem:s18+$0xFFFFFFC0] =	vst v9;
	v9 =	vmul.f32 v14, v8;
	v14 =	vld [tilespmem:s18+$0x30]  }
0x4a0: {  	v7 =	vbroadcast v11, $0x0;
	v11 =	vshrl.u32 v22, $0x3;
	[tilespmem:s18+$0xFFFFFFD0] =	vst v13;
	v8 =	vmul.f32 v15, v8;
	v13 =	vld [tilespmem:s18+$0x40]  }
0x4a1: {  	v15 =	vshll.u32 v16, v2;
	v16 =	vshll.u32 v17, v2;
	[tilespmem:s18+$0xFFFFFFE0] =	vst v9;
	v9 =	vmul.f32 v12, v6;
	v12 =	vld [tilespmem:s18+$0x50]  }
0x4a2: {  	v20 =	vshll.u32 v20, v2;
	v17 =	vshll.u32 v18, v2;
	[tilespmem:s18+$0xFFFFFFF0] =	vst v8;
	v10 =	vmul.f32 v10, v6;
	v22 =	vld [tilespmem:s18+$0x60]  }
.Ltmp4:
0x4a3: {  	v21 =	vshll.u32 v21, v2;
	v23 =	vshll.u32 v11, v2;
	[tilespmem:s18+$0x0] =	vst v9;
	v9 =	vmul.f32 v19, v6;
	v8 =	vld [tilespmem:s18+$0x70];
	(pc) =	sbr.rel @p5 .LBB2_11-.Ltmp4, $4  }
0x4a4: {  	v11 =	vadd.s32 $0x1, v15;
	v16 =	vadd.s32 $0x2, v16;
	[tilespmem:s18+$0x10] =	vst v10;
	v10 =	vmul.f32 v14, v6;
	v6 =	vld [tilespmem:s18+$0x80]  }
0x4a5: {  	v18 =	vadd.s32 $0x3, v17;
	v14 =	vadd.s32 $0x4, v20;
	[tilespmem:s18+$0x20] =	vst v9;
	v19 =	vmul.f32 v13, v5;
	v9 =	vld [tilespmem:s18+$0x90]  }
0x4a6: {  	v15 =	vadd.s32 $0x5, v21;
	v11 =	vbroadcast v11, $0x0;
	[tilespmem:s18+$0x30] =	vst v10;
	v17 =	vmul.f32 v12, v5;
	v10 =	vld [tilespmem:s18+$0xA0]  }
0x4a7: {  	s3 =	sadd.s32 $0x7, s24;
	s24 =	sadd.s32 $0x8, s24;
	v13 =	vbroadcast v16, $0x0;
	v16 =	vadd.s32 $0x6, v23;
	[tilespmem:s18+$0x40] =	vst v19;
	v19 =	vmul.f32 v22, v5;
	v12 =	vld [tilespmem:s18+$0xB0]  }
0x4a8: {  	_ = 	snop  }
0x4a9: {  	v21 =	vld [tilespmem:s18+$0xC0]  }
0x4aa: {  	v22 =	vld [tilespmem:s18+$0xD0]  }
0x4ab: {  	v23 =	vld [tilespmem:s18+$0xE0]  }
0x4ac: {  	v7 =	vld.idx.msk [tilespmem:v7+s14+$0x0], $0xffff  }
0x4ad: {  	v11 =	vld.idx.msk [tilespmem:v11+s14+$0x0], $0xffff  }
0x4ae: {  	v20 =	vmov s3;
	s24 =	sadd.s32 $0x200, s18;
	v13 =	vld.idx.msk [tilespmem:v13+s14+$0x0], $0xffff  }
0x4af: {  	v20 =	vshrl.u32 v20, $0x3;
	v63 =	vld [tilespmem:s24+$0xFFFFFF00]  }
0x4b0: {  	v24 =	vld [tilespmem:s24+$0xFFFFFF20];
	v20 =	vshll.u32 v20, v2  }
0x4b1: {  	[tilespmem:s18+$0x50] =	vst v17;
	v5 =	vmul.f32 v8, v5;
	v25 =	vld [tilespmem:s24+$0xFFFFFF30];
	v20 =	vadd.s32 $0x7, v20  }
0x4b2: {  	[tilespmem:s18+$0x60] =	vst v19;
	v6 =	vmul.f32 v6, v4;
	v26 =	vld [tilespmem:s24+$0xFFFFFF40];
	v20 =	vbroadcast v20, $0x0  }
0x4b3: {  	v27 =	vld [tilespmem:s24+$0xFFFFFF50];
	[tilespmem:s18+$0x70] =	vst v5;
	v59 =	vmul.f32 v9, v4  }
0x4b4: {  	v28 =	vld [tilespmem:s24+$0xFFFFFF60];
	[tilespmem:s18+$0x80] =	vst v6;
	v60 =	vmul.f32 v10, v4  }
0x4b5: {  	v29 =	vld [tilespmem:s24+$0xFFFFFF70];
	[tilespmem:s18+$0x90] =	vst v59;
	v62 =	vmul.f32 v12, v4  }
0x4b6: {  	v30 =	vld [tilespmem:s24+$0xFFFFFF80];
	[tilespmem:s18+$0xA0] =	vst v60;
	v22 =	vmul.f32 v22, v3  }
0x4b7: {  	v18 =	vbroadcast v18, $0x0;
	v31 =	vld [tilespmem:s24+$0xFFFFFF90];
	[tilespmem:s18+$0xB0] =	vst v62;
	v6 =	vmul.f32 v25, v7  }
0x4b8: {  	[tilespmem:s18+$0xD0] =	vst v22;
	v9 =	vld.idx.msk [tilespmem:v20+s14+$0x0], $0xffff;
	v20 =	vmul.f32 v21, v3;
	v3 =	vmul.f32 v23, v3  }
0x4b9: {  	v32 =	vld [tilespmem:s24+$0xFFFFFFA0];
	v5 =	vmul.f32 v27, v11;
	[tilespmem:s24+$0xFFFFFF30] =	vst v6  }
0x4ba: {  	v33 =	vld [tilespmem:s24+$0xFFFFFFB0];
	[tilespmem:s18+$0xE0] =	vst v3;
	v3 =	vmul.f32 v63, v7  }
0x4bb: {  	v35 =	vld [tilespmem:s24+$0xFFFFFFC0];
	v34 =	vmul.f32 v29, v11;
	[tilespmem:s24+$0xFFFFFF50] =	vst v5  }
0x4bc: {  	v14 =	vbroadcast v14, $0x0;
	v36 =	vld [tilespmem:s24+$0xFFFFFFD0];
	[tilespmem:s24+$0xFFFFFF00] =	vst v3;
	v3 =	vmul.f32 v24, v7  }
0x4bd: {  	v37 =	vld [tilespmem:s24+$0xFFFFFFE0];
	v4 =	vmul.f32 v31, v13;
	[tilespmem:s24+$0xFFFFFF70] =	vst v34  }
0x4be: {  	v18 =	vld.idx.msk [tilespmem:v18+s14+$0x0], $0xffff;
	[tilespmem:s24+$0xFFFFFF20] =	vst v3;
	v3 =	vmul.f32 v26, v11  }
0x4bf: {  	v38 =	vld [tilespmem:s24+$0xFFFFFFF0];
	v39 =	vmul.f32 v33, v13;
	[tilespmem:s24+$0xFFFFFF90] =	vst v4  }
0x4c0: {  	v15 =	vbroadcast v15, $0x0;
	v40 =	vld [tilespmem:s24+$0x0];
	[tilespmem:s24+$0xFFFFFF40] =	vst v3;
	v3 =	vmul.f32 v28, v11  }
0x4c1: {  	v41 =	vld [tilespmem:s24+$0x10];
	[tilespmem:s24+$0xFFFFFFB0] =	vst v39  }
0x4c2: {  	v14 =	vld.idx.msk [tilespmem:v14+s14+$0x0], $0xffff;
	[tilespmem:s24+$0xFFFFFF60] =	vst v3;
	v3 =	vmul.f32 v30, v13  }
0x4c3: {  	v43 =	vld [tilespmem:s24+$0x20];
	v42 =	vmul.f32 v36, v18;
	[tilespmem:s18+$0xC0] =	vst v20  }
0x4c4: {  	v16 =	vbroadcast v16, $0x0;
	v44 =	vld [tilespmem:s24+$0x30];
	[tilespmem:s24+$0xFFFFFF80] =	vst v3;
	v3 =	vmul.f32 v32, v13  }
0x4c5: {  	v47 =	vld [tilespmem:s24+$0x50];
	v45 =	vmul.f32 v38, v18;
	[tilespmem:s24+$0xFFFFFFD0] =	vst v42  }
0x4c6: {  	v58 =	vld.idx.msk [tilespmem:v15+s14+$0x0], $0xffff;
	[tilespmem:s24+$0xFFFFFFA0] =	vst v3;
	v3 =	vmul.f32 v35, v18  }
0x4c7: {  	v46 =	vld [tilespmem:s24+$0x40];
	v48 =	vmul.f32 v41, v14;
	[tilespmem:s24+$0xFFFFFFF0] =	vst v45  }
0x4c8: {  	v50 =	vld [tilespmem:s24+$0x70];
	[tilespmem:s24+$0xFFFFFFC0] =	vst v3;
	v3 =	vmul.f32 v37, v18  }
0x4c9: {  	v53 =	vld [tilespmem:s24+$0x90];
	v51 =	vmul.f32 v44, v14;
	[tilespmem:s24+$0x10] =	vst v48  }
0x4ca: {  	v15 =	vld.idx.msk [tilespmem:v16+s14+$0x0], $0xffff;
	[tilespmem:s24+$0xFFFFFFE0] =	vst v3;
	v3 =	vmul.f32 v40, v14  }
0x4cb: {  	v49 =	vld [tilespmem:s24+$0x60];
	v54 =	vmul.f32 v47, v58;
	[tilespmem:s24+$0x30] =	vst v51  }
0x4cc: {  	v56 =	vld [tilespmem:s24+$0xB0];
	[tilespmem:s24+$0x0] =	vst v3;
	v3 =	vmul.f32 v43, v14  }
0x4cd: {  	v52 =	vld [tilespmem:s24+$0x80];
	v57 =	vmul.f32 v50, v58;
	[tilespmem:s24+$0x50] =	vst v54  }
0x4ce: {  	v61 =	vld [tilespmem:s24+$0xF0];
	[tilespmem:s24+$0x20] =	vst v3;
	v3 =	vmul.f32 v46, v58  }
0x4cf: {  	v55 =	vld [tilespmem:s24+$0xA0];
	v60 =	vmul.f32 v53, v15;
	[tilespmem:s24+$0x70] =	vst v57  }
0x4d0: {  	v21 =	vld [tilespmem:s24+$0xFFFFFF10];
	[tilespmem:s24+$0x40] =	vst v3;
	v3 =	vmul.f32 v49, v58  }
0x4d1: {  	v62 =	vmul.f32 v56, v15;
	[tilespmem:s24+$0x90] =	vst v60;
	v58 =	vld [tilespmem:s24+$0xC0]  }
0x4d2: {  	v59 =	vld [tilespmem:s24+$0xD0];
	[tilespmem:s24+$0x60] =	vst v3;
	v3 =	vmul.f32 v52, v15  }
0x4d3: {  	[tilespmem:s24+$0xB0] =	vst v62;
	v10 =	vmul.f32 v61, v9;
	v61 =	vld [tilespmem:s24+$0xE0]  }
0x4d4: {  	[tilespmem:s24+$0x80] =	vst v3;
	v3 =	vmul.f32 v55, v15  }
0x4d5: {  	v12 =	vmul.f32 v21, v7;
	[tilespmem:s24+$0xF0] =	vst v10  }
0x4d6: {  	[tilespmem:s24+$0xA0] =	vst v3;
	v3 =	vmul.f32 v58, v9  }
0x4d7: {  	s23 =	sadd.s32 $0x1, s23;
	v63 =	vmul.f32 v59, v9;
	[tilespmem:s24+$0xFFFFFF10] =	vst v12  }
0x4d8: {  	p5 =	sne.s32 s23, $0x3E;
	[tilespmem:s24+$0xC0] =	vst v3;
	v3 =	vmul.f32 v61, v9  }
.Ltmp5:
0x4d9: {  	[tilespmem:s24+$0xD0] =	vst v63;
	(pc) =	sbr.rel @p5 .LBB2_4-.Ltmp5, $4  }
0x4da: {  	[tilespmem:s24+$0xE0] =	vst v3  }
0x4db: {  	[spmem:s10] =	stream.indirect.scatter.add.f32 [tilespmem:s4], [sflag:$0xA], $0x40, s22, s25, $0xb8;
	[tilespmem:$0x1DE68] =	vst v63  }
0x4dc: {  	s3 =	simm.s32 @!p0 $0x50;
	s9 =	simm.s32 @!p0 $0x1C838;
	s18 =	simm.s32 @!p0 $0x1C888  }
0x4dd: {  	[spmem:s12] =	stream.indirect.scatter.add.f32 @!p0 [tilespmem:s18], [sflag:$0xC], $0x1, s9, s3, $0xb8;
	[tilespmem:$0x1DE68] =	vst v63  }
0x4de: {  	s2 =	simm.s32 $0x0;
	s24 =	simm.s32 $0x1  }
0x4df: {  	s3 =	simm.s32 $0x2;
	s9 =	simm.s32 $0x4;
	v3 =	vmov s2;
	v4 =	vmov s24  }
0x4e0: {  	v5 =	vmov s3;
	v7 =	vmov s9;
	s3 =	simm.s32 $0x5;
	v3 =	vshrl.u32 v3, $0x3  }
0x4e1: {  	v8 =	vmov s3;
	v4 =	vshrl.u32 v4, $0x3;
	v5 =	vshrl.u32 v5, $0x3  }
0x4e2: {  	v7 =	vshrl.u32 v7, $0x3;
	v3 =	vshll.u32 v3, v2;
	v4 =	vshll.u32 v4, v2  }
0x4e3: {  	v5 =	vshll.u32 v5, v2;
	v3 =	vbroadcast v3, $0x0;
	v4 =	vadd.s32 $0x1, v4  }
0x4e4: {  	v7 =	vshll.u32 v7, v2;
	v5 =	vadd.s32 $0x2, v5;
	v4 =	vbroadcast v4, $0x0  }
0x4e5: {  	_ =	swait.ge [sflag:s20], $0x1400;
	s9 =	simm.s32 $0x6;
	v8 =	vshrl.u32 v8, $0x3;
	v7 =	vadd.s32 $0x4, v7;
	v5 =	vbroadcast v5, $0x0  }
0x4e6: {  	s18 =	simm.s32 $0x7;
	[sflag:s20] =	ssyncset.done $0x0;
	v9 =	vmov s9;
	v8 =	vshll.u32 v8, v2;
	v7 =	vbroadcast v7, $0x0  }
0x4e7: {  	v10 =	vmov s18;
	s2 =	simm.s32 $0x18B08;
	[sflag:s20] =	ssyncadd.s32 $0xFFFFEC00;
	v9 =	vshrl.u32 v9, $0x3;
	v8 =	vadd.s32 $0x5, v8  }
0x4e8: {  	v10 =	vshrl.u32 v10, $0x3;
	v14 =	vld [tilespmem:s2+$0xFFFFFF20];
	v9 =	vshll.u32 v9, v2;
	v8 =	vbroadcast v8, $0x0  }
0x4e9: {  	v10 =	vshll.u32 v10, v2;
	v9 =	vadd.s32 $0x6, v9;
	v11 =	vld.idx.msk [tilespmem:v3+s13+$0x0], $0xffff  }
0x4ea: {  	v3 =	vbroadcast v9, $0x0;
	v9 =	vadd.s32 $0x7, v10;
	v10 =	vld.idx.msk [tilespmem:v4+s13+$0x0], $0xffff  }
0x4eb: {  	v9 =	vbroadcast v9, $0x0;
	v12 =	vld.idx.msk [tilespmem:v5+s13+$0x0], $0xffff  }
0x4ec: {  	v13 =	vld.idx.msk [tilespmem:v7+s13+$0x0], $0xffff  }
0x4ed: {  	s30 =	simm.s32 $0x3;
	v7 =	vld [tilespmem:s2+$0xF0]  }
0x4ee: {  	v6 =	vmov s30;
	v5 =	vld.idx.msk [tilespmem:v8+s13+$0x0], $0xffff  }
0x4ef: {  	v6 =	vshrl.u32 v6, $0x3;
	v8 =	vld [tilespmem:s2+$0xFFFFFF00]  }
0x4f0: {  	v6 =	vshll.u32 v6, v2;
	v4 =	vld.idx.msk [tilespmem:v3+s13+$0x0], $0xffff  }
0x4f1: {  	v6 =	vadd.s32 $0x3, v6;
	v3 =	vld.idx.msk [tilespmem:v9+s13+$0x0], $0xffff  }
0x4f2: {  	v6 =	vbroadcast v6, $0x0;
	v9 =	vld [tilespmem:s2+$0xFFFFFF10]  }
0x4f3: {  	v15 =	vld [tilespmem:s2+$0xFFFFFF30]  }
0x4f4: {  	v16 =	vld [tilespmem:s2+$0xFFFFFF40]  }
0x4f5: {  	v17 =	vld [tilespmem:s2+$0xFFFFFF50];
	v8 =	vmul.f32 v8, v11  }
0x4f6: {  	v18 =	vld [tilespmem:s2+$0xFFFFFF60];
	v7 =	vmul.f32 v7, v3  }
0x4f7: {  	[tilespmem:s2+$0xFFFFFF00] =	vst v8;
	v8 =	vld [tilespmem:s2+$0xFFFFFF70];
	v9 =	vmul.f32 v9, v11  }
0x4f8: {  	v6 =	vld.idx.msk [tilespmem:v6+s13+$0x0], $0xffff;
	[tilespmem:s2+$0xF0] =	vst v7;
	v7 =	vmul.f32 v14, v11  }
0x4f9: {  	[tilespmem:s2+$0xFFFFFF10] =	vst v9;
	v9 =	vmul.f32 v15, v11;
	v14 =	vld [tilespmem:s2+$0xFFFFFF90]  }
0x4fa: {  	v11 =	vld [tilespmem:s2+$0xFFFFFF80];
	[tilespmem:s2+$0xFFFFFF20] =	vst v7;
	v7 =	vmul.f32 v16, v10  }
0x4fb: {  	v15 =	vld [tilespmem:s2+$0xFFFFFFA0];
	[tilespmem:s2+$0xFFFFFF30] =	vst v9;
	v9 =	vmul.f32 v17, v10  }
0x4fc: {  	v8 =	vmul.f32 v8, v10;
	v16 =	vld [tilespmem:s2+$0xFFFFFFB0];
	[tilespmem:s2+$0xFFFFFF40] =	vst v7  }
0x4fd: {  	v7 =	vmul.f32 v18, v10;
	[tilespmem:s2+$0xFFFFFF50] =	vst v9;
	v9 =	vld [tilespmem:s2+$0xFFFFFFC0]  }
0x4fe: {  	s23 =	simm.s32 $0x8;
	[tilespmem:s2+$0xFFFFFF70] =	vst v8;
	v8 =	vmul.f32 v14, v12;
	v14 =	vld [tilespmem:s2+$0xFFFFFFE0]  }
0x4ff: {  	s18 =	simm.s32 $0xB;
	v17 =	vmov s23;
	s23 =	simm.s32 $0xC;
	[tilespmem:s2+$0xFFFFFF60] =	vst v7;
	v7 =	vmul.f32 v11, v12;
	v11 =	vld [tilespmem:s2+$0xFFFFFFD0]  }
0x500: {  	s24 =	simm.s32 $0x9;
	s30 =	simm.s32 $0xA;
	v19 =	vmov s18;
	v20 =	vmov s23;
	v10 =	vshrl.u32 v17, $0x3  }
0x501: {  	v17 =	vmov s24;
	v18 =	vmov s30;
	s24 =	simm.s32 $0xD;
	s30 =	simm.s32 $0xE;
	[tilespmem:s2+$0xFFFFFF80] =	vst v7;
	v7 =	vmul.f32 v15, v12;
	v15 =	vld [tilespmem:s2+$0xFFFFFFF0]  }
0x502: {  	v21 =	vmov s24;
	v22 =	vmov s30;
	[tilespmem:s2+$0xFFFFFF90] =	vst v8;
	v8 =	vmul.f32 v16, v12;
	v12 =	vld [tilespmem:s2+$0x0]  }
0x503: {  	v10 =	vshll.u32 v10, v2;
	v16 =	vshrl.u32 v17, $0x3;
	[tilespmem:s2+$0xFFFFFFA0] =	vst v7;
	v7 =	vmul.f32 v9, v6;
	v9 =	vld [tilespmem:s2+$0x10]  }
0x504: {  	v17 =	vshrl.u32 v18, $0x3;
	[tilespmem:s2+$0xFFFFFFB0] =	vst v8;
	v14 =	vmul.f32 v14, v6;
	v8 =	vmul.f32 v11, v6;
	v11 =	vld [tilespmem:s2+$0x20]  }
0x505: {  	v61 =	vld [tilespmem:s2+$0x30];
	v18 =	vshrl.u32 v19, $0x3;
	v19 =	vshrl.u32 v20, $0x3;
	v20 =	vshrl.u32 v21, $0x3;
	[tilespmem:s2+$0xFFFFFFC0] =	vst v7  }
0x506: {  	v16 =	vshll.u32 v16, v2;
	v17 =	vshll.u32 v17, v2;
	[tilespmem:s2+$0xFFFFFFE0] =	vst v14;
	v6 =	vmul.f32 v15, v6;
	v15 =	vld [tilespmem:s2+$0x40]  }
0x507: {  	v62 =	vld [tilespmem:s2+$0x50];
	v20 =	vshll.u32 v20, v2;
	v7 =	vbroadcast v10, $0x0;
	[tilespmem:s2+$0xFFFFFFD0] =	vst v8;
	v8 =	vmul.f32 v12, v13  }
0x508: {  	v10 =	vshrl.u32 v22, $0x3;
	v14 =	vshll.u32 v19, v2;
	v19 =	vld [tilespmem:s2+$0x60];
	[tilespmem:s2+$0xFFFFFFF0] =	vst v6;
	v6 =	vmul.f32 v9, v13  }
0x509: {  	v12 =	vshll.u32 v18, v2;
	v23 =	vshll.u32 v10, v2;
	[tilespmem:s2+$0x0] =	vst v8;
	v8 =	vld [tilespmem:s2+$0x70];
	v9 =	vmul.f32 v11, v13  }
0x50a: {  	v10 =	vadd.s32 $0x1, v16;
	v14 =	vadd.s32 $0x4, v14;
	v13 =	vmul.f32 v61, v13;
	[tilespmem:s2+$0x10] =	vst v6;
	v6 =	vld [tilespmem:s2+$0x80]  }
0x50b: {  	v18 =	vadd.s32 $0x3, v12;
	v12 =	vbroadcast v10, $0x0;
	[tilespmem:s2+$0x20] =	vst v9;
	v63 =	vmul.f32 v15, v5;
	v9 =	vld [tilespmem:s2+$0x90]  }
0x50c: {  	v10 =	vld [tilespmem:s2+$0xA0];
	v16 =	vadd.s32 $0x6, v23;
	v11 =	vadd.s32 $0x2, v17;
	v17 =	vmul.f32 v62, v5;
	[tilespmem:s2+$0x30] =	vst v13  }
0x50d: {  	s3 =	simm.s32 $0xF;
	s18 =	simm.s32 $0x10;
	v19 =	vmul.f32 v19, v5;
	v15 =	vadd.s32 $0x5, v20;
	v13 =	vbroadcast v11, $0x0;
	v11 =	vld [tilespmem:s2+$0xB0];
	[tilespmem:s2+$0x40] =	vst v63  }
.LBB2_14:
0x50e: {  	p5 =	slt.u32 s18, $0x48;
	v18 =	vbroadcast v18, $0x0;
	v20 =	vmov s3;
	[tilespmem:s2+$0x50] =	vst v17;
	v5 =	vmul.f32 v8, v5;
	v8 =	vld [tilespmem:s2+$0xC0]  }
0x50f: {  	v14 =	vbroadcast v14, $0x0;
	v17 =	vshrl.u32 v20, $0x3;
	[tilespmem:s2+$0x60] =	vst v19;
	v6 =	vmul.f32 v6, v4;
	v19 =	vld [tilespmem:s2+$0xD0]  }
0x510: {  	v15 =	vbroadcast v15, $0x0;
	v17 =	vshll.u32 v17, v2;
	[tilespmem:s2+$0x70] =	vst v5;
	v5 =	vmul.f32 v9, v4;
	v9 =	vld [tilespmem:s2+$0xE0]  }
0x511: {  	v16 =	vbroadcast v16, $0x0;
	v7 =	vld.idx.msk [tilespmem:v7+s13+$0x0], $0xffff;
	v17 =	vadd.s32 $0x7, v17;
	[tilespmem:s2+$0x80] =	vst v6;
	v6 =	vmul.f32 v10, v4  }
0x512: {  	v10 =	vld.idx.msk [tilespmem:v12+s13+$0x0], $0xffff;
	v12 =	vbroadcast v17, $0x0;
	[tilespmem:s2+$0x90] =	vst v5;
	v4 =	vmul.f32 v11, v4  }
0x513: {  	v11 =	vld.idx.msk [tilespmem:v13+s13+$0x0], $0xffff;
	[tilespmem:s2+$0xA0] =	vst v6;
	v5 =	vmul.f32 v8, v3  }
0x514: {  	v8 =	vld.idx.msk [tilespmem:v18+s13+$0x0], $0xffff;
	[tilespmem:s2+$0xB0] =	vst v4;
	v4 =	vmul.f32 v19, v3  }
0x515: {  	v6 =	vld.idx.msk [tilespmem:v14+s13+$0x0], $0xffff;
	[tilespmem:s2+$0xC0] =	vst v5;
	v3 =	vmul.f32 v9, v3  }
0x516: {  	v5 =	vld.idx.msk [tilespmem:v15+s13+$0x0], $0xffff;
	[tilespmem:s2+$0xD0] =	vst v4  }
0x517: {  	v4 =	vld.idx.msk [tilespmem:v16+s13+$0x0], $0xffff;
	[tilespmem:s2+$0xE0] =	vst v3  }
0x518: {  	s2 =	sadd.s32 $0x200, s2;
	v3 =	vld.idx.msk [tilespmem:v12+s13+$0x0], $0xffff  }
0x519: {  	v9 =	vld [tilespmem:s2+$0xF0]  }
0x51a: {  	v12 =	vld [tilespmem:s2+$0xFFFFFF00]  }
0x51b: {  	v13 =	vld [tilespmem:s2+$0xFFFFFF10]  }
0x51c: {  	v14 =	vld [tilespmem:s2+$0xFFFFFF20]  }
0x51d: {  	v15 =	vld [tilespmem:s2+$0xFFFFFF30]  }
0x51e: {  	v16 =	vld [tilespmem:s2+$0xFFFFFF40];
	v9 =	vmul.f32 v9, v3  }
0x51f: {  	v12 =	vmul.f32 v12, v7;
	v17 =	vld [tilespmem:s2+$0xFFFFFF50]  }
0x520: {  	v13 =	vmul.f32 v13, v7;
	v18 =	vld [tilespmem:s2+$0xFFFFFF60];
	[tilespmem:s2+$0xF0] =	vst v9  }
0x521: {  	[tilespmem:s2+$0xFFFFFF00] =	vst v12;
	v9 =	vmul.f32 v14, v7;
	v12 =	vld [tilespmem:s2+$0xFFFFFF70]  }
0x522: {  	[tilespmem:s2+$0xFFFFFF10] =	vst v13;
	v7 =	vmul.f32 v15, v7;
	v13 =	vld [tilespmem:s2+$0xFFFFFF80]  }
0x523: {  	[tilespmem:s2+$0xFFFFFF20] =	vst v9;
	v9 =	vmul.f32 v16, v10;
	v14 =	vld [tilespmem:s2+$0xFFFFFF90]  }
0x524: {  	[tilespmem:s2+$0xFFFFFF30] =	vst v7;
	v7 =	vmul.f32 v17, v10;
	v15 =	vld [tilespmem:s2+$0xFFFFFFA0]  }
0x525: {  	[tilespmem:s2+$0xFFFFFF40] =	vst v9;
	v9 =	vmul.f32 v18, v10;
	v16 =	vld [tilespmem:s2+$0xFFFFFFB0]  }
0x526: {  	v17 =	vmov s18;
	[tilespmem:s2+$0xFFFFFF50] =	vst v7;
	v7 =	vmul.f32 v12, v10;
	v10 =	vld [tilespmem:s2+$0xFFFFFFC0]  }
0x527: {  	s3 =	sadd.s32 $0x1, s18;
	s9 =	sadd.s32 $0x2, s18;
	v12 =	vshrl.u32 v17, $0x3;
	[tilespmem:s2+$0xFFFFFF60] =	vst v9;
	v9 =	vmul.f32 v13, v11;
	v13 =	vld [tilespmem:s2+$0xFFFFFFD0]  }
0x528: {  	v18 =	vmov s9;
	s9 =	sadd.s32 $0x4, s18;
	v17 =	vmov s3;
	s3 =	sadd.s32 $0x3, s18;
	[tilespmem:s2+$0xFFFFFF70] =	vst v7;
	v7 =	vmul.f32 v14, v11;
	v14 =	vld [tilespmem:s2+$0xFFFFFFE0]  }
0x529: {  	v20 =	vmov s9;
	s9 =	sadd.s32 $0x6, s18;
	v19 =	vmov s3;
	s3 =	sadd.s32 $0x5, s18;
	[tilespmem:s2+$0xFFFFFF80] =	vst v9;
	v9 =	vmul.f32 v15, v11;
	v15 =	vld [tilespmem:s2+$0xFFFFFFF0]  }
0x52a: {  	v22 =	vmov s9;
	v21 =	vmov s3;
	[tilespmem:s2+$0xFFFFFF90] =	vst v7;
	v7 =	vmul.f32 v16, v11;
	v11 =	vld [tilespmem:s2+$0x0]  }
0x52b: {  	v12 =	vshll.u32 v12, v2;
	v16 =	vshrl.u32 v17, $0x3;
	[tilespmem:s2+$0xFFFFFFA0] =	vst v9;
	v9 =	vmul.f32 v10, v8;
	v10 =	vld [tilespmem:s2+$0x10]  }
0x52c: {  	v17 =	vshrl.u32 v18, $0x3;
	v18 =	vshrl.u32 v19, $0x3;
	[tilespmem:s2+$0xFFFFFFB0] =	vst v7;
	v13 =	vmul.f32 v13, v8;
	v19 =	vld [tilespmem:s2+$0x20]  }
0x52d: {  	v20 =	vshrl.u32 v20, $0x3;
	v21 =	vshrl.u32 v21, $0x3;
	[tilespmem:s2+$0xFFFFFFC0] =	vst v9;
	v9 =	vmul.f32 v14, v8;
	v14 =	vld [tilespmem:s2+$0x30]  }
0x52e: {  	v7 =	vbroadcast v12, $0x0;
	v12 =	vshrl.u32 v22, $0x3;
	[tilespmem:s2+$0xFFFFFFD0] =	vst v13;
	v8 =	vmul.f32 v15, v8;
	v13 =	vld [tilespmem:s2+$0x40]  }
0x52f: {  	v15 =	vshll.u32 v16, v2;
	v16 =	vshll.u32 v17, v2;
	[tilespmem:s2+$0xFFFFFFE0] =	vst v9;
	v9 =	vmul.f32 v11, v6;
	v11 =	vld [tilespmem:s2+$0x50]  }
0x530: {  	v20 =	vshll.u32 v20, v2;
	v17 =	vshll.u32 v18, v2;
	[tilespmem:s2+$0xFFFFFFF0] =	vst v8;
	v10 =	vmul.f32 v10, v6;
	v22 =	vld [tilespmem:s2+$0x60]  }
.Ltmp6:
0x531: {  	v21 =	vshll.u32 v21, v2;
	v23 =	vshll.u32 v12, v2;
	[tilespmem:s2+$0x0] =	vst v9;
	v9 =	vmul.f32 v19, v6;
	v8 =	vld [tilespmem:s2+$0x70];
	(pc) =	sbr.rel @p5 .LBB2_14-.Ltmp6, $4  }
0x532: {  	v12 =	vadd.s32 $0x1, v15;
	v16 =	vadd.s32 $0x2, v16;
	[tilespmem:s2+$0x10] =	vst v10;
	v10 =	vmul.f32 v14, v6;
	v6 =	vld [tilespmem:s2+$0x80]  }
0x533: {  	v18 =	vadd.s32 $0x3, v17;
	v14 =	vadd.s32 $0x4, v20;
	[tilespmem:s2+$0x20] =	vst v9;
	v19 =	vmul.f32 v13, v5;
	v9 =	vld [tilespmem:s2+$0x90]  }
0x534: {  	v15 =	vadd.s32 $0x5, v21;
	v12 =	vbroadcast v12, $0x0;
	[tilespmem:s2+$0x30] =	vst v10;
	v17 =	vmul.f32 v11, v5;
	v10 =	vld [tilespmem:s2+$0xA0]  }
0x535: {  	s3 =	sadd.s32 $0x7, s18;
	s18 =	sadd.s32 $0x8, s18;
	v13 =	vbroadcast v16, $0x0;
	v16 =	vadd.s32 $0x6, v23;
	[tilespmem:s2+$0x40] =	vst v19;
	v19 =	vmul.f32 v22, v5;
	v11 =	vld [tilespmem:s2+$0xB0]  }
0x536: {  	_ = 	snop  }
0x537: {  	v21 =	vld [tilespmem:s2+$0xC0]  }
0x538: {  	v22 =	vld [tilespmem:s2+$0xD0]  }
0x539: {  	v23 =	vld [tilespmem:s2+$0xE0]  }
0x53a: {  	v7 =	vld.idx.msk [tilespmem:v7+s13+$0x0], $0xffff  }
0x53b: {  	v12 =	vld.idx.msk [tilespmem:v12+s13+$0x0], $0xffff  }
0x53c: {  	v20 =	vmov s3;
	s18 =	sadd.s32 $0x200, s2;
	v13 =	vld.idx.msk [tilespmem:v13+s13+$0x0], $0xffff  }
0x53d: {  	v18 =	vbroadcast v18, $0x0;
	[tilespmem:s2+$0x50] =	vst v17;
	v5 =	vmul.f32 v8, v5;
	v20 =	vshrl.u32 v20, $0x3;
	v17 =	vld [tilespmem:s18+$0xF0]  }
0x53e: {  	v14 =	vbroadcast v14, $0x0;
	[tilespmem:s2+$0x60] =	vst v19;
	v6 =	vmul.f32 v6, v4;
	v19 =	vld [tilespmem:s18+$0xFFFFFF40];
	v20 =	vshll.u32 v20, v2  }
0x53f: {  	v15 =	vbroadcast v15, $0x0;
	[tilespmem:s2+$0x70] =	vst v5;
	v5 =	vmul.f32 v9, v4;
	v9 =	vld [tilespmem:s18+$0xFFFFFF00];
	v20 =	vadd.s32 $0x7, v20  }
0x540: {  	[tilespmem:s2+$0x80] =	vst v6;
	v6 =	vmul.f32 v10, v4;
	v10 =	vld [tilespmem:s18+$0xFFFFFF10];
	v20 =	vbroadcast v20, $0x0  }
0x541: {  	v16 =	vbroadcast v16, $0x0;
	[tilespmem:s2+$0x90] =	vst v5;
	v5 =	vld [tilespmem:s18+$0xFFFFFF20]  }
0x542: {  	v4 =	vmul.f32 v11, v4;
	v11 =	vld [tilespmem:s18+$0xFFFFFF30]  }
0x543: {  	v18 =	vld.idx.msk [tilespmem:v18+s13+$0x0], $0xffff  }
0x544: {  	v14 =	vld.idx.msk [tilespmem:v14+s13+$0x0], $0xffff  }
0x545: {  	[tilespmem:s2+$0xA0] =	vst v6;
	v6 =	vmul.f32 v21, v3;
	v15 =	vld.idx.msk [tilespmem:v15+s13+$0x0], $0xffff  }
0x546: {  	[tilespmem:s2+$0xB0] =	vst v4;
	v4 =	vmul.f32 v22, v3;
	v3 =	vmul.f32 v23, v3;
	v8 =	vld.idx.msk [tilespmem:v20+s13+$0x0], $0xffff  }
0x547: {  	v16 =	vld.idx.msk [tilespmem:v16+s13+$0x0], $0xffff;
	[tilespmem:s2+$0xC0] =	vst v6  }
0x548: {  	v6 =	vld [tilespmem:s18+$0xFFFFFF50];
	[tilespmem:s2+$0xE0] =	vst v3;
	v3 =	vmul.f32 v9, v7  }
0x549: {  	[tilespmem:s2+$0xD0] =	vst v4;
	v9 =	vld [tilespmem:s18+$0xFFFFFF70];
	v10 =	vmul.f32 v10, v7  }
0x54a: {  	[tilespmem:s18+$0xFFFFFF00] =	vst v3;
	v3 =	vmul.f32 v5, v7;
	v5 =	vld [tilespmem:s18+$0xFFFFFF90]  }
0x54b: {  	[tilespmem:s18+$0xFFFFFF10] =	vst v10;
	v4 =	vmul.f32 v17, v8;
	v17 =	vld [tilespmem:s18+$0xFFFFFF60]  }
0x54c: {  	v7 =	vmul.f32 v11, v7;
	v10 =	vld [tilespmem:s18+$0xFFFFFFA0];
	[tilespmem:s18+$0xFFFFFF20] =	vst v3  }
0x54d: {  	v6 =	vmul.f32 v6, v12;
	[tilespmem:s18+$0xF0] =	vst v4;
	v4 =	vld [tilespmem:s18+$0xFFFFFF80]  }
0x54e: {  	v11 =	vld [tilespmem:s18+$0xFFFFFFB0];
	v3 =	vmul.f32 v19, v12;
	[tilespmem:s18+$0xFFFFFF30] =	vst v7  }
0x54f: {  	v7 =	vld [tilespmem:s18+$0xFFFFFFC0];
	[tilespmem:s18+$0xFFFFFF50] =	vst v6;
	v6 =	vmul.f32 v9, v12  }
0x550: {  	[tilespmem:s18+$0xFFFFFF40] =	vst v3;
	v3 =	vmul.f32 v17, v12;
	v17 =	vld [tilespmem:s18+$0xFFFFFFD0]  }
0x551: {  	v9 =	vld [tilespmem:s18+$0xFFFFFFE0];
	v5 =	vmul.f32 v5, v13;
	[tilespmem:s18+$0xFFFFFF70] =	vst v6  }
0x552: {  	[tilespmem:s18+$0xFFFFFF60] =	vst v3;
	v3 =	vmul.f32 v4, v13;
	v4 =	vld [tilespmem:s18+$0xFFFFFFF0]  }
0x553: {  	v6 =	vld [tilespmem:s18+$0x0];
	[tilespmem:s18+$0xFFFFFF90] =	vst v5;
	v5 =	vmul.f32 v11, v13  }
0x554: {  	[tilespmem:s18+$0xFFFFFF80] =	vst v3;
	v3 =	vmul.f32 v10, v13;
	v10 =	vld [tilespmem:s18+$0x10]  }
0x555: {  	v11 =	vld [tilespmem:s18+$0x20];
	[tilespmem:s18+$0xFFFFFFB0] =	vst v5;
	v5 =	vmul.f32 v17, v18  }
0x556: {  	[tilespmem:s18+$0xFFFFFFA0] =	vst v3;
	v3 =	vmul.f32 v7, v18;
	v7 =	vld [tilespmem:s18+$0x30]  }
0x557: {  	v12 =	vld [tilespmem:s18+$0x40];
	[tilespmem:s18+$0xFFFFFFD0] =	vst v5;
	v4 =	vmul.f32 v4, v18  }
0x558: {  	[tilespmem:s18+$0xFFFFFFC0] =	vst v3;
	v3 =	vmul.f32 v9, v18;
	v9 =	vld [tilespmem:s18+$0x50]  }
0x559: {  	v5 =	vld [tilespmem:s18+$0x60];
	[tilespmem:s18+$0xFFFFFFF0] =	vst v4;
	v4 =	vmul.f32 v10, v14  }
0x55a: {  	[tilespmem:s18+$0xFFFFFFE0] =	vst v3;
	v3 =	vmul.f32 v6, v14;
	v6 =	vld [tilespmem:s18+$0x70]  }
0x55b: {  	v10 =	vld [tilespmem:s18+$0x80];
	[tilespmem:s18+$0x10] =	vst v4;
	v4 =	vmul.f32 v7, v14  }
0x55c: {  	[tilespmem:s18+$0x0] =	vst v3;
	v3 =	vmul.f32 v11, v14;
	v11 =	vld [tilespmem:s18+$0x90]  }
0x55d: {  	v7 =	vld [tilespmem:s18+$0xA0];
	[tilespmem:s18+$0x30] =	vst v4;
	v4 =	vmul.f32 v9, v15  }
0x55e: {  	v9 =	vld [tilespmem:s18+$0xC0];
	[tilespmem:s18+$0x20] =	vst v3;
	v3 =	vmul.f32 v12, v15  }
0x55f: {  	v12 =	vld [tilespmem:s18+$0xB0];
	[tilespmem:s18+$0x50] =	vst v4;
	v4 =	vmul.f32 v6, v15  }
0x560: {  	v6 =	vld [tilespmem:s18+$0xE0];
	[tilespmem:s18+$0x40] =	vst v3;
	v3 =	vmul.f32 v5, v15  }
0x561: {  	v5 =	vld [tilespmem:s18+$0xD0];
	[tilespmem:s18+$0x70] =	vst v4;
	v4 =	vmul.f32 v11, v16  }
0x562: {  	[tilespmem:s18+$0x60] =	vst v3;
	v3 =	vmul.f32 v10, v16  }
0x563: {  	[tilespmem:s18+$0x90] =	vst v4;
	v4 =	vmul.f32 v9, v8  }
0x564: {  	s9 =	simm.s32 $0x0;
	[tilespmem:s18+$0x80] =	vst v3;
	v3 =	vmul.f32 v7, v16  }
0x565: {  	v9 =	vmov s9;
	s9 =	simm.s32 $0x4;
	v7 =	vmul.f32 v12, v16;
	[tilespmem:s18+$0xC0] =	vst v4  }
0x566: {  	s23 =	simm.s32 $0x1;
	s24 =	simm.s32 $0x2;
	v10 =	vmov s9;
	v5 =	vmul.f32 v5, v8;
	[tilespmem:s18+$0xA0] =	vst v3;
	v3 =	vmul.f32 v6, v8  }
0x567: {  	s3 =	simm.s32 $0x3;
	v6 =	vmov s23;
	v8 =	vmov s24;
	[tilespmem:s18+$0xB0] =	vst v7;
	v7 =	vshrl.u32 v9, $0x3;
	s23 =	simm.s32 $0x5;
	s24 =	simm.s32 $0x6  }
0x568: {  	v9 =	vmov s3;
	v4 =	vmov s23;
	v11 =	vmov s24;
	[tilespmem:s18+$0xD0] =	vst v5  }
0x569: {  	v7 =	vshll.u32 v7, v2;
	v5 =	vshrl.u32 v6, $0x3;
	v6 =	vshrl.u32 v8, $0x3;
	[tilespmem:s18+$0xE0] =	vst v3  }
0x56a: {  	v8 =	vshrl.u32 v9, $0x3;
	v3 =	vshrl.u32 v10, $0x3;
	v7 =	vbroadcast v7, $0x0;
	[spmem:s10] =	stream.indirect.scatter.add.f32 [tilespmem:s17], [sflag:$0x3], $0x40, s1, s25, $0xb8;
	[tilespmem:$0x1DE68] =	vst v63  }
0x56b: {  	s2 =	simm.s32 @!p0 $0x50;
	s9 =	simm.s32 @!p0 $0x189B8;
	s3 =	simm.s32 @!p0 $0x18968;
	v4 =	vshrl.u32 v4, $0x3;
	v9 =	vshrl.u32 v11, $0x3;
	v5 =	vshll.u32 v5, v2  }
0x56c: {  	v3 =	vshll.u32 v3, v2;
	v5 =	vadd.s32 $0x1, v5;
	v4 =	vshll.u32 v4, v2;
	[spmem:s12] =	stream.indirect.scatter.add.f32 @!p0 [tilespmem:s9], [sflag:$0x5], $0x1, s3, s2, $0xb8;
	[tilespmem:$0x1DE68] =	vst v63  }
0x56d: {  	v9 =	vshll.u32 v9, v2;
	v5 =	vbroadcast v5, $0x0;
	v3 =	vadd.s32 $0x4, v3;
	s9 =	simm.s32 $0x7;
	_ =	swait.ge [sflag:s21], $0x1400  }
0x56e: {  	v4 =	vadd.s32 $0x5, v4;
	v3 =	vbroadcast v3, $0x0;
	v10 =	vmov s9;
	[sflag:s21] =	ssyncset.done $0x0  }
0x56f: {  	v9 =	vadd.s32 $0x6, v9;
	v4 =	vbroadcast v4, $0x0;
	v10 =	vshrl.u32 v10, $0x3;
	[sflag:s21] =	ssyncadd.s32 $0xFFFFEC00  }
0x570: {  	v9 =	vbroadcast v9, $0x0;
	s2 =	simm.s32 $0x19FF8;
	v10 =	vshll.u32 v10, v2;
	v7 =	vld.idx.msk [tilespmem:v7+s5+$0x0], $0xffff  }
0x571: {  	v10 =	vadd.s32 $0x7, v10;
	v13 =	vld [tilespmem:s2+$0xFFFFFF10]  }
0x572: {  	v14 =	vld [tilespmem:s2+$0xFFFFFF20];
	v10 =	vbroadcast v10, $0x0  }
0x573: {  	v11 =	vld.idx.msk [tilespmem:v5+s5+$0x0], $0xffff  }
0x574: {  	v12 =	vld.idx.msk [tilespmem:v3+s5+$0x0], $0xffff  }
0x575: {  	v5 =	vld.idx.msk [tilespmem:v4+s5+$0x0], $0xffff  }
0x576: {  	v6 =	vshll.u32 v6, v2;
	v4 =	vld.idx.msk [tilespmem:v9+s5+$0x0], $0xffff  }
0x577: {  	v8 =	vshll.u32 v8, v2;
	v6 =	vadd.s32 $0x2, v6;
	v9 =	vld [tilespmem:s2+$0xF0]  }
0x578: {  	v8 =	vadd.s32 $0x3, v8;
	v6 =	vbroadcast v6, $0x0;
	v3 =	vld.idx.msk [tilespmem:v10+s5+$0x0], $0xffff  }
0x579: {  	v8 =	vbroadcast v8, $0x0;
	v10 =	vld [tilespmem:s2+$0xFFFFFF00]  }
0x57a: {  	v15 =	vld [tilespmem:s2+$0xFFFFFF30]  }
0x57b: {  	v16 =	vld [tilespmem:s2+$0xFFFFFF40]  }
0x57c: {  	v17 =	vld [tilespmem:s2+$0xFFFFFF50]  }
0x57d: {  	v18 =	vld [tilespmem:s2+$0xFFFFFF60];
	v9 =	vmul.f32 v9, v3  }
0x57e: {  	v6 =	vld.idx.msk [tilespmem:v6+s5+$0x0], $0xffff;
	v10 =	vmul.f32 v10, v7  }
0x57f: {  	v8 =	vld.idx.msk [tilespmem:v8+s5+$0x0], $0xffff;
	v13 =	vmul.f32 v13, v7;
	[tilespmem:s2+$0xF0] =	vst v9  }
0x580: {  	[tilespmem:s2+$0xFFFFFF00] =	vst v10;
	v9 =	vmul.f32 v14, v7;
	v10 =	vld [tilespmem:s2+$0xFFFFFF70]  }
0x581: {  	[tilespmem:s2+$0xFFFFFF10] =	vst v13;
	v13 =	vld [tilespmem:s2+$0xFFFFFF80];
	v7 =	vmul.f32 v15, v7  }
0x582: {  	v14 =	vld [tilespmem:s2+$0xFFFFFF90];
	[tilespmem:s2+$0xFFFFFF20] =	vst v9;
	v9 =	vmul.f32 v16, v11  }
0x583: {  	v15 =	vld [tilespmem:s2+$0xFFFFFFA0];
	[tilespmem:s2+$0xFFFFFF30] =	vst v7;
	v7 =	vmul.f32 v17, v11  }
0x584: {  	v16 =	vld [tilespmem:s2+$0xFFFFFFB0];
	[tilespmem:s2+$0xFFFFFF40] =	vst v9;
	v9 =	vmul.f32 v18, v11  }
0x585: {  	s18 =	simm.s32 $0x8;
	s9 =	simm.s32 $0xB;
	[tilespmem:s2+$0xFFFFFF50] =	vst v7;
	v7 =	vmul.f32 v10, v11;
	v10 =	vld [tilespmem:s2+$0xFFFFFFC0]  }
0x586: {  	s24 =	simm.s32 $0xA;
	v19 =	vmov s9;
	v17 =	vmov s18;
	s18 =	simm.s32 $0xC;
	[tilespmem:s2+$0xFFFFFF60] =	vst v9;
	v9 =	vmul.f32 v13, v6;
	v13 =	vld [tilespmem:s2+$0xFFFFFFD0]  }
0x587: {  	s23 =	simm.s32 $0x9;
	v20 =	vmov s18;
	v18 =	vmov s24;
	[tilespmem:s2+$0xFFFFFF70] =	vst v7;
	v7 =	vmul.f32 v14, v6;
	v14 =	vld [tilespmem:s2+$0xFFFFFFE0]  }
0x588: {  	s24 =	simm.s32 $0xE;
	v11 =	vshrl.u32 v17, $0x3;
	v17 =	vmov s23;
	s23 =	simm.s32 $0xD;
	[tilespmem:s2+$0xFFFFFF80] =	vst v9;
	v9 =	vmul.f32 v15, v6;
	v15 =	vld [tilespmem:s2+$0xFFFFFFF0]  }
0x589: {  	v60 =	vmov s24;
	v59 =	vmov s23;
	v6 =	vmul.f32 v16, v6;
	v16 =	vld [tilespmem:s2+$0x0];
	[tilespmem:s2+$0xFFFFFF90] =	vst v7  }
0x58a: {  	v61 =	vshrl.u32 v60, $0x3;
	v7 =	vshll.u32 v11, v2;
	[tilespmem:s2+$0xFFFFFFA0] =	vst v9;
	v9 =	vmul.f32 v10, v8;
	v10 =	vld [tilespmem:s2+$0x10]  }
0x58b: {  	v11 =	vshrl.u32 v17, $0x3;
	v17 =	vshrl.u32 v18, $0x3;
	[tilespmem:s2+$0xFFFFFFB0] =	vst v6;
	v6 =	vmul.f32 v13, v8;
	v13 =	vld [tilespmem:s2+$0x20]  }
0x58c: {  	v18 =	vshrl.u32 v19, $0x3;
	v19 =	vshrl.u32 v20, $0x3;
	[tilespmem:s2+$0xFFFFFFC0] =	vst v9;
	v9 =	vmul.f32 v14, v8;
	v14 =	vld [tilespmem:s2+$0x30]  }
0x58d: {  	v20 =	vshrl.u32 v59, $0x3;
	v7 =	vbroadcast v7, $0x0;
	[tilespmem:s2+$0xFFFFFFD0] =	vst v6;
	v6 =	vmul.f32 v15, v8;
	v15 =	vld [tilespmem:s2+$0x40]  }
0x58e: {  	v11 =	vshll.u32 v11, v2;
	v17 =	vshll.u32 v17, v2;
	v8 =	vmul.f32 v16, v12;
	v16 =	vld [tilespmem:s2+$0x50];
	[tilespmem:s2+$0xFFFFFFE0] =	vst v9  }
0x58f: {  	v62 =	vld [tilespmem:s2+$0x60];
	v19 =	vshll.u32 v19, v2;
	v11 =	vadd.s32 $0x1, v11;
	[tilespmem:s2+$0xFFFFFFF0] =	vst v6;
	v6 =	vmul.f32 v10, v12  }
0x590: {  	v63 =	vadd.s32 $0x2, v17;
	v11 =	vbroadcast v11, $0x0;
	[tilespmem:s2+$0x0] =	vst v8;
	v8 =	vld [tilespmem:s2+$0x70];
	v13 =	vmul.f32 v13, v12  }
0x591: {  	v9 =	vshll.u32 v18, v2;
	v10 =	vshll.u32 v20, v2;
	[tilespmem:s2+$0x10] =	vst v6;
	v12 =	vmul.f32 v14, v12;
	v6 =	vld [tilespmem:s2+$0x80]  }
0x592: {  	v18 =	vadd.s32 $0x3, v9;
	v9 =	vld [tilespmem:s2+$0x90];
	v14 =	vadd.s32 $0x4, v19;
	[tilespmem:s2+$0x20] =	vst v13;
	v19 =	vmul.f32 v15, v5  }
0x593: {  	s30 =	simm.s32 $0x0;
	s3 =	simm.s32 $0xF;
	v20 =	vshll.u32 v61, v2;
	v15 =	vadd.s32 $0x5, v10;
	v17 =	vmul.f32 v16, v5;
	v10 =	vld [tilespmem:s2+$0xA0];
	[tilespmem:s2+$0x30] =	vst v12  }
0x594: {  	s18 =	simm.s32 $0x10;
	s24 =	simm.s32 $0x3;
	s23 =	simm.s32 $0xD;
	v13 =	vbroadcast v63, $0x0;
	v16 =	vadd.s32 $0x6, v20;
	v12 =	vld [tilespmem:s2+$0xB0];
	[tilespmem:s2+$0x40] =	vst v19;
	v19 =	vmul.f32 v62, v5  }
.LBB2_16:
0x595: {  	p5 =	slt.u32 s18, $0x48;
	v18 =	vbroadcast v18, $0x0;
	v20 =	vmov s3;
	[tilespmem:s2+$0x50] =	vst v17;
	v5 =	vmul.f32 v8, v5;
	v8 =	vld [tilespmem:s2+$0xC0]  }
0x596: {  	v14 =	vbroadcast v14, $0x0;
	v17 =	vshrl.u32 v20, $0x3;
	[tilespmem:s2+$0x60] =	vst v19;
	v6 =	vmul.f32 v6, v4;
	v19 =	vld [tilespmem:s2+$0xD0]  }
0x597: {  	v15 =	vbroadcast v15, $0x0;
	v17 =	vshll.u32 v17, v2;
	[tilespmem:s2+$0x70] =	vst v5;
	v5 =	vmul.f32 v9, v4;
	v9 =	vld [tilespmem:s2+$0xE0]  }
0x598: {  	v16 =	vbroadcast v16, $0x0;
	v7 =	vld.idx.msk [tilespmem:v7+s5+$0x0], $0xffff;
	v17 =	vadd.s32 $0x7, v17;
	[tilespmem:s2+$0x80] =	vst v6;
	v6 =	vmul.f32 v10, v4  }
0x599: {  	v10 =	vld.idx.msk [tilespmem:v11+s5+$0x0], $0xffff;
	v11 =	vbroadcast v17, $0x0;
	[tilespmem:s2+$0x90] =	vst v5;
	v4 =	vmul.f32 v12, v4  }
0x59a: {  	v12 =	vld.idx.msk [tilespmem:v13+s5+$0x0], $0xffff;
	[tilespmem:s2+$0xA0] =	vst v6;
	v5 =	vmul.f32 v8, v3  }
0x59b: {  	v8 =	vld.idx.msk [tilespmem:v18+s5+$0x0], $0xffff;
	[tilespmem:s2+$0xB0] =	vst v4;
	v4 =	vmul.f32 v19, v3  }
0x59c: {  	v6 =	vld.idx.msk [tilespmem:v14+s5+$0x0], $0xffff;
	[tilespmem:s2+$0xC0] =	vst v5;
	v3 =	vmul.f32 v9, v3  }
0x59d: {  	v5 =	vld.idx.msk [tilespmem:v15+s5+$0x0], $0xffff;
	[tilespmem:s2+$0xD0] =	vst v4  }
0x59e: {  	v4 =	vld.idx.msk [tilespmem:v16+s5+$0x0], $0xffff;
	[tilespmem:s2+$0xE0] =	vst v3  }
0x59f: {  	s2 =	sadd.s32 $0x200, s2;
	v3 =	vld.idx.msk [tilespmem:v11+s5+$0x0], $0xffff  }
0x5a0: {  	v9 =	vld [tilespmem:s2+$0xF0]  }
0x5a1: {  	v11 =	vld [tilespmem:s2+$0xFFFFFF00]  }
0x5a2: {  	v13 =	vld [tilespmem:s2+$0xFFFFFF10]  }
0x5a3: {  	v14 =	vld [tilespmem:s2+$0xFFFFFF20]  }
0x5a4: {  	v15 =	vld [tilespmem:s2+$0xFFFFFF30]  }
0x5a5: {  	v16 =	vld [tilespmem:s2+$0xFFFFFF40];
	v9 =	vmul.f32 v9, v3  }
0x5a6: {  	v11 =	vmul.f32 v11, v7;
	v17 =	vld [tilespmem:s2+$0xFFFFFF50]  }
0x5a7: {  	v13 =	vmul.f32 v13, v7;
	v18 =	vld [tilespmem:s2+$0xFFFFFF60];
	[tilespmem:s2+$0xF0] =	vst v9  }
0x5a8: {  	[tilespmem:s2+$0xFFFFFF00] =	vst v11;
	v9 =	vmul.f32 v14, v7;
	v11 =	vld [tilespmem:s2+$0xFFFFFF70]  }
0x5a9: {  	[tilespmem:s2+$0xFFFFFF10] =	vst v13;
	v7 =	vmul.f32 v15, v7;
	v13 =	vld [tilespmem:s2+$0xFFFFFF80]  }
0x5aa: {  	[tilespmem:s2+$0xFFFFFF20] =	vst v9;
	v9 =	vmul.f32 v16, v10;
	v14 =	vld [tilespmem:s2+$0xFFFFFF90]  }
0x5ab: {  	[tilespmem:s2+$0xFFFFFF30] =	vst v7;
	v7 =	vmul.f32 v17, v10;
	v15 =	vld [tilespmem:s2+$0xFFFFFFA0]  }
0x5ac: {  	[tilespmem:s2+$0xFFFFFF40] =	vst v9;
	v9 =	vmul.f32 v18, v10;
	v16 =	vld [tilespmem:s2+$0xFFFFFFB0]  }
0x5ad: {  	v17 =	vmov s18;
	[tilespmem:s2+$0xFFFFFF50] =	vst v7;
	v7 =	vmul.f32 v11, v10;
	v10 =	vld [tilespmem:s2+$0xFFFFFFC0]  }
0x5ae: {  	s3 =	sadd.s32 $0x1, s18;
	s9 =	sadd.s32 $0x2, s18;
	v11 =	vshrl.u32 v17, $0x3;
	[tilespmem:s2+$0xFFFFFF60] =	vst v9;
	v9 =	vmul.f32 v13, v12;
	v13 =	vld [tilespmem:s2+$0xFFFFFFD0]  }
0x5af: {  	v18 =	vmov s9;
	s9 =	sadd.s32 $0x4, s18;
	v17 =	vmov s3;
	s3 =	sadd.s32 $0x3, s18;
	[tilespmem:s2+$0xFFFFFF70] =	vst v7;
	v7 =	vmul.f32 v14, v12;
	v14 =	vld [tilespmem:s2+$0xFFFFFFE0]  }
0x5b0: {  	v20 =	vmov s9;
	s9 =	sadd.s32 $0x6, s18;
	v19 =	vmov s3;
	s3 =	sadd.s32 $0x5, s18;
	[tilespmem:s2+$0xFFFFFF80] =	vst v9;
	v9 =	vmul.f32 v15, v12;
	v15 =	vld [tilespmem:s2+$0xFFFFFFF0]  }
0x5b1: {  	v22 =	vmov s9;
	v21 =	vmov s3;
	[tilespmem:s2+$0xFFFFFF90] =	vst v7;
	v7 =	vmul.f32 v16, v12;
	v12 =	vld [tilespmem:s2+$0x0]  }
0x5b2: {  	v11 =	vshll.u32 v11, v2;
	v16 =	vshrl.u32 v17, $0x3;
	[tilespmem:s2+$0xFFFFFFA0] =	vst v9;
	v9 =	vmul.f32 v10, v8;
	v10 =	vld [tilespmem:s2+$0x10]  }
0x5b3: {  	v17 =	vshrl.u32 v18, $0x3;
	v18 =	vshrl.u32 v19, $0x3;
	[tilespmem:s2+$0xFFFFFFB0] =	vst v7;
	v13 =	vmul.f32 v13, v8;
	v19 =	vld [tilespmem:s2+$0x20]  }
0x5b4: {  	v20 =	vshrl.u32 v20, $0x3;
	v21 =	vshrl.u32 v21, $0x3;
	[tilespmem:s2+$0xFFFFFFC0] =	vst v9;
	v9 =	vmul.f32 v14, v8;
	v14 =	vld [tilespmem:s2+$0x30]  }
0x5b5: {  	v7 =	vbroadcast v11, $0x0;
	v11 =	vshrl.u32 v22, $0x3;
	[tilespmem:s2+$0xFFFFFFD0] =	vst v13;
	v8 =	vmul.f32 v15, v8;
	v13 =	vld [tilespmem:s2+$0x40]  }
0x5b6: {  	v15 =	vshll.u32 v16, v2;
	v16 =	vshll.u32 v17, v2;
	[tilespmem:s2+$0xFFFFFFE0] =	vst v9;
	v9 =	vmul.f32 v12, v6;
	v12 =	vld [tilespmem:s2+$0x50]  }
0x5b7: {  	v20 =	vshll.u32 v20, v2;
	v17 =	vshll.u32 v18, v2;
	[tilespmem:s2+$0xFFFFFFF0] =	vst v8;
	v10 =	vmul.f32 v10, v6;
	v22 =	vld [tilespmem:s2+$0x60]  }
.Ltmp7:
0x5b8: {  	v21 =	vshll.u32 v21, v2;
	v23 =	vshll.u32 v11, v2;
	[tilespmem:s2+$0x0] =	vst v9;
	v9 =	vmul.f32 v19, v6;
	v8 =	vld [tilespmem:s2+$0x70];
	(pc) =	sbr.rel @p5 .LBB2_16-.Ltmp7, $4  }
0x5b9: {  	v11 =	vadd.s32 $0x1, v15;
	v16 =	vadd.s32 $0x2, v16;
	[tilespmem:s2+$0x10] =	vst v10;
	v10 =	vmul.f32 v14, v6;
	v6 =	vld [tilespmem:s2+$0x80]  }
0x5ba: {  	v18 =	vadd.s32 $0x3, v17;
	v14 =	vadd.s32 $0x4, v20;
	[tilespmem:s2+$0x20] =	vst v9;
	v19 =	vmul.f32 v13, v5;
	v9 =	vld [tilespmem:s2+$0x90]  }
0x5bb: {  	v15 =	vadd.s32 $0x5, v21;
	v11 =	vbroadcast v11, $0x0;
	[tilespmem:s2+$0x30] =	vst v10;
	v17 =	vmul.f32 v12, v5;
	v10 =	vld [tilespmem:s2+$0xA0]  }
0x5bc: {  	s3 =	sadd.s32 $0x7, s18;
	s18 =	sadd.s32 $0x8, s18;
	v13 =	vbroadcast v16, $0x0;
	v16 =	vadd.s32 $0x6, v23;
	[tilespmem:s2+$0x40] =	vst v19;
	v19 =	vmul.f32 v22, v5;
	v12 =	vld [tilespmem:s2+$0xB0]  }
0x5bd: {  	_ = 	snop  }
0x5be: {  	v21 =	vld [tilespmem:s2+$0xC0]  }
0x5bf: {  	v22 =	vld [tilespmem:s2+$0xD0]  }
0x5c0: {  	v23 =	vld [tilespmem:s2+$0xE0]  }
0x5c1: {  	v7 =	vld.idx.msk [tilespmem:v7+s5+$0x0], $0xffff  }
0x5c2: {  	v11 =	vld.idx.msk [tilespmem:v11+s5+$0x0], $0xffff  }
0x5c3: {  	v20 =	vmov s3;
	s18 =	sadd.s32 $0x200, s2;
	v13 =	vld.idx.msk [tilespmem:v13+s5+$0x0], $0xffff  }
0x5c4: {  	v20 =	vshrl.u32 v20, $0x3;
	v63 =	vld [tilespmem:s18+$0xFFFFFF00]  }
0x5c5: {  	v24 =	vld [tilespmem:s18+$0xFFFFFF20];
	v20 =	vshll.u32 v20, v2  }
0x5c6: {  	[tilespmem:s2+$0x50] =	vst v17;
	v5 =	vmul.f32 v8, v5;
	v25 =	vld [tilespmem:s18+$0xFFFFFF30];
	v20 =	vadd.s32 $0x7, v20  }
0x5c7: {  	[tilespmem:s2+$0x60] =	vst v19;
	v6 =	vmul.f32 v6, v4;
	v26 =	vld [tilespmem:s18+$0xFFFFFF40];
	v20 =	vbroadcast v20, $0x0  }
0x5c8: {  	v27 =	vld [tilespmem:s18+$0xFFFFFF50];
	[tilespmem:s2+$0x70] =	vst v5;
	v59 =	vmul.f32 v9, v4  }
0x5c9: {  	v28 =	vld [tilespmem:s18+$0xFFFFFF60];
	[tilespmem:s2+$0x80] =	vst v6;
	v60 =	vmul.f32 v10, v4  }
0x5ca: {  	v29 =	vld [tilespmem:s18+$0xFFFFFF70];
	[tilespmem:s2+$0x90] =	vst v59;
	v62 =	vmul.f32 v12, v4  }
0x5cb: {  	v30 =	vld [tilespmem:s18+$0xFFFFFF80];
	[tilespmem:s2+$0xA0] =	vst v60;
	v22 =	vmul.f32 v22, v3  }
0x5cc: {  	v18 =	vbroadcast v18, $0x0;
	v31 =	vld [tilespmem:s18+$0xFFFFFF90];
	[tilespmem:s2+$0xB0] =	vst v62;
	v6 =	vmul.f32 v25, v7  }
0x5cd: {  	[tilespmem:s2+$0xD0] =	vst v22;
	v9 =	vld.idx.msk [tilespmem:v20+s5+$0x0], $0xffff;
	v20 =	vmul.f32 v21, v3;
	v3 =	vmul.f32 v23, v3  }
0x5ce: {  	v32 =	vld [tilespmem:s18+$0xFFFFFFA0];
	v5 =	vmul.f32 v27, v11;
	[tilespmem:s18+$0xFFFFFF30] =	vst v6  }
0x5cf: {  	v33 =	vld [tilespmem:s18+$0xFFFFFFB0];
	[tilespmem:s2+$0xE0] =	vst v3;
	v3 =	vmul.f32 v63, v7  }
0x5d0: {  	v35 =	vld [tilespmem:s18+$0xFFFFFFC0];
	v34 =	vmul.f32 v29, v11;
	[tilespmem:s18+$0xFFFFFF50] =	vst v5  }
0x5d1: {  	v14 =	vbroadcast v14, $0x0;
	v36 =	vld [tilespmem:s18+$0xFFFFFFD0];
	[tilespmem:s18+$0xFFFFFF00] =	vst v3;
	v3 =	vmul.f32 v24, v7  }
0x5d2: {  	v37 =	vld [tilespmem:s18+$0xFFFFFFE0];
	v4 =	vmul.f32 v31, v13;
	[tilespmem:s18+$0xFFFFFF70] =	vst v34  }
0x5d3: {  	v18 =	vld.idx.msk [tilespmem:v18+s5+$0x0], $0xffff;
	[tilespmem:s18+$0xFFFFFF20] =	vst v3;
	v3 =	vmul.f32 v26, v11  }
0x5d4: {  	v38 =	vld [tilespmem:s18+$0xFFFFFFF0];
	v39 =	vmul.f32 v33, v13;
	[tilespmem:s18+$0xFFFFFF90] =	vst v4  }
0x5d5: {  	v15 =	vbroadcast v15, $0x0;
	v40 =	vld [tilespmem:s18+$0x0];
	[tilespmem:s18+$0xFFFFFF40] =	vst v3;
	v3 =	vmul.f32 v28, v11  }
0x5d6: {  	v41 =	vld [tilespmem:s18+$0x10];
	[tilespmem:s18+$0xFFFFFFB0] =	vst v39  }
0x5d7: {  	v14 =	vld.idx.msk [tilespmem:v14+s5+$0x0], $0xffff;
	[tilespmem:s18+$0xFFFFFF60] =	vst v3;
	v3 =	vmul.f32 v30, v13  }
0x5d8: {  	v43 =	vld [tilespmem:s18+$0x20];
	v42 =	vmul.f32 v36, v18;
	[tilespmem:s2+$0xC0] =	vst v20  }
0x5d9: {  	v16 =	vbroadcast v16, $0x0;
	v44 =	vld [tilespmem:s18+$0x30];
	[tilespmem:s18+$0xFFFFFF80] =	vst v3;
	v3 =	vmul.f32 v32, v13  }
0x5da: {  	v47 =	vld [tilespmem:s18+$0x50];
	v45 =	vmul.f32 v38, v18;
	[tilespmem:s18+$0xFFFFFFD0] =	vst v42  }
0x5db: {  	v58 =	vld.idx.msk [tilespmem:v15+s5+$0x0], $0xffff;
	[tilespmem:s18+$0xFFFFFFA0] =	vst v3;
	v3 =	vmul.f32 v35, v18  }
0x5dc: {  	v46 =	vld [tilespmem:s18+$0x40];
	v48 =	vmul.f32 v41, v14;
	[tilespmem:s18+$0xFFFFFFF0] =	vst v45  }
0x5dd: {  	v50 =	vld [tilespmem:s18+$0x70];
	[tilespmem:s18+$0xFFFFFFC0] =	vst v3;
	v3 =	vmul.f32 v37, v18  }
0x5de: {  	v53 =	vld [tilespmem:s18+$0x90];
	v51 =	vmul.f32 v44, v14;
	[tilespmem:s18+$0x10] =	vst v48  }
0x5df: {  	v15 =	vld.idx.msk [tilespmem:v16+s5+$0x0], $0xffff;
	[tilespmem:s18+$0xFFFFFFE0] =	vst v3;
	v3 =	vmul.f32 v40, v14  }
0x5e0: {  	v49 =	vld [tilespmem:s18+$0x60];
	v54 =	vmul.f32 v47, v58;
	[tilespmem:s18+$0x30] =	vst v51  }
0x5e1: {  	v56 =	vld [tilespmem:s18+$0xB0];
	[tilespmem:s18+$0x0] =	vst v3;
	v3 =	vmul.f32 v43, v14  }
0x5e2: {  	v52 =	vld [tilespmem:s18+$0x80];
	v57 =	vmul.f32 v50, v58;
	[tilespmem:s18+$0x50] =	vst v54  }
0x5e3: {  	v61 =	vld [tilespmem:s18+$0xF0];
	[tilespmem:s18+$0x20] =	vst v3;
	v3 =	vmul.f32 v46, v58  }
0x5e4: {  	v55 =	vld [tilespmem:s18+$0xA0];
	v60 =	vmul.f32 v53, v15;
	[tilespmem:s18+$0x70] =	vst v57  }
0x5e5: {  	v21 =	vld [tilespmem:s18+$0xFFFFFF10];
	[tilespmem:s18+$0x40] =	vst v3;
	v3 =	vmul.f32 v49, v58  }
0x5e6: {  	v62 =	vmul.f32 v56, v15;
	[tilespmem:s18+$0x90] =	vst v60;
	v58 =	vld [tilespmem:s18+$0xC0]  }
0x5e7: {  	v59 =	vld [tilespmem:s18+$0xD0];
	[tilespmem:s18+$0x60] =	vst v3;
	v3 =	vmul.f32 v52, v15  }
0x5e8: {  	[tilespmem:s18+$0xB0] =	vst v62;
	v10 =	vmul.f32 v61, v9;
	v61 =	vld [tilespmem:s18+$0xE0]  }
0x5e9: {  	[tilespmem:s18+$0x80] =	vst v3;
	v3 =	vmul.f32 v55, v15  }
0x5ea: {  	v12 =	vmul.f32 v21, v7;
	[tilespmem:s18+$0xF0] =	vst v10  }
0x5eb: {  	[tilespmem:s18+$0xA0] =	vst v3;
	v3 =	vmul.f32 v58, v9  }
0x5ec: {  	v63 =	vmul.f32 v59, v9;
	[tilespmem:s18+$0xFFFFFF10] =	vst v12  }
0x5ed: {  	[tilespmem:s18+$0xC0] =	vst v3;
	v3 =	vmul.f32 v61, v9  }
0x5ee: {  	[tilespmem:s18+$0xD0] =	vst v63  }
0x5ef: {  	[tilespmem:s18+$0xE0] =	vst v3  }
0x5f0: {  	[spmem:s10] =	stream.indirect.scatter.add.f32 [tilespmem:s29], [sflag:$0x4], $0x40, s6, s25, $0xb8;
	[tilespmem:$0x1DE68] =	vst v63  }
0x5f1: {  	s3 =	simm.s32 @p3 $0x19E58;
	s9 =	simm.s32 @p3 $0x19EA8;
	s2 =	simm.s32 @p3 $0x50  }
0x5f2: {  	[spmem:s12] =	stream.indirect.scatter.add.f32 @p3 [tilespmem:s9], [sflag:$0x6], $0x1, s3, s2, $0xb8;
	[tilespmem:$0x1DE68] =	vst v63  }
0x5f3: {  	s2 =	simm.s32 @p3 $0x9  }
0x5f4: {  	_ =	swait.ge @p3 [sflag:s2], $0x1400  }
0x5f5: {  	[sflag:s2] =	ssyncset.done @p3 $0x0  }
0x5f6: {  	[sflag:s2] =	ssyncadd.s32 @p3 $0xFFFFEC00;
	s2 =	simm.s32 @p3 $0xB  }
0x5f7: {  	_ =	swait.ge @p3 [sflag:s2], $0x50  }
0x5f8: {  	[sflag:s2] =	ssyncset.done @p3 $0x0  }
0x5f9: {  	[sflag:s2] =	ssyncadd.s32 @p3 $0xFFFFFFB0;
	s2 =	simm.s32 @p3 $0xA  }
0x5fa: {  	_ =	swait.ge @p3 [sflag:s2], $0x1400  }
0x5fb: {  	[sflag:s2] =	ssyncset.done @p3 $0x0  }
0x5fc: {  	[sflag:s2] =	ssyncadd.s32 @p3 $0xFFFFEC00;
	s2 =	simm.s32 @p3 $0xC  }
0x5fd: {  	_ =	swait.ge @p3 [sflag:s2], $0x50  }
0x5fe: {  	[sflag:s2] =	ssyncset.done @p3 $0x0  }
0x5ff: {  	[sflag:s2] =	ssyncadd.s32 @p3 $0xFFFFFFB0;
	s2 =	simm.s32 @p3 $0x3  }
0x600: {  	_ =	swait.ge @p3 [sflag:s2], $0x1400  }
0x601: {  	[sflag:s2] =	ssyncset.done @p3 $0x0  }
0x602: {  	[sflag:s2] =	ssyncadd.s32 @p3 $0xFFFFEC00;
	s2 =	simm.s32 @p3 $0x5  }
0x603: {  	_ =	swait.ge @p3 [sflag:s2], $0x50  }
0x604: {  	[sflag:s2] =	ssyncset.done @p3 $0x0  }
0x605: {  	[sflag:s2] =	ssyncadd.s32 @p3 $0xFFFFFFB0;
	s2 =	simm.s32 @p3 $0x4  }
0x606: {  	_ =	swait.ge @p3 [sflag:s2], $0x1400  }
0x607: {  	[sflag:s2] =	ssyncset.done @p3 $0x0  }
0x608: {  	[sflag:s2] =	ssyncadd.s32 @p3 $0xFFFFEC00;
	s2 =	simm.s32 @p3 $0x6  }
0x609: {  	_ =	swait.ge @p3 [sflag:s2], $0x50  }
0x60a: {  	[sflag:s2] =	ssyncset.done @p3 $0x0  }
0x60b: {  	[sflag:s2] =	ssyncadd.s32 @p3 $0xFFFFFFB0;
	s2 =	simm.s32 @!p3 $0x9  }
0x60c: {  	_ =	swait.ge @!p3 [sflag:s2], $0x1400  }
0x60d: {  	[sflag:s2] =	ssyncset.done @!p3 $0x0  }
0x60e: {  	[sflag:s2] =	ssyncadd.s32 @!p3 $0xFFFFEC00;
	s2 =	simm.s32 @!p3 $0xA  }
0x60f: {  	_ =	swait.ge @!p3 [sflag:s2], $0x1400  }
0x610: {  	[sflag:s2] =	ssyncset.done @!p3 $0x0  }
0x611: {  	[sflag:s2] =	ssyncadd.s32 @!p3 $0xFFFFEC00;
	s2 =	simm.s32 @!p3 $0x3  }
0x612: {  	_ =	swait.ge @!p3 [sflag:s2], $0x1400  }
0x613: {  	[sflag:s2] =	ssyncset.done @!p3 $0x0  }
0x614: {  	[sflag:s2] =	ssyncadd.s32 @!p3 $0xFFFFEC00;
	s2 =	simm.s32 @!p3 $0x4  }
0x615: {  	_ =	swait.ge @!p3 [sflag:s2], $0x1400  }
0x616: {  	[sflag:s2] =	ssyncset.done @!p3 $0x0  }
0x617: {  	[sflag:s2] =	ssyncadd.s32 @!p3 $0xFFFFEC00  }
0x618: {  	[bflag:$0x0] =	sbarrier.arrive $0xFFFF  }
0x619: {  	s18 =	rddreg [dreg:$0x1b]  }
0x61a: {  	[tilespmem:s17], [sflag:$0xD] =	stream.linear.gather [spmem:s18], $0x1400, $0x38;
	[tilespmem:$0x1DE68] =	vst v63  }
0x61b: {  	_ =	swait.ge [sflag:s23], $0x1400  }
0x61c: {  	[sflag:s23] =	ssyncset.done $0x0  }
0x61d: {  	s3 =	rddreg [dreg:$0x5];
	[sflag:s23] =	ssyncadd.s32 $0xFFFFEC00  }
0x61e: {  	[hbm4b:s3+s30] =	stream.linear.scatter [tilespmem:s17], [sflag:$0x3], $0x1400, $0x38;
	[tilespmem:$0x1DE68] =	vst v63  }
0x61f: {  	s9 =	rddreg [dreg:$0x1c]  }
0x620: {  	[tilespmem:s29], [sflag:$0xD] =	stream.linear.gather [spmem:s9], $0x1400, $0x38;
	[tilespmem:$0x1DE68] =	vst v63  }
0x621: {  	_ =	swait.ge [sflag:s23], $0x1400  }
0x622: {  	[sflag:s23] =	ssyncset.done $0x0  }
0x623: {  	s18 =	rddreg [dreg:$0x6];
	[sflag:s23] =	ssyncadd.s32 $0xFFFFEC00  }
0x624: {  	[hbm4b:s18+s30] =	stream.linear.scatter [tilespmem:s29], [sflag:$0x4], $0x1400, $0x38;
	[tilespmem:$0x1DE68] =	vst v63  }
0x625: {  	_ =	swait.ge [sflag:s24], $0x1400  }
0x626: {  	[sflag:s24] =	ssyncset.done $0x0  }
0x627: {  	s3 =	rddreg [dreg:$0x1d];
	[sflag:s24] =	ssyncadd.s32 $0xFFFFEC00  }
0x628: {  	[tilespmem:s17], [sflag:$0xD] =	stream.linear.gather [spmem:s3], $0x1400, $0x38;
	[tilespmem:$0x1DE68] =	vst v63  }
0x629: {  	_ =	swait.ge [sflag:s23], $0x1400  }
0x62a: {  	[sflag:s23] =	ssyncset.done $0x0  }
0x62b: {  	s3 =	simm.s32 $0x4;
	s9 =	rddreg [dreg:$0x7];
	[sflag:s23] =	ssyncadd.s32 $0xFFFFEC00  }
0x62c: {  	[hbm4b:s9+s30] =	stream.linear.scatter [tilespmem:s17], [sflag:$0x3], $0x1400, $0x38;
	[tilespmem:$0x1DE68] =	vst v63  }
0x62d: {  	_ =	swait.ge [sflag:s3], $0x1400  }
0x62e: {  	[sflag:s3] =	ssyncset.done $0x0  }
0x62f: {  	s18 =	rddreg [dreg:$0x1e];
	[sflag:s3] =	ssyncadd.s32 $0xFFFFEC00  }
0x630: {  	[tilespmem:s29], [sflag:$0xD] =	stream.linear.gather [spmem:s18], $0x1400, $0x38;
	[tilespmem:$0x1DE68] =	vst v63  }
0x631: {  	_ =	swait.ge [sflag:s23], $0x1400  }
0x632: {  	[sflag:s23] =	ssyncset.done $0x0  }
0x633: {  	s9 =	rddreg [dreg:$0x8];
	[sflag:s23] =	ssyncadd.s32 $0xFFFFEC00  }
0x634: {  	[hbm4b:s9+s30] =	stream.linear.scatter [tilespmem:s29], [sflag:$0x4], $0x1400, $0x38;
	[tilespmem:$0x1DE68] =	vst v63  }
0x635: {  	_ =	swait.ge [sflag:s24], $0x1400  }
0x636: {  	[sflag:s24] =	ssyncset.done $0x0  }
0x637: {  	s18 =	rddreg [dreg:$0x1f];
	[sflag:s24] =	ssyncadd.s32 $0xFFFFEC00  }
0x638: {  	[tilespmem:s17], [sflag:$0xD] =	stream.linear.gather [spmem:s18], $0x1400, $0x38;
	[tilespmem:$0x1DE68] =	vst v63  }
0x639: {  	_ =	swait.ge [sflag:s23], $0x1400  }
0x63a: {  	[sflag:s23] =	ssyncset.done $0x0  }
0x63b: {  	s9 =	rddreg [dreg:$0x9];
	[sflag:s23] =	ssyncadd.s32 $0xFFFFEC00  }
0x63c: {  	[hbm4b:s9+s30] =	stream.linear.scatter [tilespmem:s17], [sflag:$0x3], $0x1400, $0x38;
	[tilespmem:$0x1DE68] =	vst v63  }
0x63d: {  	_ =	swait.ge [sflag:s3], $0x1400  }
0x63e: {  	s18 =	sld [smem:$0x7F6]  }
0x63f: {  	[sflag:s3] =	ssyncset.done $0x0  }
0x640: {  	[sflag:s3] =	ssyncadd.s32 $0xFFFFEC00  }
0x641: {  	[tilespmem:s29], [sflag:$0xD] =	stream.linear.gather [spmem:s18], $0x1400, $0x38;
	[tilespmem:$0x1DE68] =	vst v63  }
0x642: {  	_ =	swait.ge [sflag:s23], $0x1400  }
0x643: {  	[sflag:s23] =	ssyncset.done $0x0  }
0x644: {  	s3 =	rddreg [dreg:$0xa];
	[sflag:s23] =	ssyncadd.s32 $0xFFFFEC00  }
0x645: {  	[hbm4b:s3+s30] =	stream.linear.scatter [tilespmem:s29], [sflag:$0x4], $0x1400, $0x38;
	[tilespmem:$0x1DE68] =	vst v63  }
0x646: {  	_ =	swait.ge [sflag:s24], $0x1400  }
0x647: {  	s9 =	sld [smem:$0x7F7]  }
0x648: {  	[sflag:s24] =	ssyncset.done $0x0  }
0x649: {  	[sflag:s24] =	ssyncadd.s32 $0xFFFFEC00  }
0x64a: {  	[tilespmem:s17], [sflag:$0xD] =	stream.linear.gather [spmem:s9], $0x1400, $0x38;
	[tilespmem:$0x1DE68] =	vst v63  }
0x64b: {  	_ =	swait.ge [sflag:s23], $0x1400  }
0x64c: {  	[sflag:s23] =	ssyncset.done $0x0  }
0x64d: {  	s2 =	simm.s32 @!p2 $0x4;
	s18 =	rddreg [dreg:$0xb];
	[sflag:s23] =	ssyncadd.s32 $0xFFFFEC00  }
0x64e: {  	[hbm4b:s18+s30] =	stream.linear.scatter [tilespmem:s17], [sflag:$0x3], $0x1400, $0x38;
	[tilespmem:$0x1DE68] =	vst v63  }
0x64f: {  	_ =	swait.ge @!p2 [sflag:s2], $0x1400  }
0x650: {  	s9 =	sld [smem:$0x7F8]  }
0x651: {  	[sflag:s2] =	ssyncset.done @!p2 $0x0  }
0x652: {  	s3 =	simm.s32 @!p2 $0x19EF8;
	[sflag:s2] =	ssyncadd.s32 @!p2 $0xFFFFEC00  }
0x653: {  	[tilespmem:s3], [sflag:$0xD] =	stream.linear.gather @!p2 [spmem:s9], $0x1400, $0x38;
	[tilespmem:$0x1DE68] =	vst v63  }
0x654: {  	s9 =	simm.s32 @!p2 $0xD  }
0x655: {  	_ =	swait.ge @!p2 [sflag:s9], $0x1400  }
0x656: {  	[sflag:s9] =	ssyncset.done @!p2 $0x0  }
0x657: {  	s18 =	rddreg [dreg:$0xc];
	[sflag:s9] =	ssyncadd.s32 @!p2 $0xFFFFEC00;
	s9 =	simm.s32 @!p2 $0x0  }
0x658: {  	[hbm4b:s18+s9] =	stream.linear.scatter @!p2 [tilespmem:s3], [sflag:$0x4], $0x1400, $0x38;
	[tilespmem:$0x1DE68] =	vst v63  }
0x659: {  	s3 =	simm.s32 @!p2 $0x3  }
0x65a: {  	_ =	swait.ge @!p2 [sflag:s3], $0x1400  }
0x65b: {  	[sflag:s3] =	ssyncset.done @!p2 $0x0  }
0x65c: {  	s2 =	simm.s32 @p2 $0x3;
	[sflag:s3] =	ssyncadd.s32 @!p2 $0xFFFFEC00  }
0x65d: {  	_ =	swait.ge [sflag:s2], $0x1400  }
0x65e: {  	s3 =	sld [smem:$0x7FC]  }
0x65f: {  	[sflag:s2] =	ssyncset.done $0x0  }
0x660: {  	[sflag:s2] =	ssyncadd.s32 $0xFFFFEC00;
	s2 =	simm.s32 @!p0 $0x1DCD8  }
0x661: {  	[tilespmem:s2], [sflag:$0xE] =	stream.linear.gather @!p0 [spmem:s3], $0x190, $0x38;
	[tilespmem:$0x1DE68] =	vst v63  }
0x662: {  	s3 =	simm.s32 @!p0 $0xE  }
0x663: {  	_ =	swait.ge @!p0 [sflag:s3], $0x190  }
0x664: {  	[sflag:s3] =	ssyncset.done @!p0 $0x0  }
0x665: {  	s9 =	rddreg [dreg:$0xd];
	[sflag:s3] =	ssyncadd.s32 @!p0 $0xFFFFFE70;
	s3 =	simm.s32 @!p0 $0x0  }
0x666: {  	[hbm4b:s9+s3] =	stream.linear.scatter @!p0 [tilespmem:s2], [sflag:$0xD], $0x190, $0x38;
	[tilespmem:$0x1DE68] =	vst v63  }
0x667: {  	s2 =	simm.s32 @!p0 $0xD  }
0x668: {  	_ =	swait.ge @!p0 [sflag:s2], $0x190  }
0x669: {  	s3 =	sld [smem:$0x7FD]  }
0x66a: {  	[sflag:s2] =	ssyncset.done @!p0 $0x0  }
0x66b: {  	[sflag:s2] =	ssyncadd.s32 @!p0 $0xFFFFFE70;
	s2 =	simm.s32 @!p4 $0x1DCD8  }
0x66c: {  	[tilespmem:s2], [sflag:$0xE] =	stream.linear.gather @!p4 [spmem:s3], $0x190, $0x38;
	[tilespmem:$0x1DE68] =	vst v63  }
0x66d: {  	s3 =	simm.s32 @!p4 $0xE  }
0x66e: {  	_ =	swait.ge @!p4 [sflag:s3], $0x190  }
0x66f: {  	[sflag:s3] =	ssyncset.done @!p4 $0x0  }
0x670: {  	s9 =	rddreg [dreg:$0xe];
	[sflag:s3] =	ssyncadd.s32 @!p4 $0xFFFFFE70;
	s3 =	simm.s32 @!p4 $0x0  }
0x671: {  	[hbm4b:s9+s3] =	stream.linear.scatter @!p4 [tilespmem:s2], [sflag:$0xD], $0x190, $0x38;
	[tilespmem:$0x1DE68] =	vst v63  }
0x672: {  	s2 =	simm.s32 @!p4 $0xD  }
0x673: {  	_ =	swait.ge @!p4 [sflag:s2], $0x190  }
0x674: {  	s3 =	sld [smem:$0x7F5]  }
0x675: {  	s18 =	sld [smem:$0x7F9];
	_ =	sdelay $0x1  }
0x676: {  	s9 =	sadd.s32 $0x1, s3  }
0x677: {  	p5 =	sne.s32 s9, s18  }
.Ltmp8:
0x678: {  	_ = 	snop;
	(pc) =	sbr.rel @p5 .LBB2_1-.Ltmp8, $3  }
0x679: {  	_ =	sdelay $0x1  }
0x67a: {  	[sflag:s2] =	ssyncset.done @!p4 $0x0  }
0x67b: {  	[sflag:s2] =	ssyncadd.s32 @!p4 $0xFFFFFE70  }
0x67c: {  	_ =	sfence.sel $0x180000  }
0x67d: {  	[bflag:$0x0] =	sbarrier.arrive $0xFFFF  }
0x67e: {  	_ =	strace $0x90000047  }
0x67f: {  	s0 =	stileid.u32;
	[bflag:$0x2] =	sbarrier.arrive $0xFFFF  }
0x680: {  	p0 =	sne.s32 s0, $0x0;
	s0 =	rddreg [dreg:$0x4]  }
0x681: {  	s0 =	sadd.s32 @!p0 $0x100000, s0  }
0x682: {  	[sflag:s0] =	ssyncadd.tile.s32 @!p0 $0x1;
	_ =	shalt  }
.Lfunc_end2:
_tile_overlayer_lowered:
.L_overlay_start_2:
0x683: {  	(tag) =	ssettag $0x2  }
0x684: {  	s0 =	rddreg [dreg:$0x0];
	s2 =	stileid.u32  }
0x685: {  	s1 =	rddreg [dreg:$0x1];
	p0 =	sne.s32 s2, $0x0  }
0x686: {  	s3 =	rddreg [dreg:$0x2];
	[bflag:$0x3] =	sbarrier.arrive $0xFFFF;
	s2 =	simm.s32 @!p0 $0x1C0D  }
0x687: {  	[timem:s3], [sflag:s2] =	dma.local @!p0 [hbm:s0], s1  }
0x688: {  	s0 =	simm.s32 @!p0 $0xD  }
0x689: {  	_ =	swait.ge @!p0 [sflag:s0], s1  }
0x68a: {  	s1 =	ssub.s32 @!p0 $0x0, s1;
	[sflag:s0] =	ssyncset.done @!p0 $0x0  }
0x68b: {  	[sflag:s0] =	ssyncadd.s32 @!p0 s1  }
0x68c: {  	[bflag:$0x3] =	sbarrier.arrive $0xFFFF  }
0x68d: {  	_ =	shalt  }

</sc_bundles>
